<compile_context>
chip_gen: v7x
topology: tpu7x:2x2x1
jax: 0.10.2.dev20260603
libtpu: 0.0.44.dev20260713+nightly
codegen_flags: <defaults>
</compile_context>

<pallas_src>
import jax
import jax.numpy as jnp
from jax import lax
from jax.experimental import pallas as pl
from jax.experimental.pallas import tpu as pltpu
from jax.experimental.pallas import tpu_sc as plsc

F32 = jnp.float32

NB = 40000
NBP = 40960
D = 128
NBLK = 10000

_SC_MESH = plsc.VectorSubcoreMesh(core_axis_name="c", subcore_axis_name="s")
_SC_PARAMS = pltpu.CompilerParams(use_tc_tiling_on_sc=False)


def _deg_body(dst_hbm, ones_hbm, zs_hbm, deg_hbm, didx, ones_v, vbuf, acc):
    c = lax.axis_index("c")
    s = lax.axis_index("s")
    base = s * 2560
    pltpu.sync_copy(ones_hbm, ones_v)
    pltpu.sync_copy(zs_hbm, vbuf)
    pltpu.sync_copy(vbuf, acc.at[pl.ds(base, 2560)])
    plsc.subcore_barrier()

    @pl.loop(0, 40)
    def _(i):
        g = i * 16 + s

        @pl.when(g < 625)
        def _():
            blk0 = (c * 625 + g) * 8
            pltpu.sync_copy(dst_hbm.at[pl.ds(blk0, 8)], didx)
            for b in range(8):
                pltpu.sync_copy(ones_v, acc.at[didx.at[b]], add=True)

    plsc.subcore_barrier()
    pltpu.sync_copy(acc.at[pl.ds(base, 2560)], vbuf)
    pltpu.sync_copy(vbuf, deg_hbm.at[c, pl.ds(base, 2560)])


_deg_call = pl.kernel(
    _deg_body,
    out_type=jax.ShapeDtypeStruct((2, NBP, 16), F32),
    mesh=_SC_MESH,
    scratch_types=[
        pltpu.VMEM((8, 128), jnp.int32),
        pltpu.VMEM((128, 16), F32),
        pltpu.VMEM((2560, 16), F32),
        pltpu.VMEM_SHARED((NBP, 16), F32),
    ],
    compiler_params=_SC_PARAMS,
)


def _msg_body(y0, y1, y2, y3, src_hbm, dst_hbm, zs_hbm,
              m0, m1, m2, m3, sidx, didx, rows, vout, acc, gsem):
    c = lax.axis_index("c")
    s = lax.axis_index("s")
    base = s * 2560
    ylist = (y0, y1, y2, y3)
    mlist = (m0, m1, m2, m3)

    for p in range(2):
        for cv in range(2):

            @pl.when(c == cv)
            def _(p=p, cv=cv):
                ysel = ylist[2 * p + cv]
                msel = mlist[2 * p + cv]
                pltpu.sync_copy(zs_hbm, acc.at[pl.ds(base, 2560)])
                plsc.subcore_barrier()

                @pl.loop(0, 79)
                def _(i):
                    g = i * 16 + s

                    @pl.when(g < 1250)
                    def _():
                        blk0 = g * 8
                        pltpu.sync_copy(src_hbm.at[pl.ds(blk0, 8)], sidx)
                        pltpu.sync_copy(dst_hbm.at[pl.ds(blk0, 8)], didx)
                        descs = [
                            pltpu.async_copy(ysel.at[sidx.at[b]], rows.at[b],
                                             gsem)
                            for b in range(8)
                        ]
                        for dsc in descs:
                            dsc.wait()
                        for b in range(8):
                            pltpu.sync_copy(rows.at[b], acc.at[didx.at[b]],
                                            add=True)

                plsc.subcore_barrier()
                pltpu.sync_copy(acc.at[pl.ds(base, 2560)],
                                msel.at[pl.ds(base, 2560)])


_msg_call = pl.kernel(
    _msg_body,
    out_type=tuple(jax.ShapeDtypeStruct((NBP, 32), F32) for _ in range(4)),
    mesh=_SC_MESH,
    scratch_types=[
        pltpu.VMEM((8, 128), jnp.int32),
        pltpu.VMEM((8, 128), jnp.int32),
        pltpu.VMEM((8, 128, 32), F32),
        pltpu.VMEM((256, 32), F32),
        pltpu.VMEM_SHARED((NBP, 32), F32),
        pltpu.SemaphoreType.DMA,
    ],
    compiler_params=_SC_PARAMS,
)


def _mm_body(x_ref, w_ref, o_ref):
    o_ref[...] = jnp.dot(x_ref[...], w_ref[...],
                         preferred_element_type=F32)


_mm_call = pl.pallas_call(
    _mm_body,
    grid=(20,),
    in_specs=[
        pl.BlockSpec((2000, D), lambda i: (i, 0)),
        pl.BlockSpec((D, D), lambda i: (0, 0)),
    ],
    out_specs=pl.BlockSpec((2000, D), lambda i: (i, 0)),
    out_shape=jax.ShapeDtypeStruct((NB, D), F32),
)


def _mid_body(xw_ref, deg_ref, bc_ref, y0, y1, y2, y3, z_ref):
    d = deg_ref[0, :, 0:1] + deg_ref[1, :, 0:1] + 1.0
    dinv = lax.rsqrt(d)
    xw = xw_ref[...]
    y = xw * dinv
    z_ref[...] = y * dinv + bc_ref[...]
    y0[...] = y[:, 0:32]
    y1[...] = y[:, 32:64]
    y2[...] = y[:, 64:96]
    y3[...] = y[:, 96:128]


_mid_call = pl.pallas_call(
    _mid_body,
    grid=(20,),
    in_specs=[
        pl.BlockSpec((2000, D), lambda i: (i, 0)),
        pl.BlockSpec((2, 2000, 16), lambda i: (0, i, 0)),
        pl.BlockSpec((1, D), lambda i: (0, 0)),
    ],
    out_specs=[
        pl.BlockSpec((2000, 32), lambda i: (i, 0)),
        pl.BlockSpec((2000, 32), lambda i: (i, 0)),
        pl.BlockSpec((2000, 32), lambda i: (i, 0)),
        pl.BlockSpec((2000, 32), lambda i: (i, 0)),
        pl.BlockSpec((2000, D), lambda i: (i, 0)),
    ],
    out_shape=[
        jax.ShapeDtypeStruct((NBP, 32), F32),
        jax.ShapeDtypeStruct((NBP, 32), F32),
        jax.ShapeDtypeStruct((NBP, 32), F32),
        jax.ShapeDtypeStruct((NBP, 32), F32),
        jax.ShapeDtypeStruct((NB, D), F32),
    ],
)


def _leaky(x):
    return jnp.where(x >= 0, x, 0.01 * x)


def _epi_body(m0, m1, m2, m3, z_ref, deg_ref, x0_ref,
              w1_ref, b1_ref, w2_ref, b2_ref, o_ref):
    d = deg_ref[0, :, 0:1] + deg_ref[1, :, 0:1] + 1.0
    dinv = lax.rsqrt(d)
    msg = jnp.concatenate([m0[...], m1[...], m2[...], m3[...]], axis=1)
    h = jnp.maximum(msg * dinv + z_ref[...], 0.0)
    x1 = h + x0_ref[...]
    a = jnp.dot(x1, w1_ref[...], preferred_element_type=F32) + b1_ref[...]
    a = _leaky(a)
    o = jnp.dot(a, w2_ref[...], preferred_element_type=F32) + b2_ref[...]
    o_ref[...] = _leaky(o)


_epi_call = pl.pallas_call(
    _epi_body,
    grid=(20,),
    in_specs=[
        pl.BlockSpec((2000, 32), lambda i: (i, 0)),
        pl.BlockSpec((2000, 32), lambda i: (i, 0)),
        pl.BlockSpec((2000, 32), lambda i: (i, 0)),
        pl.BlockSpec((2000, 32), lambda i: (i, 0)),
        pl.BlockSpec((2000, D), lambda i: (i, 0)),
        pl.BlockSpec((2, 2000, 16), lambda i: (0, i, 0)),
        pl.BlockSpec((2000, D), lambda i: (i, 0)),
        pl.BlockSpec((D, D), lambda i: (0, 0)),
        pl.BlockSpec((1, D), lambda i: (0, 0)),
        pl.BlockSpec((D, D), lambda i: (0, 0)),
        pl.BlockSpec((1, D), lambda i: (0, 0)),
    ],
    out_specs=pl.BlockSpec((2000, D), lambda i: (i, 0)),
    out_shape=jax.ShapeDtypeStruct((NB, D), F32),
)


def kernel(node_features, edge_index, Wc, bc, W1, b1, W2, b2):
    b_, n_, d_ = node_features.shape
    x0 = node_features.reshape(b_ * n_, d_)
    off = (jnp.arange(b_, dtype=edge_index.dtype) * n_)[:, None]
    src = (edge_index[:, 0, :] + off).reshape(NBLK, 128)
    dst = (edge_index[:, 1, :] + off).reshape(NBLK, 128)

    ones_c = jnp.ones((128, 16), F32)
    zs_d = jnp.zeros((2560, 16), F32)
    zs_m = jnp.zeros((2560, 32), F32)

    deg = _deg_call(dst, ones_c, zs_d)
    xw = _mm_call(x0, Wc)
    y0, y1, y2, y3, z = _mid_call(xw, deg, bc.reshape(1, d_))
    m0, m1, m2, m3 = _msg_call(y0, y1, y2, y3, src, dst, zs_m)
    out = _epi_call(m0, m1, m2, m3, z, deg, x0,
                    W1, b1.reshape(1, -1), W2, b2.reshape(1, -1))
    return out.reshape(b_, n_, -1)

# --- scband reference (transcript-rebuilt; emitter-appended) ---
"""Pipeline reference for scband-gcn-90838558310850 (READ-ONLY COPY).

The authoritative reference and input builder live on the scoring server;
editing this copy changes nothing except your own understanding.
"""

import jax, jax.numpy as jnp
import numpy as np

B, N, D, H, E = 4, 10000, 128, 128, 320000


def setup_inputs(seed: int = 0) -> dict:
    key = jax.random.key(seed)
    k1, k2, k3, k4, k5 = jax.random.split(key, 5)
    node_features = jax.random.normal(k1, (B, N, D), dtype=jnp.float32)
    edge_index = jax.random.randint(k2, (B, 2, E), 0, N, dtype=jnp.int32)
    Wc = jax.random.normal(k3, (D, D), dtype=jnp.float32) * (1.0 / np.sqrt(D))
    bc = jnp.zeros((D,), dtype=jnp.float32)
    W1 = jax.random.normal(k4, (D, H), dtype=jnp.float32) * (1.0 / np.sqrt(D))
    b1 = jnp.zeros((H,), dtype=jnp.float32)
    W2 = jax.random.normal(k5, (H, H), dtype=jnp.float32) * (1.0 / np.sqrt(H))
    b2 = jnp.zeros((H,), dtype=jnp.float32)
    return {"node_features": node_features, "edge_index": edge_index,
            "Wc": Wc, "bc": bc, "W1": W1, "b1": b1, "W2": W2, "b2": b2}


def _gcn_conv(x, ei, W, b, n):
    # PyG GCNConv: add self-loops, symmetric deg^{-1/2} normalization, linear transform, scatter-add
    src, dst = ei[0], ei[1]
    loop = jnp.arange(n, dtype=src.dtype)
    src = jnp.concatenate([src, loop])
    dst = jnp.concatenate([dst, loop])
    deg = jnp.zeros((n,), dtype=x.dtype).at[dst].add(1.0)
    dinv = jnp.where(deg > 0, jax.lax.rsqrt(deg), 0.0)
    norm = dinv[src] * dinv[dst]
    xw = x @ W
    out = jnp.zeros_like(xw).at[dst].add(xw[src] * norm[:, None])
    return out + b


def reference(node_features, edge_index, Wc, bc, W1, b1, W2, b2):
    b_, n_, d_ = node_features.shape
    x0 = node_features.reshape(b_ * n_, d_)
    # Batch.from_data_list: offset each graph's edge indices by i*N and concatenate
    off = (jnp.arange(b_, dtype=edge_index.dtype) * n_)[:, None, None]
    ei = jnp.transpose(edge_index + off, (1, 0, 2)).reshape(2, -1)
    h = jax.nn.relu(_gcn_conv(x0, ei, Wc, bc, b_ * n_))
    x = h + x0
    x = jax.nn.leaky_relu(x @ W1 + b1, 0.01)
    x = jax.nn.leaky_relu(x @ W2 + b2, 0.01)
    return x.reshape(b_, n_, -1)

if __name__ == "__main__":
    import jax
    _d = setup_inputs()
    print(jax.jit(kernel)(*tuple(_d.values())))

</pallas_src>

<mosaic_0001>
#map = affine_map<(d0, d1) -> (0, 0)>
module attributes {stable_mosaic.version = 14 : i64} {
  func.func @_msg_body(%arg0: i32, %arg1: i32, %arg2: memref<40960x32xf32, #tpu.memory_space<hbm>>, %arg3: memref<40960x32xf32, #tpu.memory_space<hbm>>, %arg4: memref<40960x32xf32, #tpu.memory_space<hbm>>, %arg5: memref<40960x32xf32, #tpu.memory_space<hbm>>, %arg6: memref<10000x128xi32, #tpu.memory_space<hbm>>, %arg7: memref<10000x128xi32, #tpu.memory_space<hbm>>, %arg8: memref<2560x32xf32, #tpu.memory_space<hbm>>, %arg9: memref<40960x32xf32, #tpu.memory_space<hbm>>, %arg10: memref<40960x32xf32, #tpu.memory_space<hbm>>, %arg11: memref<40960x32xf32, #tpu.memory_space<hbm>>, %arg12: memref<40960x32xf32, #tpu.memory_space<hbm>>, %arg13: memref<8x128xi32, #tpu.memory_space<vmem>>, %arg14: memref<8x128xi32, #tpu.memory_space<vmem>>, %arg15: memref<8x128x32xf32, #tpu.memory_space<vmem>>, %arg16: memref<256x32xf32, #tpu.memory_space<vmem>>, %arg17: memref<40960x32xf32, #tpu.memory_space<vmem_shared>>, %arg18: memref<!tpu.dma_semaphore, #tpu.memory_space<semaphore_mem>>) attributes {dimension_semantics = [#tpu.dimension_semantics<core_parallel>, #tpu.dimension_semantics<subcore_parallel>], iteration_bounds = array<i64: 2, 16>, scalar_prefetch = 0 : i64, scratch_operands = 6 : i64, tpu.core_type = #tpu.core_type<sc_vector_subcore>, window_params = [{transform_indices = #map}, {transform_indices = #map}, {transform_indices = #map}, {transform_indices = #map}, {transform_indices = #map}, {transform_indices = #map}, {transform_indices = #map}, {transform_indices = #map}, {transform_indices = #map}, {transform_indices = #map}, {transform_indices = #map}]} {
    %mul3A = arith.constant 2560 : i32
    %mul3A_0 = arith.muli %arg1, %mul3A : i32
    %eq3A = arith.constant 0 : i32
    %eq3A_1 = arith.cmpi eq, %arg0, %eq3A : i32
    %convert_element_type3A = arith.extui %eq3A_1 : i1 to i32
    %cond3A = arith.constant 0 : i32
    %cond3A_2 = arith.cmpi ne, %convert_element_type3A, %cond3A : i32
    scf.if %cond3A_2 {
      "tpu.region"() ({
        %run_scoped3A = tpu.sem_alloc : memref<!tpu.dma_semaphore, #tpu.memory_space<semaphore_mem>>
        %dma_start3A = arith.constant 0 : i32
        %dma_start3A_23 = tpu.memref_slice %arg17[%mul3A_0, %dma_start3A] : memref<40960x32xf32, #tpu.memory_space<vmem_shared>> -> memref<2560x32xf32, #tpu.memory_space<vmem_shared>>
        tpu.enqueue_dma source(%arg8 : memref<2560x32xf32, #tpu.memory_space<hbm>>) target(%dma_start3A_23 : memref<2560x32xf32, #tpu.memory_space<vmem_shared>>) target_semaphore(%run_scoped3A : memref<!tpu.dma_semaphore, #tpu.memory_space<semaphore_mem>>)
        %dma_wait3A = arith.constant 0 : i32
        %dma_wait3A_24 = tpu.memref_slice %arg17[%mul3A_0, %dma_wait3A] : memref<40960x32xf32, #tpu.memory_space<vmem_shared>> -> memref<2560x32xf32, #tpu.memory_space<vmem_shared>>
        tpu.wait_dma2 semaphore(%run_scoped3A : memref<!tpu.dma_semaphore, #tpu.memory_space<semaphore_mem>>) src(%arg8 : memref<2560x32xf32, #tpu.memory_space<hbm>>) dst(%dma_wait3A_24 : memref<2560x32xf32, #tpu.memory_space<vmem_shared>>)
        tpu.yield
      }) : () -> ()
      %barrier3A = arith.constant 0 : index
      tpu.barrier barrier_id(%barrier3A)
      %scan3A = arith.constant 0 : i32
      %scan3A_18 = arith.constant 79 : i32
      %scan3A_19 = arith.addi %scan3A, %scan3A_18 : i32
      %scan3A_20 = arith.constant 1 : i32
      scf.for %scan3A_23 = %scan3A to %scan3A_19 step %scan3A_20  : i32 {
        %mul3A_24 = arith.constant 1 : i32
        %mul3A_25 = arith.muli %scan3A_23, %mul3A_24 : i32
        %add3A = arith.constant 0 : i32
        %add3A_26 = arith.addi %add3A, %mul3A_25 : i32
        %mul3A_27 = arith.constant 16 : i32
        %mul3A_28 = arith.muli %add3A_26, %mul3A_27 : i32
        %add3A_29 = arith.addi %mul3A_28, %arg1 : i32
        %lt3A = arith.constant 1250 : i32
        %lt3A_30 = arith.cmpi slt, %add3A_29, %lt3A : i32
        %convert_element_type3A_31 = arith.extui %lt3A_30 : i1 to i32
        %cond3A_32 = arith.constant 0 : i32
        %cond3A_33 = arith.cmpi ne, %convert_element_type3A_31, %cond3A_32 : i32
        scf.if %cond3A_33 {
          %mul3A_34 = arith.constant 8 : i32
          %mul3A_35 = arith.muli %add3A_29, %mul3A_34 : i32
          "tpu.region"() ({
            %run_scoped3A_241 = tpu.sem_alloc : memref<!tpu.dma_semaphore, #tpu.memory_space<semaphore_mem>>
            %dma_start3A_242 = arith.constant 0 : i32
            %dma_start3A_243 = tpu.memref_slice %arg6[%mul3A_35, %dma_start3A_242] : memref<10000x128xi32, #tpu.memory_space<hbm>> -> memref<8x128xi32, #tpu.memory_space<hbm>>
            %dma_start3A_244 = arith.constant 0 : i32
            %dma_start3A_245 = tpu.memref_slice %arg6[%mul3A_35, %dma_start3A_244] : memref<10000x128xi32, #tpu.memory_space<hbm>> -> memref<8x128xi32, #tpu.memory_space<hbm>>
            tpu.enqueue_dma source(%dma_start3A_245 : memref<8x128xi32, #tpu.memory_space<hbm>>) target(%arg13 : memref<8x128xi32, #tpu.memory_space<vmem>>) target_semaphore(%run_scoped3A_241 : memref<!tpu.dma_semaphore, #tpu.memory_space<semaphore_mem>>)
            %dma_wait3A_246 = arith.constant 0 : i32
            %dma_wait3A_247 = tpu.memref_slice %arg6[%mul3A_35, %dma_wait3A_246] : memref<10000x128xi32, #tpu.memory_space<hbm>> -> memref<8x128xi32, #tpu.memory_space<hbm>>
            %dma_wait3A_248 = arith.constant 0 : i32
            %dma_wait3A_249 = tpu.memref_slice %arg6[%mul3A_35, %dma_wait3A_248] : memref<10000x128xi32, #tpu.memory_space<hbm>> -> memref<8x128xi32, #tpu.memory_space<hbm>>
            tpu.wait_dma2 semaphore(%run_scoped3A_241 : memref<!tpu.dma_semaphore, #tpu.memory_space<semaphore_mem>>) src(%dma_wait3A_249 : memref<8x128xi32, #tpu.memory_space<hbm>>) dst(%arg13 : memref<8x128xi32, #tpu.memory_space<vmem>>)
            tpu.yield
          }) : () -> ()
          "tpu.region"() ({
            %run_scoped3A_241 = tpu.sem_alloc : memref<!tpu.dma_semaphore, #tpu.memory_space<semaphore_mem>>
            %dma_start3A_242 = arith.constant 0 : i32
            %dma_start3A_243 = tpu.memref_slice %arg7[%mul3A_35, %dma_start3A_242] : memref<10000x128xi32, #tpu.memory_space<hbm>> -> memref<8x128xi32, #tpu.memory_space<hbm>>
            %dma_start3A_244 = arith.constant 0 : i32
            %dma_start3A_245 = tpu.memref_slice %arg7[%mul3A_35, %dma_start3A_244] : memref<10000x128xi32, #tpu.memory_space<hbm>> -> memref<8x128xi32, #tpu.memory_space<hbm>>
            tpu.enqueue_dma source(%dma_start3A_245 : memref<8x128xi32, #tpu.memory_space<hbm>>) target(%arg14 : memref<8x128xi32, #tpu.memory_space<vmem>>) target_semaphore(%run_scoped3A_241 : memref<!tpu.dma_semaphore, #tpu.memory_space<semaphore_mem>>)
            %dma_wait3A_246 = arith.constant 0 : i32
            %dma_wait3A_247 = tpu.memref_slice %arg7[%mul3A_35, %dma_wait3A_246] : memref<10000x128xi32, #tpu.memory_space<hbm>> -> memref<8x128xi32, #tpu.memory_space<hbm>>
            %dma_wait3A_248 = arith.constant 0 : i32
            %dma_wait3A_249 = tpu.memref_slice %arg7[%mul3A_35, %dma_wait3A_248] : memref<10000x128xi32, #tpu.memory_space<hbm>> -> memref<8x128xi32, #tpu.memory_space<hbm>>
            tpu.wait_dma2 semaphore(%run_scoped3A_241 : memref<!tpu.dma_semaphore, #tpu.memory_space<semaphore_mem>>) src(%dma_wait3A_249 : memref<8x128xi32, #tpu.memory_space<hbm>>) dst(%arg14 : memref<8x128xi32, #tpu.memory_space<vmem>>)
            tpu.yield
          }) : () -> ()
          %dma_start3A = arith.constant 0 : i32
          %dma_start3A_36 = arith.constant 0 : i32
          %dma_start3A_37 = arith.constant 0 : i32
          %dma_start3A_38 = arith.constant 0 : i32
          %dma_start3A_39 = tpu.memref_slice %arg15[%dma_start3A_36, %dma_start3A_37, %dma_start3A_38] : memref<8x128x32xf32, #tpu.memory_space<vmem>> -> memref<1x128x32xf32, #tpu.memory_space<vmem>>
          %dma_start3A_40 = tpu.memref_squeeze %dma_start3A_39 : memref<1x128x32xf32, #tpu.memory_space<vmem>> -> memref<128x32xf32, #tpu.memory_space<vmem>>
          %dma_start3A_41 = arith.constant 0 : i32
          %dma_start3A_42 = tpu.memref_slice %arg13[%dma_start3A, %dma_start3A_41] : memref<8x128xi32, #tpu.memory_space<vmem>> -> memref<1x128xi32, #tpu.memory_space<vmem>>
          %dma_start3A_43 = tpu.memref_squeeze %dma_start3A_42 : memref<1x128xi32, #tpu.memory_space<vmem>> -> memref<128xi32, #tpu.memory_space<vmem>>
          %dma_start3A_44 = arith.constant 0 : i32
          %dma_start3A_45 = arith.constant 0 : i32
          %dma_start3A_46 = tpu.memref_slice %arg2[%dma_start3A_44, %dma_start3A_45] : memref<40960x32xf32, #tpu.memory_space<hbm>> -> memref<40960x32xf32, #tpu.memory_space<hbm>>
          tpu.enqueue_indirect_dma source(%dma_start3A_46 : memref<40960x32xf32, #tpu.memory_space<hbm>>) target(%dma_start3A_40 : memref<128x32xf32, #tpu.memory_space<vmem>>) offsets(%dma_start3A_43 : memref<128xi32, #tpu.memory_space<vmem>>) semaphore(%arg18 : memref<!tpu.dma_semaphore, #tpu.memory_space<semaphore_mem>>)
          %dma_start3A_47 = arith.constant 1 : i32
          %dma_start3A_48 = arith.constant 1 : i32
          %dma_start3A_49 = arith.constant 0 : i32
          %dma_start3A_50 = arith.constant 0 : i32
          %dma_start3A_51 = tpu.memref_slice %arg15[%dma_start3A_48, %dma_start3A_49, %dma_start3A_50] : memref<8x128x32xf32, #tpu.memory_space<vmem>> -> memref<1x128x32xf32, #tpu.memory_space<vmem>>
          %dma_start3A_52 = tpu.memref_squeeze %dma_start3A_51 : memref<1x128x32xf32, #tpu.memory_space<vmem>> -> memref<128x32xf32, #tpu.memory_space<vmem>>
          %dma_start3A_53 = arith.constant 0 : i32
          %dma_start3A_54 = tpu.memref_slice %arg13[%dma_start3A_47, %dma_start3A_53] : memref<8x128xi32, #tpu.memory_space<vmem>> -> memref<1x128xi32, #tpu.memory_space<vmem>>
          %dma_start3A_55 = tpu.memref_squeeze %dma_start3A_54 : memref<1x128xi32, #tpu.memory_space<vmem>> -> memref<128xi32, #tpu.memory_space<vmem>>
          %dma_start3A_56 = arith.constant 0 : i32
          %dma_start3A_57 = arith.constant 0 : i32
          %dma_start3A_58 = tpu.memref_slice %arg2[%dma_start3A_56, %dma_start3A_57] : memref<40960x32xf32, #tpu.memory_space<hbm>> -> memref<40960x32xf32, #tpu.memory_space<hbm>>
          tpu.enqueue_indirect_dma source(%dma_start3A_58 : memref<40960x32xf32, #tpu.memory_space<hbm>>) target(%dma_start3A_52 : memref<128x32xf32, #tpu.memory_space<vmem>>) offsets(%dma_start3A_55 : memref<128xi32, #tpu.memory_space<vmem>>) semaphore(%arg18 : memref<!tpu.dma_semaphore, #tpu.memory_space<semaphore_mem>>)
          %dma_start3A_59 = arith.constant 2 : i32
          %dma_start3A_60 = arith.constant 2 : i32
          %dma_start3A_61 = arith.constant 0 : i32
          %dma_start3A_62 = arith.constant 0 : i32
          %dma_start3A_63 = tpu.memref_slice %arg15[%dma_start3A_60, %dma_start3A_61, %dma_start3A_62] : memref<8x128x32xf32, #tpu.memory_space<vmem>> -> memref<1x128x32xf32, #tpu.memory_space<vmem>>
          %dma_start3A_64 = tpu.memref_squeeze %dma_start3A_63 : memref<1x128x32xf32, #tpu.memory_space<vmem>> -> memref<128x32xf32, #tpu.memory_space<vmem>>
          %dma_start3A_65 = arith.constant 0 : i32
          %dma_start3A_66 = tpu.memref_slice %arg13[%dma_start3A_59, %dma_start3A_65] : memref<8x128xi32, #tpu.memory_space<vmem>> -> memref<1x128xi32, #tpu.memory_space<vmem>>
          %dma_start3A_67 = tpu.memref_squeeze %dma_start3A_66 : memref<1x128xi32, #tpu.memory_space<vmem>> -> memref<128xi32, #tpu.memory_space<vmem>>
          %dma_start3A_68 = arith.constant 0 : i32
          %dma_start3A_69 = arith.constant 0 : i32
          %dma_start3A_70 = tpu.memref_slice %arg2[%dma_start3A_68, %dma_start3A_69] : memref<40960x32xf32, #tpu.memory_space<hbm>> -> memref<40960x32xf32, #tpu.memory_space<hbm>>
          tpu.enqueue_indirect_dma source(%dma_start3A_70 : memref<40960x32xf32, #tpu.memory_space<hbm>>) target(%dma_start3A_64 : memref<128x32xf32, #tpu.memory_space<vmem>>) offsets(%dma_start3A_67 : memref<128xi32, #tpu.memory_space<vmem>>) semaphore(%arg18 : memref<!tpu.dma_semaphore, #tpu.memory_space<semaphore_mem>>)
          %dma_start3A_71 = arith.constant 3 : i32
          %dma_start3A_72 = arith.constant 3 : i32
          %dma_start3A_73 = arith.constant 0 : i32
          %dma_start3A_74 = arith.constant 0 : i32
          %dma_start3A_75 = tpu.memref_slice %arg15[%dma_start3A_72, %dma_start3A_73, %dma_start3A_74] : memref<8x128x32xf32, #tpu.memory_space<vmem>> -> memref<1x128x32xf32, #tpu.memory_space<vmem>>
          %dma_start3A_76 = tpu.memref_squeeze %dma_start3A_75 : memref<1x128x32xf32, #tpu.memory_space<vmem>> -> memref<128x32xf32, #tpu.memory_space<vmem>>
          %dma_start3A_77 = arith.constant 0 : i32
          %dma_start3A_78 = tpu.memref_slice %arg13[%dma_start3A_71, %dma_start3A_77] : memref<8x128xi32, #tpu.memory_space<vmem>> -> memref<1x128xi32, #tpu.memory_space<vmem>>
          %dma_start3A_79 = tpu.memref_squeeze %dma_start3A_78 : memref<1x128xi32, #tpu.memory_space<vmem>> -> memref<128xi32, #tpu.memory_space<vmem>>
          %dma_start3A_80 = arith.constant 0 : i32
          %dma_start3A_81 = arith.constant 0 : i32
          %dma_start3A_82 = tpu.memref_slice %arg2[%dma_start3A_80, %dma_start3A_81] : memref<40960x32xf32, #tpu.memory_space<hbm>> -> memref<40960x32xf32, #tpu.memory_space<hbm>>
          tpu.enqueue_indirect_dma source(%dma_start3A_82 : memref<40960x32xf32, #tpu.memory_space<hbm>>) target(%dma_start3A_76 : memref<128x32xf32, #tpu.memory_space<vmem>>) offsets(%dma_start3A_79 : memref<128xi32, #tpu.memory_space<vmem>>) semaphore(%arg18 : memref<!tpu.dma_semaphore, #tpu.memory_space<semaphore_mem>>)
          %dma_start3A_83 = arith.constant 4 : i32
          %dma_start3A_84 = arith.constant 4 : i32
          %dma_start3A_85 = arith.constant 0 : i32
          %dma_start3A_86 = arith.constant 0 : i32
          %dma_start3A_87 = tpu.memref_slice %arg15[%dma_start3A_84, %dma_start3A_85, %dma_start3A_86] : memref<8x128x32xf32, #tpu.memory_space<vmem>> -> memref<1x128x32xf32, #tpu.memory_space<vmem>>
          %dma_start3A_88 = tpu.memref_squeeze %dma_start3A_87 : memref<1x128x32xf32, #tpu.memory_space<vmem>> -> memref<128x32xf32, #tpu.memory_space<vmem>>
          %dma_start3A_89 = arith.constant 0 : i32
          %dma_start3A_90 = tpu.memref_slice %arg13[%dma_start3A_83, %dma_start3A_89] : memref<8x128xi32, #tpu.memory_space<vmem>> -> memref<1x128xi32, #tpu.memory_space<vmem>>
          %dma_start3A_91 = tpu.memref_squeeze %dma_start3A_90 : memref<1x128xi32, #tpu.memory_space<vmem>> -> memref<128xi32, #tpu.memory_space<vmem>>
          %dma_start3A_92 = arith.constant 0 : i32
          %dma_start3A_93 = arith.constant 0 : i32
          %dma_start3A_94 = tpu.memref_slice %arg2[%dma_start3A_92, %dma_start3A_93] : memref<40960x32xf32, #tpu.memory_space<hbm>> -> memref<40960x32xf32, #tpu.memory_space<hbm>>
          tpu.enqueue_indirect_dma source(%dma_start3A_94 : memref<40960x32xf32, #tpu.memory_space<hbm>>) target(%dma_start3A_88 : memref<128x32xf32, #tpu.memory_space<vmem>>) offsets(%dma_start3A_91 : memref<128xi32, #tpu.memory_space<vmem>>) semaphore(%arg18 : memref<!tpu.dma_semaphore, #tpu.memory_space<semaphore_mem>>)
          %dma_start3A_95 = arith.constant 5 : i32
          %dma_start3A_96 = arith.constant 5 : i32
          %dma_start3A_97 = arith.constant 0 : i32
          %dma_start3A_98 = arith.constant 0 : i32
          %dma_start3A_99 = tpu.memref_slice %arg15[%dma_start3A_96, %dma_start3A_97, %dma_start3A_98] : memref<8x128x32xf32, #tpu.memory_space<vmem>> -> memref<1x128x32xf32, #tpu.memory_space<vmem>>
          %dma_start3A_100 = tpu.memref_squeeze %dma_start3A_99 : memref<1x128x32xf32, #tpu.memory_space<vmem>> -> memref<128x32xf32, #tpu.memory_space<vmem>>
          %dma_start3A_101 = arith.constant 0 : i32
          %dma_start3A_102 = tpu.memref_slice %arg13[%dma_start3A_95, %dma_start3A_101] : memref<8x128xi32, #tpu.memory_space<vmem>> -> memref<1x128xi32, #tpu.memory_space<vmem>>
          %dma_start3A_103 = tpu.memref_squeeze %dma_start3A_102 : memref<1x128xi32, #tpu.memory_space<vmem>> -> memref<128xi32, #tpu.memory_space<vmem>>
          %dma_start3A_104 = arith.constant 0 : i32
          %dma_start3A_105 = arith.constant 0 : i32
          %dma_start3A_106 = tpu.memref_slice %arg2[%dma_start3A_104, %dma_start3A_105] : memref<40960x32xf32, #tpu.memory_space<hbm>> -> memref<40960x32xf32, #tpu.memory_space<hbm>>
          tpu.enqueue_indirect_dma source(%dma_start3A_106 : memref<40960x32xf32, #tpu.memory_space<hbm>>) target(%dma_start3A_100 : memref<128x32xf32, #tpu.memory_space<vmem>>) offsets(%dma_start3A_103 : memref<128xi32, #tpu.memory_space<vmem>>) semaphore(%arg18 : memref<!tpu.dma_semaphore, #tpu.memory_space<semaphore_mem>>)
          %dma_start3A_107 = arith.constant 6 : i32
          %dma_start3A_108 = arith.constant 6 : i32
          %dma_start3A_109 = arith.constant 0 : i32
          %dma_start3A_110 = arith.constant 0 : i32
          %dma_start3A_111 = tpu.memref_slice %arg15[%dma_start3A_108, %dma_start3A_109, %dma_start3A_110] : memref<8x128x32xf32, #tpu.memory_space<vmem>> -> memref<1x128x32xf32, #tpu.memory_space<vmem>>
          %dma_start3A_112 = tpu.memref_squeeze %dma_start3A_111 : memref<1x128x32xf32, #tpu.memory_space<vmem>> -> memref<128x32xf32, #tpu.memory_space<vmem>>
          %dma_start3A_113 = arith.constant 0 : i32
          %dma_start3A_114 = tpu.memref_slice %arg13[%dma_start3A_107, %dma_start3A_113] : memref<8x128xi32, #tpu.memory_space<vmem>> -> memref<1x128xi32, #tpu.memory_space<vmem>>
          %dma_start3A_115 = tpu.memref_squeeze %dma_start3A_114 : memref<1x128xi32, #tpu.memory_space<vmem>> -> memref<128xi32, #tpu.memory_space<vmem>>
          %dma_start3A_116 = arith.constant 0 : i32
          %dma_start3A_117 = arith.constant 0 : i32
          %dma_start3A_118 = tpu.memref_slice %arg2[%dma_start3A_116, %dma_start3A_117] : memref<40960x32xf32, #tpu.memory_space<hbm>> -> memref<40960x32xf32, #tpu.memory_space<hbm>>
          tpu.enqueue_indirect_dma source(%dma_start3A_118 : memref<40960x32xf32, #tpu.memory_space<hbm>>) target(%dma_start3A_112 : memref<128x32xf32, #tpu.memory_space<vmem>>) offsets(%dma_start3A_115 : memref<128xi32, #tpu.memory_space<vmem>>) semaphore(%arg18 : memref<!tpu.dma_semaphore, #tpu.memory_space<semaphore_mem>>)
          %dma_start3A_119 = arith.constant 7 : i32
          %dma_start3A_120 = arith.constant 7 : i32
          %dma_start3A_121 = arith.constant 0 : i32
          %dma_start3A_122 = arith.constant 0 : i32
          %dma_start3A_123 = tpu.memref_slice %arg15[%dma_start3A_120, %dma_start3A_121, %dma_start3A_122] : memref<8x128x32xf32, #tpu.memory_space<vmem>> -> memref<1x128x32xf32, #tpu.memory_space<vmem>>
          %dma_start3A_124 = tpu.memref_squeeze %dma_start3A_123 : memref<1x128x32xf32, #tpu.memory_space<vmem>> -> memref<128x32xf32, #tpu.memory_space<vmem>>
          %dma_start3A_125 = arith.constant 0 : i32
          %dma_start3A_126 = tpu.memref_slice %arg13[%dma_start3A_119, %dma_start3A_125] : memref<8x128xi32, #tpu.memory_space<vmem>> -> memref<1x128xi32, #tpu.memory_space<vmem>>
          %dma_start3A_127 = tpu.memref_squeeze %dma_start3A_126 : memref<1x128xi32, #tpu.memory_space<vmem>> -> memref<128xi32, #tpu.memory_space<vmem>>
          %dma_start3A_128 = arith.constant 0 : i32
          %dma_start3A_129 = arith.constant 0 : i32
          %dma_start3A_130 = tpu.memref_slice %arg2[%dma_start3A_128, %dma_start3A_129] : memref<40960x32xf32, #tpu.memory_space<hbm>> -> memref<40960x32xf32, #tpu.memory_space<hbm>>
          tpu.enqueue_indirect_dma source(%dma_start3A_130 : memref<40960x32xf32, #tpu.memory_space<hbm>>) target(%dma_start3A_124 : memref<128x32xf32, #tpu.memory_space<vmem>>) offsets(%dma_start3A_127 : memref<128xi32, #tpu.memory_space<vmem>>) semaphore(%arg18 : memref<!tpu.dma_semaphore, #tpu.memory_space<semaphore_mem>>)
          %dma_wait3A = arith.constant 0 : i32
          %dma_wait3A_131 = arith.constant 0 : i32
          %dma_wait3A_132 = arith.constant 0 : i32
          %dma_wait3A_133 = arith.constant 0 : i32
          %dma_wait3A_134 = tpu.memref_slice %arg15[%dma_wait3A_131, %dma_wait3A_132, %dma_wait3A_133] : memref<8x128x32xf32, #tpu.memory_space<vmem>> -> memref<1x128x32xf32, #tpu.memory_space<vmem>>
          %dma_wait3A_135 = tpu.memref_squeeze %dma_wait3A_134 : memref<1x128x32xf32, #tpu.memory_space<vmem>> -> memref<128x32xf32, #tpu.memory_space<vmem>>
          %dma_wait3A_136 = arith.constant 0 : i32
          %dma_wait3A_137 = tpu.memref_slice %arg13[%dma_wait3A, %dma_wait3A_136] : memref<8x128xi32, #tpu.memory_space<vmem>> -> memref<1x128xi32, #tpu.memory_space<vmem>>
          %dma_wait3A_138 = tpu.memref_squeeze %dma_wait3A_137 : memref<1x128xi32, #tpu.memory_space<vmem>> -> memref<128xi32, #tpu.memory_space<vmem>>
          %dma_wait3A_139 = arith.constant 0 : i32
          %dma_wait3A_140 = arith.constant 0 : i32
          %dma_wait3A_141 = tpu.memref_slice %arg2[%dma_wait3A_139, %dma_wait3A_140] : memref<40960x32xf32, #tpu.memory_space<hbm>> -> memref<40960x32xf32, #tpu.memory_space<hbm>>
          tpu.wait_indirect_dma semaphore(%arg18 : memref<!tpu.dma_semaphore, #tpu.memory_space<semaphore_mem>>) src(%dma_wait3A_141 : memref<40960x32xf32, #tpu.memory_space<hbm>>) dst(%dma_wait3A_135 : memref<128x32xf32, #tpu.memory_space<vmem>>)
          %dma_wait3A_142 = arith.constant 1 : i32
          %dma_wait3A_143 = arith.constant 1 : i32
          %dma_wait3A_144 = arith.constant 0 : i32
          %dma_wait3A_145 = arith.constant 0 : i32
          %dma_wait3A_146 = tpu.memref_slice %arg15[%dma_wait3A_143, %dma_wait3A_144, %dma_wait3A_145] : memref<8x128x32xf32, #tpu.memory_space<vmem>> -> memref<1x128x32xf32, #tpu.memory_space<vmem>>
          %dma_wait3A_147 = tpu.memref_squeeze %dma_wait3A_146 : memref<1x128x32xf32, #tpu.memory_space<vmem>> -> memref<128x32xf32, #tpu.memory_space<vmem>>
          %dma_wait3A_148 = arith.constant 0 : i32
          %dma_wait3A_149 = tpu.memref_slice %arg13[%dma_wait3A_142, %dma_wait3A_148] : memref<8x128xi32, #tpu.memory_space<vmem>> -> memref<1x128xi32, #tpu.memory_space<vmem>>
          %dma_wait3A_150 = tpu.memref_squeeze %dma_wait3A_149 : memref<1x128xi32, #tpu.memory_space<vmem>> -> memref<128xi32, #tpu.memory_space<vmem>>
          %dma_wait3A_151 = arith.constant 0 : i32
          %dma_wait3A_152 = arith.constant 0 : i32
          %dma_wait3A_153 = tpu.memref_slice %arg2[%dma_wait3A_151, %dma_wait3A_152] : memref<40960x32xf32, #tpu.memory_space<hbm>> -> memref<40960x32xf32, #tpu.memory_space<hbm>>
          tpu.wait_indirect_dma semaphore(%arg18 : memref<!tpu.dma_semaphore, #tpu.memory_space<semaphore_mem>>) src(%dma_wait3A_153 : memref<40960x32xf32, #tpu.memory_space<hbm>>) dst(%dma_wait3A_147 : memref<128x32xf32, #tpu.memory_space<vmem>>)
          %dma_wait3A_154 = arith.constant 2 : i32
          %dma_wait3A_155 = arith.constant 2 : i32
          %dma_wait3A_156 = arith.constant 0 : i32
          %dma_wait3A_157 = arith.constant 0 : i32
          %dma_wait3A_158 = tpu.memref_slice %arg15[%dma_wait3A_155, %dma_wait3A_156, %dma_wait3A_157] : memref<8x128x32xf32, #tpu.memory_space<vmem>> -> memref<1x128x32xf32, #tpu.memory_space<vmem>>
          %dma_wait3A_159 = tpu.memref_squeeze %dma_wait3A_158 : memref<1x128x32xf32, #tpu.memory_space<vmem>> -> memref<128x32xf32, #tpu.memory_space<vmem>>
          %dma_wait3A_160 = arith.constant 0 : i32
          %dma_wait3A_161 = tpu.memref_slice %arg13[%dma_wait3A_154, %dma_wait3A_160] : memref<8x128xi32, #tpu.memory_space<vmem>> -> memref<1x128xi32, #tpu.memory_space<vmem>>
          %dma_wait3A_162 = tpu.memref_squeeze %dma_wait3A_161 : memref<1x128xi32, #tpu.memory_space<vmem>> -> memref<128xi32, #tpu.memory_space<vmem>>
          %dma_wait3A_163 = arith.constant 0 : i32
          %dma_wait3A_164 = arith.constant 0 : i32
          %dma_wait3A_165 = tpu.memref_slice %arg2[%dma_wait3A_163, %dma_wait3A_164] : memref<40960x32xf32, #tpu.memory_space<hbm>> -> memref<40960x32xf32, #tpu.memory_space<hbm>>
          tpu.wait_indirect_dma semaphore(%arg18 : memref<!tpu.dma_semaphore, #tpu.memory_space<semaphore_mem>>) src(%dma_wait3A_165 : memref<40960x32xf32, #tpu.memory_space<hbm>>) dst(%dma_wait3A_159 : memref<128x32xf32, #tpu.memory_space<vmem>>)
          %dma_wait3A_166 = arith.constant 3 : i32
          %dma_wait3A_167 = arith.constant 3 : i32
          %dma_wait3A_168 = arith.constant 0 : i32
          %dma_wait3A_169 = arith.constant 0 : i32
          %dma_wait3A_170 = tpu.memref_slice %arg15[%dma_wait3A_167, %dma_wait3A_168, %dma_wait3A_169] : memref<8x128x32xf32, #tpu.memory_space<vmem>> -> memref<1x128x32xf32, #tpu.memory_space<vmem>>
          %dma_wait3A_171 = tpu.memref_squeeze %dma_wait3A_170 : memref<1x128x32xf32, #tpu.memory_space<vmem>> -> memref<128x32xf32, #tpu.memory_space<vmem>>
          %dma_wait3A_172 = arith.constant 0 : i32
          %dma_wait3A_173 = tpu.memref_slice %arg13[%dma_wait3A_166, %dma_wait3A_172] : memref<8x128xi32, #tpu.memory_space<vmem>> -> memref<1x128xi32, #tpu.memory_space<vmem>>
          %dma_wait3A_174 = tpu.memref_squeeze %dma_wait3A_173 : memref<1x128xi32, #tpu.memory_space<vmem>> -> memref<128xi32, #tpu.memory_space<vmem>>
          %dma_wait3A_175 = arith.constant 0 : i32
          %dma_wait3A_176 = arith.constant 0 : i32
          %dma_wait3A_177 = tpu.memref_slice %arg2[%dma_wait3A_175, %dma_wait3A_176] : memref<40960x32xf32, #tpu.memory_space<hbm>> -> memref<40960x32xf32, #tpu.memory_space<hbm>>
          tpu.wait_indirect_dma semaphore(%arg18 : memref<!tpu.dma_semaphore, #tpu.memory_space<semaphore_mem>>) src(%dma_wait3A_177 : memref<40960x32xf32, #tpu.memory_space<hbm>>) dst(%dma_wait3A_171 : memref<128x32xf32, #tpu.memory_space<vmem>>)
          %dma_wait3A_178 = arith.constant 4 : i32
          %dma_wait3A_179 = arith.constant 4 : i32
          %dma_wait3A_180 = arith.constant 0 : i32
          %dma_wait3A_181 = arith.constant 0 : i32
          %dma_wait3A_182 = tpu.memref_slice %arg15[%dma_wait3A_179, %dma_wait3A_180, %dma_wait3A_181] : memref<8x128x32xf32, #tpu.memory_space<vmem>> -> memref<1x128x32xf32, #tpu.memory_space<vmem>>
          %dma_wait3A_183 = tpu.memref_squeeze %dma_wait3A_182 : memref<1x128x32xf32, #tpu.memory_space<vmem>> -> memref<128x32xf32, #tpu.memory_space<vmem>>
          %dma_wait3A_184 = arith.constant 0 : i32
          %dma_wait3A_185 = tpu.memref_slice %arg13[%dma_wait3A_178, %dma_wait3A_184] : memref<8x128xi32, #tpu.memory_space<vmem>> -> memref<1x128xi32, #tpu.memory_space<vmem>>
          %dma_wait3A_186 = tpu.memref_squeeze %dma_wait3A_185 : memref<1x128xi32, #tpu.memory_space<vmem>> -> memref<128xi32, #tpu.memory_space<vmem>>
          %dma_wait3A_187 = arith.constant 0 : i32
          %dma_wait3A_188 = arith.constant 0 : i32
          %dma_wait3A_189 = tpu.memref_slice %arg2[%dma_wait3A_187, %dma_wait3A_188] : memref<40960x32xf32, #tpu.memory_space<hbm>> -> memref<40960x32xf32, #tpu.memory_space<hbm>>
          tpu.wait_indirect_dma semaphore(%arg18 : memref<!tpu.dma_semaphore, #tpu.memory_space<semaphore_mem>>) src(%dma_wait3A_189 : memref<40960x32xf32, #tpu.memory_space<hbm>>) dst(%dma_wait3A_183 : memref<128x32xf32, #tpu.memory_space<vmem>>)
          %dma_wait3A_190 = arith.constant 5 : i32
          %dma_wait3A_191 = arith.constant 5 : i32
          %dma_wait3A_192 = arith.constant 0 : i32
          %dma_wait3A_193 = arith.constant 0 : i32
          %dma_wait3A_194 = tpu.memref_slice %arg15[%dma_wait3A_191, %dma_wait3A_192, %dma_wait3A_193] : memref<8x128x32xf32, #tpu.memory_space<vmem>> -> memref<1x128x32xf32, #tpu.memory_space<vmem>>
          %dma_wait3A_195 = tpu.memref_squeeze %dma_wait3A_194 : memref<1x128x32xf32, #tpu.memory_space<vmem>> -> memref<128x32xf32, #tpu.memory_space<vmem>>
          %dma_wait3A_196 = arith.constant 0 : i32
          %dma_wait3A_197 = tpu.memref_slice %arg13[%dma_wait3A_190, %dma_wait3A_196] : memref<8x128xi32, #tpu.memory_space<vmem>> -> memref<1x128xi32, #tpu.memory_space<vmem>>
          %dma_wait3A_198 = tpu.memref_squeeze %dma_wait3A_197 : memref<1x128xi32, #tpu.memory_space<vmem>> -> memref<128xi32, #tpu.memory_space<vmem>>
          %dma_wait3A_199 = arith.constant 0 : i32
          %dma_wait3A_200 = arith.constant 0 : i32
          %dma_wait3A_201 = tpu.memref_slice %arg2[%dma_wait3A_199, %dma_wait3A_200] : memref<40960x32xf32, #tpu.memory_space<hbm>> -> memref<40960x32xf32, #tpu.memory_space<hbm>>
          tpu.wait_indirect_dma semaphore(%arg18 : memref<!tpu.dma_semaphore, #tpu.memory_space<semaphore_mem>>) src(%dma_wait3A_201 : memref<40960x32xf32, #tpu.memory_space<hbm>>) dst(%dma_wait3A_195 : memref<128x32xf32, #tpu.memory_space<vmem>>)
          %dma_wait3A_202 = arith.constant 6 : i32
          %dma_wait3A_203 = arith.constant 6 : i32
          %dma_wait3A_204 = arith.constant 0 : i32
          %dma_wait3A_205 = arith.constant 0 : i32
          %dma_wait3A_206 = tpu.memref_slice %arg15[%dma_wait3A_203, %dma_wait3A_204, %dma_wait3A_205] : memref<8x128x32xf32, #tpu.memory_space<vmem>> -> memref<1x128x32xf32, #tpu.memory_space<vmem>>
          %dma_wait3A_207 = tpu.memref_squeeze %dma_wait3A_206 : memref<1x128x32xf32, #tpu.memory_space<vmem>> -> memref<128x32xf32, #tpu.memory_space<vmem>>
          %dma_wait3A_208 = arith.constant 0 : i32
          %dma_wait3A_209 = tpu.memref_slice %arg13[%dma_wait3A_202, %dma_wait3A_208] : memref<8x128xi32, #tpu.memory_space<vmem>> -> memref<1x128xi32, #tpu.memory_space<vmem>>
          %dma_wait3A_210 = tpu.memref_squeeze %dma_wait3A_209 : memref<1x128xi32, #tpu.memory_space<vmem>> -> memref<128xi32, #tpu.memory_space<vmem>>
          %dma_wait3A_211 = arith.constant 0 : i32
          %dma_wait3A_212 = arith.constant 0 : i32
          %dma_wait3A_213 = tpu.memref_slice %arg2[%dma_wait3A_211, %dma_wait3A_212] : memref<40960x32xf32, #tpu.memory_space<hbm>> -> memref<40960x32xf32, #tpu.memory_space<hbm>>
          tpu.wait_indirect_dma semaphore(%arg18 : memref<!tpu.dma_semaphore, #tpu.memory_space<semaphore_mem>>) src(%dma_wait3A_213 : memref<40960x32xf32, #tpu.memory_space<hbm>>) dst(%dma_wait3A_207 : memref<128x32xf32, #tpu.memory_space<vmem>>)
          %dma_wait3A_214 = arith.constant 7 : i32
          %dma_wait3A_215 = arith.constant 7 : i32
          %dma_wait3A_216 = arith.constant 0 : i32
          %dma_wait3A_217 = arith.constant 0 : i32
          %dma_wait3A_218 = tpu.memref_slice %arg15[%dma_wait3A_215, %dma_wait3A_216, %dma_wait3A_217] : memref<8x128x32xf32, #tpu.memory_space<vmem>> -> memref<1x128x32xf32, #tpu.memory_space<vmem>>
          %dma_wait3A_219 = tpu.memref_squeeze %dma_wait3A_218 : memref<1x128x32xf32, #tpu.memory_space<vmem>> -> memref<128x32xf32, #tpu.memory_space<vmem>>
          %dma_wait3A_220 = arith.constant 0 : i32
          %dma_wait3A_221 = tpu.memref_slice %arg13[%dma_wait3A_214, %dma_wait3A_220] : memref<8x128xi32, #tpu.memory_space<vmem>> -> memref<1x128xi32, #tpu.memory_space<vmem>>
          %dma_wait3A_222 = tpu.memref_squeeze %dma_wait3A_221 : memref<1x128xi32, #tpu.memory_space<vmem>> -> memref<128xi32, #tpu.memory_space<vmem>>
          %dma_wait3A_223 = arith.constant 0 : i32
          %dma_wait3A_224 = arith.constant 0 : i32
          %dma_wait3A_225 = tpu.memref_slice %arg2[%dma_wait3A_223, %dma_wait3A_224] : memref<40960x32xf32, #tpu.memory_space<hbm>> -> memref<40960x32xf32, #tpu.memory_space<hbm>>
          tpu.wait_indirect_dma semaphore(%arg18 : memref<!tpu.dma_semaphore, #tpu.memory_space<semaphore_mem>>) src(%dma_wait3A_225 : memref<40960x32xf32, #tpu.memory_space<hbm>>) dst(%dma_wait3A_219 : memref<128x32xf32, #tpu.memory_space<vmem>>)
          %run_scoped3A = arith.constant 0 : i32
          %run_scoped3A_226 = arith.constant 0 : i32
          "tpu.region"() ({
            %run_scoped3A_241 = tpu.sem_alloc : memref<!tpu.dma_semaphore, #tpu.memory_space<semaphore_mem>>
            %dma_start3A_242 = arith.constant 0 : i32
            %dma_start3A_243 = arith.constant 0 : i32
            %dma_start3A_244 = tpu.memref_slice %arg15[%run_scoped3A, %dma_start3A_242, %dma_start3A_243] : memref<8x128x32xf32, #tpu.memory_space<vmem>> -> memref<1x128x32xf32, #tpu.memory_space<vmem>>
            %dma_start3A_245 = tpu.memref_squeeze %dma_start3A_244 : memref<1x128x32xf32, #tpu.memory_space<vmem>> -> memref<128x32xf32, #tpu.memory_space<vmem>>
            %dma_start3A_246 = arith.constant 0 : i32
            %dma_start3A_247 = tpu.memref_slice %arg14[%run_scoped3A_226, %dma_start3A_246] : memref<8x128xi32, #tpu.memory_space<vmem>> -> memref<1x128xi32, #tpu.memory_space<vmem>>
            %dma_start3A_248 = tpu.memref_squeeze %dma_start3A_247 : memref<1x128xi32, #tpu.memory_space<vmem>> -> memref<128xi32, #tpu.memory_space<vmem>>
            %dma_start3A_249 = arith.constant 0 : i32
            %dma_start3A_250 = arith.constant 0 : i32
            %dma_start3A_251 = tpu.memref_slice %arg17[%dma_start3A_249, %dma_start3A_250] : memref<40960x32xf32, #tpu.memory_space<vmem_shared>> -> memref<40960x32xf32, #tpu.memory_space<vmem_shared>>
            tpu.enqueue_indirect_dma source(%dma_start3A_245 : memref<128x32xf32, #tpu.memory_space<vmem>>) target(%dma_start3A_251 : memref<40960x32xf32, #tpu.memory_space<vmem_shared>>) offsets(%dma_start3A_248 : memref<128xi32, #tpu.memory_space<vmem>>) semaphore(%run_scoped3A_241 : memref<!tpu.dma_semaphore, #tpu.memory_space<semaphore_mem>>) {add = true}
            %dma_wait3A_252 = arith.constant 0 : i32
            %dma_wait3A_253 = arith.constant 0 : i32
            %dma_wait3A_254 = tpu.memref_slice %arg15[%run_scoped3A, %dma_wait3A_252, %dma_wait3A_253] : memref<8x128x32xf32, #tpu.memory_space<vmem>> -> memref<1x128x32xf32, #tpu.memory_space<vmem>>
            %dma_wait3A_255 = tpu.memref_squeeze %dma_wait3A_254 : memref<1x128x32xf32, #tpu.memory_space<vmem>> -> memref<128x32xf32, #tpu.memory_space<vmem>>
            %dma_wait3A_256 = arith.constant 0 : i32
            %dma_wait3A_257 = tpu.memref_slice %arg14[%run_scoped3A_226, %dma_wait3A_256] : memref<8x128xi32, #tpu.memory_space<vmem>> -> memref<1x128xi32, #tpu.memory_space<vmem>>
            %dma_wait3A_258 = tpu.memref_squeeze %dma_wait3A_257 : memref<1x128xi32, #tpu.memory_space<vmem>> -> memref<128xi32, #tpu.memory_space<vmem>>
            %dma_wait3A_259 = arith.constant 0 : i32
            %dma_wait3A_260 = arith.constant 0 : i32
            %dma_wait3A_261 = tpu.memref_slice %arg17[%dma_wait3A_259, %dma_wait3A_260] : memref<40960x32xf32, #tpu.memory_space<vmem_shared>> -> memref<40960x32xf32, #tpu.memory_space<vmem_shared>>
            tpu.wait_indirect_dma semaphore(%run_scoped3A_241 : memref<!tpu.dma_semaphore, #tpu.memory_space<semaphore_mem>>) src(%dma_wait3A_255 : memref<128x32xf32, #tpu.memory_space<vmem>>) dst(%dma_wait3A_261 : memref<40960x32xf32, #tpu.memory_space<vmem_shared>>)
            tpu.yield
          }) : () -> ()
          %run_scoped3A_227 = arith.constant 1 : i32
          %run_scoped3A_228 = arith.constant 1 : i32
          "tpu.region"() ({
            %run_scoped3A_241 = tpu.sem_alloc : memref<!tpu.dma_semaphore, #tpu.memory_space<semaphore_mem>>
            %dma_start3A_242 = arith.constant 0 : i32
            %dma_start3A_243 = arith.constant 0 : i32
            %dma_start3A_244 = tpu.memref_slice %arg15[%run_scoped3A_227, %dma_start3A_242, %dma_start3A_243] : memref<8x128x32xf32, #tpu.memory_space<vmem>> -> memref<1x128x32xf32, #tpu.memory_space<vmem>>
            %dma_start3A_245 = tpu.memref_squeeze %dma_start3A_244 : memref<1x128x32xf32, #tpu.memory_space<vmem>> -> memref<128x32xf32, #tpu.memory_space<vmem>>
            %dma_start3A_246 = arith.constant 0 : i32
            %dma_start3A_247 = tpu.memref_slice %arg14[%run_scoped3A_228, %dma_start3A_246] : memref<8x128xi32, #tpu.memory_space<vmem>> -> memref<1x128xi32, #tpu.memory_space<vmem>>
            %dma_start3A_248 = tpu.memref_squeeze %dma_start3A_247 : memref<1x128xi32, #tpu.memory_space<vmem>> -> memref<128xi32, #tpu.memory_space<vmem>>
            %dma_start3A_249 = arith.constant 0 : i32
            %dma_start3A_250 = arith.constant 0 : i32
            %dma_start3A_251 = tpu.memref_slice %arg17[%dma_start3A_249, %dma_start3A_250] : memref<40960x32xf32, #tpu.memory_space<vmem_shared>> -> memref<40960x32xf32, #tpu.memory_space<vmem_shared>>
            tpu.enqueue_indirect_dma source(%dma_start3A_245 : memref<128x32xf32, #tpu.memory_space<vmem>>) target(%dma_start3A_251 : memref<40960x32xf32, #tpu.memory_space<vmem_shared>>) offsets(%dma_start3A_248 : memref<128xi32, #tpu.memory_space<vmem>>) semaphore(%run_scoped3A_241 : memref<!tpu.dma_semaphore, #tpu.memory_space<semaphore_mem>>) {add = true}
            %dma_wait3A_252 = arith.constant 0 : i32
            %dma_wait3A_253 = arith.constant 0 : i32
            %dma_wait3A_254 = tpu.memref_slice %arg15[%run_scoped3A_227, %dma_wait3A_252, %dma_wait3A_253] : memref<8x128x32xf32, #tpu.memory_space<vmem>> -> memref<1x128x32xf32, #tpu.memory_space<vmem>>
            %dma_wait3A_255 = tpu.memref_squeeze %dma_wait3A_254 : memref<1x128x32xf32, #tpu.memory_space<vmem>> -> memref<128x32xf32, #tpu.memory_space<vmem>>
            %dma_wait3A_256 = arith.constant 0 : i32
            %dma_wait3A_257 = tpu.memref_slice %arg14[%run_scoped3A_228, %dma_wait3A_256] : memref<8x128xi32, #tpu.memory_space<vmem>> -> memref<1x128xi32, #tpu.memory_space<vmem>>
            %dma_wait3A_258 = tpu.memref_squeeze %dma_wait3A_257 : memref<1x128xi32, #tpu.memory_space<vmem>> -> memref<128xi32, #tpu.memory_space<vmem>>
            %dma_wait3A_259 = arith.constant 0 : i32
            %dma_wait3A_260 = arith.constant 0 : i32
            %dma_wait3A_261 = tpu.memref_slice %arg17[%dma_wait3A_259, %dma_wait3A_260] : memref<40960x32xf32, #tpu.memory_space<vmem_shared>> -> memref<40960x32xf32, #tpu.memory_space<vmem_shared>>
            tpu.wait_indirect_dma semaphore(%run_scoped3A_241 : memref<!tpu.dma_semaphore, #tpu.memory_space<semaphore_mem>>) src(%dma_wait3A_255 : memref<128x32xf32, #tpu.memory_space<vmem>>) dst(%dma_wait3A_261 : memref<40960x32xf32, #tpu.memory_space<vmem_shared>>)
            tpu.yield
          }) : () -> ()
          %run_scoped3A_229 = arith.constant 2 : i32
          %run_scoped3A_230 = arith.constant 2 : i32
          "tpu.region"() ({
            %run_scoped3A_241 = tpu.sem_alloc : memref<!tpu.dma_semaphore, #tpu.memory_space<semaphore_mem>>
            %dma_start3A_242 = arith.constant 0 : i32
            %dma_start3A_243 = arith.constant 0 : i32
            %dma_start3A_244 = tpu.memref_slice %arg15[%run_scoped3A_229, %dma_start3A_242, %dma_start3A_243] : memref<8x128x32xf32, #tpu.memory_space<vmem>> -> memref<1x128x32xf32, #tpu.memory_space<vmem>>
            %dma_start3A_245 = tpu.memref_squeeze %dma_start3A_244 : memref<1x128x32xf32, #tpu.memory_space<vmem>> -> memref<128x32xf32, #tpu.memory_space<vmem>>
            %dma_start3A_246 = arith.constant 0 : i32
            %dma_start3A_247 = tpu.memref_slice %arg14[%run_scoped3A_230, %dma_start3A_246] : memref<8x128xi32, #tpu.memory_space<vmem>> -> memref<1x128xi32, #tpu.memory_space<vmem>>
            %dma_start3A_248 = tpu.memref_squeeze %dma_start3A_247 : memref<1x128xi32, #tpu.memory_space<vmem>> -> memref<128xi32, #tpu.memory_space<vmem>>
            %dma_start3A_249 = arith.constant 0 : i32
            %dma_start3A_250 = arith.constant 0 : i32
            %dma_start3A_251 = tpu.memref_slice %arg17[%dma_start3A_249, %dma_start3A_250] : memref<40960x32xf32, #tpu.memory_space<vmem_shared>> -> memref<40960x32xf32, #tpu.memory_space<vmem_shared>>
            tpu.enqueue_indirect_dma source(%dma_start3A_245 : memref<128x32xf32, #tpu.memory_space<vmem>>) target(%dma_start3A_251 : memref<40960x32xf32, #tpu.memory_space<vmem_shared>>) offsets(%dma_start3A_248 : memref<128xi32, #tpu.memory_space<vmem>>) semaphore(%run_scoped3A_241 : memref<!tpu.dma_semaphore, #tpu.memory_space<semaphore_mem>>) {add = true}
            %dma_wait3A_252 = arith.constant 0 : i32
            %dma_wait3A_253 = arith.constant 0 : i32
            %dma_wait3A_254 = tpu.memref_slice %arg15[%run_scoped3A_229, %dma_wait3A_252, %dma_wait3A_253] : memref<8x128x32xf32, #tpu.memory_space<vmem>> -> memref<1x128x32xf32, #tpu.memory_space<vmem>>
            %dma_wait3A_255 = tpu.memref_squeeze %dma_wait3A_254 : memref<1x128x32xf32, #tpu.memory_space<vmem>> -> memref<128x32xf32, #tpu.memory_space<vmem>>
            %dma_wait3A_256 = arith.constant 0 : i32
            %dma_wait3A_257 = tpu.memref_slice %arg14[%run_scoped3A_230, %dma_wait3A_256] : memref<8x128xi32, #tpu.memory_space<vmem>> -> memref<1x128xi32, #tpu.memory_space<vmem>>
            %dma_wait3A_258 = tpu.memref_squeeze %dma_wait3A_257 : memref<1x128xi32, #tpu.memory_space<vmem>> -> memref<128xi32, #tpu.memory_space<vmem>>
            %dma_wait3A_259 = arith.constant 0 : i32
            %dma_wait3A_260 = arith.constant 0 : i32
            %dma_wait3A_261 = tpu.memref_slice %arg17[%dma_wait3A_259, %dma_wait3A_260] : memref<40960x32xf32, #tpu.memory_space<vmem_shared>> -> memref<40960x32xf32, #tpu.memory_space<vmem_shared>>
            tpu.wait_indirect_dma semaphore(%run_scoped3A_241 : memref<!tpu.dma_semaphore, #tpu.memory_space<semaphore_mem>>) src(%dma_wait3A_255 : memref<128x32xf32, #tpu.memory_space<vmem>>) dst(%dma_wait3A_261 : memref<40960x32xf32, #tpu.memory_space<vmem_shared>>)
            tpu.yield
          }) : () -> ()
          %run_scoped3A_231 = arith.constant 3 : i32
          %run_scoped3A_232 = arith.constant 3 : i32
          "tpu.region"() ({
            %run_scoped3A_241 = tpu.sem_alloc : memref<!tpu.dma_semaphore, #tpu.memory_space<semaphore_mem>>
            %dma_start3A_242 = arith.constant 0 : i32
            %dma_start3A_243 = arith.constant 0 : i32
            %dma_start3A_244 = tpu.memref_slice %arg15[%run_scoped3A_231, %dma_start3A_242, %dma_start3A_243] : memref<8x128x32xf32, #tpu.memory_space<vmem>> -> memref<1x128x32xf32, #tpu.memory_space<vmem>>
            %dma_start3A_245 = tpu.memref_squeeze %dma_start3A_244 : memref<1x128x32xf32, #tpu.memory_space<vmem>> -> memref<128x32xf32, #tpu.memory_space<vmem>>
            %dma_start3A_246 = arith.constant 0 : i32
            %dma_start3A_247 = tpu.memref_slice %arg14[%run_scoped3A_232, %dma_start3A_246] : memref<8x128xi32, #tpu.memory_space<vmem>> -> memref<1x128xi32, #tpu.memory_space<vmem>>
            %dma_start3A_248 = tpu.memref_squeeze %dma_start3A_247 : memref<1x128xi32, #tpu.memory_space<vmem>> -> memref<128xi32, #tpu.memory_space<vmem>>
            %dma_start3A_249 = arith.constant 0 : i32
            %dma_start3A_250 = arith.constant 0 : i32
            %dma_start3A_251 = tpu.memref_slice %arg17[%dma_start3A_249, %dma_start3A_250] : memref<40960x32xf32, #tpu.memory_space<vmem_shared>> -> memref<40960x32xf32, #tpu.memory_space<vmem_shared>>
            tpu.enqueue_indirect_dma source(%dma_start3A_245 : memref<128x32xf32, #tpu.memory_space<vmem>>) target(%dma_start3A_251 : memref<40960x32xf32, #tpu.memory_space<vmem_shared>>) offsets(%dma_start3A_248 : memref<128xi32, #tpu.memory_space<vmem>>) semaphore(%run_scoped3A_241 : memref<!tpu.dma_semaphore, #tpu.memory_space<semaphore_mem>>) {add = true}
            %dma_wait3A_252 = arith.constant 0 : i32
            %dma_wait3A_253 = arith.constant 0 : i32
            %dma_wait3A_254 = tpu.memref_slice %arg15[%run_scoped3A_231, %dma_wait3A_252, %dma_wait3A_253] : memref<8x128x32xf32, #tpu.memory_space<vmem>> -> memref<1x128x32xf32, #tpu.memory_space<vmem>>
            %dma_wait3A_255 = tpu.memref_squeeze %dma_wait3A_254 : memref<1x128x32xf32, #tpu.memory_space<vmem>> -> memref<128x32xf32, #tpu.memory_space<vmem>>
            %dma_wait3A_256 = arith.constant 0 : i32
            %dma_wait3A_257 = tpu.memref_slice %arg14[%run_scoped3A_232, %dma_wait3A_256] : memref<8x128xi32, #tpu.memory_space<vmem>> -> memref<1x128xi32, #tpu.memory_space<vmem>>
            %dma_wait3A_258 = tpu.memref_squeeze %dma_wait3A_257 : memref<1x128xi32, #tpu.memory_space<vmem>> -> memref<128xi32, #tpu.memory_space<vmem>>
            %dma_wait3A_259 = arith.constant 0 : i32
            %dma_wait3A_260 = arith.constant 0 : i32
            %dma_wait3A_261 = tpu.memref_slice %arg17[%dma_wait3A_259, %dma_wait3A_260] : memref<40960x32xf32, #tpu.memory_space<vmem_shared>> -> memref<40960x32xf32, #tpu.memory_space<vmem_shared>>
            tpu.wait_indirect_dma semaphore(%run_scoped3A_241 : memref<!tpu.dma_semaphore, #tpu.memory_space<semaphore_mem>>) src(%dma_wait3A_255 : memref<128x32xf32, #tpu.memory_space<vmem>>) dst(%dma_wait3A_261 : memref<40960x32xf32, #tpu.memory_space<vmem_shared>>)
            tpu.yield
          }) : () -> ()
          %run_scoped3A_233 = arith.constant 4 : i32
          %run_scoped3A_234 = arith.constant 4 : i32
          "tpu.region"() ({
            %run_scoped3A_241 = tpu.sem_alloc : memref<!tpu.dma_semaphore, #tpu.memory_space<semaphore_mem>>
            %dma_start3A_242 = arith.constant 0 : i32
            %dma_start3A_243 = arith.constant 0 : i32
            %dma_start3A_244 = tpu.memref_slice %arg15[%run_scoped3A_233, %dma_start3A_242, %dma_start3A_243] : memref<8x128x32xf32, #tpu.memory_space<vmem>> -> memref<1x128x32xf32, #tpu.memory_space<vmem>>
            %dma_start3A_245 = tpu.memref_squeeze %dma_start3A_244 : memref<1x128x32xf32, #tpu.memory_space<vmem>> -> memref<128x32xf32, #tpu.memory_space<vmem>>
            %dma_start3A_246 = arith.constant 0 : i32
            %dma_start3A_247 = tpu.memref_slice %arg14[%run_scoped3A_234, %dma_start3A_246] : memref<8x128xi32, #tpu.memory_space<vmem>> -> memref<1x128xi32, #tpu.memory_space<vmem>>
            %dma_start3A_248 = tpu.memref_squeeze %dma_start3A_247 : memref<1x128xi32, #tpu.memory_space<vmem>> -> memref<128xi32, #tpu.memory_space<vmem>>
            %dma_start3A_249 = arith.constant 0 : i32
            %dma_start3A_250 = arith.constant 0 : i32
            %dma_start3A_251 = tpu.memref_slice %arg17[%dma_start3A_249, %dma_start3A_250] : memref<40960x32xf32, #tpu.memory_space<vmem_shared>> -> memref<40960x32xf32, #tpu.memory_space<vmem_shared>>
            tpu.enqueue_indirect_dma source(%dma_start3A_245 : memref<128x32xf32, #tpu.memory_space<vmem>>) target(%dma_start3A_251 : memref<40960x32xf32, #tpu.memory_space<vmem_shared>>) offsets(%dma_start3A_248 : memref<128xi32, #tpu.memory_space<vmem>>) semaphore(%run_scoped3A_241 : memref<!tpu.dma_semaphore, #tpu.memory_space<semaphore_mem>>) {add = true}
            %dma_wait3A_252 = arith.constant 0 : i32
            %dma_wait3A_253 = arith.constant 0 : i32
            %dma_wait3A_254 = tpu.memref_slice %arg15[%run_scoped3A_233, %dma_wait3A_252, %dma_wait3A_253] : memref<8x128x32xf32, #tpu.memory_space<vmem>> -> memref<1x128x32xf32, #tpu.memory_space<vmem>>
            %dma_wait3A_255 = tpu.memref_squeeze %dma_wait3A_254 : memref<1x128x32xf32, #tpu.memory_space<vmem>> -> memref<128x32xf32, #tpu.memory_space<vmem>>
            %dma_wait3A_256 = arith.constant 0 : i32
            %dma_wait3A_257 = tpu.memref_slice %arg14[%run_scoped3A_234, %dma_wait3A_256] : memref<8x128xi32, #tpu.memory_space<vmem>> -> memref<1x128xi32, #tpu.memory_space<vmem>>
            %dma_wait3A_258 = tpu.memref_squeeze %dma_wait3A_257 : memref<1x128xi32, #tpu.memory_space<vmem>> -> memref<128xi32, #tpu.memory_space<vmem>>
            %dma_wait3A_259 = arith.constant 0 : i32
            %dma_wait3A_260 = arith.constant 0 : i32
            %dma_wait3A_261 = tpu.memref_slice %arg17[%dma_wait3A_259, %dma_wait3A_260] : memref<40960x32xf32, #tpu.memory_space<vmem_shared>> -> memref<40960x32xf32, #tpu.memory_space<vmem_shared>>
            tpu.wait_indirect_dma semaphore(%run_scoped3A_241 : memref<!tpu.dma_semaphore, #tpu.memory_space<semaphore_mem>>) src(%dma_wait3A_255 : memref<128x32xf32, #tpu.memory_space<vmem>>) dst(%dma_wait3A_261 : memref<40960x32xf32, #tpu.memory_space<vmem_shared>>)
            tpu.yield
          }) : () -> ()
          %run_scoped3A_235 = arith.constant 5 : i32
          %run_scoped3A_236 = arith.constant 5 : i32
          "tpu.region"() ({
            %run_scoped3A_241 = tpu.sem_alloc : memref<!tpu.dma_semaphore, #tpu.memory_space<semaphore_mem>>
            %dma_start3A_242 = arith.constant 0 : i32
            %dma_start3A_243 = arith.constant 0 : i32
            %dma_start3A_244 = tpu.memref_slice %arg15[%run_scoped3A_235, %dma_start3A_242, %dma_start3A_243] : memref<8x128x32xf32, #tpu.memory_space<vmem>> -> memref<1x128x32xf32, #tpu.memory_space<vmem>>
            %dma_start3A_245 = tpu.memref_squeeze %dma_start3A_244 : memref<1x128x32xf32, #tpu.memory_space<vmem>> -> memref<128x32xf32, #tpu.memory_space<vmem>>
            %dma_start3A_246 = arith.constant 0 : i32
            %dma_start3A_247 = tpu.memref_slice %arg14[%run_scoped3A_236, %dma_start3A_246] : memref<8x128xi32, #tpu.memory_space<vmem>> -> memref<1x128xi32, #tpu.memory_space<vmem>>
            %dma_start3A_248 = tpu.memref_squeeze %dma_start3A_247 : memref<1x128xi32, #tpu.memory_space<vmem>> -> memref<128xi32, #tpu.memory_space<vmem>>
            %dma_start3A_249 = arith.constant 0 : i32
            %dma_start3A_250 = arith.constant 0 : i32
            %dma_start3A_251 = tpu.memref_slice %arg17[%dma_start3A_249, %dma_start3A_250] : memref<40960x32xf32, #tpu.memory_space<vmem_shared>> -> memref<40960x32xf32, #tpu.memory_space<vmem_shared>>
            tpu.enqueue_indirect_dma source(%dma_start3A_245 : memref<128x32xf32, #tpu.memory_space<vmem>>) target(%dma_start3A_251 : memref<40960x32xf32, #tpu.memory_space<vmem_shared>>) offsets(%dma_start3A_248 : memref<128xi32, #tpu.memory_space<vmem>>) semaphore(%run_scoped3A_241 : memref<!tpu.dma_semaphore, #tpu.memory_space<semaphore_mem>>) {add = true}
            %dma_wait3A_252 = arith.constant 0 : i32
            %dma_wait3A_253 = arith.constant 0 : i32
            %dma_wait3A_254 = tpu.memref_slice %arg15[%run_scoped3A_235, %dma_wait3A_252, %dma_wait3A_253] : memref<8x128x32xf32, #tpu.memory_space<vmem>> -> memref<1x128x32xf32, #tpu.memory_space<vmem>>
            %dma_wait3A_255 = tpu.memref_squeeze %dma_wait3A_254 : memref<1x128x32xf32, #tpu.memory_space<vmem>> -> memref<128x32xf32, #tpu.memory_space<vmem>>
            %dma_wait3A_256 = arith.constant 0 : i32
            %dma_wait3A_257 = tpu.memref_slice %arg14[%run_scoped3A_236, %dma_wait3A_256] : memref<8x128xi32, #tpu.memory_space<vmem>> -> memref<1x128xi32, #tpu.memory_space<vmem>>
            %dma_wait3A_258 = tpu.memref_squeeze %dma_wait3A_257 : memref<1x128xi32, #tpu.memory_space<vmem>> -> memref<128xi32, #tpu.memory_space<vmem>>
            %dma_wait3A_259 = arith.constant 0 : i32
            %dma_wait3A_260 = arith.constant 0 : i32
            %dma_wait3A_261 = tpu.memref_slice %arg17[%dma_wait3A_259, %dma_wait3A_260] : memref<40960x32xf32, #tpu.memory_space<vmem_shared>> -> memref<40960x32xf32, #tpu.memory_space<vmem_shared>>
            tpu.wait_indirect_dma semaphore(%run_scoped3A_241 : memref<!tpu.dma_semaphore, #tpu.memory_space<semaphore_mem>>) src(%dma_wait3A_255 : memref<128x32xf32, #tpu.memory_space<vmem>>) dst(%dma_wait3A_261 : memref<40960x32xf32, #tpu.memory_space<vmem_shared>>)
            tpu.yield
          }) : () -> ()
          %run_scoped3A_237 = arith.constant 6 : i32
          %run_scoped3A_238 = arith.constant 6 : i32
          "tpu.region"() ({
            %run_scoped3A_241 = tpu.sem_alloc : memref<!tpu.dma_semaphore, #tpu.memory_space<semaphore_mem>>
            %dma_start3A_242 = arith.constant 0 : i32
            %dma_start3A_243 = arith.constant 0 : i32
            %dma_start3A_244 = tpu.memref_slice %arg15[%run_scoped3A_237, %dma_start3A_242, %dma_start3A_243] : memref<8x128x32xf32, #tpu.memory_space<vmem>> -> memref<1x128x32xf32, #tpu.memory_space<vmem>>
            %dma_start3A_245 = tpu.memref_squeeze %dma_start3A_244 : memref<1x128x32xf32, #tpu.memory_space<vmem>> -> memref<128x32xf32, #tpu.memory_space<vmem>>
            %dma_start3A_246 = arith.constant 0 : i32
            %dma_start3A_247 = tpu.memref_slice %arg14[%run_scoped3A_238, %dma_start3A_246] : memref<8x128xi32, #tpu.memory_space<vmem>> -> memref<1x128xi32, #tpu.memory_space<vmem>>
            %dma_start3A_248 = tpu.memref_squeeze %dma_start3A_247 : memref<1x128xi32, #tpu.memory_space<vmem>> -> memref<128xi32, #tpu.memory_space<vmem>>
            %dma_start3A_249 = arith.constant 0 : i32
            %dma_start3A_250 = arith.constant 0 : i32
            %dma_start3A_251 = tpu.memref_slice %arg17[%dma_start3A_249, %dma_start3A_250] : memref<40960x32xf32, #tpu.memory_space<vmem_shared>> -> memref<40960x32xf32, #tpu.memory_space<vmem_shared>>
            tpu.enqueue_indirect_dma source(%dma_start3A_245 : memref<128x32xf32, #tpu.memory_space<vmem>>) target(%dma_start3A_251 : memref<40960x32xf32, #tpu.memory_space<vmem_shared>>) offsets(%dma_start3A_248 : memref<128xi32, #tpu.memory_space<vmem>>) semaphore(%run_scoped3A_241 : memref<!tpu.dma_semaphore, #tpu.memory_space<semaphore_mem>>) {add = true}
            %dma_wait3A_252 = arith.constant 0 : i32
            %dma_wait3A_253 = arith.constant 0 : i32
            %dma_wait3A_254 = tpu.memref_slice %arg15[%run_scoped3A_237, %dma_wait3A_252, %dma_wait3A_253] : memref<8x128x32xf32, #tpu.memory_space<vmem>> -> memref<1x128x32xf32, #tpu.memory_space<vmem>>
            %dma_wait3A_255 = tpu.memref_squeeze %dma_wait3A_254 : memref<1x128x32xf32, #tpu.memory_space<vmem>> -> memref<128x32xf32, #tpu.memory_space<vmem>>
            %dma_wait3A_256 = arith.constant 0 : i32
            %dma_wait3A_257 = tpu.memref_slice %arg14[%run_scoped3A_238, %dma_wait3A_256] : memref<8x128xi32, #tpu.memory_space<vmem>> -> memref<1x128xi32, #tpu.memory_space<vmem>>
            %dma_wait3A_258 = tpu.memref_squeeze %dma_wait3A_257 : memref<1x128xi32, #tpu.memory_space<vmem>> -> memref<128xi32, #tpu.memory_space<vmem>>
            %dma_wait3A_259 = arith.constant 0 : i32
            %dma_wait3A_260 = arith.constant 0 : i32
            %dma_wait3A_261 = tpu.memref_slice %arg17[%dma_wait3A_259, %dma_wait3A_260] : memref<40960x32xf32, #tpu.memory_space<vmem_shared>> -> memref<40960x32xf32, #tpu.memory_space<vmem_shared>>
            tpu.wait_indirect_dma semaphore(%run_scoped3A_241 : memref<!tpu.dma_semaphore, #tpu.memory_space<semaphore_mem>>) src(%dma_wait3A_255 : memref<128x32xf32, #tpu.memory_space<vmem>>) dst(%dma_wait3A_261 : memref<40960x32xf32, #tpu.memory_space<vmem_shared>>)
            tpu.yield
          }) : () -> ()
          %run_scoped3A_239 = arith.constant 7 : i32
          %run_scoped3A_240 = arith.constant 7 : i32
          "tpu.region"() ({
            %run_scoped3A_241 = tpu.sem_alloc : memref<!tpu.dma_semaphore, #tpu.memory_space<semaphore_mem>>
            %dma_start3A_242 = arith.constant 0 : i32
            %dma_start3A_243 = arith.constant 0 : i32
            %dma_start3A_244 = tpu.memref_slice %arg15[%run_scoped3A_239, %dma_start3A_242, %dma_start3A_243] : memref<8x128x32xf32, #tpu.memory_space<vmem>> -> memref<1x128x32xf32, #tpu.memory_space<vmem>>
            %dma_start3A_245 = tpu.memref_squeeze %dma_start3A_244 : memref<1x128x32xf32, #tpu.memory_space<vmem>> -> memref<128x32xf32, #tpu.memory_space<vmem>>
            %dma_start3A_246 = arith.constant 0 : i32
            %dma_start3A_247 = tpu.memref_slice %arg14[%run_scoped3A_240, %dma_start3A_246] : memref<8x128xi32, #tpu.memory_space<vmem>> -> memref<1x128xi32, #tpu.memory_space<vmem>>
            %dma_start3A_248 = tpu.memref_squeeze %dma_start3A_247 : memref<1x128xi32, #tpu.memory_space<vmem>> -> memref<128xi32, #tpu.memory_space<vmem>>
            %dma_start3A_249 = arith.constant 0 : i32
            %dma_start3A_250 = arith.constant 0 : i32
            %dma_start3A_251 = tpu.memref_slice %arg17[%dma_start3A_249, %dma_start3A_250] : memref<40960x32xf32, #tpu.memory_space<vmem_shared>> -> memref<40960x32xf32, #tpu.memory_space<vmem_shared>>
            tpu.enqueue_indirect_dma source(%dma_start3A_245 : memref<128x32xf32, #tpu.memory_space<vmem>>) target(%dma_start3A_251 : memref<40960x32xf32, #tpu.memory_space<vmem_shared>>) offsets(%dma_start3A_248 : memref<128xi32, #tpu.memory_space<vmem>>) semaphore(%run_scoped3A_241 : memref<!tpu.dma_semaphore, #tpu.memory_space<semaphore_mem>>) {add = true}
            %dma_wait3A_252 = arith.constant 0 : i32
            %dma_wait3A_253 = arith.constant 0 : i32
            %dma_wait3A_254 = tpu.memref_slice %arg15[%run_scoped3A_239, %dma_wait3A_252, %dma_wait3A_253] : memref<8x128x32xf32, #tpu.memory_space<vmem>> -> memref<1x128x32xf32, #tpu.memory_space<vmem>>
            %dma_wait3A_255 = tpu.memref_squeeze %dma_wait3A_254 : memref<1x128x32xf32, #tpu.memory_space<vmem>> -> memref<128x32xf32, #tpu.memory_space<vmem>>
            %dma_wait3A_256 = arith.constant 0 : i32
            %dma_wait3A_257 = tpu.memref_slice %arg14[%run_scoped3A_240, %dma_wait3A_256] : memref<8x128xi32, #tpu.memory_space<vmem>> -> memref<1x128xi32, #tpu.memory_space<vmem>>
            %dma_wait3A_258 = tpu.memref_squeeze %dma_wait3A_257 : memref<1x128xi32, #tpu.memory_space<vmem>> -> memref<128xi32, #tpu.memory_space<vmem>>
            %dma_wait3A_259 = arith.constant 0 : i32
            %dma_wait3A_260 = arith.constant 0 : i32
            %dma_wait3A_261 = tpu.memref_slice %arg17[%dma_wait3A_259, %dma_wait3A_260] : memref<40960x32xf32, #tpu.memory_space<vmem_shared>> -> memref<40960x32xf32, #tpu.memory_space<vmem_shared>>
            tpu.wait_indirect_dma semaphore(%run_scoped3A_241 : memref<!tpu.dma_semaphore, #tpu.memory_space<semaphore_mem>>) src(%dma_wait3A_255 : memref<128x32xf32, #tpu.memory_space<vmem>>) dst(%dma_wait3A_261 : memref<40960x32xf32, #tpu.memory_space<vmem_shared>>)
            tpu.yield
          }) : () -> ()
        } else {
        }
      }
      %scan3A_21 = arith.constant 79 : i32
      %barrier3A_22 = arith.constant 0 : index
      tpu.barrier barrier_id(%barrier3A_22)
      "tpu.region"() ({
        %run_scoped3A = tpu.sem_alloc : memref<!tpu.dma_semaphore, #tpu.memory_space<semaphore_mem>>
        %dma_start3A = arith.constant 0 : i32
        %dma_start3A_23 = tpu.memref_slice %arg9[%mul3A_0, %dma_start3A] : memref<40960x32xf32, #tpu.memory_space<hbm>> -> memref<2560x32xf32, #tpu.memory_space<hbm>>
        %dma_start3A_24 = arith.constant 0 : i32
        %dma_start3A_25 = tpu.memref_slice %arg17[%mul3A_0, %dma_start3A_24] : memref<40960x32xf32, #tpu.memory_space<vmem_shared>> -> memref<2560x32xf32, #tpu.memory_space<vmem_shared>>
        tpu.enqueue_dma source(%dma_start3A_25 : memref<2560x32xf32, #tpu.memory_space<vmem_shared>>) target(%dma_start3A_23 : memref<2560x32xf32, #tpu.memory_space<hbm>>) target_semaphore(%run_scoped3A : memref<!tpu.dma_semaphore, #tpu.memory_space<semaphore_mem>>)
        %dma_wait3A = arith.constant 0 : i32
        %dma_wait3A_26 = tpu.memref_slice %arg9[%mul3A_0, %dma_wait3A] : memref<40960x32xf32, #tpu.memory_space<hbm>> -> memref<2560x32xf32, #tpu.memory_space<hbm>>
        %dma_wait3A_27 = arith.constant 0 : i32
        %dma_wait3A_28 = tpu.memref_slice %arg17[%mul3A_0, %dma_wait3A_27] : memref<40960x32xf32, #tpu.memory_space<vmem_shared>> -> memref<2560x32xf32, #tpu.memory_space<vmem_shared>>
        tpu.wait_dma2 semaphore(%run_scoped3A : memref<!tpu.dma_semaphore, #tpu.memory_space<semaphore_mem>>) src(%dma_wait3A_28 : memref<2560x32xf32, #tpu.memory_space<vmem_shared>>) dst(%dma_wait3A_26 : memref<2560x32xf32, #tpu.memory_space<hbm>>)
        tpu.yield
      }) : () -> ()
    } else {
    }
    %eq3A_3 = arith.constant 1 : i32
    %eq3A_4 = arith.cmpi eq, %arg0, %eq3A_3 : i32
    %convert_element_type3A_5 = arith.extui %eq3A_4 : i1 to i32
    %cond3A_6 = arith.constant 0 : i32
    %cond3A_7 = arith.cmpi ne, %convert_element_type3A_5, %cond3A_6 : i32
    scf.if %cond3A_7 {
      "tpu.region"() ({
        %run_scoped3A = tpu.sem_alloc : memref<!tpu.dma_semaphore, #tpu.memory_space<semaphore_mem>>
        %dma_start3A = arith.constant 0 : i32
        %dma_start3A_23 = tpu.memref_slice %arg17[%mul3A_0, %dma_start3A] : memref<40960x32xf32, #tpu.memory_space<vmem_shared>> -> memref<2560x32xf32, #tpu.memory_space<vmem_shared>>
        tpu.enqueue_dma source(%arg8 : memref<2560x32xf32, #tpu.memory_space<hbm>>) target(%dma_start3A_23 : memref<2560x32xf32, #tpu.memory_space<vmem_shared>>) target_semaphore(%run_scoped3A : memref<!tpu.dma_semaphore, #tpu.memory_space<semaphore_mem>>)
        %dma_wait3A = arith.constant 0 : i32
        %dma_wait3A_24 = tpu.memref_slice %arg17[%mul3A_0, %dma_wait3A] : memref<40960x32xf32, #tpu.memory_space<vmem_shared>> -> memref<2560x32xf32, #tpu.memory_space<vmem_shared>>
        tpu.wait_dma2 semaphore(%run_scoped3A : memref<!tpu.dma_semaphore, #tpu.memory_space<semaphore_mem>>) src(%arg8 : memref<2560x32xf32, #tpu.memory_space<hbm>>) dst(%dma_wait3A_24 : memref<2560x32xf32, #tpu.memory_space<vmem_shared>>)
        tpu.yield
      }) : () -> ()
      %barrier3A = arith.constant 0 : index
      tpu.barrier barrier_id(%barrier3A)
      %scan3A = arith.constant 0 : i32
      %scan3A_18 = arith.constant 79 : i32
      %scan3A_19 = arith.addi %scan3A, %scan3A_18 : i32
      %scan3A_20 = arith.constant 1 : i32
      scf.for %scan3A_23 = %scan3A to %scan3A_19 step %scan3A_20  : i32 {
        %mul3A_24 = arith.constant 1 : i32
        %mul3A_25 = arith.muli %scan3A_23, %mul3A_24 : i32
        %add3A = arith.constant 0 : i32
        %add3A_26 = arith.addi %add3A, %mul3A_25 : i32
        %mul3A_27 = arith.constant 16 : i32
        %mul3A_28 = arith.muli %add3A_26, %mul3A_27 : i32
        %add3A_29 = arith.addi %mul3A_28, %arg1 : i32
        %lt3A = arith.constant 1250 : i32
        %lt3A_30 = arith.cmpi slt, %add3A_29, %lt3A : i32
        %convert_element_type3A_31 = arith.extui %lt3A_30 : i1 to i32
        %cond3A_32 = arith.constant 0 : i32
        %cond3A_33 = arith.cmpi ne, %convert_element_type3A_31, %cond3A_32 : i32
        scf.if %cond3A_33 {
          %mul3A_34 = arith.constant 8 : i32
          %mul3A_35 = arith.muli %add3A_29, %mul3A_34 : i32
          "tpu.region"() ({
            %run_scoped3A_241 = tpu.sem_alloc : memref<!tpu.dma_semaphore, #tpu.memory_space<semaphore_mem>>
            %dma_start3A_242 = arith.constant 0 : i32
            %dma_start3A_243 = tpu.memref_slice %arg6[%mul3A_35, %dma_start3A_242] : memref<10000x128xi32, #tpu.memory_space<hbm>> -> memref<8x128xi32, #tpu.memory_space<hbm>>
            %dma_start3A_244 = arith.constant 0 : i32
            %dma_start3A_245 = tpu.memref_slice %arg6[%mul3A_35, %dma_start3A_244] : memref<10000x128xi32, #tpu.memory_space<hbm>> -> memref<8x128xi32, #tpu.memory_space<hbm>>
            tpu.enqueue_dma source(%dma_start3A_245 : memref<8x128xi32, #tpu.memory_space<hbm>>) target(%arg13 : memref<8x128xi32, #tpu.memory_space<vmem>>) target_semaphore(%run_scoped3A_241 : memref<!tpu.dma_semaphore, #tpu.memory_space<semaphore_mem>>)
            %dma_wait3A_246 = arith.constant 0 : i32
            %dma_wait3A_247 = tpu.memref_slice %arg6[%mul3A_35, %dma_wait3A_246] : memref<10000x128xi32, #tpu.memory_space<hbm>> -> memref<8x128xi32, #tpu.memory_space<hbm>>
            %dma_wait3A_248 = arith.constant 0 : i32
            %dma_wait3A_249 = tpu.memref_slice %arg6[%mul3A_35, %dma_wait3A_248] : memref<10000x128xi32, #tpu.memory_space<hbm>> -> memref<8x128xi32, #tpu.memory_space<hbm>>
            tpu.wait_dma2 semaphore(%run_scoped3A_241 : memref<!tpu.dma_semaphore, #tpu.memory_space<semaphore_mem>>) src(%dma_wait3A_249 : memref<8x128xi32, #tpu.memory_space<hbm>>) dst(%arg13 : memref<8x128xi32, #tpu.memory_space<vmem>>)
            tpu.yield
          }) : () -> ()
          "tpu.region"() ({
            %run_scoped3A_241 = tpu.sem_alloc : memref<!tpu.dma_semaphore, #tpu.memory_space<semaphore_mem>>
            %dma_start3A_242 = arith.constant 0 : i32
            %dma_start3A_243 = tpu.memref_slice %arg7[%mul3A_35, %dma_start3A_242] : memref<10000x128xi32, #tpu.memory_space<hbm>> -> memref<8x128xi32, #tpu.memory_space<hbm>>
            %dma_start3A_244 = arith.constant 0 : i32
            %dma_start3A_245 = tpu.memref_slice %arg7[%mul3A_35, %dma_start3A_244] : memref<10000x128xi32, #tpu.memory_space<hbm>> -> memref<8x128xi32, #tpu.memory_space<hbm>>
            tpu.enqueue_dma source(%dma_start3A_245 : memref<8x128xi32, #tpu.memory_space<hbm>>) target(%arg14 : memref<8x128xi32, #tpu.memory_space<vmem>>) target_semaphore(%run_scoped3A_241 : memref<!tpu.dma_semaphore, #tpu.memory_space<semaphore_mem>>)
            %dma_wait3A_246 = arith.constant 0 : i32
            %dma_wait3A_247 = tpu.memref_slice %arg7[%mul3A_35, %dma_wait3A_246] : memref<10000x128xi32, #tpu.memory_space<hbm>> -> memref<8x128xi32, #tpu.memory_space<hbm>>
            %dma_wait3A_248 = arith.constant 0 : i32
            %dma_wait3A_249 = tpu.memref_slice %arg7[%mul3A_35, %dma_wait3A_248] : memref<10000x128xi32, #tpu.memory_space<hbm>> -> memref<8x128xi32, #tpu.memory_space<hbm>>
            tpu.wait_dma2 semaphore(%run_scoped3A_241 : memref<!tpu.dma_semaphore, #tpu.memory_space<semaphore_mem>>) src(%dma_wait3A_249 : memref<8x128xi32, #tpu.memory_space<hbm>>) dst(%arg14 : memref<8x128xi32, #tpu.memory_space<vmem>>)
            tpu.yield
          }) : () -> ()
          %dma_start3A = arith.constant 0 : i32
          %dma_start3A_36 = arith.constant 0 : i32
          %dma_start3A_37 = arith.constant 0 : i32
          %dma_start3A_38 = arith.constant 0 : i32
          %dma_start3A_39 = tpu.memref_slice %arg15[%dma_start3A_36, %dma_start3A_37, %dma_start3A_38] : memref<8x128x32xf32, #tpu.memory_space<vmem>> -> memref<1x128x32xf32, #tpu.memory_space<vmem>>
          %dma_start3A_40 = tpu.memref_squeeze %dma_start3A_39 : memref<1x128x32xf32, #tpu.memory_space<vmem>> -> memref<128x32xf32, #tpu.memory_space<vmem>>
          %dma_start3A_41 = arith.constant 0 : i32
          %dma_start3A_42 = tpu.memref_slice %arg13[%dma_start3A, %dma_start3A_41] : memref<8x128xi32, #tpu.memory_space<vmem>> -> memref<1x128xi32, #tpu.memory_space<vmem>>
          %dma_start3A_43 = tpu.memref_squeeze %dma_start3A_42 : memref<1x128xi32, #tpu.memory_space<vmem>> -> memref<128xi32, #tpu.memory_space<vmem>>
          %dma_start3A_44 = arith.constant 0 : i32
          %dma_start3A_45 = arith.constant 0 : i32
          %dma_start3A_46 = tpu.memref_slice %arg3[%dma_start3A_44, %dma_start3A_45] : memref<40960x32xf32, #tpu.memory_space<hbm>> -> memref<40960x32xf32, #tpu.memory_space<hbm>>
          tpu.enqueue_indirect_dma source(%dma_start3A_46 : memref<40960x32xf32, #tpu.memory_space<hbm>>) target(%dma_start3A_40 : memref<128x32xf32, #tpu.memory_space<vmem>>) offsets(%dma_start3A_43 : memref<128xi32, #tpu.memory_space<vmem>>) semaphore(%arg18 : memref<!tpu.dma_semaphore, #tpu.memory_space<semaphore_mem>>)
          %dma_start3A_47 = arith.constant 1 : i32
          %dma_start3A_48 = arith.constant 1 : i32
          %dma_start3A_49 = arith.constant 0 : i32
          %dma_start3A_50 = arith.constant 0 : i32
          %dma_start3A_51 = tpu.memref_slice %arg15[%dma_start3A_48, %dma_start3A_49, %dma_start3A_50] : memref<8x128x32xf32, #tpu.memory_space<vmem>> -> memref<1x128x32xf32, #tpu.memory_space<vmem>>
          %dma_start3A_52 = tpu.memref_squeeze %dma_start3A_51 : memref<1x128x32xf32, #tpu.memory_space<vmem>> -> memref<128x32xf32, #tpu.memory_space<vmem>>
          %dma_start3A_53 = arith.constant 0 : i32
          %dma_start3A_54 = tpu.memref_slice %arg13[%dma_start3A_47, %dma_start3A_53] : memref<8x128xi32, #tpu.memory_space<vmem>> -> memref<1x128xi32, #tpu.memory_space<vmem>>
          %dma_start3A_55 = tpu.memref_squeeze %dma_start3A_54 : memref<1x128xi32, #tpu.memory_space<vmem>> -> memref<128xi32, #tpu.memory_space<vmem>>
          %dma_start3A_56 = arith.constant 0 : i32
          %dma_start3A_57 = arith.constant 0 : i32
          %dma_start3A_58 = tpu.memref_slice %arg3[%dma_start3A_56, %dma_start3A_57] : memref<40960x32xf32, #tpu.memory_space<hbm>> -> memref<40960x32xf32, #tpu.memory_space<hbm>>
          tpu.enqueue_indirect_dma source(%dma_start3A_58 : memref<40960x32xf32, #tpu.memory_space<hbm>>) target(%dma_start3A_52 : memref<128x32xf32, #tpu.memory_space<vmem>>) offsets(%dma_start3A_55 : memref<128xi32, #tpu.memory_space<vmem>>) semaphore(%arg18 : memref<!tpu.dma_semaphore, #tpu.memory_space<semaphore_mem>>)
          %dma_start3A_59 = arith.constant 2 : i32
          %dma_start3A_60 = arith.constant 2 : i32
          %dma_start3A_61 = arith.constant 0 : i32
          %dma_start3A_62 = arith.constant 0 : i32
          %dma_start3A_63 = tpu.memref_slice %arg15[%dma_start3A_60, %dma_start3A_61, %dma_start3A_62] : memref<8x128x32xf32, #tpu.memory_space<vmem>> -> memref<1x128x32xf32, #tpu.memory_space<vmem>>
          %dma_start3A_64 = tpu.memref_squeeze %dma_start3A_63 : memref<1x128x32xf32, #tpu.memory_space<vmem>> -> memref<128x32xf32, #tpu.memory_space<vmem>>
          %dma_start3A_65 = arith.constant 0 : i32
          %dma_start3A_66 = tpu.memref_slice %arg13[%dma_start3A_59, %dma_start3A_65] : memref<8x128xi32, #tpu.memory_space<vmem>> -> memref<1x128xi32, #tpu.memory_space<vmem>>
          %dma_start3A_67 = tpu.memref_squeeze %dma_start3A_66 : memref<1x128xi32, #tpu.memory_space<vmem>> -> memref<128xi32, #tpu.memory_space<vmem>>
          %dma_start3A_68 = arith.constant 0 : i32
          %dma_start3A_69 = arith.constant 0 : i32
          %dma_start3A_70 = tpu.memref_slice %arg3[%dma_start3A_68, %dma_start3A_69] : memref<40960x32xf32, #tpu.memory_space<hbm>> -> memref<40960x32xf32, #tpu.memory_space<hbm>>
          tpu.enqueue_indirect_dma source(%dma_start3A_70 : memref<40960x32xf32, #tpu.memory_space<hbm>>) target(%dma_start3A_64 : memref<128x32xf32, #tpu.memory_space<vmem>>) offsets(%dma_start3A_67 : memref<128xi32, #tpu.memory_space<vmem>>) semaphore(%arg18 : memref<!tpu.dma_semaphore, #tpu.memory_space<semaphore_mem>>)
          %dma_start3A_71 = arith.constant 3 : i32
          %dma_start3A_72 = arith.constant 3 : i32
          %dma_start3A_73 = arith.constant 0 : i32
          %dma_start3A_74 = arith.constant 0 : i32
          %dma_start3A_75 = tpu.memref_slice %arg15[%dma_start3A_72, %dma_start3A_73, %dma_start3A_74] : memref<8x128x32xf32, #tpu.memory_space<vmem>> -> memref<1x128x32xf32, #tpu.memory_space<vmem>>
          %dma_start3A_76 = tpu.memref_squeeze %dma_start3A_75 : memref<1x128x32xf32, #tpu.memory_space<vmem>> -> memref<128x32xf32, #tpu.memory_space<vmem>>
          %dma_start3A_77 = arith.constant 0 : i32
          %dma_start3A_78 = tpu.memref_slice %arg13[%dma_start3A_71, %dma_start3A_77] : memref<8x128xi32, #tpu.memory_space<vmem>> -> memref<1x128xi32, #tpu.memory_space<vmem>>
          %dma_start3A_79 = tpu.memref_squeeze %dma_start3A_78 : memref<1x128xi32, #tpu.memory_space<vmem>> -> memref<128xi32, #tpu.memory_space<vmem>>
          %dma_start3A_80 = arith.constant 0 : i32
          %dma_start3A_81 = arith.constant 0 : i32
          %dma_start3A_82 = tpu.memref_slice %arg3[%dma_start3A_80, %dma_start3A_81] : memref<40960x32xf32, #tpu.memory_space<hbm>> -> memref<40960x32xf32, #tpu.memory_space<hbm>>
          tpu.enqueue_indirect_dma source(%dma_start3A_82 : memref<40960x32xf32, #tpu.memory_space<hbm>>) target(%dma_start3A_76 : memref<128x32xf32, #tpu.memory_space<vmem>>) offsets(%dma_start3A_79 : memref<128xi32, #tpu.memory_space<vmem>>) semaphore(%arg18 : memref<!tpu.dma_semaphore, #tpu.memory_space<semaphore_mem>>)
          %dma_start3A_83 = arith.constant 4 : i32
          %dma_start3A_84 = arith.constant 4 : i32
          %dma_start3A_85 = arith.constant 0 : i32
          %dma_start3A_86 = arith.constant 0 : i32
          %dma_start3A_87 = tpu.memref_slice %arg15[%dma_start3A_84, %dma_start3A_85, %dma_start3A_86] : memref<8x128x32xf32, #tpu.memory_space<vmem>> -> memref<1x128x32xf32, #tpu.memory_space<vmem>>
          %dma_start3A_88 = tpu.memref_squeeze %dma_start3A_87 : memref<1x128x32xf32, #tpu.memory_space<vmem>> -> memref<128x32xf32, #tpu.memory_space<vmem>>
          %dma_start3A_89 = arith.constant 0 : i32
          %dma_start3A_90 = tpu.memref_slice %arg13[%dma_start3A_83, %dma_start3A_89] : memref<8x128xi32, #tpu.memory_space<vmem>> -> memref<1x128xi32, #tpu.memory_space<vmem>>
          %dma_start3A_91 = tpu.memref_squeeze %dma_start3A_90 : memref<1x128xi32, #tpu.memory_space<vmem>> -> memref<128xi32, #tpu.memory_space<vmem>>
          %dma_start3A_92 = arith.constant 0 : i32
          %dma_start3A_93 = arith.constant 0 : i32
          %dma_start3A_94 = tpu.memref_slice %arg3[%dma_start3A_92, %dma_start3A_93] : memref<40960x32xf32, #tpu.memory_space<hbm>> -> memref<40960x32xf32, #tpu.memory_space<hbm>>
          tpu.enqueue_indirect_dma source(%dma_start3A_94 : memref<40960x32xf32, #tpu.memory_space<hbm>>) target(%dma_start3A_88 : memref<128x32xf32, #tpu.memory_space<vmem>>) offsets(%dma_start3A_91 : memref<128xi32, #tpu.memory_space<vmem>>) semaphore(%arg18 : memref<!tpu.dma_semaphore, #tpu.memory_space<semaphore_mem>>)
          %dma_start3A_95 = arith.constant 5 : i32
          %dma_start3A_96 = arith.constant 5 : i32
          %dma_start3A_97 = arith.constant 0 : i32
          %dma_start3A_98 = arith.constant 0 : i32
          %dma_start3A_99 = tpu.memref_slice %arg15[%dma_start3A_96, %dma_start3A_97, %dma_start3A_98] : memref<8x128x32xf32, #tpu.memory_space<vmem>> -> memref<1x128x32xf32, #tpu.memory_space<vmem>>
          %dma_start3A_100 = tpu.memref_squeeze %dma_start3A_99 : memref<1x128x32xf32, #tpu.memory_space<vmem>> -> memref<128x32xf32, #tpu.memory_space<vmem>>
          %dma_start3A_101 = arith.constant 0 : i32
          %dma_start3A_102 = tpu.memref_slice %arg13[%dma_start3A_95, %dma_start3A_101] : memref<8x128xi32, #tpu.memory_space<vmem>> -> memref<1x128xi32, #tpu.memory_space<vmem>>
          %dma_start3A_103 = tpu.memref_squeeze %dma_start3A_102 : memref<1x128xi32, #tpu.memory_space<vmem>> -> memref<128xi32, #tpu.memory_space<vmem>>
          %dma_start3A_104 = arith.constant 0 : i32
          %dma_start3A_105 = arith.constant 0 : i32
          %dma_start3A_106 = tpu.memref_slice %arg3[%dma_start3A_104, %dma_start3A_105] : memref<40960x32xf32, #tpu.memory_space<hbm>> -> memref<40960x32xf32, #tpu.memory_space<hbm>>
          tpu.enqueue_indirect_dma source(%dma_start3A_106 : memref<40960x32xf32, #tpu.memory_space<hbm>>) target(%dma_start3A_100 : memref<128x32xf32, #tpu.memory_space<vmem>>) offsets(%dma_start3A_103 : memref<128xi32, #tpu.memory_space<vmem>>) semaphore(%arg18 : memref<!tpu.dma_semaphore, #tpu.memory_space<semaphore_mem>>)
          %dma_start3A_107 = arith.constant 6 : i32
          %dma_start3A_108 = arith.constant 6 : i32
          %dma_start3A_109 = arith.constant 0 : i32
          %dma_start3A_110 = arith.constant 0 : i32
          %dma_start3A_111 = tpu.memref_slice %arg15[%dma_start3A_108, %dma_start3A_109, %dma_start3A_110] : memref<8x128x32xf32, #tpu.memory_space<vmem>> -> memref<1x128x32xf32, #tpu.memory_space<vmem>>
          %dma_start3A_112 = tpu.memref_squeeze %dma_start3A_111 : memref<1x128x32xf32, #tpu.memory_space<vmem>> -> memref<128x32xf32, #tpu.memory_space<vmem>>
          %dma_start3A_113 = arith.constant 0 : i32
          %dma_start3A_114 = tpu.memref_slice %arg13[%dma_start3A_107, %dma_start3A_113] : memref<8x128xi32, #tpu.memory_space<vmem>> -> memref<1x128xi32, #tpu.memory_space<vmem>>
          %dma_start3A_115 = tpu.memref_squeeze %dma_start3A_114 : memref<1x128xi32, #tpu.memory_space<vmem>> -> memref<128xi32, #tpu.memory_space<vmem>>
          %dma_start3A_116 = arith.constant 0 : i32
          %dma_start3A_117 = arith.constant 0 : i32
          %dma_start3A_118 = tpu.memref_slice %arg3[%dma_start3A_116, %dma_start3A_117] : memref<40960x32xf32, #tpu.memory_space<hbm>> -> memref<40960x32xf32, #tpu.memory_space<hbm>>
          tpu.enqueue_indirect_dma source(%dma_start3A_118 : memref<40960x32xf32, #tpu.memory_space<hbm>>) target(%dma_start3A_112 : memref<128x32xf32, #tpu.memory_space<vmem>>) offsets(%dma_start3A_115 : memref<128xi32, #tpu.memory_space<vmem>>) semaphore(%arg18 : memref<!tpu.dma_semaphore, #tpu.memory_space<semaphore_mem>>)
          %dma_start3A_119 = arith.constant 7 : i32
          %dma_start3A_120 = arith.constant 7 : i32
          %dma_start3A_121 = arith.constant 0 : i32
          %dma_start3A_122 = arith.constant 0 : i32
          %dma_start3A_123 = tpu.memref_slice %arg15[%dma_start3A_120, %dma_start3A_121, %dma_start3A_122] : memref<8x128x32xf32, #tpu.memory_space<vmem>> -> memref<1x128x32xf32, #tpu.memory_space<vmem>>
          %dma_start3A_124 = tpu.memref_squeeze %dma_start3A_123 : memref<1x128x32xf32, #tpu.memory_space<vmem>> -> memref<128x32xf32, #tpu.memory_space<vmem>>
          %dma_start3A_125 = arith.constant 0 : i32
          %dma_start3A_126 = tpu.memref_slice %arg13[%dma_start3A_119, %dma_start3A_125] : memref<8x128xi32, #tpu.memory_space<vmem>> -> memref<1x128xi32, #tpu.memory_space<vmem>>
          %dma_start3A_127 = tpu.memref_squeeze %dma_start3A_126 : memref<1x128xi32, #tpu.memory_space<vmem>> -> memref<128xi32, #tpu.memory_space<vmem>>
          %dma_start3A_128 = arith.constant 0 : i32
          %dma_start3A_129 = arith.constant 0 : i32
          %dma_start3A_130 = tpu.memref_slice %arg3[%dma_start3A_128, %dma_start3A_129] : memref<40960x32xf32, #tpu.memory_space<hbm>> -> memref<40960x32xf32, #tpu.memory_space<hbm>>
          tpu.enqueue_indirect_dma source(%dma_start3A_130 : memref<40960x32xf32, #tpu.memory_space<hbm>>) target(%dma_start3A_124 : memref<128x32xf32, #tpu.memory_space<vmem>>) offsets(%dma_start3A_127 : memref<128xi32, #tpu.memory_space<vmem>>) semaphore(%arg18 : memref<!tpu.dma_semaphore, #tpu.memory_space<semaphore_mem>>)
          %dma_wait3A = arith.constant 0 : i32
          %dma_wait3A_131 = arith.constant 0 : i32
          %dma_wait3A_132 = arith.constant 0 : i32
          %dma_wait3A_133 = arith.constant 0 : i32
          %dma_wait3A_134 = tpu.memref_slice %arg15[%dma_wait3A_131, %dma_wait3A_132, %dma_wait3A_133] : memref<8x128x32xf32, #tpu.memory_space<vmem>> -> memref<1x128x32xf32, #tpu.memory_space<vmem>>
          %dma_wait3A_135 = tpu.memref_squeeze %dma_wait3A_134 : memref<1x128x32xf32, #tpu.memory_space<vmem>> -> memref<128x32xf32, #tpu.memory_space<vmem>>
          %dma_wait3A_136 = arith.constant 0 : i32
          %dma_wait3A_137 = tpu.memref_slice %arg13[%dma_wait3A, %dma_wait3A_136] : memref<8x128xi32, #tpu.memory_space<vmem>> -> memref<1x128xi32, #tpu.memory_space<vmem>>
          %dma_wait3A_138 = tpu.memref_squeeze %dma_wait3A_137 : memref<1x128xi32, #tpu.memory_space<vmem>> -> memref<128xi32, #tpu.memory_space<vmem>>
          %dma_wait3A_139 = arith.constant 0 : i32
          %dma_wait3A_140 = arith.constant 0 : i32
          %dma_wait3A_141 = tpu.memref_slice %arg3[%dma_wait3A_139, %dma_wait3A_140] : memref<40960x32xf32, #tpu.memory_space<hbm>> -> memref<40960x32xf32, #tpu.memory_space<hbm>>
          tpu.wait_indirect_dma semaphore(%arg18 : memref<!tpu.dma_semaphore, #tpu.memory_space<semaphore_mem>>) src(%dma_wait3A_141 : memref<40960x32xf32, #tpu.memory_space<hbm>>) dst(%dma_wait3A_135 : memref<128x32xf32, #tpu.memory_space<vmem>>)
          %dma_wait3A_142 = arith.constant 1 : i32
          %dma_wait3A_143 = arith.constant 1 : i32
          %dma_wait3A_144 = arith.constant 0 : i32
          %dma_wait3A_145 = arith.constant 0 : i32
          %dma_wait3A_146 = tpu.memref_slice %arg15[%dma_wait3A_143, %dma_wait3A_144, %dma_wait3A_145] : memref<8x128x32xf32, #tpu.memory_space<vmem>> -> memref<1x128x32xf32, #tpu.memory_space<vmem>>
          %dma_wait3A_147 = tpu.memref_squeeze %dma_wait3A_146 : memref<1x128x32xf32, #tpu.memory_space<vmem>> -> memref<128x32xf32, #tpu.memory_space<vmem>>
          %dma_wait3A_148 = arith.constant 0 : i32
          %dma_wait3A_149 = tpu.memref_slice %arg13[%dma_wait3A_142, %dma_wait3A_148] : memref<8x128xi32, #tpu.memory_space<vmem>> -> memref<1x128xi32, #tpu.memory_space<vmem>>
          %dma_wait3A_150 = tpu.memref_squeeze %dma_wait3A_149 : memref<1x128xi32, #tpu.memory_space<vmem>> -> memref<128xi32, #tpu.memory_space<vmem>>
          %dma_wait3A_151 = arith.constant 0 : i32
          %dma_wait3A_152 = arith.constant 0 : i32
          %dma_wait3A_153 = tpu.memref_slice %arg3[%dma_wait3A_151, %dma_wait3A_152] : memref<40960x32xf32, #tpu.memory_space<hbm>> -> memref<40960x32xf32, #tpu.memory_space<hbm>>
          tpu.wait_indirect_dma semaphore(%arg18 : memref<!tpu.dma_semaphore, #tpu.memory_space<semaphore_mem>>) src(%dma_wait3A_153 : memref<40960x32xf32, #tpu.memory_space<hbm>>) dst(%dma_wait3A_147 : memref<128x32xf32, #tpu.memory_space<vmem>>)
          %dma_wait3A_154 = arith.constant 2 : i32
          %dma_wait3A_155 = arith.constant 2 : i32
          %dma_wait3A_156 = arith.constant 0 : i32
          %dma_wait3A_157 = arith.constant 0 : i32
          %dma_wait3A_158 = tpu.memref_slice %arg15[%dma_wait3A_155, %dma_wait3A_156, %dma_wait3A_157] : memref<8x128x32xf32, #tpu.memory_space<vmem>> -> memref<1x128x32xf32, #tpu.memory_space<vmem>>
          %dma_wait3A_159 = tpu.memref_squeeze %dma_wait3A_158 : memref<1x128x32xf32, #tpu.memory_space<vmem>> -> memref<128x32xf32, #tpu.memory_space<vmem>>
          %dma_wait3A_160 = arith.constant 0 : i32
          %dma_wait3A_161 = tpu.memref_slice %arg13[%dma_wait3A_154, %dma_wait3A_160] : memref<8x128xi32, #tpu.memory_space<vmem>> -> memref<1x128xi32, #tpu.memory_space<vmem>>
          %dma_wait3A_162 = tpu.memref_squeeze %dma_wait3A_161 : memref<1x128xi32, #tpu.memory_space<vmem>> -> memref<128xi32, #tpu.memory_space<vmem>>
          %dma_wait3A_163 = arith.constant 0 : i32
          %dma_wait3A_164 = arith.constant 0 : i32
          %dma_wait3A_165 = tpu.memref_slice %arg3[%dma_wait3A_163, %dma_wait3A_164] : memref<40960x32xf32, #tpu.memory_space<hbm>> -> memref<40960x32xf32, #tpu.memory_space<hbm>>
          tpu.wait_indirect_dma semaphore(%arg18 : memref<!tpu.dma_semaphore, #tpu.memory_space<semaphore_mem>>) src(%dma_wait3A_165 : memref<40960x32xf32, #tpu.memory_space<hbm>>) dst(%dma_wait3A_159 : memref<128x32xf32, #tpu.memory_space<vmem>>)
          %dma_wait3A_166 = arith.constant 3 : i32
          %dma_wait3A_167 = arith.constant 3 : i32
          %dma_wait3A_168 = arith.constant 0 : i32
          %dma_wait3A_169 = arith.constant 0 : i32
          %dma_wait3A_170 = tpu.memref_slice %arg15[%dma_wait3A_167, %dma_wait3A_168, %dma_wait3A_169] : memref<8x128x32xf32, #tpu.memory_space<vmem>> -> memref<1x128x32xf32, #tpu.memory_space<vmem>>
          %dma_wait3A_171 = tpu.memref_squeeze %dma_wait3A_170 : memref<1x128x32xf32, #tpu.memory_space<vmem>> -> memref<128x32xf32, #tpu.memory_space<vmem>>
          %dma_wait3A_172 = arith.constant 0 : i32
          %dma_wait3A_173 = tpu.memref_slice %arg13[%dma_wait3A_166, %dma_wait3A_172] : memref<8x128xi32, #tpu.memory_space<vmem>> -> memref<1x128xi32, #tpu.memory_space<vmem>>
          %dma_wait3A_174 = tpu.memref_squeeze %dma_wait3A_173 : memref<1x128xi32, #tpu.memory_space<vmem>> -> memref<128xi32, #tpu.memory_space<vmem>>
          %dma_wait3A_175 = arith.constant 0 : i32
          %dma_wait3A_176 = arith.constant 0 : i32
          %dma_wait3A_177 = tpu.memref_slice %arg3[%dma_wait3A_175, %dma_wait3A_176] : memref<40960x32xf32, #tpu.memory_space<hbm>> -> memref<40960x32xf32, #tpu.memory_space<hbm>>
          tpu.wait_indirect_dma semaphore(%arg18 : memref<!tpu.dma_semaphore, #tpu.memory_space<semaphore_mem>>) src(%dma_wait3A_177 : memref<40960x32xf32, #tpu.memory_space<hbm>>) dst(%dma_wait3A_171 : memref<128x32xf32, #tpu.memory_space<vmem>>)
          %dma_wait3A_178 = arith.constant 4 : i32
          %dma_wait3A_179 = arith.constant 4 : i32
          %dma_wait3A_180 = arith.constant 0 : i32
          %dma_wait3A_181 = arith.constant 0 : i32
          %dma_wait3A_182 = tpu.memref_slice %arg15[%dma_wait3A_179, %dma_wait3A_180, %dma_wait3A_181] : memref<8x128x32xf32, #tpu.memory_space<vmem>> -> memref<1x128x32xf32, #tpu.memory_space<vmem>>
          %dma_wait3A_183 = tpu.memref_squeeze %dma_wait3A_182 : memref<1x128x32xf32, #tpu.memory_space<vmem>> -> memref<128x32xf32, #tpu.memory_space<vmem>>
          %dma_wait3A_184 = arith.constant 0 : i32
          %dma_wait3A_185 = tpu.memref_slice %arg13[%dma_wait3A_178, %dma_wait3A_184] : memref<8x128xi32, #tpu.memory_space<vmem>> -> memref<1x128xi32, #tpu.memory_space<vmem>>
          %dma_wait3A_186 = tpu.memref_squeeze %dma_wait3A_185 : memref<1x128xi32, #tpu.memory_space<vmem>> -> memref<128xi32, #tpu.memory_space<vmem>>
          %dma_wait3A_187 = arith.constant 0 : i32
          %dma_wait3A_188 = arith.constant 0 : i32
          %dma_wait3A_189 = tpu.memref_slice %arg3[%dma_wait3A_187, %dma_wait3A_188] : memref<40960x32xf32, #tpu.memory_space<hbm>> -> memref<40960x32xf32, #tpu.memory_space<hbm>>
          tpu.wait_indirect_dma semaphore(%arg18 : memref<!tpu.dma_semaphore, #tpu.memory_space<semaphore_mem>>) src(%dma_wait3A_189 : memref<40960x32xf32, #tpu.memory_space<hbm>>) dst(%dma_wait3A_183 : memref<128x32xf32, #tpu.memory_space<vmem>>)
          %dma_wait3A_190 = arith.constant 5 : i32
          %dma_wait3A_191 = arith.constant 5 : i32
          %dma_wait3A_192 = arith.constant 0 : i32
          %dma_wait3A_193 = arith.constant 0 : i32
          %dma_wait3A_194 = tpu.memref_slice %arg15[%dma_wait3A_191, %dma_wait3A_192, %dma_wait3A_193] : memref<8x128x32xf32, #tpu.memory_space<vmem>> -> memref<1x128x32xf32, #tpu.memory_space<vmem>>
          %dma_wait3A_195 = tpu.memref_squeeze %dma_wait3A_194 : memref<1x128x32xf32, #tpu.memory_space<vmem>> -> memref<128x32xf32, #tpu.memory_space<vmem>>
          %dma_wait3A_196 = arith.constant 0 : i32
          %dma_wait3A_197 = tpu.memref_slice %arg13[%dma_wait3A_190, %dma_wait3A_196] : memref<8x128xi32, #tpu.memory_space<vmem>> -> memref<1x128xi32, #tpu.memory_space<vmem>>
          %dma_wait3A_198 = tpu.memref_squeeze %dma_wait3A_197 : memref<1x128xi32, #tpu.memory_space<vmem>> -> memref<128xi32, #tpu.memory_space<vmem>>
          %dma_wait3A_199 = arith.constant 0 : i32
          %dma_wait3A_200 = arith.constant 0 : i32
          %dma_wait3A_201 = tpu.memref_slice %arg3[%dma_wait3A_199, %dma_wait3A_200] : memref<40960x32xf32, #tpu.memory_space<hbm>> -> memref<40960x32xf32, #tpu.memory_space<hbm>>
          tpu.wait_indirect_dma semaphore(%arg18 : memref<!tpu.dma_semaphore, #tpu.memory_space<semaphore_mem>>) src(%dma_wait3A_201 : memref<40960x32xf32, #tpu.memory_space<hbm>>) dst(%dma_wait3A_195 : memref<128x32xf32, #tpu.memory_space<vmem>>)
          %dma_wait3A_202 = arith.constant 6 : i32
          %dma_wait3A_203 = arith.constant 6 : i32
          %dma_wait3A_204 = arith.constant 0 : i32
          %dma_wait3A_205 = arith.constant 0 : i32
          %dma_wait3A_206 = tpu.memref_slice %arg15[%dma_wait3A_203, %dma_wait3A_204, %dma_wait3A_205] : memref<8x128x32xf32, #tpu.memory_space<vmem>> -> memref<1x128x32xf32, #tpu.memory_space<vmem>>
          %dma_wait3A_207 = tpu.memref_squeeze %dma_wait3A_206 : memref<1x128x32xf32, #tpu.memory_space<vmem>> -> memref<128x32xf32, #tpu.memory_space<vmem>>
          %dma_wait3A_208 = arith.constant 0 : i32
          %dma_wait3A_209 = tpu.memref_slice %arg13[%dma_wait3A_202, %dma_wait3A_208] : memref<8x128xi32, #tpu.memory_space<vmem>> -> memref<1x128xi32, #tpu.memory_space<vmem>>
          %dma_wait3A_210 = tpu.memref_squeeze %dma_wait3A_209 : memref<1x128xi32, #tpu.memory_space<vmem>> -> memref<128xi32, #tpu.memory_space<vmem>>
          %dma_wait3A_211 = arith.constant 0 : i32
          %dma_wait3A_212 = arith.constant 0 : i32
          %dma_wait3A_213 = tpu.memref_slice %arg3[%dma_wait3A_211, %dma_wait3A_212] : memref<40960x32xf32, #tpu.memory_space<hbm>> -> memref<40960x32xf32, #tpu.memory_space<hbm>>
          tpu.wait_indirect_dma semaphore(%arg18 : memref<!tpu.dma_semaphore, #tpu.memory_space<semaphore_mem>>) src(%dma_wait3A_213 : memref<40960x32xf32, #tpu.memory_space<hbm>>) dst(%dma_wait3A_207 : memref<128x32xf32, #tpu.memory_space<vmem>>)
          %dma_wait3A_214 = arith.constant 7 : i32
          %dma_wait3A_215 = arith.constant 7 : i32
          %dma_wait3A_216 = arith.constant 0 : i32
          %dma_wait3A_217 = arith.constant 0 : i32
          %dma_wait3A_218 = tpu.memref_slice %arg15[%dma_wait3A_215, %dma_wait3A_216, %dma_wait3A_217] : memref<8x128x32xf32, #tpu.memory_space<vmem>> -> memref<1x128x32xf32, #tpu.memory_space<vmem>>
          %dma_wait3A_219 = tpu.memref_squeeze %dma_wait3A_218 : memref<1x128x32xf32, #tpu.memory_space<vmem>> -> memref<128x32xf32, #tpu.memory_space<vmem>>
          %dma_wait3A_220 = arith.constant 0 : i32
          %dma_wait3A_221 = tpu.memref_slice %arg13[%dma_wait3A_214, %dma_wait3A_220] : memref<8x128xi32, #tpu.memory_space<vmem>> -> memref<1x128xi32, #tpu.memory_space<vmem>>
          %dma_wait3A_222 = tpu.memref_squeeze %dma_wait3A_221 : memref<1x128xi32, #tpu.memory_space<vmem>> -> memref<128xi32, #tpu.memory_space<vmem>>
          %dma_wait3A_223 = arith.constant 0 : i32
          %dma_wait3A_224 = arith.constant 0 : i32
          %dma_wait3A_225 = tpu.memref_slice %arg3[%dma_wait3A_223, %dma_wait3A_224] : memref<40960x32xf32, #tpu.memory_space<hbm>> -> memref<40960x32xf32, #tpu.memory_space<hbm>>
          tpu.wait_indirect_dma semaphore(%arg18 : memref<!tpu.dma_semaphore, #tpu.memory_space<semaphore_mem>>) src(%dma_wait3A_225 : memref<40960x32xf32, #tpu.memory_space<hbm>>) dst(%dma_wait3A_219 : memref<128x32xf32, #tpu.memory_space<vmem>>)
          %run_scoped3A = arith.constant 0 : i32
          %run_scoped3A_226 = arith.constant 0 : i32
          "tpu.region"() ({
            %run_scoped3A_241 = tpu.sem_alloc : memref<!tpu.dma_semaphore, #tpu.memory_space<semaphore_mem>>
            %dma_start3A_242 = arith.constant 0 : i32
            %dma_start3A_243 = arith.constant 0 : i32
            %dma_start3A_244 = tpu.memref_slice %arg15[%run_scoped3A, %dma_start3A_242, %dma_start3A_243] : memref<8x128x32xf32, #tpu.memory_space<vmem>> -> memref<1x128x32xf32, #tpu.memory_space<vmem>>
            %dma_start3A_245 = tpu.memref_squeeze %dma_start3A_244 : memref<1x128x32xf32, #tpu.memory_space<vmem>> -> memref<128x32xf32, #tpu.memory_space<vmem>>
            %dma_start3A_246 = arith.constant 0 : i32
            %dma_start3A_247 = tpu.memref_slice %arg14[%run_scoped3A_226, %dma_start3A_246] : memref<8x128xi32, #tpu.memory_space<vmem>> -> memref<1x128xi32, #tpu.memory_space<vmem>>
            %dma_start3A_248 = tpu.memref_squeeze %dma_start3A_247 : memref<1x128xi32, #tpu.memory_space<vmem>> -> memref<128xi32, #tpu.memory_space<vmem>>
            %dma_start3A_249 = arith.constant 0 : i32
            %dma_start3A_250 = arith.constant 0 : i32
            %dma_start3A_251 = tpu.memref_slice %arg17[%dma_start3A_249, %dma_start3A_250] : memref<40960x32xf32, #tpu.memory_space<vmem_shared>> -> memref<40960x32xf32, #tpu.memory_space<vmem_shared>>
            tpu.enqueue_indirect_dma source(%dma_start3A_245 : memref<128x32xf32, #tpu.memory_space<vmem>>) target(%dma_start3A_251 : memref<40960x32xf32, #tpu.memory_space<vmem_shared>>) offsets(%dma_start3A_248 : memref<128xi32, #tpu.memory_space<vmem>>) semaphore(%run_scoped3A_241 : memref<!tpu.dma_semaphore, #tpu.memory_space<semaphore_mem>>) {add = true}
            %dma_wait3A_252 = arith.constant 0 : i32
            %dma_wait3A_253 = arith.constant 0 : i32
            %dma_wait3A_254 = tpu.memref_slice %arg15[%run_scoped3A, %dma_wait3A_252, %dma_wait3A_253] : memref<8x128x32xf32, #tpu.memory_space<vmem>> -> memref<1x128x32xf32, #tpu.memory_space<vmem>>
            %dma_wait3A_255 = tpu.memref_squeeze %dma_wait3A_254 : memref<1x128x32xf32, #tpu.memory_space<vmem>> -> memref<128x32xf32, #tpu.memory_space<vmem>>
            %dma_wait3A_256 = arith.constant 0 : i32
            %dma_wait3A_257 = tpu.memref_slice %arg14[%run_scoped3A_226, %dma_wait3A_256] : memref<8x128xi32, #tpu.memory_space<vmem>> -> memref<1x128xi32, #tpu.memory_space<vmem>>
            %dma_wait3A_258 = tpu.memref_squeeze %dma_wait3A_257 : memref<1x128xi32, #tpu.memory_space<vmem>> -> memref<128xi32, #tpu.memory_space<vmem>>
            %dma_wait3A_259 = arith.constant 0 : i32
            %dma_wait3A_260 = arith.constant 0 : i32
            %dma_wait3A_261 = tpu.memref_slice %arg17[%dma_wait3A_259, %dma_wait3A_260] : memref<40960x32xf32, #tpu.memory_space<vmem_shared>> -> memref<40960x32xf32, #tpu.memory_space<vmem_shared>>
            tpu.wait_indirect_dma semaphore(%run_scoped3A_241 : memref<!tpu.dma_semaphore, #tpu.memory_space<semaphore_mem>>) src(%dma_wait3A_255 : memref<128x32xf32, #tpu.memory_space<vmem>>) dst(%dma_wait3A_261 : memref<40960x32xf32, #tpu.memory_space<vmem_shared>>)
            tpu.yield
          }) : () -> ()
          %run_scoped3A_227 = arith.constant 1 : i32
          %run_scoped3A_228 = arith.constant 1 : i32
          "tpu.region"() ({
            %run_scoped3A_241 = tpu.sem_alloc : memref<!tpu.dma_semaphore, #tpu.memory_space<semaphore_mem>>
            %dma_start3A_242 = arith.constant 0 : i32
            %dma_start3A_243 = arith.constant 0 : i32
            %dma_start3A_244 = tpu.memref_slice %arg15[%run_scoped3A_227, %dma_start3A_242, %dma_start3A_243] : memref<8x128x32xf32, #tpu.memory_space<vmem>> -> memref<1x128x32xf32, #tpu.memory_space<vmem>>
            %dma_start3A_245 = tpu.memref_squeeze %dma_start3A_244 : memref<1x128x32xf32, #tpu.memory_space<vmem>> -> memref<128x32xf32, #tpu.memory_space<vmem>>
            %dma_start3A_246 = arith.constant 0 : i32
            %dma_start3A_247 = tpu.memref_slice %arg14[%run_scoped3A_228, %dma_start3A_246] : memref<8x128xi32, #tpu.memory_space<vmem>> -> memref<1x128xi32, #tpu.memory_space<vmem>>
            %dma_start3A_248 = tpu.memref_squeeze %dma_start3A_247 : memref<1x128xi32, #tpu.memory_space<vmem>> -> memref<128xi32, #tpu.memory_space<vmem>>
            %dma_start3A_249 = arith.constant 0 : i32
            %dma_start3A_250 = arith.constant 0 : i32
            %dma_start3A_251 = tpu.memref_slice %arg17[%dma_start3A_249, %dma_start3A_250] : memref<40960x32xf32, #tpu.memory_space<vmem_shared>> -> memref<40960x32xf32, #tpu.memory_space<vmem_shared>>
            tpu.enqueue_indirect_dma source(%dma_start3A_245 : memref<128x32xf32, #tpu.memory_space<vmem>>) target(%dma_start3A_251 : memref<40960x32xf32, #tpu.memory_space<vmem_shared>>) offsets(%dma_start3A_248 : memref<128xi32, #tpu.memory_space<vmem>>) semaphore(%run_scoped3A_241 : memref<!tpu.dma_semaphore, #tpu.memory_space<semaphore_mem>>) {add = true}
            %dma_wait3A_252 = arith.constant 0 : i32
            %dma_wait3A_253 = arith.constant 0 : i32
            %dma_wait3A_254 = tpu.memref_slice %arg15[%run_scoped3A_227, %dma_wait3A_252, %dma_wait3A_253] : memref<8x128x32xf32, #tpu.memory_space<vmem>> -> memref<1x128x32xf32, #tpu.memory_space<vmem>>
            %dma_wait3A_255 = tpu.memref_squeeze %dma_wait3A_254 : memref<1x128x32xf32, #tpu.memory_space<vmem>> -> memref<128x32xf32, #tpu.memory_space<vmem>>
            %dma_wait3A_256 = arith.constant 0 : i32
            %dma_wait3A_257 = tpu.memref_slice %arg14[%run_scoped3A_228, %dma_wait3A_256] : memref<8x128xi32, #tpu.memory_space<vmem>> -> memref<1x128xi32, #tpu.memory_space<vmem>>
            %dma_wait3A_258 = tpu.memref_squeeze %dma_wait3A_257 : memref<1x128xi32, #tpu.memory_space<vmem>> -> memref<128xi32, #tpu.memory_space<vmem>>
            %dma_wait3A_259 = arith.constant 0 : i32
            %dma_wait3A_260 = arith.constant 0 : i32
            %dma_wait3A_261 = tpu.memref_slice %arg17[%dma_wait3A_259, %dma_wait3A_260] : memref<40960x32xf32, #tpu.memory_space<vmem_shared>> -> memref<40960x32xf32, #tpu.memory_space<vmem_shared>>
            tpu.wait_indirect_dma semaphore(%run_scoped3A_241 : memref<!tpu.dma_semaphore, #tpu.memory_space<semaphore_mem>>) src(%dma_wait3A_255 : memref<128x32xf32, #tpu.memory_space<vmem>>) dst(%dma_wait3A_261 : memref<40960x32xf32, #tpu.memory_space<vmem_shared>>)
            tpu.yield
          }) : () -> ()
          %run_scoped3A_229 = arith.constant 2 : i32
          %run_scoped3A_230 = arith.constant 2 : i32
          "tpu.region"() ({
            %run_scoped3A_241 = tpu.sem_alloc : memref<!tpu.dma_semaphore, #tpu.memory_space<semaphore_mem>>
            %dma_start3A_242 = arith.constant 0 : i32
            %dma_start3A_243 = arith.constant 0 : i32
            %dma_start3A_244 = tpu.memref_slice %arg15[%run_scoped3A_229, %dma_start3A_242, %dma_start3A_243] : memref<8x128x32xf32, #tpu.memory_space<vmem>> -> memref<1x128x32xf32, #tpu.memory_space<vmem>>
            %dma_start3A_245 = tpu.memref_squeeze %dma_start3A_244 : memref<1x128x32xf32, #tpu.memory_space<vmem>> -> memref<128x32xf32, #tpu.memory_space<vmem>>
            %dma_start3A_246 = arith.constant 0 : i32
            %dma_start3A_247 = tpu.memref_slice %arg14[%run_scoped3A_230, %dma_start3A_246] : memref<8x128xi32, #tpu.memory_space<vmem>> -> memref<1x128xi32, #tpu.memory_space<vmem>>
            %dma_start3A_248 = tpu.memref_squeeze %dma_start3A_247 : memref<1x128xi32, #tpu.memory_space<vmem>> -> memref<128xi32, #tpu.memory_space<vmem>>
            %dma_start3A_249 = arith.constant 0 : i32
            %dma_start3A_250 = arith.constant 0 : i32
            %dma_start3A_251 = tpu.memref_slice %arg17[%dma_start3A_249, %dma_start3A_250] : memref<40960x32xf32, #tpu.memory_space<vmem_shared>> -> memref<40960x32xf32, #tpu.memory_space<vmem_shared>>
            tpu.enqueue_indirect_dma source(%dma_start3A_245 : memref<128x32xf32, #tpu.memory_space<vmem>>) target(%dma_start3A_251 : memref<40960x32xf32, #tpu.memory_space<vmem_shared>>) offsets(%dma_start3A_248 : memref<128xi32, #tpu.memory_space<vmem>>) semaphore(%run_scoped3A_241 : memref<!tpu.dma_semaphore, #tpu.memory_space<semaphore_mem>>) {add = true}
            %dma_wait3A_252 = arith.constant 0 : i32
            %dma_wait3A_253 = arith.constant 0 : i32
            %dma_wait3A_254 = tpu.memref_slice %arg15[%run_scoped3A_229, %dma_wait3A_252, %dma_wait3A_253] : memref<8x128x32xf32, #tpu.memory_space<vmem>> -> memref<1x128x32xf32, #tpu.memory_space<vmem>>
            %dma_wait3A_255 = tpu.memref_squeeze %dma_wait3A_254 : memref<1x128x32xf32, #tpu.memory_space<vmem>> -> memref<128x32xf32, #tpu.memory_space<vmem>>
            %dma_wait3A_256 = arith.constant 0 : i32
            %dma_wait3A_257 = tpu.memref_slice %arg14[%run_scoped3A_230, %dma_wait3A_256] : memref<8x128xi32, #tpu.memory_space<vmem>> -> memref<1x128xi32, #tpu.memory_space<vmem>>
            %dma_wait3A_258 = tpu.memref_squeeze %dma_wait3A_257 : memref<1x128xi32, #tpu.memory_space<vmem>> -> memref<128xi32, #tpu.memory_space<vmem>>
            %dma_wait3A_259 = arith.constant 0 : i32
            %dma_wait3A_260 = arith.constant 0 : i32
            %dma_wait3A_261 = tpu.memref_slice %arg17[%dma_wait3A_259, %dma_wait3A_260] : memref<40960x32xf32, #tpu.memory_space<vmem_shared>> -> memref<40960x32xf32, #tpu.memory_space<vmem_shared>>
            tpu.wait_indirect_dma semaphore(%run_scoped3A_241 : memref<!tpu.dma_semaphore, #tpu.memory_space<semaphore_mem>>) src(%dma_wait3A_255 : memref<128x32xf32, #tpu.memory_space<vmem>>) dst(%dma_wait3A_261 : memref<40960x32xf32, #tpu.memory_space<vmem_shared>>)
            tpu.yield
          }) : () -> ()
          %run_scoped3A_231 = arith.constant 3 : i32
          %run_scoped3A_232 = arith.constant 3 : i32
          "tpu.region"() ({
            %run_scoped3A_241 = tpu.sem_alloc : memref<!tpu.dma_semaphore, #tpu.memory_space<semaphore_mem>>
            %dma_start3A_242 = arith.constant 0 : i32
            %dma_start3A_243 = arith.constant 0 : i32
            %dma_start3A_244 = tpu.memref_slice %arg15[%run_scoped3A_231, %dma_start3A_242, %dma_start3A_243] : memref<8x128x32xf32, #tpu.memory_space<vmem>> -> memref<1x128x32xf32, #tpu.memory_space<vmem>>
            %dma_start3A_245 = tpu.memref_squeeze %dma_start3A_244 : memref<1x128x32xf32, #tpu.memory_space<vmem>> -> memref<128x32xf32, #tpu.memory_space<vmem>>
            %dma_start3A_246 = arith.constant 0 : i32
            %dma_start3A_247 = tpu.memref_slice %arg14[%run_scoped3A_232, %dma_start3A_246] : memref<8x128xi32, #tpu.memory_space<vmem>> -> memref<1x128xi32, #tpu.memory_space<vmem>>
            %dma_start3A_248 = tpu.memref_squeeze %dma_start3A_247 : memref<1x128xi32, #tpu.memory_space<vmem>> -> memref<128xi32, #tpu.memory_space<vmem>>
            %dma_start3A_249 = arith.constant 0 : i32
            %dma_start3A_250 = arith.constant 0 : i32
            %dma_start3A_251 = tpu.memref_slice %arg17[%dma_start3A_249, %dma_start3A_250] : memref<40960x32xf32, #tpu.memory_space<vmem_shared>> -> memref<40960x32xf32, #tpu.memory_space<vmem_shared>>
            tpu.enqueue_indirect_dma source(%dma_start3A_245 : memref<128x32xf32, #tpu.memory_space<vmem>>) target(%dma_start3A_251 : memref<40960x32xf32, #tpu.memory_space<vmem_shared>>) offsets(%dma_start3A_248 : memref<128xi32, #tpu.memory_space<vmem>>) semaphore(%run_scoped3A_241 : memref<!tpu.dma_semaphore, #tpu.memory_space<semaphore_mem>>) {add = true}
            %dma_wait3A_252 = arith.constant 0 : i32
            %dma_wait3A_253 = arith.constant 0 : i32
            %dma_wait3A_254 = tpu.memref_slice %arg15[%run_scoped3A_231, %dma_wait3A_252, %dma_wait3A_253] : memref<8x128x32xf32, #tpu.memory_space<vmem>> -> memref<1x128x32xf32, #tpu.memory_space<vmem>>
            %dma_wait3A_255 = tpu.memref_squeeze %dma_wait3A_254 : memref<1x128x32xf32, #tpu.memory_space<vmem>> -> memref<128x32xf32, #tpu.memory_space<vmem>>
            %dma_wait3A_256 = arith.constant 0 : i32
            %dma_wait3A_257 = tpu.memref_slice %arg14[%run_scoped3A_232, %dma_wait3A_256] : memref<8x128xi32, #tpu.memory_space<vmem>> -> memref<1x128xi32, #tpu.memory_space<vmem>>
            %dma_wait3A_258 = tpu.memref_squeeze %dma_wait3A_257 : memref<1x128xi32, #tpu.memory_space<vmem>> -> memref<128xi32, #tpu.memory_space<vmem>>
            %dma_wait3A_259 = arith.constant 0 : i32
            %dma_wait3A_260 = arith.constant 0 : i32
            %dma_wait3A_261 = tpu.memref_slice %arg17[%dma_wait3A_259, %dma_wait3A_260] : memref<40960x32xf32, #tpu.memory_space<vmem_shared>> -> memref<40960x32xf32, #tpu.memory_space<vmem_shared>>
            tpu.wait_indirect_dma semaphore(%run_scoped3A_241 : memref<!tpu.dma_semaphore, #tpu.memory_space<semaphore_mem>>) src(%dma_wait3A_255 : memref<128x32xf32, #tpu.memory_space<vmem>>) dst(%dma_wait3A_261 : memref<40960x32xf32, #tpu.memory_space<vmem_shared>>)
            tpu.yield
          }) : () -> ()
          %run_scoped3A_233 = arith.constant 4 : i32
          %run_scoped3A_234 = arith.constant 4 : i32
          "tpu.region"() ({
            %run_scoped3A_241 = tpu.sem_alloc : memref<!tpu.dma_semaphore, #tpu.memory_space<semaphore_mem>>
            %dma_start3A_242 = arith.constant 0 : i32
            %dma_start3A_243 = arith.constant 0 : i32
            %dma_start3A_244 = tpu.memref_slice %arg15[%run_scoped3A_233, %dma_start3A_242, %dma_start3A_243] : memref<8x128x32xf32, #tpu.memory_space<vmem>> -> memref<1x128x32xf32, #tpu.memory_space<vmem>>
            %dma_start3A_245 = tpu.memref_squeeze %dma_start3A_244 : memref<1x128x32xf32, #tpu.memory_space<vmem>> -> memref<128x32xf32, #tpu.memory_space<vmem>>
            %dma_start3A_246 = arith.constant 0 : i32
            %dma_start3A_247 = tpu.memref_slice %arg14[%run_scoped3A_234, %dma_start3A_246] : memref<8x128xi32, #tpu.memory_space<vmem>> -> memref<1x128xi32, #tpu.memory_space<vmem>>
            %dma_start3A_248 = tpu.memref_squeeze %dma_start3A_247 : memref<1x128xi32, #tpu.memory_space<vmem>> -> memref<128xi32, #tpu.memory_space<vmem>>
            %dma_start3A_249 = arith.constant 0 : i32
            %dma_start3A_250 = arith.constant 0 : i32
            %dma_start3A_251 = tpu.memref_slice %arg17[%dma_start3A_249, %dma_start3A_250] : memref<40960x32xf32, #tpu.memory_space<vmem_shared>> -> memref<40960x32xf32, #tpu.memory_space<vmem_shared>>
            tpu.enqueue_indirect_dma source(%dma_start3A_245 : memref<128x32xf32, #tpu.memory_space<vmem>>) target(%dma_start3A_251 : memref<40960x32xf32, #tpu.memory_space<vmem_shared>>) offsets(%dma_start3A_248 : memref<128xi32, #tpu.memory_space<vmem>>) semaphore(%run_scoped3A_241 : memref<!tpu.dma_semaphore, #tpu.memory_space<semaphore_mem>>) {add = true}
            %dma_wait3A_252 = arith.constant 0 : i32
            %dma_wait3A_253 = arith.constant 0 : i32
            %dma_wait3A_254 = tpu.memref_slice %arg15[%run_scoped3A_233, %dma_wait3A_252, %dma_wait3A_253] : memref<8x128x32xf32, #tpu.memory_space<vmem>> -> memref<1x128x32xf32, #tpu.memory_space<vmem>>
            %dma_wait3A_255 = tpu.memref_squeeze %dma_wait3A_254 : memref<1x128x32xf32, #tpu.memory_space<vmem>> -> memref<128x32xf32, #tpu.memory_space<vmem>>
            %dma_wait3A_256 = arith.constant 0 : i32
            %dma_wait3A_257 = tpu.memref_slice %arg14[%run_scoped3A_234, %dma_wait3A_256] : memref<8x128xi32, #tpu.memory_space<vmem>> -> memref<1x128xi32, #tpu.memory_space<vmem>>
            %dma_wait3A_258 = tpu.memref_squeeze %dma_wait3A_257 : memref<1x128xi32, #tpu.memory_space<vmem>> -> memref<128xi32, #tpu.memory_space<vmem>>
            %dma_wait3A_259 = arith.constant 0 : i32
            %dma_wait3A_260 = arith.constant 0 : i32
            %dma_wait3A_261 = tpu.memref_slice %arg17[%dma_wait3A_259, %dma_wait3A_260] : memref<40960x32xf32, #tpu.memory_space<vmem_shared>> -> memref<40960x32xf32, #tpu.memory_space<vmem_shared>>
            tpu.wait_indirect_dma semaphore(%run_scoped3A_241 : memref<!tpu.dma_semaphore, #tpu.memory_space<semaphore_mem>>) src(%dma_wait3A_255 : memref<128x32xf32, #tpu.memory_space<vmem>>) dst(%dma_wait3A_261 : memref<40960x32xf32, #tpu.memory_space<vmem_shared>>)
            tpu.yield
          }) : () -> ()
          %run_scoped3A_235 = arith.constant 5 : i32
          %run_scoped3A_236 = arith.constant 5 : i32
          "tpu.region"() ({
            %run_scoped3A_241 = tpu.sem_alloc : memref<!tpu.dma_semaphore, #tpu.memory_space<semaphore_mem>>
            %dma_start3A_242 = arith.constant 0 : i32
            %dma_start3A_243 = arith.constant 0 : i32
            %dma_start3A_244 = tpu.memref_slice %arg15[%run_scoped3A_235, %dma_start3A_242, %dma_start3A_243] : memref<8x128x32xf32, #tpu.memory_space<vmem>> -> memref<1x128x32xf32, #tpu.memory_space<vmem>>
            %dma_start3A_245 = tpu.memref_squeeze %dma_start3A_244 : memref<1x128x32xf32, #tpu.memory_space<vmem>> -> memref<128x32xf32, #tpu.memory_space<vmem>>
            %dma_start3A_246 = arith.constant 0 : i32
            %dma_start3A_247 = tpu.memref_slice %arg14[%run_scoped3A_236, %dma_start3A_246] : memref<8x128xi32, #tpu.memory_space<vmem>> -> memref<1x128xi32, #tpu.memory_space<vmem>>
            %dma_start3A_248 = tpu.memref_squeeze %dma_start3A_247 : memref<1x128xi32, #tpu.memory_space<vmem>> -> memref<128xi32, #tpu.memory_space<vmem>>
            %dma_start3A_249 = arith.constant 0 : i32
            %dma_start3A_250 = arith.constant 0 : i32
            %dma_start3A_251 = tpu.memref_slice %arg17[%dma_start3A_249, %dma_start3A_250] : memref<40960x32xf32, #tpu.memory_space<vmem_shared>> -> memref<40960x32xf32, #tpu.memory_space<vmem_shared>>
            tpu.enqueue_indirect_dma source(%dma_start3A_245 : memref<128x32xf32, #tpu.memory_space<vmem>>) target(%dma_start3A_251 : memref<40960x32xf32, #tpu.memory_space<vmem_shared>>) offsets(%dma_start3A_248 : memref<128xi32, #tpu.memory_space<vmem>>) semaphore(%run_scoped3A_241 : memref<!tpu.dma_semaphore, #tpu.memory_space<semaphore_mem>>) {add = true}
            %dma_wait3A_252 = arith.constant 0 : i32
            %dma_wait3A_253 = arith.constant 0 : i32
            %dma_wait3A_254 = tpu.memref_slice %arg15[%run_scoped3A_235, %dma_wait3A_252, %dma_wait3A_253] : memref<8x128x32xf32, #tpu.memory_space<vmem>> -> memref<1x128x32xf32, #tpu.memory_space<vmem>>
            %dma_wait3A_255 = tpu.memref_squeeze %dma_wait3A_254 : memref<1x128x32xf32, #tpu.memory_space<vmem>> -> memref<128x32xf32, #tpu.memory_space<vmem>>
            %dma_wait3A_256 = arith.constant 0 : i32
            %dma_wait3A_257 = tpu.memref_slice %arg14[%run_scoped3A_236, %dma_wait3A_256] : memref<8x128xi32, #tpu.memory_space<vmem>> -> memref<1x128xi32, #tpu.memory_space<vmem>>
            %dma_wait3A_258 = tpu.memref_squeeze %dma_wait3A_257 : memref<1x128xi32, #tpu.memory_space<vmem>> -> memref<128xi32, #tpu.memory_space<vmem>>
            %dma_wait3A_259 = arith.constant 0 : i32
            %dma_wait3A_260 = arith.constant 0 : i32
            %dma_wait3A_261 = tpu.memref_slice %arg17[%dma_wait3A_259, %dma_wait3A_260] : memref<40960x32xf32, #tpu.memory_space<vmem_shared>> -> memref<40960x32xf32, #tpu.memory_space<vmem_shared>>
            tpu.wait_indirect_dma semaphore(%run_scoped3A_241 : memref<!tpu.dma_semaphore, #tpu.memory_space<semaphore_mem>>) src(%dma_wait3A_255 : memref<128x32xf32, #tpu.memory_space<vmem>>) dst(%dma_wait3A_261 : memref<40960x32xf32, #tpu.memory_space<vmem_shared>>)
            tpu.yield
          }) : () -> ()
          %run_scoped3A_237 = arith.constant 6 : i32
          %run_scoped3A_238 = arith.constant 6 : i32
          "tpu.region"() ({
            %run_scoped3A_241 = tpu.sem_alloc : memref<!tpu.dma_semaphore, #tpu.memory_space<semaphore_mem>>
            %dma_start3A_242 = arith.constant 0 : i32
            %dma_start3A_243 = arith.constant 0 : i32
            %dma_start3A_244 = tpu.memref_slice %arg15[%run_scoped3A_237, %dma_start3A_242, %dma_start3A_243] : memref<8x128x32xf32, #tpu.memory_space<vmem>> -> memref<1x128x32xf32, #tpu.memory_space<vmem>>
            %dma_start3A_245 = tpu.memref_squeeze %dma_start3A_244 : memref<1x128x32xf32, #tpu.memory_space<vmem>> -> memref<128x32xf32, #tpu.memory_space<vmem>>
            %dma_start3A_246 = arith.constant 0 : i32
            %dma_start3A_247 = tpu.memref_slice %arg14[%run_scoped3A_238, %dma_start3A_246] : memref<8x128xi32, #tpu.memory_space<vmem>> -> memref<1x128xi32, #tpu.memory_space<vmem>>
            %dma_start3A_248 = tpu.memref_squeeze %dma_start3A_247 : memref<1x128xi32, #tpu.memory_space<vmem>> -> memref<128xi32, #tpu.memory_space<vmem>>
            %dma_start3A_249 = arith.constant 0 : i32
            %dma_start3A_250 = arith.constant 0 : i32
            %dma_start3A_251 = tpu.memref_slice %arg17[%dma_start3A_249, %dma_start3A_250] : memref<40960x32xf32, #tpu.memory_space<vmem_shared>> -> memref<40960x32xf32, #tpu.memory_space<vmem_shared>>
            tpu.enqueue_indirect_dma source(%dma_start3A_245 : memref<128x32xf32, #tpu.memory_space<vmem>>) target(%dma_start3A_251 : memref<40960x32xf32, #tpu.memory_space<vmem_shared>>) offsets(%dma_start3A_248 : memref<128xi32, #tpu.memory_space<vmem>>) semaphore(%run_scoped3A_241 : memref<!tpu.dma_semaphore, #tpu.memory_space<semaphore_mem>>) {add = true}
            %dma_wait3A_252 = arith.constant 0 : i32
            %dma_wait3A_253 = arith.constant 0 : i32
            %dma_wait3A_254 = tpu.memref_slice %arg15[%run_scoped3A_237, %dma_wait3A_252, %dma_wait3A_253] : memref<8x128x32xf32, #tpu.memory_space<vmem>> -> memref<1x128x32xf32, #tpu.memory_space<vmem>>
            %dma_wait3A_255 = tpu.memref_squeeze %dma_wait3A_254 : memref<1x128x32xf32, #tpu.memory_space<vmem>> -> memref<128x32xf32, #tpu.memory_space<vmem>>
            %dma_wait3A_256 = arith.constant 0 : i32
            %dma_wait3A_257 = tpu.memref_slice %arg14[%run_scoped3A_238, %dma_wait3A_256] : memref<8x128xi32, #tpu.memory_space<vmem>> -> memref<1x128xi32, #tpu.memory_space<vmem>>
            %dma_wait3A_258 = tpu.memref_squeeze %dma_wait3A_257 : memref<1x128xi32, #tpu.memory_space<vmem>> -> memref<128xi32, #tpu.memory_space<vmem>>
            %dma_wait3A_259 = arith.constant 0 : i32
            %dma_wait3A_260 = arith.constant 0 : i32
            %dma_wait3A_261 = tpu.memref_slice %arg17[%dma_wait3A_259, %dma_wait3A_260] : memref<40960x32xf32, #tpu.memory_space<vmem_shared>> -> memref<40960x32xf32, #tpu.memory_space<vmem_shared>>
            tpu.wait_indirect_dma semaphore(%run_scoped3A_241 : memref<!tpu.dma_semaphore, #tpu.memory_space<semaphore_mem>>) src(%dma_wait3A_255 : memref<128x32xf32, #tpu.memory_space<vmem>>) dst(%dma_wait3A_261 : memref<40960x32xf32, #tpu.memory_space<vmem_shared>>)
            tpu.yield
          }) : () -> ()
          %run_scoped3A_239 = arith.constant 7 : i32
          %run_scoped3A_240 = arith.constant 7 : i32
          "tpu.region"() ({
            %run_scoped3A_241 = tpu.sem_alloc : memref<!tpu.dma_semaphore, #tpu.memory_space<semaphore_mem>>
            %dma_start3A_242 = arith.constant 0 : i32
            %dma_start3A_243 = arith.constant 0 : i32
            %dma_start3A_244 = tpu.memref_slice %arg15[%run_scoped3A_239, %dma_start3A_242, %dma_start3A_243] : memref<8x128x32xf32, #tpu.memory_space<vmem>> -> memref<1x128x32xf32, #tpu.memory_space<vmem>>
            %dma_start3A_245 = tpu.memref_squeeze %dma_start3A_244 : memref<1x128x32xf32, #tpu.memory_space<vmem>> -> memref<128x32xf32, #tpu.memory_space<vmem>>
            %dma_start3A_246 = arith.constant 0 : i32
            %dma_start3A_247 = tpu.memref_slice %arg14[%run_scoped3A_240, %dma_start3A_246] : memref<8x128xi32, #tpu.memory_space<vmem>> -> memref<1x128xi32, #tpu.memory_space<vmem>>
            %dma_start3A_248 = tpu.memref_squeeze %dma_start3A_247 : memref<1x128xi32, #tpu.memory_space<vmem>> -> memref<128xi32, #tpu.memory_space<vmem>>
            %dma_start3A_249 = arith.constant 0 : i32
            %dma_start3A_250 = arith.constant 0 : i32
            %dma_start3A_251 = tpu.memref_slice %arg17[%dma_start3A_249, %dma_start3A_250] : memref<40960x32xf32, #tpu.memory_space<vmem_shared>> -> memref<40960x32xf32, #tpu.memory_space<vmem_shared>>
            tpu.enqueue_indirect_dma source(%dma_start3A_245 : memref<128x32xf32, #tpu.memory_space<vmem>>) target(%dma_start3A_251 : memref<40960x32xf32, #tpu.memory_space<vmem_shared>>) offsets(%dma_start3A_248 : memref<128xi32, #tpu.memory_space<vmem>>) semaphore(%run_scoped3A_241 : memref<!tpu.dma_semaphore, #tpu.memory_space<semaphore_mem>>) {add = true}
            %dma_wait3A_252 = arith.constant 0 : i32
            %dma_wait3A_253 = arith.constant 0 : i32
            %dma_wait3A_254 = tpu.memref_slice %arg15[%run_scoped3A_239, %dma_wait3A_252, %dma_wait3A_253] : memref<8x128x32xf32, #tpu.memory_space<vmem>> -> memref<1x128x32xf32, #tpu.memory_space<vmem>>
            %dma_wait3A_255 = tpu.memref_squeeze %dma_wait3A_254 : memref<1x128x32xf32, #tpu.memory_space<vmem>> -> memref<128x32xf32, #tpu.memory_space<vmem>>
            %dma_wait3A_256 = arith.constant 0 : i32
            %dma_wait3A_257 = tpu.memref_slice %arg14[%run_scoped3A_240, %dma_wait3A_256] : memref<8x128xi32, #tpu.memory_space<vmem>> -> memref<1x128xi32, #tpu.memory_space<vmem>>
            %dma_wait3A_258 = tpu.memref_squeeze %dma_wait3A_257 : memref<1x128xi32, #tpu.memory_space<vmem>> -> memref<128xi32, #tpu.memory_space<vmem>>
            %dma_wait3A_259 = arith.constant 0 : i32
            %dma_wait3A_260 = arith.constant 0 : i32
            %dma_wait3A_261 = tpu.memref_slice %arg17[%dma_wait3A_259, %dma_wait3A_260] : memref<40960x32xf32, #tpu.memory_space<vmem_shared>> -> memref<40960x32xf32, #tpu.memory_space<vmem_shared>>
            tpu.wait_indirect_dma semaphore(%run_scoped3A_241 : memref<!tpu.dma_semaphore, #tpu.memory_space<semaphore_mem>>) src(%dma_wait3A_255 : memref<128x32xf32, #tpu.memory_space<vmem>>) dst(%dma_wait3A_261 : memref<40960x32xf32, #tpu.memory_space<vmem_shared>>)
            tpu.yield
          }) : () -> ()
        } else {
        }
      }
      %scan3A_21 = arith.constant 79 : i32
      %barrier3A_22 = arith.constant 0 : index
      tpu.barrier barrier_id(%barrier3A_22)
      "tpu.region"() ({
        %run_scoped3A = tpu.sem_alloc : memref<!tpu.dma_semaphore, #tpu.memory_space<semaphore_mem>>
        %dma_start3A = arith.constant 0 : i32
        %dma_start3A_23 = tpu.memref_slice %arg10[%mul3A_0, %dma_start3A] : memref<40960x32xf32, #tpu.memory_space<hbm>> -> memref<2560x32xf32, #tpu.memory_space<hbm>>
        %dma_start3A_24 = arith.constant 0 : i32
        %dma_start3A_25 = tpu.memref_slice %arg17[%mul3A_0, %dma_start3A_24] : memref<40960x32xf32, #tpu.memory_space<vmem_shared>> -> memref<2560x32xf32, #tpu.memory_space<vmem_shared>>
        tpu.enqueue_dma source(%dma_start3A_25 : memref<2560x32xf32, #tpu.memory_space<vmem_shared>>) target(%dma_start3A_23 : memref<2560x32xf32, #tpu.memory_space<hbm>>) target_semaphore(%run_scoped3A : memref<!tpu.dma_semaphore, #tpu.memory_space<semaphore_mem>>)
        %dma_wait3A = arith.constant 0 : i32
        %dma_wait3A_26 = tpu.memref_slice %arg10[%mul3A_0, %dma_wait3A] : memref<40960x32xf32, #tpu.memory_space<hbm>> -> memref<2560x32xf32, #tpu.memory_space<hbm>>
        %dma_wait3A_27 = arith.constant 0 : i32
        %dma_wait3A_28 = tpu.memref_slice %arg17[%mul3A_0, %dma_wait3A_27] : memref<40960x32xf32, #tpu.memory_space<vmem_shared>> -> memref<2560x32xf32, #tpu.memory_space<vmem_shared>>
        tpu.wait_dma2 semaphore(%run_scoped3A : memref<!tpu.dma_semaphore, #tpu.memory_space<semaphore_mem>>) src(%dma_wait3A_28 : memref<2560x32xf32, #tpu.memory_space<vmem_shared>>) dst(%dma_wait3A_26 : memref<2560x32xf32, #tpu.memory_space<hbm>>)
        tpu.yield
      }) : () -> ()
    } else {
    }
    %eq3A_8 = arith.constant 0 : i32
    %eq3A_9 = arith.cmpi eq, %arg0, %eq3A_8 : i32
    %convert_element_type3A_10 = arith.extui %eq3A_9 : i1 to i32
    %cond3A_11 = arith.constant 0 : i32
    %cond3A_12 = arith.cmpi ne, %convert_element_type3A_10, %cond3A_11 : i32
    scf.if %cond3A_12 {
      "tpu.region"() ({
        %run_scoped3A = tpu.sem_alloc : memref<!tpu.dma_semaphore, #tpu.memory_space<semaphore_mem>>
        %dma_start3A = arith.constant 0 : i32
        %dma_start3A_23 = tpu.memref_slice %arg17[%mul3A_0, %dma_start3A] : memref<40960x32xf32, #tpu.memory_space<vmem_shared>> -> memref<2560x32xf32, #tpu.memory_space<vmem_shared>>
        tpu.enqueue_dma source(%arg8 : memref<2560x32xf32, #tpu.memory_space<hbm>>) target(%dma_start3A_23 : memref<2560x32xf32, #tpu.memory_space<vmem_shared>>) target_semaphore(%run_scoped3A : memref<!tpu.dma_semaphore, #tpu.memory_space<semaphore_mem>>)
        %dma_wait3A = arith.constant 0 : i32
        %dma_wait3A_24 = tpu.memref_slice %arg17[%mul3A_0, %dma_wait3A] : memref<40960x32xf32, #tpu.memory_space<vmem_shared>> -> memref<2560x32xf32, #tpu.memory_space<vmem_shared>>
        tpu.wait_dma2 semaphore(%run_scoped3A : memref<!tpu.dma_semaphore, #tpu.memory_space<semaphore_mem>>) src(%arg8 : memref<2560x32xf32, #tpu.memory_space<hbm>>) dst(%dma_wait3A_24 : memref<2560x32xf32, #tpu.memory_space<vmem_shared>>)
        tpu.yield
      }) : () -> ()
      %barrier3A = arith.constant 0 : index
      tpu.barrier barrier_id(%barrier3A)
      %scan3A = arith.constant 0 : i32
      %scan3A_18 = arith.constant 79 : i32
      %scan3A_19 = arith.addi %scan3A, %scan3A_18 : i32
      %scan3A_20 = arith.constant 1 : i32
      scf.for %scan3A_23 = %scan3A to %scan3A_19 step %scan3A_20  : i32 {
        %mul3A_24 = arith.constant 1 : i32
        %mul3A_25 = arith.muli %scan3A_23, %mul3A_24 : i32
        %add3A = arith.constant 0 : i32
        %add3A_26 = arith.addi %add3A, %mul3A_25 : i32
        %mul3A_27 = arith.constant 16 : i32
        %mul3A_28 = arith.muli %add3A_26, %mul3A_27 : i32
        %add3A_29 = arith.addi %mul3A_28, %arg1 : i32
        %lt3A = arith.constant 1250 : i32
        %lt3A_30 = arith.cmpi slt, %add3A_29, %lt3A : i32
        %convert_element_type3A_31 = arith.extui %lt3A_30 : i1 to i32
        %cond3A_32 = arith.constant 0 : i32
        %cond3A_33 = arith.cmpi ne, %convert_element_type3A_31, %cond3A_32 : i32
        scf.if %cond3A_33 {
          %mul3A_34 = arith.constant 8 : i32
          %mul3A_35 = arith.muli %add3A_29, %mul3A_34 : i32
          "tpu.region"() ({
            %run_scoped3A_241 = tpu.sem_alloc : memref<!tpu.dma_semaphore, #tpu.memory_space<semaphore_mem>>
            %dma_start3A_242 = arith.constant 0 : i32
            %dma_start3A_243 = tpu.memref_slice %arg6[%mul3A_35, %dma_start3A_242] : memref<10000x128xi32, #tpu.memory_space<hbm>> -> memref<8x128xi32, #tpu.memory_space<hbm>>
            %dma_start3A_244 = arith.constant 0 : i32
            %dma_start3A_245 = tpu.memref_slice %arg6[%mul3A_35, %dma_start3A_244] : memref<10000x128xi32, #tpu.memory_space<hbm>> -> memref<8x128xi32, #tpu.memory_space<hbm>>
            tpu.enqueue_dma source(%dma_start3A_245 : memref<8x128xi32, #tpu.memory_space<hbm>>) target(%arg13 : memref<8x128xi32, #tpu.memory_space<vmem>>) target_semaphore(%run_scoped3A_241 : memref<!tpu.dma_semaphore, #tpu.memory_space<semaphore_mem>>)
            %dma_wait3A_246 = arith.constant 0 : i32
            %dma_wait3A_247 = tpu.memref_slice %arg6[%mul3A_35, %dma_wait3A_246] : memref<10000x128xi32, #tpu.memory_space<hbm>> -> memref<8x128xi32, #tpu.memory_space<hbm>>
            %dma_wait3A_248 = arith.constant 0 : i32
            %dma_wait3A_249 = tpu.memref_slice %arg6[%mul3A_35, %dma_wait3A_248] : memref<10000x128xi32, #tpu.memory_space<hbm>> -> memref<8x128xi32, #tpu.memory_space<hbm>>
            tpu.wait_dma2 semaphore(%run_scoped3A_241 : memref<!tpu.dma_semaphore, #tpu.memory_space<semaphore_mem>>) src(%dma_wait3A_249 : memref<8x128xi32, #tpu.memory_space<hbm>>) dst(%arg13 : memref<8x128xi32, #tpu.memory_space<vmem>>)
            tpu.yield
          }) : () -> ()
          "tpu.region"() ({
            %run_scoped3A_241 = tpu.sem_alloc : memref<!tpu.dma_semaphore, #tpu.memory_space<semaphore_mem>>
            %dma_start3A_242 = arith.constant 0 : i32
            %dma_start3A_243 = tpu.memref_slice %arg7[%mul3A_35, %dma_start3A_242] : memref<10000x128xi32, #tpu.memory_space<hbm>> -> memref<8x128xi32, #tpu.memory_space<hbm>>
            %dma_start3A_244 = arith.constant 0 : i32
            %dma_start3A_245 = tpu.memref_slice %arg7[%mul3A_35, %dma_start3A_244] : memref<10000x128xi32, #tpu.memory_space<hbm>> -> memref<8x128xi32, #tpu.memory_space<hbm>>
            tpu.enqueue_dma source(%dma_start3A_245 : memref<8x128xi32, #tpu.memory_space<hbm>>) target(%arg14 : memref<8x128xi32, #tpu.memory_space<vmem>>) target_semaphore(%run_scoped3A_241 : memref<!tpu.dma_semaphore, #tpu.memory_space<semaphore_mem>>)
            %dma_wait3A_246 = arith.constant 0 : i32
            %dma_wait3A_247 = tpu.memref_slice %arg7[%mul3A_35, %dma_wait3A_246] : memref<10000x128xi32, #tpu.memory_space<hbm>> -> memref<8x128xi32, #tpu.memory_space<hbm>>
            %dma_wait3A_248 = arith.constant 0 : i32
            %dma_wait3A_249 = tpu.memref_slice %arg7[%mul3A_35, %dma_wait3A_248] : memref<10000x128xi32, #tpu.memory_space<hbm>> -> memref<8x128xi32, #tpu.memory_space<hbm>>
            tpu.wait_dma2 semaphore(%run_scoped3A_241 : memref<!tpu.dma_semaphore, #tpu.memory_space<semaphore_mem>>) src(%dma_wait3A_249 : memref<8x128xi32, #tpu.memory_space<hbm>>) dst(%arg14 : memref<8x128xi32, #tpu.memory_space<vmem>>)
            tpu.yield
          }) : () -> ()
          %dma_start3A = arith.constant 0 : i32
          %dma_start3A_36 = arith.constant 0 : i32
          %dma_start3A_37 = arith.constant 0 : i32
          %dma_start3A_38 = arith.constant 0 : i32
          %dma_start3A_39 = tpu.memref_slice %arg15[%dma_start3A_36, %dma_start3A_37, %dma_start3A_38] : memref<8x128x32xf32, #tpu.memory_space<vmem>> -> memref<1x128x32xf32, #tpu.memory_space<vmem>>
          %dma_start3A_40 = tpu.memref_squeeze %dma_start3A_39 : memref<1x128x32xf32, #tpu.memory_space<vmem>> -> memref<128x32xf32, #tpu.memory_space<vmem>>
          %dma_start3A_41 = arith.constant 0 : i32
          %dma_start3A_42 = tpu.memref_slice %arg13[%dma_start3A, %dma_start3A_41] : memref<8x128xi32, #tpu.memory_space<vmem>> -> memref<1x128xi32, #tpu.memory_space<vmem>>
          %dma_start3A_43 = tpu.memref_squeeze %dma_start3A_42 : memref<1x128xi32, #tpu.memory_space<vmem>> -> memref<128xi32, #tpu.memory_space<vmem>>
          %dma_start3A_44 = arith.constant 0 : i32
          %dma_start3A_45 = arith.constant 0 : i32
          %dma_start3A_46 = tpu.memref_slice %arg4[%dma_start3A_44, %dma_start3A_45] : memref<40960x32xf32, #tpu.memory_space<hbm>> -> memref<40960x32xf32, #tpu.memory_space<hbm>>
          tpu.enqueue_indirect_dma source(%dma_start3A_46 : memref<40960x32xf32, #tpu.memory_space<hbm>>) target(%dma_start3A_40 : memref<128x32xf32, #tpu.memory_space<vmem>>) offsets(%dma_start3A_43 : memref<128xi32, #tpu.memory_space<vmem>>) semaphore(%arg18 : memref<!tpu.dma_semaphore, #tpu.memory_space<semaphore_mem>>)
          %dma_start3A_47 = arith.constant 1 : i32
          %dma_start3A_48 = arith.constant 1 : i32
          %dma_start3A_49 = arith.constant 0 : i32
          %dma_start3A_50 = arith.constant 0 : i32
          %dma_start3A_51 = tpu.memref_slice %arg15[%dma_start3A_48, %dma_start3A_49, %dma_start3A_50] : memref<8x128x32xf32, #tpu.memory_space<vmem>> -> memref<1x128x32xf32, #tpu.memory_space<vmem>>
          %dma_start3A_52 = tpu.memref_squeeze %dma_start3A_51 : memref<1x128x32xf32, #tpu.memory_space<vmem>> -> memref<128x32xf32, #tpu.memory_space<vmem>>
          %dma_start3A_53 = arith.constant 0 : i32
          %dma_start3A_54 = tpu.memref_slice %arg13[%dma_start3A_47, %dma_start3A_53] : memref<8x128xi32, #tpu.memory_space<vmem>> -> memref<1x128xi32, #tpu.memory_space<vmem>>
          %dma_start3A_55 = tpu.memref_squeeze %dma_start3A_54 : memref<1x128xi32, #tpu.memory_space<vmem>> -> memref<128xi32, #tpu.memory_space<vmem>>
          %dma_start3A_56 = arith.constant 0 : i32
          %dma_start3A_57 = arith.constant 0 : i32
          %dma_start3A_58 = tpu.memref_slice %arg4[%dma_start3A_56, %dma_start3A_57] : memref<40960x32xf32, #tpu.memory_space<hbm>> -> memref<40960x32xf32, #tpu.memory_space<hbm>>
          tpu.enqueue_indirect_dma source(%dma_start3A_58 : memref<40960x32xf32, #tpu.memory_space<hbm>>) target(%dma_start3A_52 : memref<128x32xf32, #tpu.memory_space<vmem>>) offsets(%dma_start3A_55 : memref<128xi32, #tpu.memory_space<vmem>>) semaphore(%arg18 : memref<!tpu.dma_semaphore, #tpu.memory_space<semaphore_mem>>)
          %dma_start3A_59 = arith.constant 2 : i32
          %dma_start3A_60 = arith.constant 2 : i32
          %dma_start3A_61 = arith.constant 0 : i32
          %dma_start3A_62 = arith.constant 0 : i32
          %dma_start3A_63 = tpu.memref_slice %arg15[%dma_start3A_60, %dma_start3A_61, %dma_start3A_62] : memref<8x128x32xf32, #tpu.memory_space<vmem>> -> memref<1x128x32xf32, #tpu.memory_space<vmem>>
          %dma_start3A_64 = tpu.memref_squeeze %dma_start3A_63 : memref<1x128x32xf32, #tpu.memory_space<vmem>> -> memref<128x32xf32, #tpu.memory_space<vmem>>
          %dma_start3A_65 = arith.constant 0 : i32
          %dma_start3A_66 = tpu.memref_slice %arg13[%dma_start3A_59, %dma_start3A_65] : memref<8x128xi32, #tpu.memory_space<vmem>> -> memref<1x128xi32, #tpu.memory_space<vmem>>
          %dma_start3A_67 = tpu.memref_squeeze %dma_start3A_66 : memref<1x128xi32, #tpu.memory_space<vmem>> -> memref<128xi32, #tpu.memory_space<vmem>>
          %dma_start3A_68 = arith.constant 0 : i32
          %dma_start3A_69 = arith.constant 0 : i32
          %dma_start3A_70 = tpu.memref_slice %arg4[%dma_start3A_68, %dma_start3A_69] : memref<40960x32xf32, #tpu.memory_space<hbm>> -> memref<40960x32xf32, #tpu.memory_space<hbm>>
          tpu.enqueue_indirect_dma source(%dma_start3A_70 : memref<40960x32xf32, #tpu.memory_space<hbm>>) target(%dma_start3A_64 : memref<128x32xf32, #tpu.memory_space<vmem>>) offsets(%dma_start3A_67 : memref<128xi32, #tpu.memory_space<vmem>>) semaphore(%arg18 : memref<!tpu.dma_semaphore, #tpu.memory_space<semaphore_mem>>)
          %dma_start3A_71 = arith.constant 3 : i32
          %dma_start3A_72 = arith.constant 3 : i32
          %dma_start3A_73 = arith.constant 0 : i32
          %dma_start3A_74 = arith.constant 0 : i32
          %dma_start3A_75 = tpu.memref_slice %arg15[%dma_start3A_72, %dma_start3A_73, %dma_start3A_74] : memref<8x128x32xf32, #tpu.memory_space<vmem>> -> memref<1x128x32xf32, #tpu.memory_space<vmem>>
          %dma_start3A_76 = tpu.memref_squeeze %dma_start3A_75 : memref<1x128x32xf32, #tpu.memory_space<vmem>> -> memref<128x32xf32, #tpu.memory_space<vmem>>
          %dma_start3A_77 = arith.constant 0 : i32
          %dma_start3A_78 = tpu.memref_slice %arg13[%dma_start3A_71, %dma_start3A_77] : memref<8x128xi32, #tpu.memory_space<vmem>> -> memref<1x128xi32, #tpu.memory_space<vmem>>
          %dma_start3A_79 = tpu.memref_squeeze %dma_start3A_78 : memref<1x128xi32, #tpu.memory_space<vmem>> -> memref<128xi32, #tpu.memory_space<vmem>>
          %dma_start3A_80 = arith.constant 0 : i32
          %dma_start3A_81 = arith.constant 0 : i32
          %dma_start3A_82 = tpu.memref_slice %arg4[%dma_start3A_80, %dma_start3A_81] : memref<40960x32xf32, #tpu.memory_space<hbm>> -> memref<40960x32xf32, #tpu.memory_space<hbm>>
          tpu.enqueue_indirect_dma source(%dma_start3A_82 : memref<40960x32xf32, #tpu.memory_space<hbm>>) target(%dma_start3A_76 : memref<128x32xf32, #tpu.memory_space<vmem>>) offsets(%dma_start3A_79 : memref<128xi32, #tpu.memory_space<vmem>>) semaphore(%arg18 : memref<!tpu.dma_semaphore, #tpu.memory_space<semaphore_mem>>)
          %dma_start3A_83 = arith.constant 4 : i32
          %dma_start3A_84 = arith.constant 4 : i32
          %dma_start3A_85 = arith.constant 0 : i32
          %dma_start3A_86 = arith.constant 0 : i32
          %dma_start3A_87 = tpu.memref_slice %arg15[%dma_start3A_84, %dma_start3A_85, %dma_start3A_86] : memref<8x128x32xf32, #tpu.memory_space<vmem>> -> memref<1x128x32xf32, #tpu.memory_space<vmem>>
          %dma_start3A_88 = tpu.memref_squeeze %dma_start3A_87 : memref<1x128x32xf32, #tpu.memory_space<vmem>> -> memref<128x32xf32, #tpu.memory_space<vmem>>
          %dma_start3A_89 = arith.constant 0 : i32
          %dma_start3A_90 = tpu.memref_slice %arg13[%dma_start3A_83, %dma_start3A_89] : memref<8x128xi32, #tpu.memory_space<vmem>> -> memref<1x128xi32, #tpu.memory_space<vmem>>
          %dma_start3A_91 = tpu.memref_squeeze %dma_start3A_90 : memref<1x128xi32, #tpu.memory_space<vmem>> -> memref<128xi32, #tpu.memory_space<vmem>>
          %dma_start3A_92 = arith.constant 0 : i32
          %dma_start3A_93 = arith.constant 0 : i32
          %dma_start3A_94 = tpu.memref_slice %arg4[%dma_start3A_92, %dma_start3A_93] : memref<40960x32xf32, #tpu.memory_space<hbm>> -> memref<40960x32xf32, #tpu.memory_space<hbm>>
          tpu.enqueue_indirect_dma source(%dma_start3A_94 : memref<40960x32xf32, #tpu.memory_space<hbm>>) target(%dma_start3A_88 : memref<128x32xf32, #tpu.memory_space<vmem>>) offsets(%dma_start3A_91 : memref<128xi32, #tpu.memory_space<vmem>>) semaphore(%arg18 : memref<!tpu.dma_semaphore, #tpu.memory_space<semaphore_mem>>)
          %dma_start3A_95 = arith.constant 5 : i32
          %dma_start3A_96 = arith.constant 5 : i32
          %dma_start3A_97 = arith.constant 0 : i32
          %dma_start3A_98 = arith.constant 0 : i32
          %dma_start3A_99 = tpu.memref_slice %arg15[%dma_start3A_96, %dma_start3A_97, %dma_start3A_98] : memref<8x128x32xf32, #tpu.memory_space<vmem>> -> memref<1x128x32xf32, #tpu.memory_space<vmem>>
          %dma_start3A_100 = tpu.memref_squeeze %dma_start3A_99 : memref<1x128x32xf32, #tpu.memory_space<vmem>> -> memref<128x32xf32, #tpu.memory_space<vmem>>
          %dma_start3A_101 = arith.constant 0 : i32
          %dma_start3A_102 = tpu.memref_slice %arg13[%dma_start3A_95, %dma_start3A_101] : memref<8x128xi32, #tpu.memory_space<vmem>> -> memref<1x128xi32, #tpu.memory_space<vmem>>
          %dma_start3A_103 = tpu.memref_squeeze %dma_start3A_102 : memref<1x128xi32, #tpu.memory_space<vmem>> -> memref<128xi32, #tpu.memory_space<vmem>>
          %dma_start3A_104 = arith.constant 0 : i32
          %dma_start3A_105 = arith.constant 0 : i32
          %dma_start3A_106 = tpu.memref_slice %arg4[%dma_start3A_104, %dma_start3A_105] : memref<40960x32xf32, #tpu.memory_space<hbm>> -> memref<40960x32xf32, #tpu.memory_space<hbm>>
          tpu.enqueue_indirect_dma source(%dma_start3A_106 : memref<40960x32xf32, #tpu.memory_space<hbm>>) target(%dma_start3A_100 : memref<128x32xf32, #tpu.memory_space<vmem>>) offsets(%dma_start3A_103 : memref<128xi32, #tpu.memory_space<vmem>>) semaphore(%arg18 : memref<!tpu.dma_semaphore, #tpu.memory_space<semaphore_mem>>)
          %dma_start3A_107 = arith.constant 6 : i32
          %dma_start3A_108 = arith.constant 6 : i32
          %dma_start3A_109 = arith.constant 0 : i32
          %dma_start3A_110 = arith.constant 0 : i32
          %dma_start3A_111 = tpu.memref_slice %arg15[%dma_start3A_108, %dma_start3A_109, %dma_start3A_110] : memref<8x128x32xf32, #tpu.memory_space<vmem>> -> memref<1x128x32xf32, #tpu.memory_space<vmem>>
          %dma_start3A_112 = tpu.memref_squeeze %dma_start3A_111 : memref<1x128x32xf32, #tpu.memory_space<vmem>> -> memref<128x32xf32, #tpu.memory_space<vmem>>
          %dma_start3A_113 = arith.constant 0 : i32
          %dma_start3A_114 = tpu.memref_slice %arg13[%dma_start3A_107, %dma_start3A_113] : memref<8x128xi32, #tpu.memory_space<vmem>> -> memref<1x128xi32, #tpu.memory_space<vmem>>
          %dma_start3A_115 = tpu.memref_squeeze %dma_start3A_114 : memref<1x128xi32, #tpu.memory_space<vmem>> -> memref<128xi32, #tpu.memory_space<vmem>>
          %dma_start3A_116 = arith.constant 0 : i32
          %dma_start3A_117 = arith.constant 0 : i32
          %dma_start3A_118 = tpu.memref_slice %arg4[%dma_start3A_116, %dma_start3A_117] : memref<40960x32xf32, #tpu.memory_space<hbm>> -> memref<40960x32xf32, #tpu.memory_space<hbm>>
          tpu.enqueue_indirect_dma source(%dma_start3A_118 : memref<40960x32xf32, #tpu.memory_space<hbm>>) target(%dma_start3A_112 : memref<128x32xf32, #tpu.memory_space<vmem>>) offsets(%dma_start3A_115 : memref<128xi32, #tpu.memory_space<vmem>>) semaphore(%arg18 : memref<!tpu.dma_semaphore, #tpu.memory_space<semaphore_mem>>)
          %dma_start3A_119 = arith.constant 7 : i32
          %dma_start3A_120 = arith.constant 7 : i32
          %dma_start3A_121 = arith.constant 0 : i32
          %dma_start3A_122 = arith.constant 0 : i32
          %dma_start3A_123 = tpu.memref_slice %arg15[%dma_start3A_120, %dma_start3A_121, %dma_start3A_122] : memref<8x128x32xf32, #tpu.memory_space<vmem>> -> memref<1x128x32xf32, #tpu.memory_space<vmem>>
          %dma_start3A_124 = tpu.memref_squeeze %dma_start3A_123 : memref<1x128x32xf32, #tpu.memory_space<vmem>> -> memref<128x32xf32, #tpu.memory_space<vmem>>
          %dma_start3A_125 = arith.constant 0 : i32
          %dma_start3A_126 = tpu.memref_slice %arg13[%dma_start3A_119, %dma_start3A_125] : memref<8x128xi32, #tpu.memory_space<vmem>> -> memref<1x128xi32, #tpu.memory_space<vmem>>
          %dma_start3A_127 = tpu.memref_squeeze %dma_start3A_126 : memref<1x128xi32, #tpu.memory_space<vmem>> -> memref<128xi32, #tpu.memory_space<vmem>>
          %dma_start3A_128 = arith.constant 0 : i32
          %dma_start3A_129 = arith.constant 0 : i32
          %dma_start3A_130 = tpu.memref_slice %arg4[%dma_start3A_128, %dma_start3A_129] : memref<40960x32xf32, #tpu.memory_space<hbm>> -> memref<40960x32xf32, #tpu.memory_space<hbm>>
          tpu.enqueue_indirect_dma source(%dma_start3A_130 : memref<40960x32xf32, #tpu.memory_space<hbm>>) target(%dma_start3A_124 : memref<128x32xf32, #tpu.memory_space<vmem>>) offsets(%dma_start3A_127 : memref<128xi32, #tpu.memory_space<vmem>>) semaphore(%arg18 : memref<!tpu.dma_semaphore, #tpu.memory_space<semaphore_mem>>)
          %dma_wait3A = arith.constant 0 : i32
          %dma_wait3A_131 = arith.constant 0 : i32
          %dma_wait3A_132 = arith.constant 0 : i32
          %dma_wait3A_133 = arith.constant 0 : i32
          %dma_wait3A_134 = tpu.memref_slice %arg15[%dma_wait3A_131, %dma_wait3A_132, %dma_wait3A_133] : memref<8x128x32xf32, #tpu.memory_space<vmem>> -> memref<1x128x32xf32, #tpu.memory_space<vmem>>
          %dma_wait3A_135 = tpu.memref_squeeze %dma_wait3A_134 : memref<1x128x32xf32, #tpu.memory_space<vmem>> -> memref<128x32xf32, #tpu.memory_space<vmem>>
          %dma_wait3A_136 = arith.constant 0 : i32
          %dma_wait3A_137 = tpu.memref_slice %arg13[%dma_wait3A, %dma_wait3A_136] : memref<8x128xi32, #tpu.memory_space<vmem>> -> memref<1x128xi32, #tpu.memory_space<vmem>>
          %dma_wait3A_138 = tpu.memref_squeeze %dma_wait3A_137 : memref<1x128xi32, #tpu.memory_space<vmem>> -> memref<128xi32, #tpu.memory_space<vmem>>
          %dma_wait3A_139 = arith.constant 0 : i32
          %dma_wait3A_140 = arith.constant 0 : i32
          %dma_wait3A_141 = tpu.memref_slice %arg4[%dma_wait3A_139, %dma_wait3A_140] : memref<40960x32xf32, #tpu.memory_space<hbm>> -> memref<40960x32xf32, #tpu.memory_space<hbm>>
          tpu.wait_indirect_dma semaphore(%arg18 : memref<!tpu.dma_semaphore, #tpu.memory_space<semaphore_mem>>) src(%dma_wait3A_141 : memref<40960x32xf32, #tpu.memory_space<hbm>>) dst(%dma_wait3A_135 : memref<128x32xf32, #tpu.memory_space<vmem>>)
          %dma_wait3A_142 = arith.constant 1 : i32
          %dma_wait3A_143 = arith.constant 1 : i32
          %dma_wait3A_144 = arith.constant 0 : i32
          %dma_wait3A_145 = arith.constant 0 : i32
          %dma_wait3A_146 = tpu.memref_slice %arg15[%dma_wait3A_143, %dma_wait3A_144, %dma_wait3A_145] : memref<8x128x32xf32, #tpu.memory_space<vmem>> -> memref<1x128x32xf32, #tpu.memory_space<vmem>>
          %dma_wait3A_147 = tpu.memref_squeeze %dma_wait3A_146 : memref<1x128x32xf32, #tpu.memory_space<vmem>> -> memref<128x32xf32, #tpu.memory_space<vmem>>
          %dma_wait3A_148 = arith.constant 0 : i32
          %dma_wait3A_149 = tpu.memref_slice %arg13[%dma_wait3A_142, %dma_wait3A_148] : memref<8x128xi32, #tpu.memory_space<vmem>> -> memref<1x128xi32, #tpu.memory_space<vmem>>
          %dma_wait3A_150 = tpu.memref_squeeze %dma_wait3A_149 : memref<1x128xi32, #tpu.memory_space<vmem>> -> memref<128xi32, #tpu.memory_space<vmem>>
          %dma_wait3A_151 = arith.constant 0 : i32
          %dma_wait3A_152 = arith.constant 0 : i32
          %dma_wait3A_153 = tpu.memref_slice %arg4[%dma_wait3A_151, %dma_wait3A_152] : memref<40960x32xf32, #tpu.memory_space<hbm>> -> memref<40960x32xf32, #tpu.memory_space<hbm>>
          tpu.wait_indirect_dma semaphore(%arg18 : memref<!tpu.dma_semaphore, #tpu.memory_space<semaphore_mem>>) src(%dma_wait3A_153 : memref<40960x32xf32, #tpu.memory_space<hbm>>) dst(%dma_wait3A_147 : memref<128x32xf32, #tpu.memory_space<vmem>>)
          %dma_wait3A_154 = arith.constant 2 : i32
          %dma_wait3A_155 = arith.constant 2 : i32
          %dma_wait3A_156 = arith.constant 0 : i32
          %dma_wait3A_157 = arith.constant 0 : i32
          %dma_wait3A_158 = tpu.memref_slice %arg15[%dma_wait3A_155, %dma_wait3A_156, %dma_wait3A_157] : memref<8x128x32xf32, #tpu.memory_space<vmem>> -> memref<1x128x32xf32, #tpu.memory_space<vmem>>
          %dma_wait3A_159 = tpu.memref_squeeze %dma_wait3A_158 : memref<1x128x32xf32, #tpu.memory_space<vmem>> -> memref<128x32xf32, #tpu.memory_space<vmem>>
          %dma_wait3A_160 = arith.constant 0 : i32
          %dma_wait3A_161 = tpu.memref_slice %arg13[%dma_wait3A_154, %dma_wait3A_160] : memref<8x128xi32, #tpu.memory_space<vmem>> -> memref<1x128xi32, #tpu.memory_space<vmem>>
          %dma_wait3A_162 = tpu.memref_squeeze %dma_wait3A_161 : memref<1x128xi32, #tpu.memory_space<vmem>> -> memref<128xi32, #tpu.memory_space<vmem>>
          %dma_wait3A_163 = arith.constant 0 : i32
          %dma_wait3A_164 = arith.constant 0 : i32
          %dma_wait3A_165 = tpu.memref_slice %arg4[%dma_wait3A_163, %dma_wait3A_164] : memref<40960x32xf32, #tpu.memory_space<hbm>> -> memref<40960x32xf32, #tpu.memory_space<hbm>>
          tpu.wait_indirect_dma semaphore(%arg18 : memref<!tpu.dma_semaphore, #tpu.memory_space<semaphore_mem>>) src(%dma_wait3A_165 : memref<40960x32xf32, #tpu.memory_space<hbm>>) dst(%dma_wait3A_159 : memref<128x32xf32, #tpu.memory_space<vmem>>)
          %dma_wait3A_166 = arith.constant 3 : i32
          %dma_wait3A_167 = arith.constant 3 : i32
          %dma_wait3A_168 = arith.constant 0 : i32
          %dma_wait3A_169 = arith.constant 0 : i32
          %dma_wait3A_170 = tpu.memref_slice %arg15[%dma_wait3A_167, %dma_wait3A_168, %dma_wait3A_169] : memref<8x128x32xf32, #tpu.memory_space<vmem>> -> memref<1x128x32xf32, #tpu.memory_space<vmem>>
          %dma_wait3A_171 = tpu.memref_squeeze %dma_wait3A_170 : memref<1x128x32xf32, #tpu.memory_space<vmem>> -> memref<128x32xf32, #tpu.memory_space<vmem>>
          %dma_wait3A_172 = arith.constant 0 : i32
          %dma_wait3A_173 = tpu.memref_slice %arg13[%dma_wait3A_166, %dma_wait3A_172] : memref<8x128xi32, #tpu.memory_space<vmem>> -> memref<1x128xi32, #tpu.memory_space<vmem>>
          %dma_wait3A_174 = tpu.memref_squeeze %dma_wait3A_173 : memref<1x128xi32, #tpu.memory_space<vmem>> -> memref<128xi32, #tpu.memory_space<vmem>>
          %dma_wait3A_175 = arith.constant 0 : i32
          %dma_wait3A_176 = arith.constant 0 : i32
          %dma_wait3A_177 = tpu.memref_slice %arg4[%dma_wait3A_175, %dma_wait3A_176] : memref<40960x32xf32, #tpu.memory_space<hbm>> -> memref<40960x32xf32, #tpu.memory_space<hbm>>
          tpu.wait_indirect_dma semaphore(%arg18 : memref<!tpu.dma_semaphore, #tpu.memory_space<semaphore_mem>>) src(%dma_wait3A_177 : memref<40960x32xf32, #tpu.memory_space<hbm>>) dst(%dma_wait3A_171 : memref<128x32xf32, #tpu.memory_space<vmem>>)
          %dma_wait3A_178 = arith.constant 4 : i32
          %dma_wait3A_179 = arith.constant 4 : i32
          %dma_wait3A_180 = arith.constant 0 : i32
          %dma_wait3A_181 = arith.constant 0 : i32
          %dma_wait3A_182 = tpu.memref_slice %arg15[%dma_wait3A_179, %dma_wait3A_180, %dma_wait3A_181] : memref<8x128x32xf32, #tpu.memory_space<vmem>> -> memref<1x128x32xf32, #tpu.memory_space<vmem>>
          %dma_wait3A_183 = tpu.memref_squeeze %dma_wait3A_182 : memref<1x128x32xf32, #tpu.memory_space<vmem>> -> memref<128x32xf32, #tpu.memory_space<vmem>>
          %dma_wait3A_184 = arith.constant 0 : i32
          %dma_wait3A_185 = tpu.memref_slice %arg13[%dma_wait3A_178, %dma_wait3A_184] : memref<8x128xi32, #tpu.memory_space<vmem>> -> memref<1x128xi32, #tpu.memory_space<vmem>>
          %dma_wait3A_186 = tpu.memref_squeeze %dma_wait3A_185 : memref<1x128xi32, #tpu.memory_space<vmem>> -> memref<128xi32, #tpu.memory_space<vmem>>
          %dma_wait3A_187 = arith.constant 0 : i32
          %dma_wait3A_188 = arith.constant 0 : i32
          %dma_wait3A_189 = tpu.memref_slice %arg4[%dma_wait3A_187, %dma_wait3A_188] : memref<40960x32xf32, #tpu.memory_space<hbm>> -> memref<40960x32xf32, #tpu.memory_space<hbm>>
          tpu.wait_indirect_dma semaphore(%arg18 : memref<!tpu.dma_semaphore, #tpu.memory_space<semaphore_mem>>) src(%dma_wait3A_189 : memref<40960x32xf32, #tpu.memory_space<hbm>>) dst(%dma_wait3A_183 : memref<128x32xf32, #tpu.memory_space<vmem>>)
          %dma_wait3A_190 = arith.constant 5 : i32
          %dma_wait3A_191 = arith.constant 5 : i32
          %dma_wait3A_192 = arith.constant 0 : i32
          %dma_wait3A_193 = arith.constant 0 : i32
          %dma_wait3A_194 = tpu.memref_slice %arg15[%dma_wait3A_191, %dma_wait3A_192, %dma_wait3A_193] : memref<8x128x32xf32, #tpu.memory_space<vmem>> -> memref<1x128x32xf32, #tpu.memory_space<vmem>>
          %dma_wait3A_195 = tpu.memref_squeeze %dma_wait3A_194 : memref<1x128x32xf32, #tpu.memory_space<vmem>> -> memref<128x32xf32, #tpu.memory_space<vmem>>
          %dma_wait3A_196 = arith.constant 0 : i32
          %dma_wait3A_197 = tpu.memref_slice %arg13[%dma_wait3A_190, %dma_wait3A_196] : memref<8x128xi32, #tpu.memory_space<vmem>> -> memref<1x128xi32, #tpu.memory_space<vmem>>
          %dma_wait3A_198 = tpu.memref_squeeze %dma_wait3A_197 : memref<1x128xi32, #tpu.memory_space<vmem>> -> memref<128xi32, #tpu.memory_space<vmem>>
          %dma_wait3A_199 = arith.constant 0 : i32
          %dma_wait3A_200 = arith.constant 0 : i32
          %dma_wait3A_201 = tpu.memref_slice %arg4[%dma_wait3A_199, %dma_wait3A_200] : memref<40960x32xf32, #tpu.memory_space<hbm>> -> memref<40960x32xf32, #tpu.memory_space<hbm>>
          tpu.wait_indirect_dma semaphore(%arg18 : memref<!tpu.dma_semaphore, #tpu.memory_space<semaphore_mem>>) src(%dma_wait3A_201 : memref<40960x32xf32, #tpu.memory_space<hbm>>) dst(%dma_wait3A_195 : memref<128x32xf32, #tpu.memory_space<vmem>>)
          %dma_wait3A_202 = arith.constant 6 : i32
          %dma_wait3A_203 = arith.constant 6 : i32
          %dma_wait3A_204 = arith.constant 0 : i32
          %dma_wait3A_205 = arith.constant 0 : i32
          %dma_wait3A_206 = tpu.memref_slice %arg15[%dma_wait3A_203, %dma_wait3A_204, %dma_wait3A_205] : memref<8x128x32xf32, #tpu.memory_space<vmem>> -> memref<1x128x32xf32, #tpu.memory_space<vmem>>
          %dma_wait3A_207 = tpu.memref_squeeze %dma_wait3A_206 : memref<1x128x32xf32, #tpu.memory_space<vmem>> -> memref<128x32xf32, #tpu.memory_space<vmem>>
          %dma_wait3A_208 = arith.constant 0 : i32
          %dma_wait3A_209 = tpu.memref_slice %arg13[%dma_wait3A_202, %dma_wait3A_208] : memref<8x128xi32, #tpu.memory_space<vmem>> -> memref<1x128xi32, #tpu.memory_space<vmem>>
          %dma_wait3A_210 = tpu.memref_squeeze %dma_wait3A_209 : memref<1x128xi32, #tpu.memory_space<vmem>> -> memref<128xi32, #tpu.memory_space<vmem>>
          %dma_wait3A_211 = arith.constant 0 : i32
          %dma_wait3A_212 = arith.constant 0 : i32
          %dma_wait3A_213 = tpu.memref_slice %arg4[%dma_wait3A_211, %dma_wait3A_212] : memref<40960x32xf32, #tpu.memory_space<hbm>> -> memref<40960x32xf32, #tpu.memory_space<hbm>>
          tpu.wait_indirect_dma semaphore(%arg18 : memref<!tpu.dma_semaphore, #tpu.memory_space<semaphore_mem>>) src(%dma_wait3A_213 : memref<40960x32xf32, #tpu.memory_space<hbm>>) dst(%dma_wait3A_207 : memref<128x32xf32, #tpu.memory_space<vmem>>)
          %dma_wait3A_214 = arith.constant 7 : i32
          %dma_wait3A_215 = arith.constant 7 : i32
          %dma_wait3A_216 = arith.constant 0 : i32
          %dma_wait3A_217 = arith.constant 0 : i32
          %dma_wait3A_218 = tpu.memref_slice %arg15[%dma_wait3A_215, %dma_wait3A_216, %dma_wait3A_217] : memref<8x128x32xf32, #tpu.memory_space<vmem>> -> memref<1x128x32xf32, #tpu.memory_space<vmem>>
          %dma_wait3A_219 = tpu.memref_squeeze %dma_wait3A_218 : memref<1x128x32xf32, #tpu.memory_space<vmem>> -> memref<128x32xf32, #tpu.memory_space<vmem>>
          %dma_wait3A_220 = arith.constant 0 : i32
          %dma_wait3A_221 = tpu.memref_slice %arg13[%dma_wait3A_214, %dma_wait3A_220] : memref<8x128xi32, #tpu.memory_space<vmem>> -> memref<1x128xi32, #tpu.memory_space<vmem>>
          %dma_wait3A_222 = tpu.memref_squeeze %dma_wait3A_221 : memref<1x128xi32, #tpu.memory_space<vmem>> -> memref<128xi32, #tpu.memory_space<vmem>>
          %dma_wait3A_223 = arith.constant 0 : i32
          %dma_wait3A_224 = arith.constant 0 : i32
          %dma_wait3A_225 = tpu.memref_slice %arg4[%dma_wait3A_223, %dma_wait3A_224] : memref<40960x32xf32, #tpu.memory_space<hbm>> -> memref<40960x32xf32, #tpu.memory_space<hbm>>
          tpu.wait_indirect_dma semaphore(%arg18 : memref<!tpu.dma_semaphore, #tpu.memory_space<semaphore_mem>>) src(%dma_wait3A_225 : memref<40960x32xf32, #tpu.memory_space<hbm>>) dst(%dma_wait3A_219 : memref<128x32xf32, #tpu.memory_space<vmem>>)
          %run_scoped3A = arith.constant 0 : i32
          %run_scoped3A_226 = arith.constant 0 : i32
          "tpu.region"() ({
            %run_scoped3A_241 = tpu.sem_alloc : memref<!tpu.dma_semaphore, #tpu.memory_space<semaphore_mem>>
            %dma_start3A_242 = arith.constant 0 : i32
            %dma_start3A_243 = arith.constant 0 : i32
            %dma_start3A_244 = tpu.memref_slice %arg15[%run_scoped3A, %dma_start3A_242, %dma_start3A_243] : memref<8x128x32xf32, #tpu.memory_space<vmem>> -> memref<1x128x32xf32, #tpu.memory_space<vmem>>
            %dma_start3A_245 = tpu.memref_squeeze %dma_start3A_244 : memref<1x128x32xf32, #tpu.memory_space<vmem>> -> memref<128x32xf32, #tpu.memory_space<vmem>>
            %dma_start3A_246 = arith.constant 0 : i32
            %dma_start3A_247 = tpu.memref_slice %arg14[%run_scoped3A_226, %dma_start3A_246] : memref<8x128xi32, #tpu.memory_space<vmem>> -> memref<1x128xi32, #tpu.memory_space<vmem>>
            %dma_start3A_248 = tpu.memref_squeeze %dma_start3A_247 : memref<1x128xi32, #tpu.memory_space<vmem>> -> memref<128xi32, #tpu.memory_space<vmem>>
            %dma_start3A_249 = arith.constant 0 : i32
            %dma_start3A_250 = arith.constant 0 : i32
            %dma_start3A_251 = tpu.memref_slice %arg17[%dma_start3A_249, %dma_start3A_250] : memref<40960x32xf32, #tpu.memory_space<vmem_shared>> -> memref<40960x32xf32, #tpu.memory_space<vmem_shared>>
            tpu.enqueue_indirect_dma source(%dma_start3A_245 : memref<128x32xf32, #tpu.memory_space<vmem>>) target(%dma_start3A_251 : memref<40960x32xf32, #tpu.memory_space<vmem_shared>>) offsets(%dma_start3A_248 : memref<128xi32, #tpu.memory_space<vmem>>) semaphore(%run_scoped3A_241 : memref<!tpu.dma_semaphore, #tpu.memory_space<semaphore_mem>>) {add = true}
            %dma_wait3A_252 = arith.constant 0 : i32
            %dma_wait3A_253 = arith.constant 0 : i32
            %dma_wait3A_254 = tpu.memref_slice %arg15[%run_scoped3A, %dma_wait3A_252, %dma_wait3A_253] : memref<8x128x32xf32, #tpu.memory_space<vmem>> -> memref<1x128x32xf32, #tpu.memory_space<vmem>>
            %dma_wait3A_255 = tpu.memref_squeeze %dma_wait3A_254 : memref<1x128x32xf32, #tpu.memory_space<vmem>> -> memref<128x32xf32, #tpu.memory_space<vmem>>
            %dma_wait3A_256 = arith.constant 0 : i32
            %dma_wait3A_257 = tpu.memref_slice %arg14[%run_scoped3A_226, %dma_wait3A_256] : memref<8x128xi32, #tpu.memory_space<vmem>> -> memref<1x128xi32, #tpu.memory_space<vmem>>
            %dma_wait3A_258 = tpu.memref_squeeze %dma_wait3A_257 : memref<1x128xi32, #tpu.memory_space<vmem>> -> memref<128xi32, #tpu.memory_space<vmem>>
            %dma_wait3A_259 = arith.constant 0 : i32
            %dma_wait3A_260 = arith.constant 0 : i32
            %dma_wait3A_261 = tpu.memref_slice %arg17[%dma_wait3A_259, %dma_wait3A_260] : memref<40960x32xf32, #tpu.memory_space<vmem_shared>> -> memref<40960x32xf32, #tpu.memory_space<vmem_shared>>
            tpu.wait_indirect_dma semaphore(%run_scoped3A_241 : memref<!tpu.dma_semaphore, #tpu.memory_space<semaphore_mem>>) src(%dma_wait3A_255 : memref<128x32xf32, #tpu.memory_space<vmem>>) dst(%dma_wait3A_261 : memref<40960x32xf32, #tpu.memory_space<vmem_shared>>)
            tpu.yield
          }) : () -> ()
          %run_scoped3A_227 = arith.constant 1 : i32
          %run_scoped3A_228 = arith.constant 1 : i32
          "tpu.region"() ({
            %run_scoped3A_241 = tpu.sem_alloc : memref<!tpu.dma_semaphore, #tpu.memory_space<semaphore_mem>>
            %dma_start3A_242 = arith.constant 0 : i32
            %dma_start3A_243 = arith.constant 0 : i32
            %dma_start3A_244 = tpu.memref_slice %arg15[%run_scoped3A_227, %dma_start3A_242, %dma_start3A_243] : memref<8x128x32xf32, #tpu.memory_space<vmem>> -> memref<1x128x32xf32, #tpu.memory_space<vmem>>
            %dma_start3A_245 = tpu.memref_squeeze %dma_start3A_244 : memref<1x128x32xf32, #tpu.memory_space<vmem>> -> memref<128x32xf32, #tpu.memory_space<vmem>>
            %dma_start3A_246 = arith.constant 0 : i32
            %dma_start3A_247 = tpu.memref_slice %arg14[%run_scoped3A_228, %dma_start3A_246] : memref<8x128xi32, #tpu.memory_space<vmem>> -> memref<1x128xi32, #tpu.memory_space<vmem>>
            %dma_start3A_248 = tpu.memref_squeeze %dma_start3A_247 : memref<1x128xi32, #tpu.memory_space<vmem>> -> memref<128xi32, #tpu.memory_space<vmem>>
            %dma_start3A_249 = arith.constant 0 : i32
            %dma_start3A_250 = arith.constant 0 : i32
            %dma_start3A_251 = tpu.memref_slice %arg17[%dma_start3A_249, %dma_start3A_250] : memref<40960x32xf32, #tpu.memory_space<vmem_shared>> -> memref<40960x32xf32, #tpu.memory_space<vmem_shared>>
            tpu.enqueue_indirect_dma source(%dma_start3A_245 : memref<128x32xf32, #tpu.memory_space<vmem>>) target(%dma_start3A_251 : memref<40960x32xf32, #tpu.memory_space<vmem_shared>>) offsets(%dma_start3A_248 : memref<128xi32, #tpu.memory_space<vmem>>) semaphore(%run_scoped3A_241 : memref<!tpu.dma_semaphore, #tpu.memory_space<semaphore_mem>>) {add = true}
            %dma_wait3A_252 = arith.constant 0 : i32
            %dma_wait3A_253 = arith.constant 0 : i32
            %dma_wait3A_254 = tpu.memref_slice %arg15[%run_scoped3A_227, %dma_wait3A_252, %dma_wait3A_253] : memref<8x128x32xf32, #tpu.memory_space<vmem>> -> memref<1x128x32xf32, #tpu.memory_space<vmem>>
            %dma_wait3A_255 = tpu.memref_squeeze %dma_wait3A_254 : memref<1x128x32xf32, #tpu.memory_space<vmem>> -> memref<128x32xf32, #tpu.memory_space<vmem>>
            %dma_wait3A_256 = arith.constant 0 : i32
            %dma_wait3A_257 = tpu.memref_slice %arg14[%run_scoped3A_228, %dma_wait3A_256] : memref<8x128xi32, #tpu.memory_space<vmem>> -> memref<1x128xi32, #tpu.memory_space<vmem>>
            %dma_wait3A_258 = tpu.memref_squeeze %dma_wait3A_257 : memref<1x128xi32, #tpu.memory_space<vmem>> -> memref<128xi32, #tpu.memory_space<vmem>>
            %dma_wait3A_259 = arith.constant 0 : i32
            %dma_wait3A_260 = arith.constant 0 : i32
            %dma_wait3A_261 = tpu.memref_slice %arg17[%dma_wait3A_259, %dma_wait3A_260] : memref<40960x32xf32, #tpu.memory_space<vmem_shared>> -> memref<40960x32xf32, #tpu.memory_space<vmem_shared>>
            tpu.wait_indirect_dma semaphore(%run_scoped3A_241 : memref<!tpu.dma_semaphore, #tpu.memory_space<semaphore_mem>>) src(%dma_wait3A_255 : memref<128x32xf32, #tpu.memory_space<vmem>>) dst(%dma_wait3A_261 : memref<40960x32xf32, #tpu.memory_space<vmem_shared>>)
            tpu.yield
          }) : () -> ()
          %run_scoped3A_229 = arith.constant 2 : i32
          %run_scoped3A_230 = arith.constant 2 : i32
          "tpu.region"() ({
            %run_scoped3A_241 = tpu.sem_alloc : memref<!tpu.dma_semaphore, #tpu.memory_space<semaphore_mem>>
            %dma_start3A_242 = arith.constant 0 : i32
            %dma_start3A_243 = arith.constant 0 : i32
            %dma_start3A_244 = tpu.memref_slice %arg15[%run_scoped3A_229, %dma_start3A_242, %dma_start3A_243] : memref<8x128x32xf32, #tpu.memory_space<vmem>> -> memref<1x128x32xf32, #tpu.memory_space<vmem>>
            %dma_start3A_245 = tpu.memref_squeeze %dma_start3A_244 : memref<1x128x32xf32, #tpu.memory_space<vmem>> -> memref<128x32xf32, #tpu.memory_space<vmem>>
            %dma_start3A_246 = arith.constant 0 : i32
            %dma_start3A_247 = tpu.memref_slice %arg14[%run_scoped3A_230, %dma_start3A_246] : memref<8x128xi32, #tpu.memory_space<vmem>> -> memref<1x128xi32, #tpu.memory_space<vmem>>
            %dma_start3A_248 = tpu.memref_squeeze %dma_start3A_247 : memref<1x128xi32, #tpu.memory_space<vmem>> -> memref<128xi32, #tpu.memory_space<vmem>>
            %dma_start3A_249 = arith.constant 0 : i32
            %dma_start3A_250 = arith.constant 0 : i32
            %dma_start3A_251 = tpu.memref_slice %arg17[%dma_start3A_249, %dma_start3A_250] : memref<40960x32xf32, #tpu.memory_space<vmem_shared>> -> memref<40960x32xf32, #tpu.memory_space<vmem_shared>>
            tpu.enqueue_indirect_dma source(%dma_start3A_245 : memref<128x32xf32, #tpu.memory_space<vmem>>) target(%dma_start3A_251 : memref<40960x32xf32, #tpu.memory_space<vmem_shared>>) offsets(%dma_start3A_248 : memref<128xi32, #tpu.memory_space<vmem>>) semaphore(%run_scoped3A_241 : memref<!tpu.dma_semaphore, #tpu.memory_space<semaphore_mem>>) {add = true}
            %dma_wait3A_252 = arith.constant 0 : i32
            %dma_wait3A_253 = arith.constant 0 : i32
            %dma_wait3A_254 = tpu.memref_slice %arg15[%run_scoped3A_229, %dma_wait3A_252, %dma_wait3A_253] : memref<8x128x32xf32, #tpu.memory_space<vmem>> -> memref<1x128x32xf32, #tpu.memory_space<vmem>>
            %dma_wait3A_255 = tpu.memref_squeeze %dma_wait3A_254 : memref<1x128x32xf32, #tpu.memory_space<vmem>> -> memref<128x32xf32, #tpu.memory_space<vmem>>
            %dma_wait3A_256 = arith.constant 0 : i32
            %dma_wait3A_257 = tpu.memref_slice %arg14[%run_scoped3A_230, %dma_wait3A_256] : memref<8x128xi32, #tpu.memory_space<vmem>> -> memref<1x128xi32, #tpu.memory_space<vmem>>
            %dma_wait3A_258 = tpu.memref_squeeze %dma_wait3A_257 : memref<1x128xi32, #tpu.memory_space<vmem>> -> memref<128xi32, #tpu.memory_space<vmem>>
            %dma_wait3A_259 = arith.constant 0 : i32
            %dma_wait3A_260 = arith.constant 0 : i32
            %dma_wait3A_261 = tpu.memref_slice %arg17[%dma_wait3A_259, %dma_wait3A_260] : memref<40960x32xf32, #tpu.memory_space<vmem_shared>> -> memref<40960x32xf32, #tpu.memory_space<vmem_shared>>
            tpu.wait_indirect_dma semaphore(%run_scoped3A_241 : memref<!tpu.dma_semaphore, #tpu.memory_space<semaphore_mem>>) src(%dma_wait3A_255 : memref<128x32xf32, #tpu.memory_space<vmem>>) dst(%dma_wait3A_261 : memref<40960x32xf32, #tpu.memory_space<vmem_shared>>)
            tpu.yield
          }) : () -> ()
          %run_scoped3A_231 = arith.constant 3 : i32
          %run_scoped3A_232 = arith.constant 3 : i32
          "tpu.region"() ({
            %run_scoped3A_241 = tpu.sem_alloc : memref<!tpu.dma_semaphore, #tpu.memory_space<semaphore_mem>>
            %dma_start3A_242 = arith.constant 0 : i32
            %dma_start3A_243 = arith.constant 0 : i32
            %dma_start3A_244 = tpu.memref_slice %arg15[%run_scoped3A_231, %dma_start3A_242, %dma_start3A_243] : memref<8x128x32xf32, #tpu.memory_space<vmem>> -> memref<1x128x32xf32, #tpu.memory_space<vmem>>
            %dma_start3A_245 = tpu.memref_squeeze %dma_start3A_244 : memref<1x128x32xf32, #tpu.memory_space<vmem>> -> memref<128x32xf32, #tpu.memory_space<vmem>>
            %dma_start3A_246 = arith.constant 0 : i32
            %dma_start3A_247 = tpu.memref_slice %arg14[%run_scoped3A_232, %dma_start3A_246] : memref<8x128xi32, #tpu.memory_space<vmem>> -> memref<1x128xi32, #tpu.memory_space<vmem>>
            %dma_start3A_248 = tpu.memref_squeeze %dma_start3A_247 : memref<1x128xi32, #tpu.memory_space<vmem>> -> memref<128xi32, #tpu.memory_space<vmem>>
            %dma_start3A_249 = arith.constant 0 : i32
            %dma_start3A_250 = arith.constant 0 : i32
            %dma_start3A_251 = tpu.memref_slice %arg17[%dma_start3A_249, %dma_start3A_250] : memref<40960x32xf32, #tpu.memory_space<vmem_shared>> -> memref<40960x32xf32, #tpu.memory_space<vmem_shared>>
            tpu.enqueue_indirect_dma source(%dma_start3A_245 : memref<128x32xf32, #tpu.memory_space<vmem>>) target(%dma_start3A_251 : memref<40960x32xf32, #tpu.memory_space<vmem_shared>>) offsets(%dma_start3A_248 : memref<128xi32, #tpu.memory_space<vmem>>) semaphore(%run_scoped3A_241 : memref<!tpu.dma_semaphore, #tpu.memory_space<semaphore_mem>>) {add = true}
            %dma_wait3A_252 = arith.constant 0 : i32
            %dma_wait3A_253 = arith.constant 0 : i32
            %dma_wait3A_254 = tpu.memref_slice %arg15[%run_scoped3A_231, %dma_wait3A_252, %dma_wait3A_253] : memref<8x128x32xf32, #tpu.memory_space<vmem>> -> memref<1x128x32xf32, #tpu.memory_space<vmem>>
            %dma_wait3A_255 = tpu.memref_squeeze %dma_wait3A_254 : memref<1x128x32xf32, #tpu.memory_space<vmem>> -> memref<128x32xf32, #tpu.memory_space<vmem>>
            %dma_wait3A_256 = arith.constant 0 : i32
            %dma_wait3A_257 = tpu.memref_slice %arg14[%run_scoped3A_232, %dma_wait3A_256] : memref<8x128xi32, #tpu.memory_space<vmem>> -> memref<1x128xi32, #tpu.memory_space<vmem>>
            %dma_wait3A_258 = tpu.memref_squeeze %dma_wait3A_257 : memref<1x128xi32, #tpu.memory_space<vmem>> -> memref<128xi32, #tpu.memory_space<vmem>>
            %dma_wait3A_259 = arith.constant 0 : i32
            %dma_wait3A_260 = arith.constant 0 : i32
            %dma_wait3A_261 = tpu.memref_slice %arg17[%dma_wait3A_259, %dma_wait3A_260] : memref<40960x32xf32, #tpu.memory_space<vmem_shared>> -> memref<40960x32xf32, #tpu.memory_space<vmem_shared>>
            tpu.wait_indirect_dma semaphore(%run_scoped3A_241 : memref<!tpu.dma_semaphore, #tpu.memory_space<semaphore_mem>>) src(%dma_wait3A_255 : memref<128x32xf32, #tpu.memory_space<vmem>>) dst(%dma_wait3A_261 : memref<40960x32xf32, #tpu.memory_space<vmem_shared>>)
            tpu.yield
          }) : () -> ()
          %run_scoped3A_233 = arith.constant 4 : i32
          %run_scoped3A_234 = arith.constant 4 : i32
          "tpu.region"() ({
            %run_scoped3A_241 = tpu.sem_alloc : memref<!tpu.dma_semaphore, #tpu.memory_space<semaphore_mem>>
            %dma_start3A_242 = arith.constant 0 : i32
            %dma_start3A_243 = arith.constant 0 : i32
            %dma_start3A_244 = tpu.memref_slice %arg15[%run_scoped3A_233, %dma_start3A_242, %dma_start3A_243] : memref<8x128x32xf32, #tpu.memory_space<vmem>> -> memref<1x128x32xf32, #tpu.memory_space<vmem>>
            %dma_start3A_245 = tpu.memref_squeeze %dma_start3A_244 : memref<1x128x32xf32, #tpu.memory_space<vmem>> -> memref<128x32xf32, #tpu.memory_space<vmem>>
            %dma_start3A_246 = arith.constant 0 : i32
            %dma_start3A_247 = tpu.memref_slice %arg14[%run_scoped3A_234, %dma_start3A_246] : memref<8x128xi32, #tpu.memory_space<vmem>> -> memref<1x128xi32, #tpu.memory_space<vmem>>
            %dma_start3A_248 = tpu.memref_squeeze %dma_start3A_247 : memref<1x128xi32, #tpu.memory_space<vmem>> -> memref<128xi32, #tpu.memory_space<vmem>>
            %dma_start3A_249 = arith.constant 0 : i32
            %dma_start3A_250 = arith.constant 0 : i32
            %dma_start3A_251 = tpu.memref_slice %arg17[%dma_start3A_249, %dma_start3A_250] : memref<40960x32xf32, #tpu.memory_space<vmem_shared>> -> memref<40960x32xf32, #tpu.memory_space<vmem_shared>>
            tpu.enqueue_indirect_dma source(%dma_start3A_245 : memref<128x32xf32, #tpu.memory_space<vmem>>) target(%dma_start3A_251 : memref<40960x32xf32, #tpu.memory_space<vmem_shared>>) offsets(%dma_start3A_248 : memref<128xi32, #tpu.memory_space<vmem>>) semaphore(%run_scoped3A_241 : memref<!tpu.dma_semaphore, #tpu.memory_space<semaphore_mem>>) {add = true}
            %dma_wait3A_252 = arith.constant 0 : i32
            %dma_wait3A_253 = arith.constant 0 : i32
            %dma_wait3A_254 = tpu.memref_slice %arg15[%run_scoped3A_233, %dma_wait3A_252, %dma_wait3A_253] : memref<8x128x32xf32, #tpu.memory_space<vmem>> -> memref<1x128x32xf32, #tpu.memory_space<vmem>>
            %dma_wait3A_255 = tpu.memref_squeeze %dma_wait3A_254 : memref<1x128x32xf32, #tpu.memory_space<vmem>> -> memref<128x32xf32, #tpu.memory_space<vmem>>
            %dma_wait3A_256 = arith.constant 0 : i32
            %dma_wait3A_257 = tpu.memref_slice %arg14[%run_scoped3A_234, %dma_wait3A_256] : memref<8x128xi32, #tpu.memory_space<vmem>> -> memref<1x128xi32, #tpu.memory_space<vmem>>
            %dma_wait3A_258 = tpu.memref_squeeze %dma_wait3A_257 : memref<1x128xi32, #tpu.memory_space<vmem>> -> memref<128xi32, #tpu.memory_space<vmem>>
            %dma_wait3A_259 = arith.constant 0 : i32
            %dma_wait3A_260 = arith.constant 0 : i32
            %dma_wait3A_261 = tpu.memref_slice %arg17[%dma_wait3A_259, %dma_wait3A_260] : memref<40960x32xf32, #tpu.memory_space<vmem_shared>> -> memref<40960x32xf32, #tpu.memory_space<vmem_shared>>
            tpu.wait_indirect_dma semaphore(%run_scoped3A_241 : memref<!tpu.dma_semaphore, #tpu.memory_space<semaphore_mem>>) src(%dma_wait3A_255 : memref<128x32xf32, #tpu.memory_space<vmem>>) dst(%dma_wait3A_261 : memref<40960x32xf32, #tpu.memory_space<vmem_shared>>)
            tpu.yield
          }) : () -> ()
          %run_scoped3A_235 = arith.constant 5 : i32
          %run_scoped3A_236 = arith.constant 5 : i32
          "tpu.region"() ({
            %run_scoped3A_241 = tpu.sem_alloc : memref<!tpu.dma_semaphore, #tpu.memory_space<semaphore_mem>>
            %dma_start3A_242 = arith.constant 0 : i32
            %dma_start3A_243 = arith.constant 0 : i32
            %dma_start3A_244 = tpu.memref_slice %arg15[%run_scoped3A_235, %dma_start3A_242, %dma_start3A_243] : memref<8x128x32xf32, #tpu.memory_space<vmem>> -> memref<1x128x32xf32, #tpu.memory_space<vmem>>
            %dma_start3A_245 = tpu.memref_squeeze %dma_start3A_244 : memref<1x128x32xf32, #tpu.memory_space<vmem>> -> memref<128x32xf32, #tpu.memory_space<vmem>>
            %dma_start3A_246 = arith.constant 0 : i32
            %dma_start3A_247 = tpu.memref_slice %arg14[%run_scoped3A_236, %dma_start3A_246] : memref<8x128xi32, #tpu.memory_space<vmem>> -> memref<1x128xi32, #tpu.memory_space<vmem>>
            %dma_start3A_248 = tpu.memref_squeeze %dma_start3A_247 : memref<1x128xi32, #tpu.memory_space<vmem>> -> memref<128xi32, #tpu.memory_space<vmem>>
            %dma_start3A_249 = arith.constant 0 : i32
            %dma_start3A_250 = arith.constant 0 : i32
            %dma_start3A_251 = tpu.memref_slice %arg17[%dma_start3A_249, %dma_start3A_250] : memref<40960x32xf32, #tpu.memory_space<vmem_shared>> -> memref<40960x32xf32, #tpu.memory_space<vmem_shared>>
            tpu.enqueue_indirect_dma source(%dma_start3A_245 : memref<128x32xf32, #tpu.memory_space<vmem>>) target(%dma_start3A_251 : memref<40960x32xf32, #tpu.memory_space<vmem_shared>>) offsets(%dma_start3A_248 : memref<128xi32, #tpu.memory_space<vmem>>) semaphore(%run_scoped3A_241 : memref<!tpu.dma_semaphore, #tpu.memory_space<semaphore_mem>>) {add = true}
            %dma_wait3A_252 = arith.constant 0 : i32
            %dma_wait3A_253 = arith.constant 0 : i32
            %dma_wait3A_254 = tpu.memref_slice %arg15[%run_scoped3A_235, %dma_wait3A_252, %dma_wait3A_253] : memref<8x128x32xf32, #tpu.memory_space<vmem>> -> memref<1x128x32xf32, #tpu.memory_space<vmem>>
            %dma_wait3A_255 = tpu.memref_squeeze %dma_wait3A_254 : memref<1x128x32xf32, #tpu.memory_space<vmem>> -> memref<128x32xf32, #tpu.memory_space<vmem>>
            %dma_wait3A_256 = arith.constant 0 : i32
            %dma_wait3A_257 = tpu.memref_slice %arg14[%run_scoped3A_236, %dma_wait3A_256] : memref<8x128xi32, #tpu.memory_space<vmem>> -> memref<1x128xi32, #tpu.memory_space<vmem>>
            %dma_wait3A_258 = tpu.memref_squeeze %dma_wait3A_257 : memref<1x128xi32, #tpu.memory_space<vmem>> -> memref<128xi32, #tpu.memory_space<vmem>>
            %dma_wait3A_259 = arith.constant 0 : i32
            %dma_wait3A_260 = arith.constant 0 : i32
            %dma_wait3A_261 = tpu.memref_slice %arg17[%dma_wait3A_259, %dma_wait3A_260] : memref<40960x32xf32, #tpu.memory_space<vmem_shared>> -> memref<40960x32xf32, #tpu.memory_space<vmem_shared>>
            tpu.wait_indirect_dma semaphore(%run_scoped3A_241 : memref<!tpu.dma_semaphore, #tpu.memory_space<semaphore_mem>>) src(%dma_wait3A_255 : memref<128x32xf32, #tpu.memory_space<vmem>>) dst(%dma_wait3A_261 : memref<40960x32xf32, #tpu.memory_space<vmem_shared>>)
            tpu.yield
          }) : () -> ()
          %run_scoped3A_237 = arith.constant 6 : i32
          %run_scoped3A_238 = arith.constant 6 : i32
          "tpu.region"() ({
            %run_scoped3A_241 = tpu.sem_alloc : memref<!tpu.dma_semaphore, #tpu.memory_space<semaphore_mem>>
            %dma_start3A_242 = arith.constant 0 : i32
            %dma_start3A_243 = arith.constant 0 : i32
            %dma_start3A_244 = tpu.memref_slice %arg15[%run_scoped3A_237, %dma_start3A_242, %dma_start3A_243] : memref<8x128x32xf32, #tpu.memory_space<vmem>> -> memref<1x128x32xf32, #tpu.memory_space<vmem>>
            %dma_start3A_245 = tpu.memref_squeeze %dma_start3A_244 : memref<1x128x32xf32, #tpu.memory_space<vmem>> -> memref<128x32xf32, #tpu.memory_space<vmem>>
            %dma_start3A_246 = arith.constant 0 : i32
            %dma_start3A_247 = tpu.memref_slice %arg14[%run_scoped3A_238, %dma_start3A_246] : memref<8x128xi32, #tpu.memory_space<vmem>> -> memref<1x128xi32, #tpu.memory_space<vmem>>
            %dma_start3A_248 = tpu.memref_squeeze %dma_start3A_247 : memref<1x128xi32, #tpu.memory_space<vmem>> -> memref<128xi32, #tpu.memory_space<vmem>>
            %dma_start3A_249 = arith.constant 0 : i32
            %dma_start3A_250 = arith.constant 0 : i32
            %dma_start3A_251 = tpu.memref_slice %arg17[%dma_start3A_249, %dma_start3A_250] : memref<40960x32xf32, #tpu.memory_space<vmem_shared>> -> memref<40960x32xf32, #tpu.memory_space<vmem_shared>>
            tpu.enqueue_indirect_dma source(%dma_start3A_245 : memref<128x32xf32, #tpu.memory_space<vmem>>) target(%dma_start3A_251 : memref<40960x32xf32, #tpu.memory_space<vmem_shared>>) offsets(%dma_start3A_248 : memref<128xi32, #tpu.memory_space<vmem>>) semaphore(%run_scoped3A_241 : memref<!tpu.dma_semaphore, #tpu.memory_space<semaphore_mem>>) {add = true}
            %dma_wait3A_252 = arith.constant 0 : i32
            %dma_wait3A_253 = arith.constant 0 : i32
            %dma_wait3A_254 = tpu.memref_slice %arg15[%run_scoped3A_237, %dma_wait3A_252, %dma_wait3A_253] : memref<8x128x32xf32, #tpu.memory_space<vmem>> -> memref<1x128x32xf32, #tpu.memory_space<vmem>>
            %dma_wait3A_255 = tpu.memref_squeeze %dma_wait3A_254 : memref<1x128x32xf32, #tpu.memory_space<vmem>> -> memref<128x32xf32, #tpu.memory_space<vmem>>
            %dma_wait3A_256 = arith.constant 0 : i32
            %dma_wait3A_257 = tpu.memref_slice %arg14[%run_scoped3A_238, %dma_wait3A_256] : memref<8x128xi32, #tpu.memory_space<vmem>> -> memref<1x128xi32, #tpu.memory_space<vmem>>
            %dma_wait3A_258 = tpu.memref_squeeze %dma_wait3A_257 : memref<1x128xi32, #tpu.memory_space<vmem>> -> memref<128xi32, #tpu.memory_space<vmem>>
            %dma_wait3A_259 = arith.constant 0 : i32
            %dma_wait3A_260 = arith.constant 0 : i32
            %dma_wait3A_261 = tpu.memref_slice %arg17[%dma_wait3A_259, %dma_wait3A_260] : memref<40960x32xf32, #tpu.memory_space<vmem_shared>> -> memref<40960x32xf32, #tpu.memory_space<vmem_shared>>
            tpu.wait_indirect_dma semaphore(%run_scoped3A_241 : memref<!tpu.dma_semaphore, #tpu.memory_space<semaphore_mem>>) src(%dma_wait3A_255 : memref<128x32xf32, #tpu.memory_space<vmem>>) dst(%dma_wait3A_261 : memref<40960x32xf32, #tpu.memory_space<vmem_shared>>)
            tpu.yield
          }) : () -> ()
          %run_scoped3A_239 = arith.constant 7 : i32
          %run_scoped3A_240 = arith.constant 7 : i32
          "tpu.region"() ({
            %run_scoped3A_241 = tpu.sem_alloc : memref<!tpu.dma_semaphore, #tpu.memory_space<semaphore_mem>>
            %dma_start3A_242 = arith.constant 0 : i32
            %dma_start3A_243 = arith.constant 0 : i32
            %dma_start3A_244 = tpu.memref_slice %arg15[%run_scoped3A_239, %dma_start3A_242, %dma_start3A_243] : memref<8x128x32xf32, #tpu.memory_space<vmem>> -> memref<1x128x32xf32, #tpu.memory_space<vmem>>
            %dma_start3A_245 = tpu.memref_squeeze %dma_start3A_244 : memref<1x128x32xf32, #tpu.memory_space<vmem>> -> memref<128x32xf32, #tpu.memory_space<vmem>>
            %dma_start3A_246 = arith.constant 0 : i32
            %dma_start3A_247 = tpu.memref_slice %arg14[%run_scoped3A_240, %dma_start3A_246] : memref<8x128xi32, #tpu.memory_space<vmem>> -> memref<1x128xi32, #tpu.memory_space<vmem>>
            %dma_start3A_248 = tpu.memref_squeeze %dma_start3A_247 : memref<1x128xi32, #tpu.memory_space<vmem>> -> memref<128xi32, #tpu.memory_space<vmem>>
            %dma_start3A_249 = arith.constant 0 : i32
            %dma_start3A_250 = arith.constant 0 : i32
            %dma_start3A_251 = tpu.memref_slice %arg17[%dma_start3A_249, %dma_start3A_250] : memref<40960x32xf32, #tpu.memory_space<vmem_shared>> -> memref<40960x32xf32, #tpu.memory_space<vmem_shared>>
            tpu.enqueue_indirect_dma source(%dma_start3A_245 : memref<128x32xf32, #tpu.memory_space<vmem>>) target(%dma_start3A_251 : memref<40960x32xf32, #tpu.memory_space<vmem_shared>>) offsets(%dma_start3A_248 : memref<128xi32, #tpu.memory_space<vmem>>) semaphore(%run_scoped3A_241 : memref<!tpu.dma_semaphore, #tpu.memory_space<semaphore_mem>>) {add = true}
            %dma_wait3A_252 = arith.constant 0 : i32
            %dma_wait3A_253 = arith.constant 0 : i32
            %dma_wait3A_254 = tpu.memref_slice %arg15[%run_scoped3A_239, %dma_wait3A_252, %dma_wait3A_253] : memref<8x128x32xf32, #tpu.memory_space<vmem>> -> memref<1x128x32xf32, #tpu.memory_space<vmem>>
            %dma_wait3A_255 = tpu.memref_squeeze %dma_wait3A_254 : memref<1x128x32xf32, #tpu.memory_space<vmem>> -> memref<128x32xf32, #tpu.memory_space<vmem>>
            %dma_wait3A_256 = arith.constant 0 : i32
            %dma_wait3A_257 = tpu.memref_slice %arg14[%run_scoped3A_240, %dma_wait3A_256] : memref<8x128xi32, #tpu.memory_space<vmem>> -> memref<1x128xi32, #tpu.memory_space<vmem>>
            %dma_wait3A_258 = tpu.memref_squeeze %dma_wait3A_257 : memref<1x128xi32, #tpu.memory_space<vmem>> -> memref<128xi32, #tpu.memory_space<vmem>>
            %dma_wait3A_259 = arith.constant 0 : i32
            %dma_wait3A_260 = arith.constant 0 : i32
            %dma_wait3A_261 = tpu.memref_slice %arg17[%dma_wait3A_259, %dma_wait3A_260] : memref<40960x32xf32, #tpu.memory_space<vmem_shared>> -> memref<40960x32xf32, #tpu.memory_space<vmem_shared>>
            tpu.wait_indirect_dma semaphore(%run_scoped3A_241 : memref<!tpu.dma_semaphore, #tpu.memory_space<semaphore_mem>>) src(%dma_wait3A_255 : memref<128x32xf32, #tpu.memory_space<vmem>>) dst(%dma_wait3A_261 : memref<40960x32xf32, #tpu.memory_space<vmem_shared>>)
            tpu.yield
          }) : () -> ()
        } else {
        }
      }
      %scan3A_21 = arith.constant 79 : i32
      %barrier3A_22 = arith.constant 0 : index
      tpu.barrier barrier_id(%barrier3A_22)
      "tpu.region"() ({
        %run_scoped3A = tpu.sem_alloc : memref<!tpu.dma_semaphore, #tpu.memory_space<semaphore_mem>>
        %dma_start3A = arith.constant 0 : i32
        %dma_start3A_23 = tpu.memref_slice %arg11[%mul3A_0, %dma_start3A] : memref<40960x32xf32, #tpu.memory_space<hbm>> -> memref<2560x32xf32, #tpu.memory_space<hbm>>
        %dma_start3A_24 = arith.constant 0 : i32
        %dma_start3A_25 = tpu.memref_slice %arg17[%mul3A_0, %dma_start3A_24] : memref<40960x32xf32, #tpu.memory_space<vmem_shared>> -> memref<2560x32xf32, #tpu.memory_space<vmem_shared>>
        tpu.enqueue_dma source(%dma_start3A_25 : memref<2560x32xf32, #tpu.memory_space<vmem_shared>>) target(%dma_start3A_23 : memref<2560x32xf32, #tpu.memory_space<hbm>>) target_semaphore(%run_scoped3A : memref<!tpu.dma_semaphore, #tpu.memory_space<semaphore_mem>>)
        %dma_wait3A = arith.constant 0 : i32
        %dma_wait3A_26 = tpu.memref_slice %arg11[%mul3A_0, %dma_wait3A] : memref<40960x32xf32, #tpu.memory_space<hbm>> -> memref<2560x32xf32, #tpu.memory_space<hbm>>
        %dma_wait3A_27 = arith.constant 0 : i32
        %dma_wait3A_28 = tpu.memref_slice %arg17[%mul3A_0, %dma_wait3A_27] : memref<40960x32xf32, #tpu.memory_space<vmem_shared>> -> memref<2560x32xf32, #tpu.memory_space<vmem_shared>>
        tpu.wait_dma2 semaphore(%run_scoped3A : memref<!tpu.dma_semaphore, #tpu.memory_space<semaphore_mem>>) src(%dma_wait3A_28 : memref<2560x32xf32, #tpu.memory_space<vmem_shared>>) dst(%dma_wait3A_26 : memref<2560x32xf32, #tpu.memory_space<hbm>>)
        tpu.yield
      }) : () -> ()
    } else {
    }
    %eq3A_13 = arith.constant 1 : i32
    %eq3A_14 = arith.cmpi eq, %arg0, %eq3A_13 : i32
    %convert_element_type3A_15 = arith.extui %eq3A_14 : i1 to i32
    %cond3A_16 = arith.constant 0 : i32
    %cond3A_17 = arith.cmpi ne, %convert_element_type3A_15, %cond3A_16 : i32
    scf.if %cond3A_17 {
      "tpu.region"() ({
        %run_scoped3A = tpu.sem_alloc : memref<!tpu.dma_semaphore, #tpu.memory_space<semaphore_mem>>
        %dma_start3A = arith.constant 0 : i32
        %dma_start3A_23 = tpu.memref_slice %arg17[%mul3A_0, %dma_start3A] : memref<40960x32xf32, #tpu.memory_space<vmem_shared>> -> memref<2560x32xf32, #tpu.memory_space<vmem_shared>>
        tpu.enqueue_dma source(%arg8 : memref<2560x32xf32, #tpu.memory_space<hbm>>) target(%dma_start3A_23 : memref<2560x32xf32, #tpu.memory_space<vmem_shared>>) target_semaphore(%run_scoped3A : memref<!tpu.dma_semaphore, #tpu.memory_space<semaphore_mem>>)
        %dma_wait3A = arith.constant 0 : i32
        %dma_wait3A_24 = tpu.memref_slice %arg17[%mul3A_0, %dma_wait3A] : memref<40960x32xf32, #tpu.memory_space<vmem_shared>> -> memref<2560x32xf32, #tpu.memory_space<vmem_shared>>
        tpu.wait_dma2 semaphore(%run_scoped3A : memref<!tpu.dma_semaphore, #tpu.memory_space<semaphore_mem>>) src(%arg8 : memref<2560x32xf32, #tpu.memory_space<hbm>>) dst(%dma_wait3A_24 : memref<2560x32xf32, #tpu.memory_space<vmem_shared>>)
        tpu.yield
      }) : () -> ()
      %barrier3A = arith.constant 0 : index
      tpu.barrier barrier_id(%barrier3A)
      %scan3A = arith.constant 0 : i32
      %scan3A_18 = arith.constant 79 : i32
      %scan3A_19 = arith.addi %scan3A, %scan3A_18 : i32
      %scan3A_20 = arith.constant 1 : i32
      scf.for %scan3A_23 = %scan3A to %scan3A_19 step %scan3A_20  : i32 {
        %mul3A_24 = arith.constant 1 : i32
        %mul3A_25 = arith.muli %scan3A_23, %mul3A_24 : i32
        %add3A = arith.constant 0 : i32
        %add3A_26 = arith.addi %add3A, %mul3A_25 : i32
        %mul3A_27 = arith.constant 16 : i32
        %mul3A_28 = arith.muli %add3A_26, %mul3A_27 : i32
        %add3A_29 = arith.addi %mul3A_28, %arg1 : i32
        %lt3A = arith.constant 1250 : i32
        %lt3A_30 = arith.cmpi slt, %add3A_29, %lt3A : i32
        %convert_element_type3A_31 = arith.extui %lt3A_30 : i1 to i32
        %cond3A_32 = arith.constant 0 : i32
        %cond3A_33 = arith.cmpi ne, %convert_element_type3A_31, %cond3A_32 : i32
        scf.if %cond3A_33 {
          %mul3A_34 = arith.constant 8 : i32
          %mul3A_35 = arith.muli %add3A_29, %mul3A_34 : i32
          "tpu.region"() ({
            %run_scoped3A_241 = tpu.sem_alloc : memref<!tpu.dma_semaphore, #tpu.memory_space<semaphore_mem>>
            %dma_start3A_242 = arith.constant 0 : i32
            %dma_start3A_243 = tpu.memref_slice %arg6[%mul3A_35, %dma_start3A_242] : memref<10000x128xi32, #tpu.memory_space<hbm>> -> memref<8x128xi32, #tpu.memory_space<hbm>>
            %dma_start3A_244 = arith.constant 0 : i32
            %dma_start3A_245 = tpu.memref_slice %arg6[%mul3A_35, %dma_start3A_244] : memref<10000x128xi32, #tpu.memory_space<hbm>> -> memref<8x128xi32, #tpu.memory_space<hbm>>
            tpu.enqueue_dma source(%dma_start3A_245 : memref<8x128xi32, #tpu.memory_space<hbm>>) target(%arg13 : memref<8x128xi32, #tpu.memory_space<vmem>>) target_semaphore(%run_scoped3A_241 : memref<!tpu.dma_semaphore, #tpu.memory_space<semaphore_mem>>)
            %dma_wait3A_246 = arith.constant 0 : i32
            %dma_wait3A_247 = tpu.memref_slice %arg6[%mul3A_35, %dma_wait3A_246] : memref<10000x128xi32, #tpu.memory_space<hbm>> -> memref<8x128xi32, #tpu.memory_space<hbm>>
            %dma_wait3A_248 = arith.constant 0 : i32
            %dma_wait3A_249 = tpu.memref_slice %arg6[%mul3A_35, %dma_wait3A_248] : memref<10000x128xi32, #tpu.memory_space<hbm>> -> memref<8x128xi32, #tpu.memory_space<hbm>>
            tpu.wait_dma2 semaphore(%run_scoped3A_241 : memref<!tpu.dma_semaphore, #tpu.memory_space<semaphore_mem>>) src(%dma_wait3A_249 : memref<8x128xi32, #tpu.memory_space<hbm>>) dst(%arg13 : memref<8x128xi32, #tpu.memory_space<vmem>>)
            tpu.yield
          }) : () -> ()
          "tpu.region"() ({
            %run_scoped3A_241 = tpu.sem_alloc : memref<!tpu.dma_semaphore, #tpu.memory_space<semaphore_mem>>
            %dma_start3A_242 = arith.constant 0 : i32
            %dma_start3A_243 = tpu.memref_slice %arg7[%mul3A_35, %dma_start3A_242] : memref<10000x128xi32, #tpu.memory_space<hbm>> -> memref<8x128xi32, #tpu.memory_space<hbm>>
            %dma_start3A_244 = arith.constant 0 : i32
            %dma_start3A_245 = tpu.memref_slice %arg7[%mul3A_35, %dma_start3A_244] : memref<10000x128xi32, #tpu.memory_space<hbm>> -> memref<8x128xi32, #tpu.memory_space<hbm>>
            tpu.enqueue_dma source(%dma_start3A_245 : memref<8x128xi32, #tpu.memory_space<hbm>>) target(%arg14 : memref<8x128xi32, #tpu.memory_space<vmem>>) target_semaphore(%run_scoped3A_241 : memref<!tpu.dma_semaphore, #tpu.memory_space<semaphore_mem>>)
            %dma_wait3A_246 = arith.constant 0 : i32
            %dma_wait3A_247 = tpu.memref_slice %arg7[%mul3A_35, %dma_wait3A_246] : memref<10000x128xi32, #tpu.memory_space<hbm>> -> memref<8x128xi32, #tpu.memory_space<hbm>>
            %dma_wait3A_248 = arith.constant 0 : i32
            %dma_wait3A_249 = tpu.memref_slice %arg7[%mul3A_35, %dma_wait3A_248] : memref<10000x128xi32, #tpu.memory_space<hbm>> -> memref<8x128xi32, #tpu.memory_space<hbm>>
            tpu.wait_dma2 semaphore(%run_scoped3A_241 : memref<!tpu.dma_semaphore, #tpu.memory_space<semaphore_mem>>) src(%dma_wait3A_249 : memref<8x128xi32, #tpu.memory_space<hbm>>) dst(%arg14 : memref<8x128xi32, #tpu.memory_space<vmem>>)
            tpu.yield
          }) : () -> ()
          %dma_start3A = arith.constant 0 : i32
          %dma_start3A_36 = arith.constant 0 : i32
          %dma_start3A_37 = arith.constant 0 : i32
          %dma_start3A_38 = arith.constant 0 : i32
          %dma_start3A_39 = tpu.memref_slice %arg15[%dma_start3A_36, %dma_start3A_37, %dma_start3A_38] : memref<8x128x32xf32, #tpu.memory_space<vmem>> -> memref<1x128x32xf32, #tpu.memory_space<vmem>>
          %dma_start3A_40 = tpu.memref_squeeze %dma_start3A_39 : memref<1x128x32xf32, #tpu.memory_space<vmem>> -> memref<128x32xf32, #tpu.memory_space<vmem>>
          %dma_start3A_41 = arith.constant 0 : i32
          %dma_start3A_42 = tpu.memref_slice %arg13[%dma_start3A, %dma_start3A_41] : memref<8x128xi32, #tpu.memory_space<vmem>> -> memref<1x128xi32, #tpu.memory_space<vmem>>
          %dma_start3A_43 = tpu.memref_squeeze %dma_start3A_42 : memref<1x128xi32, #tpu.memory_space<vmem>> -> memref<128xi32, #tpu.memory_space<vmem>>
          %dma_start3A_44 = arith.constant 0 : i32
          %dma_start3A_45 = arith.constant 0 : i32
          %dma_start3A_46 = tpu.memref_slice %arg5[%dma_start3A_44, %dma_start3A_45] : memref<40960x32xf32, #tpu.memory_space<hbm>> -> memref<40960x32xf32, #tpu.memory_space<hbm>>
          tpu.enqueue_indirect_dma source(%dma_start3A_46 : memref<40960x32xf32, #tpu.memory_space<hbm>>) target(%dma_start3A_40 : memref<128x32xf32, #tpu.memory_space<vmem>>) offsets(%dma_start3A_43 : memref<128xi32, #tpu.memory_space<vmem>>) semaphore(%arg18 : memref<!tpu.dma_semaphore, #tpu.memory_space<semaphore_mem>>)
          %dma_start3A_47 = arith.constant 1 : i32
          %dma_start3A_48 = arith.constant 1 : i32
          %dma_start3A_49 = arith.constant 0 : i32
          %dma_start3A_50 = arith.constant 0 : i32
          %dma_start3A_51 = tpu.memref_slice %arg15[%dma_start3A_48, %dma_start3A_49, %dma_start3A_50] : memref<8x128x32xf32, #tpu.memory_space<vmem>> -> memref<1x128x32xf32, #tpu.memory_space<vmem>>
          %dma_start3A_52 = tpu.memref_squeeze %dma_start3A_51 : memref<1x128x32xf32, #tpu.memory_space<vmem>> -> memref<128x32xf32, #tpu.memory_space<vmem>>
          %dma_start3A_53 = arith.constant 0 : i32
          %dma_start3A_54 = tpu.memref_slice %arg13[%dma_start3A_47, %dma_start3A_53] : memref<8x128xi32, #tpu.memory_space<vmem>> -> memref<1x128xi32, #tpu.memory_space<vmem>>
          %dma_start3A_55 = tpu.memref_squeeze %dma_start3A_54 : memref<1x128xi32, #tpu.memory_space<vmem>> -> memref<128xi32, #tpu.memory_space<vmem>>
          %dma_start3A_56 = arith.constant 0 : i32
          %dma_start3A_57 = arith.constant 0 : i32
          %dma_start3A_58 = tpu.memref_slice %arg5[%dma_start3A_56, %dma_start3A_57] : memref<40960x32xf32, #tpu.memory_space<hbm>> -> memref<40960x32xf32, #tpu.memory_space<hbm>>
          tpu.enqueue_indirect_dma source(%dma_start3A_58 : memref<40960x32xf32, #tpu.memory_space<hbm>>) target(%dma_start3A_52 : memref<128x32xf32, #tpu.memory_space<vmem>>) offsets(%dma_start3A_55 : memref<128xi32, #tpu.memory_space<vmem>>) semaphore(%arg18 : memref<!tpu.dma_semaphore, #tpu.memory_space<semaphore_mem>>)
          %dma_start3A_59 = arith.constant 2 : i32
          %dma_start3A_60 = arith.constant 2 : i32
          %dma_start3A_61 = arith.constant 0 : i32
          %dma_start3A_62 = arith.constant 0 : i32
          %dma_start3A_63 = tpu.memref_slice %arg15[%dma_start3A_60, %dma_start3A_61, %dma_start3A_62] : memref<8x128x32xf32, #tpu.memory_space<vmem>> -> memref<1x128x32xf32, #tpu.memory_space<vmem>>
          %dma_start3A_64 = tpu.memref_squeeze %dma_start3A_63 : memref<1x128x32xf32, #tpu.memory_space<vmem>> -> memref<128x32xf32, #tpu.memory_space<vmem>>
          %dma_start3A_65 = arith.constant 0 : i32
          %dma_start3A_66 = tpu.memref_slice %arg13[%dma_start3A_59, %dma_start3A_65] : memref<8x128xi32, #tpu.memory_space<vmem>> -> memref<1x128xi32, #tpu.memory_space<vmem>>
          %dma_start3A_67 = tpu.memref_squeeze %dma_start3A_66 : memref<1x128xi32, #tpu.memory_space<vmem>> -> memref<128xi32, #tpu.memory_space<vmem>>
          %dma_start3A_68 = arith.constant 0 : i32
          %dma_start3A_69 = arith.constant 0 : i32
          %dma_start3A_70 = tpu.memref_slice %arg5[%dma_start3A_68, %dma_start3A_69] : memref<40960x32xf32, #tpu.memory_space<hbm>> -> memref<40960x32xf32, #tpu.memory_space<hbm>>
          tpu.enqueue_indirect_dma source(%dma_start3A_70 : memref<40960x32xf32, #tpu.memory_space<hbm>>) target(%dma_start3A_64 : memref<128x32xf32, #tpu.memory_space<vmem>>) offsets(%dma_start3A_67 : memref<128xi32, #tpu.memory_space<vmem>>) semaphore(%arg18 : memref<!tpu.dma_semaphore, #tpu.memory_space<semaphore_mem>>)
          %dma_start3A_71 = arith.constant 3 : i32
          %dma_start3A_72 = arith.constant 3 : i32
          %dma_start3A_73 = arith.constant 0 : i32
          %dma_start3A_74 = arith.constant 0 : i32
          %dma_start3A_75 = tpu.memref_slice %arg15[%dma_start3A_72, %dma_start3A_73, %dma_start3A_74] : memref<8x128x32xf32, #tpu.memory_space<vmem>> -> memref<1x128x32xf32, #tpu.memory_space<vmem>>
          %dma_start3A_76 = tpu.memref_squeeze %dma_start3A_75 : memref<1x128x32xf32, #tpu.memory_space<vmem>> -> memref<128x32xf32, #tpu.memory_space<vmem>>
          %dma_start3A_77 = arith.constant 0 : i32
          %dma_start3A_78 = tpu.memref_slice %arg13[%dma_start3A_71, %dma_start3A_77] : memref<8x128xi32, #tpu.memory_space<vmem>> -> memref<1x128xi32, #tpu.memory_space<vmem>>
          %dma_start3A_79 = tpu.memref_squeeze %dma_start3A_78 : memref<1x128xi32, #tpu.memory_space<vmem>> -> memref<128xi32, #tpu.memory_space<vmem>>
          %dma_start3A_80 = arith.constant 0 : i32
          %dma_start3A_81 = arith.constant 0 : i32
          %dma_start3A_82 = tpu.memref_slice %arg5[%dma_start3A_80, %dma_start3A_81] : memref<40960x32xf32, #tpu.memory_space<hbm>> -> memref<40960x32xf32, #tpu.memory_space<hbm>>
          tpu.enqueue_indirect_dma source(%dma_start3A_82 : memref<40960x32xf32, #tpu.memory_space<hbm>>) target(%dma_start3A_76 : memref<128x32xf32, #tpu.memory_space<vmem>>) offsets(%dma_start3A_79 : memref<128xi32, #tpu.memory_space<vmem>>) semaphore(%arg18 : memref<!tpu.dma_semaphore, #tpu.memory_space<semaphore_mem>>)
          %dma_start3A_83 = arith.constant 4 : i32
          %dma_start3A_84 = arith.constant 4 : i32
          %dma_start3A_85 = arith.constant 0 : i32
          %dma_start3A_86 = arith.constant 0 : i32
          %dma_start3A_87 = tpu.memref_slice %arg15[%dma_start3A_84, %dma_start3A_85, %dma_start3A_86] : memref<8x128x32xf32, #tpu.memory_space<vmem>> -> memref<1x128x32xf32, #tpu.memory_space<vmem>>
          %dma_start3A_88 = tpu.memref_squeeze %dma_start3A_87 : memref<1x128x32xf32, #tpu.memory_space<vmem>> -> memref<128x32xf32, #tpu.memory_space<vmem>>
          %dma_start3A_89 = arith.constant 0 : i32
          %dma_start3A_90 = tpu.memref_slice %arg13[%dma_start3A_83, %dma_start3A_89] : memref<8x128xi32, #tpu.memory_space<vmem>> -> memref<1x128xi32, #tpu.memory_space<vmem>>
          %dma_start3A_91 = tpu.memref_squeeze %dma_start3A_90 : memref<1x128xi32, #tpu.memory_space<vmem>> -> memref<128xi32, #tpu.memory_space<vmem>>
          %dma_start3A_92 = arith.constant 0 : i32
          %dma_start3A_93 = arith.constant 0 : i32
          %dma_start3A_94 = tpu.memref_slice %arg5[%dma_start3A_92, %dma_start3A_93] : memref<40960x32xf32, #tpu.memory_space<hbm>> -> memref<40960x32xf32, #tpu.memory_space<hbm>>
          tpu.enqueue_indirect_dma source(%dma_start3A_94 : memref<40960x32xf32, #tpu.memory_space<hbm>>) target(%dma_start3A_88 : memref<128x32xf32, #tpu.memory_space<vmem>>) offsets(%dma_start3A_91 : memref<128xi32, #tpu.memory_space<vmem>>) semaphore(%arg18 : memref<!tpu.dma_semaphore, #tpu.memory_space<semaphore_mem>>)
          %dma_start3A_95 = arith.constant 5 : i32
          %dma_start3A_96 = arith.constant 5 : i32
          %dma_start3A_97 = arith.constant 0 : i32
          %dma_start3A_98 = arith.constant 0 : i32
          %dma_start3A_99 = tpu.memref_slice %arg15[%dma_start3A_96, %dma_start3A_97, %dma_start3A_98] : memref<8x128x32xf32, #tpu.memory_space<vmem>> -> memref<1x128x32xf32, #tpu.memory_space<vmem>>
          %dma_start3A_100 = tpu.memref_squeeze %dma_start3A_99 : memref<1x128x32xf32, #tpu.memory_space<vmem>> -> memref<128x32xf32, #tpu.memory_space<vmem>>
          %dma_start3A_101 = arith.constant 0 : i32
          %dma_start3A_102 = tpu.memref_slice %arg13[%dma_start3A_95, %dma_start3A_101] : memref<8x128xi32, #tpu.memory_space<vmem>> -> memref<1x128xi32, #tpu.memory_space<vmem>>
          %dma_start3A_103 = tpu.memref_squeeze %dma_start3A_102 : memref<1x128xi32, #tpu.memory_space<vmem>> -> memref<128xi32, #tpu.memory_space<vmem>>
          %dma_start3A_104 = arith.constant 0 : i32
          %dma_start3A_105 = arith.constant 0 : i32
          %dma_start3A_106 = tpu.memref_slice %arg5[%dma_start3A_104, %dma_start3A_105] : memref<40960x32xf32, #tpu.memory_space<hbm>> -> memref<40960x32xf32, #tpu.memory_space<hbm>>
          tpu.enqueue_indirect_dma source(%dma_start3A_106 : memref<40960x32xf32, #tpu.memory_space<hbm>>) target(%dma_start3A_100 : memref<128x32xf32, #tpu.memory_space<vmem>>) offsets(%dma_start3A_103 : memref<128xi32, #tpu.memory_space<vmem>>) semaphore(%arg18 : memref<!tpu.dma_semaphore, #tpu.memory_space<semaphore_mem>>)
          %dma_start3A_107 = arith.constant 6 : i32
          %dma_start3A_108 = arith.constant 6 : i32
          %dma_start3A_109 = arith.constant 0 : i32
          %dma_start3A_110 = arith.constant 0 : i32
          %dma_start3A_111 = tpu.memref_slice %arg15[%dma_start3A_108, %dma_start3A_109, %dma_start3A_110] : memref<8x128x32xf32, #tpu.memory_space<vmem>> -> memref<1x128x32xf32, #tpu.memory_space<vmem>>
          %dma_start3A_112 = tpu.memref_squeeze %dma_start3A_111 : memref<1x128x32xf32, #tpu.memory_space<vmem>> -> memref<128x32xf32, #tpu.memory_space<vmem>>
          %dma_start3A_113 = arith.constant 0 : i32
          %dma_start3A_114 = tpu.memref_slice %arg13[%dma_start3A_107, %dma_start3A_113] : memref<8x128xi32, #tpu.memory_space<vmem>> -> memref<1x128xi32, #tpu.memory_space<vmem>>
          %dma_start3A_115 = tpu.memref_squeeze %dma_start3A_114 : memref<1x128xi32, #tpu.memory_space<vmem>> -> memref<128xi32, #tpu.memory_space<vmem>>
          %dma_start3A_116 = arith.constant 0 : i32
          %dma_start3A_117 = arith.constant 0 : i32
          %dma_start3A_118 = tpu.memref_slice %arg5[%dma_start3A_116, %dma_start3A_117] : memref<40960x32xf32, #tpu.memory_space<hbm>> -> memref<40960x32xf32, #tpu.memory_space<hbm>>
          tpu.enqueue_indirect_dma source(%dma_start3A_118 : memref<40960x32xf32, #tpu.memory_space<hbm>>) target(%dma_start3A_112 : memref<128x32xf32, #tpu.memory_space<vmem>>) offsets(%dma_start3A_115 : memref<128xi32, #tpu.memory_space<vmem>>) semaphore(%arg18 : memref<!tpu.dma_semaphore, #tpu.memory_space<semaphore_mem>>)
          %dma_start3A_119 = arith.constant 7 : i32
          %dma_start3A_120 = arith.constant 7 : i32
          %dma_start3A_121 = arith.constant 0 : i32
          %dma_start3A_122 = arith.constant 0 : i32
          %dma_start3A_123 = tpu.memref_slice %arg15[%dma_start3A_120, %dma_start3A_121, %dma_start3A_122] : memref<8x128x32xf32, #tpu.memory_space<vmem>> -> memref<1x128x32xf32, #tpu.memory_space<vmem>>
          %dma_start3A_124 = tpu.memref_squeeze %dma_start3A_123 : memref<1x128x32xf32, #tpu.memory_space<vmem>> -> memref<128x32xf32, #tpu.memory_space<vmem>>
          %dma_start3A_125 = arith.constant 0 : i32
          %dma_start3A_126 = tpu.memref_slice %arg13[%dma_start3A_119, %dma_start3A_125] : memref<8x128xi32, #tpu.memory_space<vmem>> -> memref<1x128xi32, #tpu.memory_space<vmem>>
          %dma_start3A_127 = tpu.memref_squeeze %dma_start3A_126 : memref<1x128xi32, #tpu.memory_space<vmem>> -> memref<128xi32, #tpu.memory_space<vmem>>
          %dma_start3A_128 = arith.constant 0 : i32
          %dma_start3A_129 = arith.constant 0 : i32
          %dma_start3A_130 = tpu.memref_slice %arg5[%dma_start3A_128, %dma_start3A_129] : memref<40960x32xf32, #tpu.memory_space<hbm>> -> memref<40960x32xf32, #tpu.memory_space<hbm>>
          tpu.enqueue_indirect_dma source(%dma_start3A_130 : memref<40960x32xf32, #tpu.memory_space<hbm>>) target(%dma_start3A_124 : memref<128x32xf32, #tpu.memory_space<vmem>>) offsets(%dma_start3A_127 : memref<128xi32, #tpu.memory_space<vmem>>) semaphore(%arg18 : memref<!tpu.dma_semaphore, #tpu.memory_space<semaphore_mem>>)
          %dma_wait3A = arith.constant 0 : i32
          %dma_wait3A_131 = arith.constant 0 : i32
          %dma_wait3A_132 = arith.constant 0 : i32
          %dma_wait3A_133 = arith.constant 0 : i32
          %dma_wait3A_134 = tpu.memref_slice %arg15[%dma_wait3A_131, %dma_wait3A_132, %dma_wait3A_133] : memref<8x128x32xf32, #tpu.memory_space<vmem>> -> memref<1x128x32xf32, #tpu.memory_space<vmem>>
          %dma_wait3A_135 = tpu.memref_squeeze %dma_wait3A_134 : memref<1x128x32xf32, #tpu.memory_space<vmem>> -> memref<128x32xf32, #tpu.memory_space<vmem>>
          %dma_wait3A_136 = arith.constant 0 : i32
          %dma_wait3A_137 = tpu.memref_slice %arg13[%dma_wait3A, %dma_wait3A_136] : memref<8x128xi32, #tpu.memory_space<vmem>> -> memref<1x128xi32, #tpu.memory_space<vmem>>
          %dma_wait3A_138 = tpu.memref_squeeze %dma_wait3A_137 : memref<1x128xi32, #tpu.memory_space<vmem>> -> memref<128xi32, #tpu.memory_space<vmem>>
          %dma_wait3A_139 = arith.constant 0 : i32
          %dma_wait3A_140 = arith.constant 0 : i32
          %dma_wait3A_141 = tpu.memref_slice %arg5[%dma_wait3A_139, %dma_wait3A_140] : memref<40960x32xf32, #tpu.memory_space<hbm>> -> memref<40960x32xf32, #tpu.memory_space<hbm>>
          tpu.wait_indirect_dma semaphore(%arg18 : memref<!tpu.dma_semaphore, #tpu.memory_space<semaphore_mem>>) src(%dma_wait3A_141 : memref<40960x32xf32, #tpu.memory_space<hbm>>) dst(%dma_wait3A_135 : memref<128x32xf32, #tpu.memory_space<vmem>>)
          %dma_wait3A_142 = arith.constant 1 : i32
          %dma_wait3A_143 = arith.constant 1 : i32
          %dma_wait3A_144 = arith.constant 0 : i32
          %dma_wait3A_145 = arith.constant 0 : i32
          %dma_wait3A_146 = tpu.memref_slice %arg15[%dma_wait3A_143, %dma_wait3A_144, %dma_wait3A_145] : memref<8x128x32xf32, #tpu.memory_space<vmem>> -> memref<1x128x32xf32, #tpu.memory_space<vmem>>
          %dma_wait3A_147 = tpu.memref_squeeze %dma_wait3A_146 : memref<1x128x32xf32, #tpu.memory_space<vmem>> -> memref<128x32xf32, #tpu.memory_space<vmem>>
          %dma_wait3A_148 = arith.constant 0 : i32
          %dma_wait3A_149 = tpu.memref_slice %arg13[%dma_wait3A_142, %dma_wait3A_148] : memref<8x128xi32, #tpu.memory_space<vmem>> -> memref<1x128xi32, #tpu.memory_space<vmem>>
          %dma_wait3A_150 = tpu.memref_squeeze %dma_wait3A_149 : memref<1x128xi32, #tpu.memory_space<vmem>> -> memref<128xi32, #tpu.memory_space<vmem>>
          %dma_wait3A_151 = arith.constant 0 : i32
          %dma_wait3A_152 = arith.constant 0 : i32
          %dma_wait3A_153 = tpu.memref_slice %arg5[%dma_wait3A_151, %dma_wait3A_152] : memref<40960x32xf32, #tpu.memory_space<hbm>> -> memref<40960x32xf32, #tpu.memory_space<hbm>>
          tpu.wait_indirect_dma semaphore(%arg18 : memref<!tpu.dma_semaphore, #tpu.memory_space<semaphore_mem>>) src(%dma_wait3A_153 : memref<40960x32xf32, #tpu.memory_space<hbm>>) dst(%dma_wait3A_147 : memref<128x32xf32, #tpu.memory_space<vmem>>)
          %dma_wait3A_154 = arith.constant 2 : i32
          %dma_wait3A_155 = arith.constant 2 : i32
          %dma_wait3A_156 = arith.constant 0 : i32
          %dma_wait3A_157 = arith.constant 0 : i32
          %dma_wait3A_158 = tpu.memref_slice %arg15[%dma_wait3A_155, %dma_wait3A_156, %dma_wait3A_157] : memref<8x128x32xf32, #tpu.memory_space<vmem>> -> memref<1x128x32xf32, #tpu.memory_space<vmem>>
          %dma_wait3A_159 = tpu.memref_squeeze %dma_wait3A_158 : memref<1x128x32xf32, #tpu.memory_space<vmem>> -> memref<128x32xf32, #tpu.memory_space<vmem>>
          %dma_wait3A_160 = arith.constant 0 : i32
          %dma_wait3A_161 = tpu.memref_slice %arg13[%dma_wait3A_154, %dma_wait3A_160] : memref<8x128xi32, #tpu.memory_space<vmem>> -> memref<1x128xi32, #tpu.memory_space<vmem>>
          %dma_wait3A_162 = tpu.memref_squeeze %dma_wait3A_161 : memref<1x128xi32, #tpu.memory_space<vmem>> -> memref<128xi32, #tpu.memory_space<vmem>>
          %dma_wait3A_163 = arith.constant 0 : i32
          %dma_wait3A_164 = arith.constant 0 : i32
          %dma_wait3A_165 = tpu.memref_slice %arg5[%dma_wait3A_163, %dma_wait3A_164] : memref<40960x32xf32, #tpu.memory_space<hbm>> -> memref<40960x32xf32, #tpu.memory_space<hbm>>
          tpu.wait_indirect_dma semaphore(%arg18 : memref<!tpu.dma_semaphore, #tpu.memory_space<semaphore_mem>>) src(%dma_wait3A_165 : memref<40960x32xf32, #tpu.memory_space<hbm>>) dst(%dma_wait3A_159 : memref<128x32xf32, #tpu.memory_space<vmem>>)
          %dma_wait3A_166 = arith.constant 3 : i32
          %dma_wait3A_167 = arith.constant 3 : i32
          %dma_wait3A_168 = arith.constant 0 : i32
          %dma_wait3A_169 = arith.constant 0 : i32
          %dma_wait3A_170 = tpu.memref_slice %arg15[%dma_wait3A_167, %dma_wait3A_168, %dma_wait3A_169] : memref<8x128x32xf32, #tpu.memory_space<vmem>> -> memref<1x128x32xf32, #tpu.memory_space<vmem>>
          %dma_wait3A_171 = tpu.memref_squeeze %dma_wait3A_170 : memref<1x128x32xf32, #tpu.memory_space<vmem>> -> memref<128x32xf32, #tpu.memory_space<vmem>>
          %dma_wait3A_172 = arith.constant 0 : i32
          %dma_wait3A_173 = tpu.memref_slice %arg13[%dma_wait3A_166, %dma_wait3A_172] : memref<8x128xi32, #tpu.memory_space<vmem>> -> memref<1x128xi32, #tpu.memory_space<vmem>>
          %dma_wait3A_174 = tpu.memref_squeeze %dma_wait3A_173 : memref<1x128xi32, #tpu.memory_space<vmem>> -> memref<128xi32, #tpu.memory_space<vmem>>
          %dma_wait3A_175 = arith.constant 0 : i32
          %dma_wait3A_176 = arith.constant 0 : i32
          %dma_wait3A_177 = tpu.memref_slice %arg5[%dma_wait3A_175, %dma_wait3A_176] : memref<40960x32xf32, #tpu.memory_space<hbm>> -> memref<40960x32xf32, #tpu.memory_space<hbm>>
          tpu.wait_indirect_dma semaphore(%arg18 : memref<!tpu.dma_semaphore, #tpu.memory_space<semaphore_mem>>) src(%dma_wait3A_177 : memref<40960x32xf32, #tpu.memory_space<hbm>>) dst(%dma_wait3A_171 : memref<128x32xf32, #tpu.memory_space<vmem>>)
          %dma_wait3A_178 = arith.constant 4 : i32
          %dma_wait3A_179 = arith.constant 4 : i32
          %dma_wait3A_180 = arith.constant 0 : i32
          %dma_wait3A_181 = arith.constant 0 : i32
          %dma_wait3A_182 = tpu.memref_slice %arg15[%dma_wait3A_179, %dma_wait3A_180, %dma_wait3A_181] : memref<8x128x32xf32, #tpu.memory_space<vmem>> -> memref<1x128x32xf32, #tpu.memory_space<vmem>>
          %dma_wait3A_183 = tpu.memref_squeeze %dma_wait3A_182 : memref<1x128x32xf32, #tpu.memory_space<vmem>> -> memref<128x32xf32, #tpu.memory_space<vmem>>
          %dma_wait3A_184 = arith.constant 0 : i32
          %dma_wait3A_185 = tpu.memref_slice %arg13[%dma_wait3A_178, %dma_wait3A_184] : memref<8x128xi32, #tpu.memory_space<vmem>> -> memref<1x128xi32, #tpu.memory_space<vmem>>
          %dma_wait3A_186 = tpu.memref_squeeze %dma_wait3A_185 : memref<1x128xi32, #tpu.memory_space<vmem>> -> memref<128xi32, #tpu.memory_space<vmem>>
          %dma_wait3A_187 = arith.constant 0 : i32
          %dma_wait3A_188 = arith.constant 0 : i32
          %dma_wait3A_189 = tpu.memref_slice %arg5[%dma_wait3A_187, %dma_wait3A_188] : memref<40960x32xf32, #tpu.memory_space<hbm>> -> memref<40960x32xf32, #tpu.memory_space<hbm>>
          tpu.wait_indirect_dma semaphore(%arg18 : memref<!tpu.dma_semaphore, #tpu.memory_space<semaphore_mem>>) src(%dma_wait3A_189 : memref<40960x32xf32, #tpu.memory_space<hbm>>) dst(%dma_wait3A_183 : memref<128x32xf32, #tpu.memory_space<vmem>>)
          %dma_wait3A_190 = arith.constant 5 : i32
          %dma_wait3A_191 = arith.constant 5 : i32
          %dma_wait3A_192 = arith.constant 0 : i32
          %dma_wait3A_193 = arith.constant 0 : i32
          %dma_wait3A_194 = tpu.memref_slice %arg15[%dma_wait3A_191, %dma_wait3A_192, %dma_wait3A_193] : memref<8x128x32xf32, #tpu.memory_space<vmem>> -> memref<1x128x32xf32, #tpu.memory_space<vmem>>
          %dma_wait3A_195 = tpu.memref_squeeze %dma_wait3A_194 : memref<1x128x32xf32, #tpu.memory_space<vmem>> -> memref<128x32xf32, #tpu.memory_space<vmem>>
          %dma_wait3A_196 = arith.constant 0 : i32
          %dma_wait3A_197 = tpu.memref_slice %arg13[%dma_wait3A_190, %dma_wait3A_196] : memref<8x128xi32, #tpu.memory_space<vmem>> -> memref<1x128xi32, #tpu.memory_space<vmem>>
          %dma_wait3A_198 = tpu.memref_squeeze %dma_wait3A_197 : memref<1x128xi32, #tpu.memory_space<vmem>> -> memref<128xi32, #tpu.memory_space<vmem>>
          %dma_wait3A_199 = arith.constant 0 : i32
          %dma_wait3A_200 = arith.constant 0 : i32
          %dma_wait3A_201 = tpu.memref_slice %arg5[%dma_wait3A_199, %dma_wait3A_200] : memref<40960x32xf32, #tpu.memory_space<hbm>> -> memref<40960x32xf32, #tpu.memory_space<hbm>>
          tpu.wait_indirect_dma semaphore(%arg18 : memref<!tpu.dma_semaphore, #tpu.memory_space<semaphore_mem>>) src(%dma_wait3A_201 : memref<40960x32xf32, #tpu.memory_space<hbm>>) dst(%dma_wait3A_195 : memref<128x32xf32, #tpu.memory_space<vmem>>)
          %dma_wait3A_202 = arith.constant 6 : i32
          %dma_wait3A_203 = arith.constant 6 : i32
          %dma_wait3A_204 = arith.constant 0 : i32
          %dma_wait3A_205 = arith.constant 0 : i32
          %dma_wait3A_206 = tpu.memref_slice %arg15[%dma_wait3A_203, %dma_wait3A_204, %dma_wait3A_205] : memref<8x128x32xf32, #tpu.memory_space<vmem>> -> memref<1x128x32xf32, #tpu.memory_space<vmem>>
          %dma_wait3A_207 = tpu.memref_squeeze %dma_wait3A_206 : memref<1x128x32xf32, #tpu.memory_space<vmem>> -> memref<128x32xf32, #tpu.memory_space<vmem>>
          %dma_wait3A_208 = arith.constant 0 : i32
          %dma_wait3A_209 = tpu.memref_slice %arg13[%dma_wait3A_202, %dma_wait3A_208] : memref<8x128xi32, #tpu.memory_space<vmem>> -> memref<1x128xi32, #tpu.memory_space<vmem>>
          %dma_wait3A_210 = tpu.memref_squeeze %dma_wait3A_209 : memref<1x128xi32, #tpu.memory_space<vmem>> -> memref<128xi32, #tpu.memory_space<vmem>>
          %dma_wait3A_211 = arith.constant 0 : i32
          %dma_wait3A_212 = arith.constant 0 : i32
          %dma_wait3A_213 = tpu.memref_slice %arg5[%dma_wait3A_211, %dma_wait3A_212] : memref<40960x32xf32, #tpu.memory_space<hbm>> -> memref<40960x32xf32, #tpu.memory_space<hbm>>
          tpu.wait_indirect_dma semaphore(%arg18 : memref<!tpu.dma_semaphore, #tpu.memory_space<semaphore_mem>>) src(%dma_wait3A_213 : memref<40960x32xf32, #tpu.memory_space<hbm>>) dst(%dma_wait3A_207 : memref<128x32xf32, #tpu.memory_space<vmem>>)
          %dma_wait3A_214 = arith.constant 7 : i32
          %dma_wait3A_215 = arith.constant 7 : i32
          %dma_wait3A_216 = arith.constant 0 : i32
          %dma_wait3A_217 = arith.constant 0 : i32
          %dma_wait3A_218 = tpu.memref_slice %arg15[%dma_wait3A_215, %dma_wait3A_216, %dma_wait3A_217] : memref<8x128x32xf32, #tpu.memory_space<vmem>> -> memref<1x128x32xf32, #tpu.memory_space<vmem>>
          %dma_wait3A_219 = tpu.memref_squeeze %dma_wait3A_218 : memref<1x128x32xf32, #tpu.memory_space<vmem>> -> memref<128x32xf32, #tpu.memory_space<vmem>>
          %dma_wait3A_220 = arith.constant 0 : i32
          %dma_wait3A_221 = tpu.memref_slice %arg13[%dma_wait3A_214, %dma_wait3A_220] : memref<8x128xi32, #tpu.memory_space<vmem>> -> memref<1x128xi32, #tpu.memory_space<vmem>>
          %dma_wait3A_222 = tpu.memref_squeeze %dma_wait3A_221 : memref<1x128xi32, #tpu.memory_space<vmem>> -> memref<128xi32, #tpu.memory_space<vmem>>
          %dma_wait3A_223 = arith.constant 0 : i32
          %dma_wait3A_224 = arith.constant 0 : i32
          %dma_wait3A_225 = tpu.memref_slice %arg5[%dma_wait3A_223, %dma_wait3A_224] : memref<40960x32xf32, #tpu.memory_space<hbm>> -> memref<40960x32xf32, #tpu.memory_space<hbm>>
          tpu.wait_indirect_dma semaphore(%arg18 : memref<!tpu.dma_semaphore, #tpu.memory_space<semaphore_mem>>) src(%dma_wait3A_225 : memref<40960x32xf32, #tpu.memory_space<hbm>>) dst(%dma_wait3A_219 : memref<128x32xf32, #tpu.memory_space<vmem>>)
          %run_scoped3A = arith.constant 0 : i32
          %run_scoped3A_226 = arith.constant 0 : i32
          "tpu.region"() ({
            %run_scoped3A_241 = tpu.sem_alloc : memref<!tpu.dma_semaphore, #tpu.memory_space<semaphore_mem>>
            %dma_start3A_242 = arith.constant 0 : i32
            %dma_start3A_243 = arith.constant 0 : i32
            %dma_start3A_244 = tpu.memref_slice %arg15[%run_scoped3A, %dma_start3A_242, %dma_start3A_243] : memref<8x128x32xf32, #tpu.memory_space<vmem>> -> memref<1x128x32xf32, #tpu.memory_space<vmem>>
            %dma_start3A_245 = tpu.memref_squeeze %dma_start3A_244 : memref<1x128x32xf32, #tpu.memory_space<vmem>> -> memref<128x32xf32, #tpu.memory_space<vmem>>
            %dma_start3A_246 = arith.constant 0 : i32
            %dma_start3A_247 = tpu.memref_slice %arg14[%run_scoped3A_226, %dma_start3A_246] : memref<8x128xi32, #tpu.memory_space<vmem>> -> memref<1x128xi32, #tpu.memory_space<vmem>>
            %dma_start3A_248 = tpu.memref_squeeze %dma_start3A_247 : memref<1x128xi32, #tpu.memory_space<vmem>> -> memref<128xi32, #tpu.memory_space<vmem>>
            %dma_start3A_249 = arith.constant 0 : i32
            %dma_start3A_250 = arith.constant 0 : i32
            %dma_start3A_251 = tpu.memref_slice %arg17[%dma_start3A_249, %dma_start3A_250] : memref<40960x32xf32, #tpu.memory_space<vmem_shared>> -> memref<40960x32xf32, #tpu.memory_space<vmem_shared>>
            tpu.enqueue_indirect_dma source(%dma_start3A_245 : memref<128x32xf32, #tpu.memory_space<vmem>>) target(%dma_start3A_251 : memref<40960x32xf32, #tpu.memory_space<vmem_shared>>) offsets(%dma_start3A_248 : memref<128xi32, #tpu.memory_space<vmem>>) semaphore(%run_scoped3A_241 : memref<!tpu.dma_semaphore, #tpu.memory_space<semaphore_mem>>) {add = true}
            %dma_wait3A_252 = arith.constant 0 : i32
            %dma_wait3A_253 = arith.constant 0 : i32
            %dma_wait3A_254 = tpu.memref_slice %arg15[%run_scoped3A, %dma_wait3A_252, %dma_wait3A_253] : memref<8x128x32xf32, #tpu.memory_space<vmem>> -> memref<1x128x32xf32, #tpu.memory_space<vmem>>
            %dma_wait3A_255 = tpu.memref_squeeze %dma_wait3A_254 : memref<1x128x32xf32, #tpu.memory_space<vmem>> -> memref<128x32xf32, #tpu.memory_space<vmem>>
            %dma_wait3A_256 = arith.constant 0 : i32
            %dma_wait3A_257 = tpu.memref_slice %arg14[%run_scoped3A_226, %dma_wait3A_256] : memref<8x128xi32, #tpu.memory_space<vmem>> -> memref<1x128xi32, #tpu.memory_space<vmem>>
            %dma_wait3A_258 = tpu.memref_squeeze %dma_wait3A_257 : memref<1x128xi32, #tpu.memory_space<vmem>> -> memref<128xi32, #tpu.memory_space<vmem>>
            %dma_wait3A_259 = arith.constant 0 : i32
            %dma_wait3A_260 = arith.constant 0 : i32
            %dma_wait3A_261 = tpu.memref_slice %arg17[%dma_wait3A_259, %dma_wait3A_260] : memref<40960x32xf32, #tpu.memory_space<vmem_shared>> -> memref<40960x32xf32, #tpu.memory_space<vmem_shared>>
            tpu.wait_indirect_dma semaphore(%run_scoped3A_241 : memref<!tpu.dma_semaphore, #tpu.memory_space<semaphore_mem>>) src(%dma_wait3A_255 : memref<128x32xf32, #tpu.memory_space<vmem>>) dst(%dma_wait3A_261 : memref<40960x32xf32, #tpu.memory_space<vmem_shared>>)
            tpu.yield
          }) : () -> ()
          %run_scoped3A_227 = arith.constant 1 : i32
          %run_scoped3A_228 = arith.constant 1 : i32
          "tpu.region"() ({
            %run_scoped3A_241 = tpu.sem_alloc : memref<!tpu.dma_semaphore, #tpu.memory_space<semaphore_mem>>
            %dma_start3A_242 = arith.constant 0 : i32
            %dma_start3A_243 = arith.constant 0 : i32
            %dma_start3A_244 = tpu.memref_slice %arg15[%run_scoped3A_227, %dma_start3A_242, %dma_start3A_243] : memref<8x128x32xf32, #tpu.memory_space<vmem>> -> memref<1x128x32xf32, #tpu.memory_space<vmem>>
            %dma_start3A_245 = tpu.memref_squeeze %dma_start3A_244 : memref<1x128x32xf32, #tpu.memory_space<vmem>> -> memref<128x32xf32, #tpu.memory_space<vmem>>
            %dma_start3A_246 = arith.constant 0 : i32
            %dma_start3A_247 = tpu.memref_slice %arg14[%run_scoped3A_228, %dma_start3A_246] : memref<8x128xi32, #tpu.memory_space<vmem>> -> memref<1x128xi32, #tpu.memory_space<vmem>>
            %dma_start3A_248 = tpu.memref_squeeze %dma_start3A_247 : memref<1x128xi32, #tpu.memory_space<vmem>> -> memref<128xi32, #tpu.memory_space<vmem>>
            %dma_start3A_249 = arith.constant 0 : i32
            %dma_start3A_250 = arith.constant 0 : i32
            %dma_start3A_251 = tpu.memref_slice %arg17[%dma_start3A_249, %dma_start3A_250] : memref<40960x32xf32, #tpu.memory_space<vmem_shared>> -> memref<40960x32xf32, #tpu.memory_space<vmem_shared>>
            tpu.enqueue_indirect_dma source(%dma_start3A_245 : memref<128x32xf32, #tpu.memory_space<vmem>>) target(%dma_start3A_251 : memref<40960x32xf32, #tpu.memory_space<vmem_shared>>) offsets(%dma_start3A_248 : memref<128xi32, #tpu.memory_space<vmem>>) semaphore(%run_scoped3A_241 : memref<!tpu.dma_semaphore, #tpu.memory_space<semaphore_mem>>) {add = true}
            %dma_wait3A_252 = arith.constant 0 : i32
            %dma_wait3A_253 = arith.constant 0 : i32
            %dma_wait3A_254 = tpu.memref_slice %arg15[%run_scoped3A_227, %dma_wait3A_252, %dma_wait3A_253] : memref<8x128x32xf32, #tpu.memory_space<vmem>> -> memref<1x128x32xf32, #tpu.memory_space<vmem>>
            %dma_wait3A_255 = tpu.memref_squeeze %dma_wait3A_254 : memref<1x128x32xf32, #tpu.memory_space<vmem>> -> memref<128x32xf32, #tpu.memory_space<vmem>>
            %dma_wait3A_256 = arith.constant 0 : i32
            %dma_wait3A_257 = tpu.memref_slice %arg14[%run_scoped3A_228, %dma_wait3A_256] : memref<8x128xi32, #tpu.memory_space<vmem>> -> memref<1x128xi32, #tpu.memory_space<vmem>>
            %dma_wait3A_258 = tpu.memref_squeeze %dma_wait3A_257 : memref<1x128xi32, #tpu.memory_space<vmem>> -> memref<128xi32, #tpu.memory_space<vmem>>
            %dma_wait3A_259 = arith.constant 0 : i32
            %dma_wait3A_260 = arith.constant 0 : i32
            %dma_wait3A_261 = tpu.memref_slice %arg17[%dma_wait3A_259, %dma_wait3A_260] : memref<40960x32xf32, #tpu.memory_space<vmem_shared>> -> memref<40960x32xf32, #tpu.memory_space<vmem_shared>>
            tpu.wait_indirect_dma semaphore(%run_scoped3A_241 : memref<!tpu.dma_semaphore, #tpu.memory_space<semaphore_mem>>) src(%dma_wait3A_255 : memref<128x32xf32, #tpu.memory_space<vmem>>) dst(%dma_wait3A_261 : memref<40960x32xf32, #tpu.memory_space<vmem_shared>>)
            tpu.yield
          }) : () -> ()
          %run_scoped3A_229 = arith.constant 2 : i32
          %run_scoped3A_230 = arith.constant 2 : i32
          "tpu.region"() ({
            %run_scoped3A_241 = tpu.sem_alloc : memref<!tpu.dma_semaphore, #tpu.memory_space<semaphore_mem>>
            %dma_start3A_242 = arith.constant 0 : i32
            %dma_start3A_243 = arith.constant 0 : i32
            %dma_start3A_244 = tpu.memref_slice %arg15[%run_scoped3A_229, %dma_start3A_242, %dma_start3A_243] : memref<8x128x32xf32, #tpu.memory_space<vmem>> -> memref<1x128x32xf32, #tpu.memory_space<vmem>>
            %dma_start3A_245 = tpu.memref_squeeze %dma_start3A_244 : memref<1x128x32xf32, #tpu.memory_space<vmem>> -> memref<128x32xf32, #tpu.memory_space<vmem>>
            %dma_start3A_246 = arith.constant 0 : i32
            %dma_start3A_247 = tpu.memref_slice %arg14[%run_scoped3A_230, %dma_start3A_246] : memref<8x128xi32, #tpu.memory_space<vmem>> -> memref<1x128xi32, #tpu.memory_space<vmem>>
            %dma_start3A_248 = tpu.memref_squeeze %dma_start3A_247 : memref<1x128xi32, #tpu.memory_space<vmem>> -> memref<128xi32, #tpu.memory_space<vmem>>
            %dma_start3A_249 = arith.constant 0 : i32
            %dma_start3A_250 = arith.constant 0 : i32
            %dma_start3A_251 = tpu.memref_slice %arg17[%dma_start3A_249, %dma_start3A_250] : memref<40960x32xf32, #tpu.memory_space<vmem_shared>> -> memref<40960x32xf32, #tpu.memory_space<vmem_shared>>
            tpu.enqueue_indirect_dma source(%dma_start3A_245 : memref<128x32xf32, #tpu.memory_space<vmem>>) target(%dma_start3A_251 : memref<40960x32xf32, #tpu.memory_space<vmem_shared>>) offsets(%dma_start3A_248 : memref<128xi32, #tpu.memory_space<vmem>>) semaphore(%run_scoped3A_241 : memref<!tpu.dma_semaphore, #tpu.memory_space<semaphore_mem>>) {add = true}
            %dma_wait3A_252 = arith.constant 0 : i32
            %dma_wait3A_253 = arith.constant 0 : i32
            %dma_wait3A_254 = tpu.memref_slice %arg15[%run_scoped3A_229, %dma_wait3A_252, %dma_wait3A_253] : memref<8x128x32xf32, #tpu.memory_space<vmem>> -> memref<1x128x32xf32, #tpu.memory_space<vmem>>
            %dma_wait3A_255 = tpu.memref_squeeze %dma_wait3A_254 : memref<1x128x32xf32, #tpu.memory_space<vmem>> -> memref<128x32xf32, #tpu.memory_space<vmem>>
            %dma_wait3A_256 = arith.constant 0 : i32
            %dma_wait3A_257 = tpu.memref_slice %arg14[%run_scoped3A_230, %dma_wait3A_256] : memref<8x128xi32, #tpu.memory_space<vmem>> -> memref<1x128xi32, #tpu.memory_space<vmem>>
            %dma_wait3A_258 = tpu.memref_squeeze %dma_wait3A_257 : memref<1x128xi32, #tpu.memory_space<vmem>> -> memref<128xi32, #tpu.memory_space<vmem>>
            %dma_wait3A_259 = arith.constant 0 : i32
            %dma_wait3A_260 = arith.constant 0 : i32
            %dma_wait3A_261 = tpu.memref_slice %arg17[%dma_wait3A_259, %dma_wait3A_260] : memref<40960x32xf32, #tpu.memory_space<vmem_shared>> -> memref<40960x32xf32, #tpu.memory_space<vmem_shared>>
            tpu.wait_indirect_dma semaphore(%run_scoped3A_241 : memref<!tpu.dma_semaphore, #tpu.memory_space<semaphore_mem>>) src(%dma_wait3A_255 : memref<128x32xf32, #tpu.memory_space<vmem>>) dst(%dma_wait3A_261 : memref<40960x32xf32, #tpu.memory_space<vmem_shared>>)
            tpu.yield
          }) : () -> ()
          %run_scoped3A_231 = arith.constant 3 : i32
          %run_scoped3A_232 = arith.constant 3 : i32
          "tpu.region"() ({
            %run_scoped3A_241 = tpu.sem_alloc : memref<!tpu.dma_semaphore, #tpu.memory_space<semaphore_mem>>
            %dma_start3A_242 = arith.constant 0 : i32
            %dma_start3A_243 = arith.constant 0 : i32
            %dma_start3A_244 = tpu.memref_slice %arg15[%run_scoped3A_231, %dma_start3A_242, %dma_start3A_243] : memref<8x128x32xf32, #tpu.memory_space<vmem>> -> memref<1x128x32xf32, #tpu.memory_space<vmem>>
            %dma_start3A_245 = tpu.memref_squeeze %dma_start3A_244 : memref<1x128x32xf32, #tpu.memory_space<vmem>> -> memref<128x32xf32, #tpu.memory_space<vmem>>
            %dma_start3A_246 = arith.constant 0 : i32
            %dma_start3A_247 = tpu.memref_slice %arg14[%run_scoped3A_232, %dma_start3A_246] : memref<8x128xi32, #tpu.memory_space<vmem>> -> memref<1x128xi32, #tpu.memory_space<vmem>>
            %dma_start3A_248 = tpu.memref_squeeze %dma_start3A_247 : memref<1x128xi32, #tpu.memory_space<vmem>> -> memref<128xi32, #tpu.memory_space<vmem>>
            %dma_start3A_249 = arith.constant 0 : i32
            %dma_start3A_250 = arith.constant 0 : i32
            %dma_start3A_251 = tpu.memref_slice %arg17[%dma_start3A_249, %dma_start3A_250] : memref<40960x32xf32, #tpu.memory_space<vmem_shared>> -> memref<40960x32xf32, #tpu.memory_space<vmem_shared>>
            tpu.enqueue_indirect_dma source(%dma_start3A_245 : memref<128x32xf32, #tpu.memory_space<vmem>>) target(%dma_start3A_251 : memref<40960x32xf32, #tpu.memory_space<vmem_shared>>) offsets(%dma_start3A_248 : memref<128xi32, #tpu.memory_space<vmem>>) semaphore(%run_scoped3A_241 : memref<!tpu.dma_semaphore, #tpu.memory_space<semaphore_mem>>) {add = true}
            %dma_wait3A_252 = arith.constant 0 : i32
            %dma_wait3A_253 = arith.constant 0 : i32
            %dma_wait3A_254 = tpu.memref_slice %arg15[%run_scoped3A_231, %dma_wait3A_252, %dma_wait3A_253] : memref<8x128x32xf32, #tpu.memory_space<vmem>> -> memref<1x128x32xf32, #tpu.memory_space<vmem>>
            %dma_wait3A_255 = tpu.memref_squeeze %dma_wait3A_254 : memref<1x128x32xf32, #tpu.memory_space<vmem>> -> memref<128x32xf32, #tpu.memory_space<vmem>>
            %dma_wait3A_256 = arith.constant 0 : i32
            %dma_wait3A_257 = tpu.memref_slice %arg14[%run_scoped3A_232, %dma_wait3A_256] : memref<8x128xi32, #tpu.memory_space<vmem>> -> memref<1x128xi32, #tpu.memory_space<vmem>>
            %dma_wait3A_258 = tpu.memref_squeeze %dma_wait3A_257 : memref<1x128xi32, #tpu.memory_space<vmem>> -> memref<128xi32, #tpu.memory_space<vmem>>
            %dma_wait3A_259 = arith.constant 0 : i32
            %dma_wait3A_260 = arith.constant 0 : i32
            %dma_wait3A_261 = tpu.memref_slice %arg17[%dma_wait3A_259, %dma_wait3A_260] : memref<40960x32xf32, #tpu.memory_space<vmem_shared>> -> memref<40960x32xf32, #tpu.memory_space<vmem_shared>>
            tpu.wait_indirect_dma semaphore(%run_scoped3A_241 : memref<!tpu.dma_semaphore, #tpu.memory_space<semaphore_mem>>) src(%dma_wait3A_255 : memref<128x32xf32, #tpu.memory_space<vmem>>) dst(%dma_wait3A_261 : memref<40960x32xf32, #tpu.memory_space<vmem_shared>>)
            tpu.yield
          }) : () -> ()
          %run_scoped3A_233 = arith.constant 4 : i32
          %run_scoped3A_234 = arith.constant 4 : i32
          "tpu.region"() ({
            %run_scoped3A_241 = tpu.sem_alloc : memref<!tpu.dma_semaphore, #tpu.memory_space<semaphore_mem>>
            %dma_start3A_242 = arith.constant 0 : i32
            %dma_start3A_243 = arith.constant 0 : i32
            %dma_start3A_244 = tpu.memref_slice %arg15[%run_scoped3A_233, %dma_start3A_242, %dma_start3A_243] : memref<8x128x32xf32, #tpu.memory_space<vmem>> -> memref<1x128x32xf32, #tpu.memory_space<vmem>>
            %dma_start3A_245 = tpu.memref_squeeze %dma_start3A_244 : memref<1x128x32xf32, #tpu.memory_space<vmem>> -> memref<128x32xf32, #tpu.memory_space<vmem>>
            %dma_start3A_246 = arith.constant 0 : i32
            %dma_start3A_247 = tpu.memref_slice %arg14[%run_scoped3A_234, %dma_start3A_246] : memref<8x128xi32, #tpu.memory_space<vmem>> -> memref<1x128xi32, #tpu.memory_space<vmem>>
            %dma_start3A_248 = tpu.memref_squeeze %dma_start3A_247 : memref<1x128xi32, #tpu.memory_space<vmem>> -> memref<128xi32, #tpu.memory_space<vmem>>
            %dma_start3A_249 = arith.constant 0 : i32
            %dma_start3A_250 = arith.constant 0 : i32
            %dma_start3A_251 = tpu.memref_slice %arg17[%dma_start3A_249, %dma_start3A_250] : memref<40960x32xf32, #tpu.memory_space<vmem_shared>> -> memref<40960x32xf32, #tpu.memory_space<vmem_shared>>
            tpu.enqueue_indirect_dma source(%dma_start3A_245 : memref<128x32xf32, #tpu.memory_space<vmem>>) target(%dma_start3A_251 : memref<40960x32xf32, #tpu.memory_space<vmem_shared>>) offsets(%dma_start3A_248 : memref<128xi32, #tpu.memory_space<vmem>>) semaphore(%run_scoped3A_241 : memref<!tpu.dma_semaphore, #tpu.memory_space<semaphore_mem>>) {add = true}
            %dma_wait3A_252 = arith.constant 0 : i32
            %dma_wait3A_253 = arith.constant 0 : i32
            %dma_wait3A_254 = tpu.memref_slice %arg15[%run_scoped3A_233, %dma_wait3A_252, %dma_wait3A_253] : memref<8x128x32xf32, #tpu.memory_space<vmem>> -> memref<1x128x32xf32, #tpu.memory_space<vmem>>
            %dma_wait3A_255 = tpu.memref_squeeze %dma_wait3A_254 : memref<1x128x32xf32, #tpu.memory_space<vmem>> -> memref<128x32xf32, #tpu.memory_space<vmem>>
            %dma_wait3A_256 = arith.constant 0 : i32
            %dma_wait3A_257 = tpu.memref_slice %arg14[%run_scoped3A_234, %dma_wait3A_256] : memref<8x128xi32, #tpu.memory_space<vmem>> -> memref<1x128xi32, #tpu.memory_space<vmem>>
            %dma_wait3A_258 = tpu.memref_squeeze %dma_wait3A_257 : memref<1x128xi32, #tpu.memory_space<vmem>> -> memref<128xi32, #tpu.memory_space<vmem>>
            %dma_wait3A_259 = arith.constant 0 : i32
            %dma_wait3A_260 = arith.constant 0 : i32
            %dma_wait3A_261 = tpu.memref_slice %arg17[%dma_wait3A_259, %dma_wait3A_260] : memref<40960x32xf32, #tpu.memory_space<vmem_shared>> -> memref<40960x32xf32, #tpu.memory_space<vmem_shared>>
            tpu.wait_indirect_dma semaphore(%run_scoped3A_241 : memref<!tpu.dma_semaphore, #tpu.memory_space<semaphore_mem>>) src(%dma_wait3A_255 : memref<128x32xf32, #tpu.memory_space<vmem>>) dst(%dma_wait3A_261 : memref<40960x32xf32, #tpu.memory_space<vmem_shared>>)
            tpu.yield
          }) : () -> ()
          %run_scoped3A_235 = arith.constant 5 : i32
          %run_scoped3A_236 = arith.constant 5 : i32
          "tpu.region"() ({
            %run_scoped3A_241 = tpu.sem_alloc : memref<!tpu.dma_semaphore, #tpu.memory_space<semaphore_mem>>
            %dma_start3A_242 = arith.constant 0 : i32
            %dma_start3A_243 = arith.constant 0 : i32
            %dma_start3A_244 = tpu.memref_slice %arg15[%run_scoped3A_235, %dma_start3A_242, %dma_start3A_243] : memref<8x128x32xf32, #tpu.memory_space<vmem>> -> memref<1x128x32xf32, #tpu.memory_space<vmem>>
            %dma_start3A_245 = tpu.memref_squeeze %dma_start3A_244 : memref<1x128x32xf32, #tpu.memory_space<vmem>> -> memref<128x32xf32, #tpu.memory_space<vmem>>
            %dma_start3A_246 = arith.constant 0 : i32
            %dma_start3A_247 = tpu.memref_slice %arg14[%run_scoped3A_236, %dma_start3A_246] : memref<8x128xi32, #tpu.memory_space<vmem>> -> memref<1x128xi32, #tpu.memory_space<vmem>>
            %dma_start3A_248 = tpu.memref_squeeze %dma_start3A_247 : memref<1x128xi32, #tpu.memory_space<vmem>> -> memref<128xi32, #tpu.memory_space<vmem>>
            %dma_start3A_249 = arith.constant 0 : i32
            %dma_start3A_250 = arith.constant 0 : i32
            %dma_start3A_251 = tpu.memref_slice %arg17[%dma_start3A_249, %dma_start3A_250] : memref<40960x32xf32, #tpu.memory_space<vmem_shared>> -> memref<40960x32xf32, #tpu.memory_space<vmem_shared>>
            tpu.enqueue_indirect_dma source(%dma_start3A_245 : memref<128x32xf32, #tpu.memory_space<vmem>>) target(%dma_start3A_251 : memref<40960x32xf32, #tpu.memory_space<vmem_shared>>) offsets(%dma_start3A_248 : memref<128xi32, #tpu.memory_space<vmem>>) semaphore(%run_scoped3A_241 : memref<!tpu.dma_semaphore, #tpu.memory_space<semaphore_mem>>) {add = true}
            %dma_wait3A_252 = arith.constant 0 : i32
            %dma_wait3A_253 = arith.constant 0 : i32
            %dma_wait3A_254 = tpu.memref_slice %arg15[%run_scoped3A_235, %dma_wait3A_252, %dma_wait3A_253] : memref<8x128x32xf32, #tpu.memory_space<vmem>> -> memref<1x128x32xf32, #tpu.memory_space<vmem>>
            %dma_wait3A_255 = tpu.memref_squeeze %dma_wait3A_254 : memref<1x128x32xf32, #tpu.memory_space<vmem>> -> memref<128x32xf32, #tpu.memory_space<vmem>>
            %dma_wait3A_256 = arith.constant 0 : i32
            %dma_wait3A_257 = tpu.memref_slice %arg14[%run_scoped3A_236, %dma_wait3A_256] : memref<8x128xi32, #tpu.memory_space<vmem>> -> memref<1x128xi32, #tpu.memory_space<vmem>>
            %dma_wait3A_258 = tpu.memref_squeeze %dma_wait3A_257 : memref<1x128xi32, #tpu.memory_space<vmem>> -> memref<128xi32, #tpu.memory_space<vmem>>
            %dma_wait3A_259 = arith.constant 0 : i32
            %dma_wait3A_260 = arith.constant 0 : i32
            %dma_wait3A_261 = tpu.memref_slice %arg17[%dma_wait3A_259, %dma_wait3A_260] : memref<40960x32xf32, #tpu.memory_space<vmem_shared>> -> memref<40960x32xf32, #tpu.memory_space<vmem_shared>>
            tpu.wait_indirect_dma semaphore(%run_scoped3A_241 : memref<!tpu.dma_semaphore, #tpu.memory_space<semaphore_mem>>) src(%dma_wait3A_255 : memref<128x32xf32, #tpu.memory_space<vmem>>) dst(%dma_wait3A_261 : memref<40960x32xf32, #tpu.memory_space<vmem_shared>>)
            tpu.yield
          }) : () -> ()
          %run_scoped3A_237 = arith.constant 6 : i32
          %run_scoped3A_238 = arith.constant 6 : i32
          "tpu.region"() ({
            %run_scoped3A_241 = tpu.sem_alloc : memref<!tpu.dma_semaphore, #tpu.memory_space<semaphore_mem>>
            %dma_start3A_242 = arith.constant 0 : i32
            %dma_start3A_243 = arith.constant 0 : i32
            %dma_start3A_244 = tpu.memref_slice %arg15[%run_scoped3A_237, %dma_start3A_242, %dma_start3A_243] : memref<8x128x32xf32, #tpu.memory_space<vmem>> -> memref<1x128x32xf32, #tpu.memory_space<vmem>>
            %dma_start3A_245 = tpu.memref_squeeze %dma_start3A_244 : memref<1x128x32xf32, #tpu.memory_space<vmem>> -> memref<128x32xf32, #tpu.memory_space<vmem>>
            %dma_start3A_246 = arith.constant 0 : i32
            %dma_start3A_247 = tpu.memref_slice %arg14[%run_scoped3A_238, %dma_start3A_246] : memref<8x128xi32, #tpu.memory_space<vmem>> -> memref<1x128xi32, #tpu.memory_space<vmem>>
            %dma_start3A_248 = tpu.memref_squeeze %dma_start3A_247 : memref<1x128xi32, #tpu.memory_space<vmem>> -> memref<128xi32, #tpu.memory_space<vmem>>
            %dma_start3A_249 = arith.constant 0 : i32
            %dma_start3A_250 = arith.constant 0 : i32
            %dma_start3A_251 = tpu.memref_slice %arg17[%dma_start3A_249, %dma_start3A_250] : memref<40960x32xf32, #tpu.memory_space<vmem_shared>> -> memref<40960x32xf32, #tpu.memory_space<vmem_shared>>
            tpu.enqueue_indirect_dma source(%dma_start3A_245 : memref<128x32xf32, #tpu.memory_space<vmem>>) target(%dma_start3A_251 : memref<40960x32xf32, #tpu.memory_space<vmem_shared>>) offsets(%dma_start3A_248 : memref<128xi32, #tpu.memory_space<vmem>>) semaphore(%run_scoped3A_241 : memref<!tpu.dma_semaphore, #tpu.memory_space<semaphore_mem>>) {add = true}
            %dma_wait3A_252 = arith.constant 0 : i32
            %dma_wait3A_253 = arith.constant 0 : i32
            %dma_wait3A_254 = tpu.memref_slice %arg15[%run_scoped3A_237, %dma_wait3A_252, %dma_wait3A_253] : memref<8x128x32xf32, #tpu.memory_space<vmem>> -> memref<1x128x32xf32, #tpu.memory_space<vmem>>
            %dma_wait3A_255 = tpu.memref_squeeze %dma_wait3A_254 : memref<1x128x32xf32, #tpu.memory_space<vmem>> -> memref<128x32xf32, #tpu.memory_space<vmem>>
            %dma_wait3A_256 = arith.constant 0 : i32
            %dma_wait3A_257 = tpu.memref_slice %arg14[%run_scoped3A_238, %dma_wait3A_256] : memref<8x128xi32, #tpu.memory_space<vmem>> -> memref<1x128xi32, #tpu.memory_space<vmem>>
            %dma_wait3A_258 = tpu.memref_squeeze %dma_wait3A_257 : memref<1x128xi32, #tpu.memory_space<vmem>> -> memref<128xi32, #tpu.memory_space<vmem>>
            %dma_wait3A_259 = arith.constant 0 : i32
            %dma_wait3A_260 = arith.constant 0 : i32
            %dma_wait3A_261 = tpu.memref_slice %arg17[%dma_wait3A_259, %dma_wait3A_260] : memref<40960x32xf32, #tpu.memory_space<vmem_shared>> -> memref<40960x32xf32, #tpu.memory_space<vmem_shared>>
            tpu.wait_indirect_dma semaphore(%run_scoped3A_241 : memref<!tpu.dma_semaphore, #tpu.memory_space<semaphore_mem>>) src(%dma_wait3A_255 : memref<128x32xf32, #tpu.memory_space<vmem>>) dst(%dma_wait3A_261 : memref<40960x32xf32, #tpu.memory_space<vmem_shared>>)
            tpu.yield
          }) : () -> ()
          %run_scoped3A_239 = arith.constant 7 : i32
          %run_scoped3A_240 = arith.constant 7 : i32
          "tpu.region"() ({
            %run_scoped3A_241 = tpu.sem_alloc : memref<!tpu.dma_semaphore, #tpu.memory_space<semaphore_mem>>
            %dma_start3A_242 = arith.constant 0 : i32
            %dma_start3A_243 = arith.constant 0 : i32
            %dma_start3A_244 = tpu.memref_slice %arg15[%run_scoped3A_239, %dma_start3A_242, %dma_start3A_243] : memref<8x128x32xf32, #tpu.memory_space<vmem>> -> memref<1x128x32xf32, #tpu.memory_space<vmem>>
            %dma_start3A_245 = tpu.memref_squeeze %dma_start3A_244 : memref<1x128x32xf32, #tpu.memory_space<vmem>> -> memref<128x32xf32, #tpu.memory_space<vmem>>
            %dma_start3A_246 = arith.constant 0 : i32
            %dma_start3A_247 = tpu.memref_slice %arg14[%run_scoped3A_240, %dma_start3A_246] : memref<8x128xi32, #tpu.memory_space<vmem>> -> memref<1x128xi32, #tpu.memory_space<vmem>>
            %dma_start3A_248 = tpu.memref_squeeze %dma_start3A_247 : memref<1x128xi32, #tpu.memory_space<vmem>> -> memref<128xi32, #tpu.memory_space<vmem>>
            %dma_start3A_249 = arith.constant 0 : i32
            %dma_start3A_250 = arith.constant 0 : i32
            %dma_start3A_251 = tpu.memref_slice %arg17[%dma_start3A_249, %dma_start3A_250] : memref<40960x32xf32, #tpu.memory_space<vmem_shared>> -> memref<40960x32xf32, #tpu.memory_space<vmem_shared>>
            tpu.enqueue_indirect_dma source(%dma_start3A_245 : memref<128x32xf32, #tpu.memory_space<vmem>>) target(%dma_start3A_251 : memref<40960x32xf32, #tpu.memory_space<vmem_shared>>) offsets(%dma_start3A_248 : memref<128xi32, #tpu.memory_space<vmem>>) semaphore(%run_scoped3A_241 : memref<!tpu.dma_semaphore, #tpu.memory_space<semaphore_mem>>) {add = true}
            %dma_wait3A_252 = arith.constant 0 : i32
            %dma_wait3A_253 = arith.constant 0 : i32
            %dma_wait3A_254 = tpu.memref_slice %arg15[%run_scoped3A_239, %dma_wait3A_252, %dma_wait3A_253] : memref<8x128x32xf32, #tpu.memory_space<vmem>> -> memref<1x128x32xf32, #tpu.memory_space<vmem>>
            %dma_wait3A_255 = tpu.memref_squeeze %dma_wait3A_254 : memref<1x128x32xf32, #tpu.memory_space<vmem>> -> memref<128x32xf32, #tpu.memory_space<vmem>>
            %dma_wait3A_256 = arith.constant 0 : i32
            %dma_wait3A_257 = tpu.memref_slice %arg14[%run_scoped3A_240, %dma_wait3A_256] : memref<8x128xi32, #tpu.memory_space<vmem>> -> memref<1x128xi32, #tpu.memory_space<vmem>>
            %dma_wait3A_258 = tpu.memref_squeeze %dma_wait3A_257 : memref<1x128xi32, #tpu.memory_space<vmem>> -> memref<128xi32, #tpu.memory_space<vmem>>
            %dma_wait3A_259 = arith.constant 0 : i32
            %dma_wait3A_260 = arith.constant 0 : i32
            %dma_wait3A_261 = tpu.memref_slice %arg17[%dma_wait3A_259, %dma_wait3A_260] : memref<40960x32xf32, #tpu.memory_space<vmem_shared>> -> memref<40960x32xf32, #tpu.memory_space<vmem_shared>>
            tpu.wait_indirect_dma semaphore(%run_scoped3A_241 : memref<!tpu.dma_semaphore, #tpu.memory_space<semaphore_mem>>) src(%dma_wait3A_255 : memref<128x32xf32, #tpu.memory_space<vmem>>) dst(%dma_wait3A_261 : memref<40960x32xf32, #tpu.memory_space<vmem_shared>>)
            tpu.yield
          }) : () -> ()
        } else {
        }
      }
      %scan3A_21 = arith.constant 79 : i32
      %barrier3A_22 = arith.constant 0 : index
      tpu.barrier barrier_id(%barrier3A_22)
      "tpu.region"() ({
        %run_scoped3A = tpu.sem_alloc : memref<!tpu.dma_semaphore, #tpu.memory_space<semaphore_mem>>
        %dma_start3A = arith.constant 0 : i32
        %dma_start3A_23 = tpu.memref_slice %arg12[%mul3A_0, %dma_start3A] : memref<40960x32xf32, #tpu.memory_space<hbm>> -> memref<2560x32xf32, #tpu.memory_space<hbm>>
        %dma_start3A_24 = arith.constant 0 : i32
        %dma_start3A_25 = tpu.memref_slice %arg17[%mul3A_0, %dma_start3A_24] : memref<40960x32xf32, #tpu.memory_space<vmem_shared>> -> memref<2560x32xf32, #tpu.memory_space<vmem_shared>>
        tpu.enqueue_dma source(%dma_start3A_25 : memref<2560x32xf32, #tpu.memory_space<vmem_shared>>) target(%dma_start3A_23 : memref<2560x32xf32, #tpu.memory_space<hbm>>) target_semaphore(%run_scoped3A : memref<!tpu.dma_semaphore, #tpu.memory_space<semaphore_mem>>)
        %dma_wait3A = arith.constant 0 : i32
        %dma_wait3A_26 = tpu.memref_slice %arg12[%mul3A_0, %dma_wait3A] : memref<40960x32xf32, #tpu.memory_space<hbm>> -> memref<2560x32xf32, #tpu.memory_space<hbm>>
        %dma_wait3A_27 = arith.constant 0 : i32
        %dma_wait3A_28 = tpu.memref_slice %arg17[%mul3A_0, %dma_wait3A_27] : memref<40960x32xf32, #tpu.memory_space<vmem_shared>> -> memref<2560x32xf32, #tpu.memory_space<vmem_shared>>
        tpu.wait_dma2 semaphore(%run_scoped3A : memref<!tpu.dma_semaphore, #tpu.memory_space<semaphore_mem>>) src(%dma_wait3A_28 : memref<2560x32xf32, #tpu.memory_space<vmem_shared>>) dst(%dma_wait3A_26 : memref<2560x32xf32, #tpu.memory_space<hbm>>)
        tpu.yield
      }) : () -> ()
    } else {
    }
    return
  }
}

#map = affine_map<(d0, d1) -> (0, 0)>
#map1 = affine_map<(d0, d1) -> (0, 0, 0)>
module attributes {stable_mosaic.version = 14 : i64} {
  func.func @_deg_body(%arg0: i32, %arg1: i32, %arg2: memref<10000x128xi32, #tpu.memory_space<hbm>>, %arg3: memref<128x16xf32, #tpu.memory_space<hbm>>, %arg4: memref<2560x16xf32, #tpu.memory_space<hbm>>, %arg5: memref<2x40960x16xf32, #tpu.memory_space<hbm>>, %arg6: memref<8x128xi32, #tpu.memory_space<vmem>>, %arg7: memref<128x16xf32, #tpu.memory_space<vmem>>, %arg8: memref<2560x16xf32, #tpu.memory_space<vmem>>, %arg9: memref<40960x16xf32, #tpu.memory_space<vmem_shared>>) attributes {dimension_semantics = [#tpu.dimension_semantics<core_parallel>, #tpu.dimension_semantics<subcore_parallel>], iteration_bounds = array<i64: 2, 16>, scalar_prefetch = 0 : i64, scratch_operands = 4 : i64, tpu.core_type = #tpu.core_type<sc_vector_subcore>, window_params = [{transform_indices = #map}, {transform_indices = #map}, {transform_indices = #map}, {transform_indices = #map1}]} {
    %mul3A = arith.constant 2560 : i32
    %mul3A_0 = arith.muli %arg1, %mul3A : i32
    "tpu.region"() ({
      %run_scoped3A = tpu.sem_alloc : memref<!tpu.dma_semaphore, #tpu.memory_space<semaphore_mem>>
      tpu.enqueue_dma source(%arg3 : memref<128x16xf32, #tpu.memory_space<hbm>>) target(%arg7 : memref<128x16xf32, #tpu.memory_space<vmem>>) target_semaphore(%run_scoped3A : memref<!tpu.dma_semaphore, #tpu.memory_space<semaphore_mem>>)
      tpu.wait_dma2 semaphore(%run_scoped3A : memref<!tpu.dma_semaphore, #tpu.memory_space<semaphore_mem>>) src(%arg3 : memref<128x16xf32, #tpu.memory_space<hbm>>) dst(%arg7 : memref<128x16xf32, #tpu.memory_space<vmem>>)
      tpu.yield
    }) : () -> ()
    "tpu.region"() ({
      %run_scoped3A = tpu.sem_alloc : memref<!tpu.dma_semaphore, #tpu.memory_space<semaphore_mem>>
      tpu.enqueue_dma source(%arg4 : memref<2560x16xf32, #tpu.memory_space<hbm>>) target(%arg8 : memref<2560x16xf32, #tpu.memory_space<vmem>>) target_semaphore(%run_scoped3A : memref<!tpu.dma_semaphore, #tpu.memory_space<semaphore_mem>>)
      tpu.wait_dma2 semaphore(%run_scoped3A : memref<!tpu.dma_semaphore, #tpu.memory_space<semaphore_mem>>) src(%arg4 : memref<2560x16xf32, #tpu.memory_space<hbm>>) dst(%arg8 : memref<2560x16xf32, #tpu.memory_space<vmem>>)
      tpu.yield
    }) : () -> ()
    "tpu.region"() ({
      %run_scoped3A = tpu.sem_alloc : memref<!tpu.dma_semaphore, #tpu.memory_space<semaphore_mem>>
      %dma_start3A = arith.constant 0 : i32
      %dma_start3A_6 = tpu.memref_slice %arg9[%mul3A_0, %dma_start3A] : memref<40960x16xf32, #tpu.memory_space<vmem_shared>> -> memref<2560x16xf32, #tpu.memory_space<vmem_shared>>
      %dma_start3A_7 = arith.constant 0 : i32
      %dma_start3A_8 = tpu.memref_slice %arg9[%mul3A_0, %dma_start3A_7] : memref<40960x16xf32, #tpu.memory_space<vmem_shared>> -> memref<2560x16xf32, #tpu.memory_space<vmem_shared>>
      tpu.enqueue_dma source(%arg8 : memref<2560x16xf32, #tpu.memory_space<vmem>>) target(%dma_start3A_8 : memref<2560x16xf32, #tpu.memory_space<vmem_shared>>) target_semaphore(%run_scoped3A : memref<!tpu.dma_semaphore, #tpu.memory_space<semaphore_mem>>)
      %dma_wait3A = arith.constant 0 : i32
      %dma_wait3A_9 = tpu.memref_slice %arg9[%mul3A_0, %dma_wait3A] : memref<40960x16xf32, #tpu.memory_space<vmem_shared>> -> memref<2560x16xf32, #tpu.memory_space<vmem_shared>>
      %dma_wait3A_10 = arith.constant 0 : i32
      %dma_wait3A_11 = tpu.memref_slice %arg9[%mul3A_0, %dma_wait3A_10] : memref<40960x16xf32, #tpu.memory_space<vmem_shared>> -> memref<2560x16xf32, #tpu.memory_space<vmem_shared>>
      tpu.wait_dma2 semaphore(%run_scoped3A : memref<!tpu.dma_semaphore, #tpu.memory_space<semaphore_mem>>) src(%arg8 : memref<2560x16xf32, #tpu.memory_space<vmem>>) dst(%dma_wait3A_11 : memref<2560x16xf32, #tpu.memory_space<vmem_shared>>)
      tpu.yield
    }) : () -> ()
    %barrier3A = arith.constant 0 : index
    tpu.barrier barrier_id(%barrier3A)
    %scan3A = arith.constant 0 : i32
    %scan3A_1 = arith.constant 40 : i32
    %scan3A_2 = arith.addi %scan3A, %scan3A_1 : i32
    %scan3A_3 = arith.constant 1 : i32
    scf.for %scan3A_6 = %scan3A to %scan3A_2 step %scan3A_3  : i32 {
      %mul3A_7 = arith.constant 1 : i32
      %mul3A_8 = arith.muli %scan3A_6, %mul3A_7 : i32
      %add3A = arith.constant 0 : i32
      %add3A_9 = arith.addi %add3A, %mul3A_8 : i32
      %mul3A_10 = arith.constant 16 : i32
      %mul3A_11 = arith.muli %add3A_9, %mul3A_10 : i32
      %add3A_12 = arith.addi %mul3A_11, %arg1 : i32
      %lt3A = arith.constant 625 : i32
      %lt3A_13 = arith.cmpi slt, %add3A_12, %lt3A : i32
      %convert_element_type3A = arith.extui %lt3A_13 : i1 to i32
      %cond3A = arith.constant 0 : i32
      %cond3A_14 = arith.cmpi ne, %convert_element_type3A, %cond3A : i32
      scf.if %cond3A_14 {
        %mul3A_15 = arith.constant 625 : i32
        %mul3A_16 = arith.muli %arg0, %mul3A_15 : i32
        %add3A_17 = arith.addi %mul3A_16, %add3A_12 : i32
        %mul3A_18 = arith.constant 8 : i32
        %mul3A_19 = arith.muli %add3A_17, %mul3A_18 : i32
        "tpu.region"() ({
          %run_scoped3A_27 = tpu.sem_alloc : memref<!tpu.dma_semaphore, #tpu.memory_space<semaphore_mem>>
          %dma_start3A = arith.constant 0 : i32
          %dma_start3A_28 = tpu.memref_slice %arg2[%mul3A_19, %dma_start3A] : memref<10000x128xi32, #tpu.memory_space<hbm>> -> memref<8x128xi32, #tpu.memory_space<hbm>>
          %dma_start3A_29 = arith.constant 0 : i32
          %dma_start3A_30 = tpu.memref_slice %arg2[%mul3A_19, %dma_start3A_29] : memref<10000x128xi32, #tpu.memory_space<hbm>> -> memref<8x128xi32, #tpu.memory_space<hbm>>
          tpu.enqueue_dma source(%dma_start3A_30 : memref<8x128xi32, #tpu.memory_space<hbm>>) target(%arg6 : memref<8x128xi32, #tpu.memory_space<vmem>>) target_semaphore(%run_scoped3A_27 : memref<!tpu.dma_semaphore, #tpu.memory_space<semaphore_mem>>)
          %dma_wait3A = arith.constant 0 : i32
          %dma_wait3A_31 = tpu.memref_slice %arg2[%mul3A_19, %dma_wait3A] : memref<10000x128xi32, #tpu.memory_space<hbm>> -> memref<8x128xi32, #tpu.memory_space<hbm>>
          %dma_wait3A_32 = arith.constant 0 : i32
          %dma_wait3A_33 = tpu.memref_slice %arg2[%mul3A_19, %dma_wait3A_32] : memref<10000x128xi32, #tpu.memory_space<hbm>> -> memref<8x128xi32, #tpu.memory_space<hbm>>
          tpu.wait_dma2 semaphore(%run_scoped3A_27 : memref<!tpu.dma_semaphore, #tpu.memory_space<semaphore_mem>>) src(%dma_wait3A_33 : memref<8x128xi32, #tpu.memory_space<hbm>>) dst(%arg6 : memref<8x128xi32, #tpu.memory_space<vmem>>)
          tpu.yield
        }) : () -> ()
        %run_scoped3A = arith.constant 0 : i32
        "tpu.region"() ({
          %run_scoped3A_27 = tpu.sem_alloc : memref<!tpu.dma_semaphore, #tpu.memory_space<semaphore_mem>>
          %dma_start3A = arith.constant 0 : i32
          %dma_start3A_28 = tpu.memref_slice %arg6[%run_scoped3A, %dma_start3A] : memref<8x128xi32, #tpu.memory_space<vmem>> -> memref<1x128xi32, #tpu.memory_space<vmem>>
          %dma_start3A_29 = tpu.memref_squeeze %dma_start3A_28 : memref<1x128xi32, #tpu.memory_space<vmem>> -> memref<128xi32, #tpu.memory_space<vmem>>
          %dma_start3A_30 = arith.constant 0 : i32
          %dma_start3A_31 = arith.constant 0 : i32
          %dma_start3A_32 = tpu.memref_slice %arg9[%dma_start3A_30, %dma_start3A_31] : memref<40960x16xf32, #tpu.memory_space<vmem_shared>> -> memref<40960x16xf32, #tpu.memory_space<vmem_shared>>
          tpu.enqueue_indirect_dma source(%arg7 : memref<128x16xf32, #tpu.memory_space<vmem>>) target(%dma_start3A_32 : memref<40960x16xf32, #tpu.memory_space<vmem_shared>>) offsets(%dma_start3A_29 : memref<128xi32, #tpu.memory_space<vmem>>) semaphore(%run_scoped3A_27 : memref<!tpu.dma_semaphore, #tpu.memory_space<semaphore_mem>>) {add = true}
          %dma_wait3A = arith.constant 0 : i32
          %dma_wait3A_33 = tpu.memref_slice %arg6[%run_scoped3A, %dma_wait3A] : memref<8x128xi32, #tpu.memory_space<vmem>> -> memref<1x128xi32, #tpu.memory_space<vmem>>
          %dma_wait3A_34 = tpu.memref_squeeze %dma_wait3A_33 : memref<1x128xi32, #tpu.memory_space<vmem>> -> memref<128xi32, #tpu.memory_space<vmem>>
          %dma_wait3A_35 = arith.constant 0 : i32
          %dma_wait3A_36 = arith.constant 0 : i32
          %dma_wait3A_37 = tpu.memref_slice %arg9[%dma_wait3A_35, %dma_wait3A_36] : memref<40960x16xf32, #tpu.memory_space<vmem_shared>> -> memref<40960x16xf32, #tpu.memory_space<vmem_shared>>
          tpu.wait_indirect_dma semaphore(%run_scoped3A_27 : memref<!tpu.dma_semaphore, #tpu.memory_space<semaphore_mem>>) src(%arg7 : memref<128x16xf32, #tpu.memory_space<vmem>>) dst(%dma_wait3A_37 : memref<40960x16xf32, #tpu.memory_space<vmem_shared>>)
          tpu.yield
        }) : () -> ()
        %run_scoped3A_20 = arith.constant 1 : i32
        "tpu.region"() ({
          %run_scoped3A_27 = tpu.sem_alloc : memref<!tpu.dma_semaphore, #tpu.memory_space<semaphore_mem>>
          %dma_start3A = arith.constant 0 : i32
          %dma_start3A_28 = tpu.memref_slice %arg6[%run_scoped3A_20, %dma_start3A] : memref<8x128xi32, #tpu.memory_space<vmem>> -> memref<1x128xi32, #tpu.memory_space<vmem>>
          %dma_start3A_29 = tpu.memref_squeeze %dma_start3A_28 : memref<1x128xi32, #tpu.memory_space<vmem>> -> memref<128xi32, #tpu.memory_space<vmem>>
          %dma_start3A_30 = arith.constant 0 : i32
          %dma_start3A_31 = arith.constant 0 : i32
          %dma_start3A_32 = tpu.memref_slice %arg9[%dma_start3A_30, %dma_start3A_31] : memref<40960x16xf32, #tpu.memory_space<vmem_shared>> -> memref<40960x16xf32, #tpu.memory_space<vmem_shared>>
          tpu.enqueue_indirect_dma source(%arg7 : memref<128x16xf32, #tpu.memory_space<vmem>>) target(%dma_start3A_32 : memref<40960x16xf32, #tpu.memory_space<vmem_shared>>) offsets(%dma_start3A_29 : memref<128xi32, #tpu.memory_space<vmem>>) semaphore(%run_scoped3A_27 : memref<!tpu.dma_semaphore, #tpu.memory_space<semaphore_mem>>) {add = true}
          %dma_wait3A = arith.constant 0 : i32
          %dma_wait3A_33 = tpu.memref_slice %arg6[%run_scoped3A_20, %dma_wait3A] : memref<8x128xi32, #tpu.memory_space<vmem>> -> memref<1x128xi32, #tpu.memory_space<vmem>>
          %dma_wait3A_34 = tpu.memref_squeeze %dma_wait3A_33 : memref<1x128xi32, #tpu.memory_space<vmem>> -> memref<128xi32, #tpu.memory_space<vmem>>
          %dma_wait3A_35 = arith.constant 0 : i32
          %dma_wait3A_36 = arith.constant 0 : i32
          %dma_wait3A_37 = tpu.memref_slice %arg9[%dma_wait3A_35, %dma_wait3A_36] : memref<40960x16xf32, #tpu.memory_space<vmem_shared>> -> memref<40960x16xf32, #tpu.memory_space<vmem_shared>>
          tpu.wait_indirect_dma semaphore(%run_scoped3A_27 : memref<!tpu.dma_semaphore, #tpu.memory_space<semaphore_mem>>) src(%arg7 : memref<128x16xf32, #tpu.memory_space<vmem>>) dst(%dma_wait3A_37 : memref<40960x16xf32, #tpu.memory_space<vmem_shared>>)
          tpu.yield
        }) : () -> ()
        %run_scoped3A_21 = arith.constant 2 : i32
        "tpu.region"() ({
          %run_scoped3A_27 = tpu.sem_alloc : memref<!tpu.dma_semaphore, #tpu.memory_space<semaphore_mem>>
          %dma_start3A = arith.constant 0 : i32
          %dma_start3A_28 = tpu.memref_slice %arg6[%run_scoped3A_21, %dma_start3A] : memref<8x128xi32, #tpu.memory_space<vmem>> -> memref<1x128xi32, #tpu.memory_space<vmem>>
          %dma_start3A_29 = tpu.memref_squeeze %dma_start3A_28 : memref<1x128xi32, #tpu.memory_space<vmem>> -> memref<128xi32, #tpu.memory_space<vmem>>
          %dma_start3A_30 = arith.constant 0 : i32
          %dma_start3A_31 = arith.constant 0 : i32
          %dma_start3A_32 = tpu.memref_slice %arg9[%dma_start3A_30, %dma_start3A_31] : memref<40960x16xf32, #tpu.memory_space<vmem_shared>> -> memref<40960x16xf32, #tpu.memory_space<vmem_shared>>
          tpu.enqueue_indirect_dma source(%arg7 : memref<128x16xf32, #tpu.memory_space<vmem>>) target(%dma_start3A_32 : memref<40960x16xf32, #tpu.memory_space<vmem_shared>>) offsets(%dma_start3A_29 : memref<128xi32, #tpu.memory_space<vmem>>) semaphore(%run_scoped3A_27 : memref<!tpu.dma_semaphore, #tpu.memory_space<semaphore_mem>>) {add = true}
          %dma_wait3A = arith.constant 0 : i32
          %dma_wait3A_33 = tpu.memref_slice %arg6[%run_scoped3A_21, %dma_wait3A] : memref<8x128xi32, #tpu.memory_space<vmem>> -> memref<1x128xi32, #tpu.memory_space<vmem>>
          %dma_wait3A_34 = tpu.memref_squeeze %dma_wait3A_33 : memref<1x128xi32, #tpu.memory_space<vmem>> -> memref<128xi32, #tpu.memory_space<vmem>>
          %dma_wait3A_35 = arith.constant 0 : i32
          %dma_wait3A_36 = arith.constant 0 : i32
          %dma_wait3A_37 = tpu.memref_slice %arg9[%dma_wait3A_35, %dma_wait3A_36] : memref<40960x16xf32, #tpu.memory_space<vmem_shared>> -> memref<40960x16xf32, #tpu.memory_space<vmem_shared>>
          tpu.wait_indirect_dma semaphore(%run_scoped3A_27 : memref<!tpu.dma_semaphore, #tpu.memory_space<semaphore_mem>>) src(%arg7 : memref<128x16xf32, #tpu.memory_space<vmem>>) dst(%dma_wait3A_37 : memref<40960x16xf32, #tpu.memory_space<vmem_shared>>)
          tpu.yield
        }) : () -> ()
        %run_scoped3A_22 = arith.constant 3 : i32
        "tpu.region"() ({
          %run_scoped3A_27 = tpu.sem_alloc : memref<!tpu.dma_semaphore, #tpu.memory_space<semaphore_mem>>
          %dma_start3A = arith.constant 0 : i32
          %dma_start3A_28 = tpu.memref_slice %arg6[%run_scoped3A_22, %dma_start3A] : memref<8x128xi32, #tpu.memory_space<vmem>> -> memref<1x128xi32, #tpu.memory_space<vmem>>
          %dma_start3A_29 = tpu.memref_squeeze %dma_start3A_28 : memref<1x128xi32, #tpu.memory_space<vmem>> -> memref<128xi32, #tpu.memory_space<vmem>>
          %dma_start3A_30 = arith.constant 0 : i32
          %dma_start3A_31 = arith.constant 0 : i32
          %dma_start3A_32 = tpu.memref_slice %arg9[%dma_start3A_30, %dma_start3A_31] : memref<40960x16xf32, #tpu.memory_space<vmem_shared>> -> memref<40960x16xf32, #tpu.memory_space<vmem_shared>>
          tpu.enqueue_indirect_dma source(%arg7 : memref<128x16xf32, #tpu.memory_space<vmem>>) target(%dma_start3A_32 : memref<40960x16xf32, #tpu.memory_space<vmem_shared>>) offsets(%dma_start3A_29 : memref<128xi32, #tpu.memory_space<vmem>>) semaphore(%run_scoped3A_27 : memref<!tpu.dma_semaphore, #tpu.memory_space<semaphore_mem>>) {add = true}
          %dma_wait3A = arith.constant 0 : i32
          %dma_wait3A_33 = tpu.memref_slice %arg6[%run_scoped3A_22, %dma_wait3A] : memref<8x128xi32, #tpu.memory_space<vmem>> -> memref<1x128xi32, #tpu.memory_space<vmem>>
          %dma_wait3A_34 = tpu.memref_squeeze %dma_wait3A_33 : memref<1x128xi32, #tpu.memory_space<vmem>> -> memref<128xi32, #tpu.memory_space<vmem>>
          %dma_wait3A_35 = arith.constant 0 : i32
          %dma_wait3A_36 = arith.constant 0 : i32
          %dma_wait3A_37 = tpu.memref_slice %arg9[%dma_wait3A_35, %dma_wait3A_36] : memref<40960x16xf32, #tpu.memory_space<vmem_shared>> -> memref<40960x16xf32, #tpu.memory_space<vmem_shared>>
          tpu.wait_indirect_dma semaphore(%run_scoped3A_27 : memref<!tpu.dma_semaphore, #tpu.memory_space<semaphore_mem>>) src(%arg7 : memref<128x16xf32, #tpu.memory_space<vmem>>) dst(%dma_wait3A_37 : memref<40960x16xf32, #tpu.memory_space<vmem_shared>>)
          tpu.yield
        }) : () -> ()
        %run_scoped3A_23 = arith.constant 4 : i32
        "tpu.region"() ({
          %run_scoped3A_27 = tpu.sem_alloc : memref<!tpu.dma_semaphore, #tpu.memory_space<semaphore_mem>>
          %dma_start3A = arith.constant 0 : i32
          %dma_start3A_28 = tpu.memref_slice %arg6[%run_scoped3A_23, %dma_start3A] : memref<8x128xi32, #tpu.memory_space<vmem>> -> memref<1x128xi32, #tpu.memory_space<vmem>>
          %dma_start3A_29 = tpu.memref_squeeze %dma_start3A_28 : memref<1x128xi32, #tpu.memory_space<vmem>> -> memref<128xi32, #tpu.memory_space<vmem>>
          %dma_start3A_30 = arith.constant 0 : i32
          %dma_start3A_31 = arith.constant 0 : i32
          %dma_start3A_32 = tpu.memref_slice %arg9[%dma_start3A_30, %dma_start3A_31] : memref<40960x16xf32, #tpu.memory_space<vmem_shared>> -> memref<40960x16xf32, #tpu.memory_space<vmem_shared>>
          tpu.enqueue_indirect_dma source(%arg7 : memref<128x16xf32, #tpu.memory_space<vmem>>) target(%dma_start3A_32 : memref<40960x16xf32, #tpu.memory_space<vmem_shared>>) offsets(%dma_start3A_29 : memref<128xi32, #tpu.memory_space<vmem>>) semaphore(%run_scoped3A_27 : memref<!tpu.dma_semaphore, #tpu.memory_space<semaphore_mem>>) {add = true}
          %dma_wait3A = arith.constant 0 : i32
          %dma_wait3A_33 = tpu.memref_slice %arg6[%run_scoped3A_23, %dma_wait3A] : memref<8x128xi32, #tpu.memory_space<vmem>> -> memref<1x128xi32, #tpu.memory_space<vmem>>
          %dma_wait3A_34 = tpu.memref_squeeze %dma_wait3A_33 : memref<1x128xi32, #tpu.memory_space<vmem>> -> memref<128xi32, #tpu.memory_space<vmem>>
          %dma_wait3A_35 = arith.constant 0 : i32
          %dma_wait3A_36 = arith.constant 0 : i32
          %dma_wait3A_37 = tpu.memref_slice %arg9[%dma_wait3A_35, %dma_wait3A_36] : memref<40960x16xf32, #tpu.memory_space<vmem_shared>> -> memref<40960x16xf32, #tpu.memory_space<vmem_shared>>
          tpu.wait_indirect_dma semaphore(%run_scoped3A_27 : memref<!tpu.dma_semaphore, #tpu.memory_space<semaphore_mem>>) src(%arg7 : memref<128x16xf32, #tpu.memory_space<vmem>>) dst(%dma_wait3A_37 : memref<40960x16xf32, #tpu.memory_space<vmem_shared>>)
          tpu.yield
        }) : () -> ()
        %run_scoped3A_24 = arith.constant 5 : i32
        "tpu.region"() ({
          %run_scoped3A_27 = tpu.sem_alloc : memref<!tpu.dma_semaphore, #tpu.memory_space<semaphore_mem>>
          %dma_start3A = arith.constant 0 : i32
          %dma_start3A_28 = tpu.memref_slice %arg6[%run_scoped3A_24, %dma_start3A] : memref<8x128xi32, #tpu.memory_space<vmem>> -> memref<1x128xi32, #tpu.memory_space<vmem>>
          %dma_start3A_29 = tpu.memref_squeeze %dma_start3A_28 : memref<1x128xi32, #tpu.memory_space<vmem>> -> memref<128xi32, #tpu.memory_space<vmem>>
          %dma_start3A_30 = arith.constant 0 : i32
          %dma_start3A_31 = arith.constant 0 : i32
          %dma_start3A_32 = tpu.memref_slice %arg9[%dma_start3A_30, %dma_start3A_31] : memref<40960x16xf32, #tpu.memory_space<vmem_shared>> -> memref<40960x16xf32, #tpu.memory_space<vmem_shared>>
          tpu.enqueue_indirect_dma source(%arg7 : memref<128x16xf32, #tpu.memory_space<vmem>>) target(%dma_start3A_32 : memref<40960x16xf32, #tpu.memory_space<vmem_shared>>) offsets(%dma_start3A_29 : memref<128xi32, #tpu.memory_space<vmem>>) semaphore(%run_scoped3A_27 : memref<!tpu.dma_semaphore, #tpu.memory_space<semaphore_mem>>) {add = true}
          %dma_wait3A = arith.constant 0 : i32
          %dma_wait3A_33 = tpu.memref_slice %arg6[%run_scoped3A_24, %dma_wait3A] : memref<8x128xi32, #tpu.memory_space<vmem>> -> memref<1x128xi32, #tpu.memory_space<vmem>>
          %dma_wait3A_34 = tpu.memref_squeeze %dma_wait3A_33 : memref<1x128xi32, #tpu.memory_space<vmem>> -> memref<128xi32, #tpu.memory_space<vmem>>
          %dma_wait3A_35 = arith.constant 0 : i32
          %dma_wait3A_36 = arith.constant 0 : i32
          %dma_wait3A_37 = tpu.memref_slice %arg9[%dma_wait3A_35, %dma_wait3A_36] : memref<40960x16xf32, #tpu.memory_space<vmem_shared>> -> memref<40960x16xf32, #tpu.memory_space<vmem_shared>>
          tpu.wait_indirect_dma semaphore(%run_scoped3A_27 : memref<!tpu.dma_semaphore, #tpu.memory_space<semaphore_mem>>) src(%arg7 : memref<128x16xf32, #tpu.memory_space<vmem>>) dst(%dma_wait3A_37 : memref<40960x16xf32, #tpu.memory_space<vmem_shared>>)
          tpu.yield
        }) : () -> ()
        %run_scoped3A_25 = arith.constant 6 : i32
        "tpu.region"() ({
          %run_scoped3A_27 = tpu.sem_alloc : memref<!tpu.dma_semaphore, #tpu.memory_space<semaphore_mem>>
          %dma_start3A = arith.constant 0 : i32
          %dma_start3A_28 = tpu.memref_slice %arg6[%run_scoped3A_25, %dma_start3A] : memref<8x128xi32, #tpu.memory_space<vmem>> -> memref<1x128xi32, #tpu.memory_space<vmem>>
          %dma_start3A_29 = tpu.memref_squeeze %dma_start3A_28 : memref<1x128xi32, #tpu.memory_space<vmem>> -> memref<128xi32, #tpu.memory_space<vmem>>
          %dma_start3A_30 = arith.constant 0 : i32
          %dma_start3A_31 = arith.constant 0 : i32
          %dma_start3A_32 = tpu.memref_slice %arg9[%dma_start3A_30, %dma_start3A_31] : memref<40960x16xf32, #tpu.memory_space<vmem_shared>> -> memref<40960x16xf32, #tpu.memory_space<vmem_shared>>
          tpu.enqueue_indirect_dma source(%arg7 : memref<128x16xf32, #tpu.memory_space<vmem>>) target(%dma_start3A_32 : memref<40960x16xf32, #tpu.memory_space<vmem_shared>>) offsets(%dma_start3A_29 : memref<128xi32, #tpu.memory_space<vmem>>) semaphore(%run_scoped3A_27 : memref<!tpu.dma_semaphore, #tpu.memory_space<semaphore_mem>>) {add = true}
          %dma_wait3A = arith.constant 0 : i32
          %dma_wait3A_33 = tpu.memref_slice %arg6[%run_scoped3A_25, %dma_wait3A] : memref<8x128xi32, #tpu.memory_space<vmem>> -> memref<1x128xi32, #tpu.memory_space<vmem>>
          %dma_wait3A_34 = tpu.memref_squeeze %dma_wait3A_33 : memref<1x128xi32, #tpu.memory_space<vmem>> -> memref<128xi32, #tpu.memory_space<vmem>>
          %dma_wait3A_35 = arith.constant 0 : i32
          %dma_wait3A_36 = arith.constant 0 : i32
          %dma_wait3A_37 = tpu.memref_slice %arg9[%dma_wait3A_35, %dma_wait3A_36] : memref<40960x16xf32, #tpu.memory_space<vmem_shared>> -> memref<40960x16xf32, #tpu.memory_space<vmem_shared>>
          tpu.wait_indirect_dma semaphore(%run_scoped3A_27 : memref<!tpu.dma_semaphore, #tpu.memory_space<semaphore_mem>>) src(%arg7 : memref<128x16xf32, #tpu.memory_space<vmem>>) dst(%dma_wait3A_37 : memref<40960x16xf32, #tpu.memory_space<vmem_shared>>)
          tpu.yield
        }) : () -> ()
        %run_scoped3A_26 = arith.constant 7 : i32
        "tpu.region"() ({
          %run_scoped3A_27 = tpu.sem_alloc : memref<!tpu.dma_semaphore, #tpu.memory_space<semaphore_mem>>
          %dma_start3A = arith.constant 0 : i32
          %dma_start3A_28 = tpu.memref_slice %arg6[%run_scoped3A_26, %dma_start3A] : memref<8x128xi32, #tpu.memory_space<vmem>> -> memref<1x128xi32, #tpu.memory_space<vmem>>
          %dma_start3A_29 = tpu.memref_squeeze %dma_start3A_28 : memref<1x128xi32, #tpu.memory_space<vmem>> -> memref<128xi32, #tpu.memory_space<vmem>>
          %dma_start3A_30 = arith.constant 0 : i32
          %dma_start3A_31 = arith.constant 0 : i32
          %dma_start3A_32 = tpu.memref_slice %arg9[%dma_start3A_30, %dma_start3A_31] : memref<40960x16xf32, #tpu.memory_space<vmem_shared>> -> memref<40960x16xf32, #tpu.memory_space<vmem_shared>>
          tpu.enqueue_indirect_dma source(%arg7 : memref<128x16xf32, #tpu.memory_space<vmem>>) target(%dma_start3A_32 : memref<40960x16xf32, #tpu.memory_space<vmem_shared>>) offsets(%dma_start3A_29 : memref<128xi32, #tpu.memory_space<vmem>>) semaphore(%run_scoped3A_27 : memref<!tpu.dma_semaphore, #tpu.memory_space<semaphore_mem>>) {add = true}
          %dma_wait3A = arith.constant 0 : i32
          %dma_wait3A_33 = tpu.memref_slice %arg6[%run_scoped3A_26, %dma_wait3A] : memref<8x128xi32, #tpu.memory_space<vmem>> -> memref<1x128xi32, #tpu.memory_space<vmem>>
          %dma_wait3A_34 = tpu.memref_squeeze %dma_wait3A_33 : memref<1x128xi32, #tpu.memory_space<vmem>> -> memref<128xi32, #tpu.memory_space<vmem>>
          %dma_wait3A_35 = arith.constant 0 : i32
          %dma_wait3A_36 = arith.constant 0 : i32
          %dma_wait3A_37 = tpu.memref_slice %arg9[%dma_wait3A_35, %dma_wait3A_36] : memref<40960x16xf32, #tpu.memory_space<vmem_shared>> -> memref<40960x16xf32, #tpu.memory_space<vmem_shared>>
          tpu.wait_indirect_dma semaphore(%run_scoped3A_27 : memref<!tpu.dma_semaphore, #tpu.memory_space<semaphore_mem>>) src(%arg7 : memref<128x16xf32, #tpu.memory_space<vmem>>) dst(%dma_wait3A_37 : memref<40960x16xf32, #tpu.memory_space<vmem_shared>>)
          tpu.yield
        }) : () -> ()
      } else {
      }
    }
    %scan3A_4 = arith.constant 40 : i32
    %barrier3A_5 = arith.constant 0 : index
    tpu.barrier barrier_id(%barrier3A_5)
    "tpu.region"() ({
      %run_scoped3A = tpu.sem_alloc : memref<!tpu.dma_semaphore, #tpu.memory_space<semaphore_mem>>
      %dma_start3A = arith.constant 0 : i32
      %dma_start3A_6 = tpu.memref_slice %arg9[%mul3A_0, %dma_start3A] : memref<40960x16xf32, #tpu.memory_space<vmem_shared>> -> memref<2560x16xf32, #tpu.memory_space<vmem_shared>>
      %dma_start3A_7 = arith.constant 0 : i32
      %dma_start3A_8 = tpu.memref_slice %arg9[%mul3A_0, %dma_start3A_7] : memref<40960x16xf32, #tpu.memory_space<vmem_shared>> -> memref<2560x16xf32, #tpu.memory_space<vmem_shared>>
      tpu.enqueue_dma source(%dma_start3A_8 : memref<2560x16xf32, #tpu.memory_space<vmem_shared>>) target(%arg8 : memref<2560x16xf32, #tpu.memory_space<vmem>>) target_semaphore(%run_scoped3A : memref<!tpu.dma_semaphore, #tpu.memory_space<semaphore_mem>>)
      %dma_wait3A = arith.constant 0 : i32
      %dma_wait3A_9 = tpu.memref_slice %arg9[%mul3A_0, %dma_wait3A] : memref<40960x16xf32, #tpu.memory_space<vmem_shared>> -> memref<2560x16xf32, #tpu.memory_space<vmem_shared>>
      %dma_wait3A_10 = arith.constant 0 : i32
      %dma_wait3A_11 = tpu.memref_slice %arg9[%mul3A_0, %dma_wait3A_10] : memref<40960x16xf32, #tpu.memory_space<vmem_shared>> -> memref<2560x16xf32, #tpu.memory_space<vmem_shared>>
      tpu.wait_dma2 semaphore(%run_scoped3A : memref<!tpu.dma_semaphore, #tpu.memory_space<semaphore_mem>>) src(%dma_wait3A_11 : memref<2560x16xf32, #tpu.memory_space<vmem_shared>>) dst(%arg8 : memref<2560x16xf32, #tpu.memory_space<vmem>>)
      tpu.yield
    }) : () -> ()
    "tpu.region"() ({
      %run_scoped3A = tpu.sem_alloc : memref<!tpu.dma_semaphore, #tpu.memory_space<semaphore_mem>>
      %dma_start3A = arith.constant 0 : i32
      %dma_start3A_6 = tpu.memref_slice %arg5[%arg0, %mul3A_0, %dma_start3A] : memref<2x40960x16xf32, #tpu.memory_space<hbm>> -> memref<1x2560x16xf32, #tpu.memory_space<hbm>>
      %dma_start3A_7 = tpu.memref_squeeze %dma_start3A_6 : memref<1x2560x16xf32, #tpu.memory_space<hbm>> -> memref<2560x16xf32, #tpu.memory_space<hbm>>
      %dma_start3A_8 = arith.constant 0 : i32
      %dma_start3A_9 = tpu.memref_slice %arg5[%arg0, %mul3A_0, %dma_start3A_8] : memref<2x40960x16xf32, #tpu.memory_space<hbm>> -> memref<1x2560x16xf32, #tpu.memory_space<hbm>>
      %dma_start3A_10 = tpu.memref_squeeze %dma_start3A_9 : memref<1x2560x16xf32, #tpu.memory_space<hbm>> -> memref<2560x16xf32, #tpu.memory_space<hbm>>
      tpu.enqueue_dma source(%arg8 : memref<2560x16xf32, #tpu.memory_space<vmem>>) target(%dma_start3A_10 : memref<2560x16xf32, #tpu.memory_space<hbm>>) target_semaphore(%run_scoped3A : memref<!tpu.dma_semaphore, #tpu.memory_space<semaphore_mem>>)
      %dma_wait3A = arith.constant 0 : i32
      %dma_wait3A_11 = tpu.memref_slice %arg5[%arg0, %mul3A_0, %dma_wait3A] : memref<2x40960x16xf32, #tpu.memory_space<hbm>> -> memref<1x2560x16xf32, #tpu.memory_space<hbm>>
      %dma_wait3A_12 = tpu.memref_squeeze %dma_wait3A_11 : memref<1x2560x16xf32, #tpu.memory_space<hbm>> -> memref<2560x16xf32, #tpu.memory_space<hbm>>
      %dma_wait3A_13 = arith.constant 0 : i32
      %dma_wait3A_14 = tpu.memref_slice %arg5[%arg0, %mul3A_0, %dma_wait3A_13] : memref<2x40960x16xf32, #tpu.memory_space<hbm>> -> memref<1x2560x16xf32, #tpu.memory_space<hbm>>
      %dma_wait3A_15 = tpu.memref_squeeze %dma_wait3A_14 : memref<1x2560x16xf32, #tpu.memory_space<hbm>> -> memref<2560x16xf32, #tpu.memory_space<hbm>>
      tpu.wait_dma2 semaphore(%run_scoped3A : memref<!tpu.dma_semaphore, #tpu.memory_space<semaphore_mem>>) src(%arg8 : memref<2560x16xf32, #tpu.memory_space<vmem>>) dst(%dma_wait3A_15 : memref<2560x16xf32, #tpu.memory_space<hbm>>)
      tpu.yield
    }) : () -> ()
    return
  }
}

module attributes {stable_mosaic.version = 14 : i64} {
  func.func @_mm_body(%arg0: i32, %arg1: memref<2000x128xf32, #tpu.memory_space<vmem>>, %arg2: memref<128x128xf32, #tpu.memory_space<vmem>>, %arg3: memref<2000x128xf32, #tpu.memory_space<vmem>>) attributes {dimension_semantics = [#tpu.dimension_semantics<arbitrary>], iteration_bounds = array<i64: 20>, scalar_prefetch = 0 : i64, scratch_operands = 0 : i64, tpu.core_type = #tpu.core_type<tc>, window_params = [{transform_indices = @transform_0, window_bounds = array<i64: 2000, 128>}, {pipeline_mode = #tpu.pipeline_mode<synchronous>, transform_indices = @transform_1, window_bounds = array<i64: 128, 128>}, {transform_indices = @transform_2, window_bounds = array<i64: 2000, 128>}]} {
    %get3A = arith.constant 0 : index
    %get3A_0 = arith.constant 0 : index
    %get3A_1 = vector.load %arg1[%get3A, %get3A_0] : memref<2000x128xf32, #tpu.memory_space<vmem>>, vector<2000x128xf32>
    %get3A_2 = arith.constant 0 : index
    %get3A_3 = arith.constant 0 : index
    %get3A_4 = vector.load %arg2[%get3A_2, %get3A_3] : memref<128x128xf32, #tpu.memory_space<vmem>>, vector<128x128xf32>
    %dot_general3A = arith.constant dense<0.000000e+00> : vector<2000x128xf32>
    %dot_general3A_5 = tpu.matmul %get3A_1, %get3A_4, %dot_general3A {dimension_numbers = #tpu.dot_dimension_numbers<[1], [0], [0], [1], [0, 0, 1, 1], [], []>, transpose_lhs_hint = false} : vector<2000x128xf32>, vector<128x128xf32>, vector<2000x128xf32> -> vector<2000x128xf32>
    %swap3A = arith.constant 0 : index
    %swap3A_6 = arith.constant 0 : index
    %swap3A_7 = vector.load %arg3[%swap3A, %swap3A_6] : memref<2000x128xf32, #tpu.memory_space<vmem>>, vector<2000x128xf32>
    tpu.vector_store %arg3[%swap3A, %swap3A_6], %dot_general3A_5 {strides = array<i32>} : memref<2000x128xf32, #tpu.memory_space<vmem>>, vector<2000x128xf32>,
    return
  }
  func.func @transform_0(%arg0: i32) -> (i32, i32) {
    %c0_i32 = arith.constant 0 : i32
    %c0_i32_0 = arith.constant 0 : i32
    return %arg0, %c0_i32 : i32, i32
  }
  func.func @transform_1(%arg0: i32) -> (i32, i32) {
    %c0_i32 = arith.constant 0 : i32
    %c0_i32_0 = arith.constant 0 : i32
    %c0_i32_1 = arith.constant 0 : i32
    return %c0_i32, %c0_i32_0 : i32, i32
  }
  func.func @transform_2(%arg0: i32) -> (i32, i32) {
    %c0_i32 = arith.constant 0 : i32
    %c0_i32_0 = arith.constant 0 : i32
    return %arg0, %c0_i32 : i32, i32
  }
}

module attributes {stable_mosaic.version = 14 : i64} {
  func.func @_mid_body(%arg0: i32, %arg1: memref<2000x128xf32, #tpu.memory_space<vmem>>, %arg2: memref<2x2000x16xf32, #tpu.memory_space<vmem>>, %arg3: memref<1x128xf32, #tpu.memory_space<vmem>>, %arg4: memref<2000x32xf32, #tpu.memory_space<vmem>>, %arg5: memref<2000x32xf32, #tpu.memory_space<vmem>>, %arg6: memref<2000x32xf32, #tpu.memory_space<vmem>>, %arg7: memref<2000x32xf32, #tpu.memory_space<vmem>>, %arg8: memref<2000x128xf32, #tpu.memory_space<vmem>>) attributes {dimension_semantics = [#tpu.dimension_semantics<arbitrary>], iteration_bounds = array<i64: 20>, scalar_prefetch = 0 : i64, scratch_operands = 0 : i64, tpu.core_type = #tpu.core_type<tc>, window_params = [{transform_indices = @transform_0, window_bounds = array<i64: 2000, 128>}, {transform_indices = @transform_1, window_bounds = array<i64: 2, 2000, 16>}, {pipeline_mode = #tpu.pipeline_mode<synchronous>, transform_indices = @transform_2, window_bounds = array<i64: 1, 128>}, {transform_indices = @transform_3, window_bounds = array<i64: 2000, 32>}, {transform_indices = @transform_4, window_bounds = array<i64: 2000, 32>}, {transform_indices = @transform_5, window_bounds = array<i64: 2000, 32>}, {transform_indices = @transform_6, window_bounds = array<i64: 2000, 32>}, {transform_indices = @transform_7, window_bounds = array<i64: 2000, 128>}]} {
    %get3A = arith.constant 0 : index
    %get3A_0 = arith.constant 0 : index
    %get3A_1 = arith.constant 0 : index
    %get3A_2 = vector.load %arg2[%get3A, %get3A_0, %get3A_1] : memref<2x2000x16xf32, #tpu.memory_space<vmem>>, vector<1x2000x1xf32>
    %get3A_3 = vector.shape_cast %get3A_2 : vector<1x2000x1xf32> to vector<2000x1xf32>
    %get3A_4 = arith.constant 1 : index
    %get3A_5 = arith.constant 0 : index
    %get3A_6 = arith.constant 0 : index
    %get3A_7 = vector.load %arg2[%get3A_4, %get3A_5, %get3A_6] : memref<2x2000x16xf32, #tpu.memory_space<vmem>>, vector<1x2000x1xf32>
    %get3A_8 = vector.shape_cast %get3A_7 : vector<1x2000x1xf32> to vector<2000x1xf32>
    %add3A = arith.addf %get3A_3, %get3A_8 : vector<2000x1xf32>
    %add3A_9 = arith.constant 1.000000e+00 : f32
    %add3A_10 = vector.broadcast %add3A_9 : f32 to vector<2000x1xf32>
    %add3A_11 = arith.addf %add3A, %add3A_10 : vector<2000x1xf32>
    %rsqrt3A = math.rsqrt %add3A_11 : vector<2000x1xf32>
    %get3A_12 = arith.constant 0 : index
    %get3A_13 = arith.constant 0 : index
    %get3A_14 = vector.load %arg1[%get3A_12, %get3A_13] : memref<2000x128xf32, #tpu.memory_space<vmem>>, vector<2000x128xf32>
    %mul3A = vector.broadcast %rsqrt3A : vector<2000x1xf32> to vector<2000x128xf32>
    %mul3A_15 = arith.mulf %get3A_14, %mul3A : vector<2000x128xf32>
    %mul3A_16 = vector.broadcast %rsqrt3A : vector<2000x1xf32> to vector<2000x128xf32>
    %mul3A_17 = arith.mulf %mul3A_15, %mul3A_16 : vector<2000x128xf32>
    %get3A_18 = arith.constant 0 : index
    %get3A_19 = arith.constant 0 : index
    %get3A_20 = vector.load %arg3[%get3A_18, %get3A_19] : memref<1x128xf32, #tpu.memory_space<vmem>>, vector<1x128xf32>
    %add3A_21 = vector.broadcast %get3A_20 : vector<1x128xf32> to vector<2000x128xf32>
    %add3A_22 = arith.addf %mul3A_17, %add3A_21 : vector<2000x128xf32>
    %swap3A = arith.constant 0 : index
    %swap3A_23 = arith.constant 0 : index
    %swap3A_24 = vector.load %arg8[%swap3A, %swap3A_23] : memref<2000x128xf32, #tpu.memory_space<vmem>>, vector<2000x128xf32>
    tpu.vector_store %arg8[%swap3A, %swap3A_23], %add3A_22 {strides = array<i32>} : memref<2000x128xf32, #tpu.memory_space<vmem>>, vector<2000x128xf32>,
    %slice3A = vector.extract_strided_slice %mul3A_15 {offsets = [0, 0], sizes = [2000, 32], strides = [1, 1]} : vector<2000x128xf32> to vector<2000x32xf32>
    %swap3A_25 = arith.constant 0 : index
    %swap3A_26 = arith.constant 0 : index
    %swap3A_27 = vector.load %arg4[%swap3A_25, %swap3A_26] : memref<2000x32xf32, #tpu.memory_space<vmem>>, vector<2000x32xf32>
    tpu.vector_store %arg4[%swap3A_25, %swap3A_26], %slice3A {strides = array<i32>} : memref<2000x32xf32, #tpu.memory_space<vmem>>, vector<2000x32xf32>,
    %slice3A_28 = vector.extract_strided_slice %mul3A_15 {offsets = [0, 32], sizes = [2000, 32], strides = [1, 1]} : vector<2000x128xf32> to vector<2000x32xf32>
    %swap3A_29 = arith.constant 0 : index
    %swap3A_30 = arith.constant 0 : index
    %swap3A_31 = vector.load %arg5[%swap3A_29, %swap3A_30] : memref<2000x32xf32, #tpu.memory_space<vmem>>, vector<2000x32xf32>
    tpu.vector_store %arg5[%swap3A_29, %swap3A_30], %slice3A_28 {strides = array<i32>} : memref<2000x32xf32, #tpu.memory_space<vmem>>, vector<2000x32xf32>,
    %slice3A_32 = vector.extract_strided_slice %mul3A_15 {offsets = [0, 64], sizes = [2000, 32], strides = [1, 1]} : vector<2000x128xf32> to vector<2000x32xf32>
    %swap3A_33 = arith.constant 0 : index
    %swap3A_34 = arith.constant 0 : index
    %swap3A_35 = vector.load %arg6[%swap3A_33, %swap3A_34] : memref<2000x32xf32, #tpu.memory_space<vmem>>, vector<2000x32xf32>
    tpu.vector_store %arg6[%swap3A_33, %swap3A_34], %slice3A_32 {strides = array<i32>} : memref<2000x32xf32, #tpu.memory_space<vmem>>, vector<2000x32xf32>,
    %slice3A_36 = vector.extract_strided_slice %mul3A_15 {offsets = [0, 96], sizes = [2000, 32], strides = [1, 1]} : vector<2000x128xf32> to vector<2000x32xf32>
    %swap3A_37 = arith.constant 0 : index
    %swap3A_38 = arith.constant 0 : index
    %swap3A_39 = vector.load %arg7[%swap3A_37, %swap3A_38] : memref<2000x32xf32, #tpu.memory_space<vmem>>, vector<2000x32xf32>
    tpu.vector_store %arg7[%swap3A_37, %swap3A_38], %slice3A_36 {strides = array<i32>} : memref<2000x32xf32, #tpu.memory_space<vmem>>, vector<2000x32xf32>,
    return
  }
  func.func @transform_0(%arg0: i32) -> (i32, i32) {
    %c0_i32 = arith.constant 0 : i32
    %c0_i32_0 = arith.constant 0 : i32
    return %arg0, %c0_i32 : i32, i32
  }
  func.func @transform_1(%arg0: i32) -> (i32, i32, i32) {
    %c0_i32 = arith.constant 0 : i32
    %c0_i32_0 = arith.constant 0 : i32
    %c0_i32_1 = arith.constant 0 : i32
    return %c0_i32, %arg0, %c0_i32_0 : i32, i32, i32
  }
  func.func @transform_2(%arg0: i32) -> (i32, i32) {
    %c0_i32 = arith.constant 0 : i32
    %c0_i32_0 = arith.constant 0 : i32
    %c0_i32_1 = arith.constant 0 : i32
    return %c0_i32, %c0_i32_0 : i32, i32
  }
  func.func @transform_3(%arg0: i32) -> (i32, i32) {
    %c0_i32 = arith.constant 0 : i32
    %c0_i32_0 = arith.constant 0 : i32
    return %arg0, %c0_i32 : i32, i32
  }
  func.func @transform_4(%arg0: i32) -> (i32, i32) {
    %c0_i32 = arith.constant 0 : i32
    %c0_i32_0 = arith.constant 0 : i32
    return %arg0, %c0_i32 : i32, i32
  }
  func.func @transform_5(%arg0: i32) -> (i32, i32) {
    %c0_i32 = arith.constant 0 : i32
    %c0_i32_0 = arith.constant 0 : i32
    return %arg0, %c0_i32 : i32, i32
  }
  func.func @transform_6(%arg0: i32) -> (i32, i32) {
    %c0_i32 = arith.constant 0 : i32
    %c0_i32_0 = arith.constant 0 : i32
    return %arg0, %c0_i32 : i32, i32
  }
  func.func @transform_7(%arg0: i32) -> (i32, i32) {
    %c0_i32 = arith.constant 0 : i32
    %c0_i32_0 = arith.constant 0 : i32
    return %arg0, %c0_i32 : i32, i32
  }
}

module attributes {stable_mosaic.version = 14 : i64} {
  func.func @_epi_body(%arg0: i32, %arg1: memref<2000x32xf32, #tpu.memory_space<vmem>>, %arg2: memref<2000x32xf32, #tpu.memory_space<vmem>>, %arg3: memref<2000x32xf32, #tpu.memory_space<vmem>>, %arg4: memref<2000x32xf32, #tpu.memory_space<vmem>>, %arg5: memref<2000x128xf32, #tpu.memory_space<vmem>>, %arg6: memref<2x2000x16xf32, #tpu.memory_space<vmem>>, %arg7: memref<2000x128xf32, #tpu.memory_space<vmem>>, %arg8: memref<128x128xf32, #tpu.memory_space<vmem>>, %arg9: memref<1x128xf32, #tpu.memory_space<vmem>>, %arg10: memref<128x128xf32, #tpu.memory_space<vmem>>, %arg11: memref<1x128xf32, #tpu.memory_space<vmem>>, %arg12: memref<2000x128xf32, #tpu.memory_space<vmem>>) attributes {dimension_semantics = [#tpu.dimension_semantics<arbitrary>], iteration_bounds = array<i64: 20>, scalar_prefetch = 0 : i64, scratch_operands = 0 : i64, tpu.core_type = #tpu.core_type<tc>, window_params = [{transform_indices = @transform_0, window_bounds = array<i64: 2000, 32>}, {transform_indices = @transform_1, window_bounds = array<i64: 2000, 32>}, {transform_indices = @transform_2, window_bounds = array<i64: 2000, 32>}, {transform_indices = @transform_3, window_bounds = array<i64: 2000, 32>}, {transform_indices = @transform_4, window_bounds = array<i64: 2000, 128>}, {transform_indices = @transform_5, window_bounds = array<i64: 2, 2000, 16>}, {transform_indices = @transform_6, window_bounds = array<i64: 2000, 128>}, {pipeline_mode = #tpu.pipeline_mode<synchronous>, transform_indices = @transform_7, window_bounds = array<i64: 128, 128>}, {pipeline_mode = #tpu.pipeline_mode<synchronous>, transform_indices = @transform_8, window_bounds = array<i64: 1, 128>}, {pipeline_mode = #tpu.pipeline_mode<synchronous>, transform_indices = @transform_9, window_bounds = array<i64: 128, 128>}, {pipeline_mode = #tpu.pipeline_mode<synchronous>, transform_indices = @transform_10, window_bounds = array<i64: 1, 128>}, {transform_indices = @transform_11, window_bounds = array<i64: 2000, 128>}]} {
    %get3A = arith.constant 0 : index
    %get3A_0 = arith.constant 0 : index
    %get3A_1 = arith.constant 0 : index
    %get3A_2 = vector.load %arg6[%get3A, %get3A_0, %get3A_1] : memref<2x2000x16xf32, #tpu.memory_space<vmem>>, vector<1x2000x1xf32>
    %get3A_3 = vector.shape_cast %get3A_2 : vector<1x2000x1xf32> to vector<2000x1xf32>
    %get3A_4 = arith.constant 1 : index
    %get3A_5 = arith.constant 0 : index
    %get3A_6 = arith.constant 0 : index
    %get3A_7 = vector.load %arg6[%get3A_4, %get3A_5, %get3A_6] : memref<2x2000x16xf32, #tpu.memory_space<vmem>>, vector<1x2000x1xf32>
    %get3A_8 = vector.shape_cast %get3A_7 : vector<1x2000x1xf32> to vector<2000x1xf32>
    %add3A = arith.addf %get3A_3, %get3A_8 : vector<2000x1xf32>
    %add3A_9 = arith.constant 1.000000e+00 : f32
    %add3A_10 = vector.broadcast %add3A_9 : f32 to vector<2000x1xf32>
    %add3A_11 = arith.addf %add3A, %add3A_10 : vector<2000x1xf32>
    %rsqrt3A = math.rsqrt %add3A_11 : vector<2000x1xf32>
    %get3A_12 = arith.constant 0 : index
    %get3A_13 = arith.constant 0 : index
    %get3A_14 = vector.load %arg1[%get3A_12, %get3A_13] : memref<2000x32xf32, #tpu.memory_space<vmem>>, vector<2000x32xf32>
    %get3A_15 = arith.constant 0 : index
    %get3A_16 = arith.constant 0 : index
    %get3A_17 = vector.load %arg2[%get3A_15, %get3A_16] : memref<2000x32xf32, #tpu.memory_space<vmem>>, vector<2000x32xf32>
    %get3A_18 = arith.constant 0 : index
    %get3A_19 = arith.constant 0 : index
    %get3A_20 = vector.load %arg3[%get3A_18, %get3A_19] : memref<2000x32xf32, #tpu.memory_space<vmem>>, vector<2000x32xf32>
    %get3A_21 = arith.constant 0 : index
    %get3A_22 = arith.constant 0 : index
    %get3A_23 = vector.load %arg4[%get3A_21, %get3A_22] : memref<2000x32xf32, #tpu.memory_space<vmem>>, vector<2000x32xf32>
    %concatenate3A = tpu.concatenate %get3A_14, %get3A_17, %get3A_20, %get3A_23 in 1 : vector<2000x32xf32>, vector<2000x32xf32>, vector<2000x32xf32>, vector<2000x32xf32> -> vector<2000x128xf32>
    %mul3A = vector.broadcast %rsqrt3A : vector<2000x1xf32> to vector<2000x128xf32>
    %mul3A_24 = arith.mulf %concatenate3A, %mul3A : vector<2000x128xf32>
    %get3A_25 = arith.constant 0 : index
    %get3A_26 = arith.constant 0 : index
    %get3A_27 = vector.load %arg5[%get3A_25, %get3A_26] : memref<2000x128xf32, #tpu.memory_space<vmem>>, vector<2000x128xf32>
    %add3A_28 = arith.addf %mul3A_24, %get3A_27 : vector<2000x128xf32>
    %max3A = arith.constant 0.000000e+00 : f32
    %max3A_29 = vector.broadcast %max3A : f32 to vector<2000x128xf32>
    %max3A_30 = arith.maximumf %add3A_28, %max3A_29 : vector<2000x128xf32>
    %get3A_31 = arith.constant 0 : index
    %get3A_32 = arith.constant 0 : index
    %get3A_33 = vector.load %arg7[%get3A_31, %get3A_32] : memref<2000x128xf32, #tpu.memory_space<vmem>>, vector<2000x128xf32>
    %add3A_34 = arith.addf %max3A_30, %get3A_33 : vector<2000x128xf32>
    %get3A_35 = arith.constant 0 : index
    %get3A_36 = arith.constant 0 : index
    %get3A_37 = vector.load %arg8[%get3A_35, %get3A_36] : memref<128x128xf32, #tpu.memory_space<vmem>>, vector<128x128xf32>
    %dot_general3A = arith.constant dense<0.000000e+00> : vector<2000x128xf32>
    %dot_general3A_38 = tpu.matmul %add3A_34, %get3A_37, %dot_general3A {dimension_numbers = #tpu.dot_dimension_numbers<[1], [0], [0], [1], [0, 0, 1, 1], [], []>, transpose_lhs_hint = false} : vector<2000x128xf32>, vector<128x128xf32>, vector<2000x128xf32> -> vector<2000x128xf32>
    %get3A_39 = arith.constant 0 : index
    %get3A_40 = arith.constant 0 : index
    %get3A_41 = vector.load %arg9[%get3A_39, %get3A_40] : memref<1x128xf32, #tpu.memory_space<vmem>>, vector<1x128xf32>
    %add3A_42 = vector.broadcast %get3A_41 : vector<1x128xf32> to vector<2000x128xf32>
    %add3A_43 = arith.addf %dot_general3A_38, %add3A_42 : vector<2000x128xf32>
    %ge3A = arith.constant 0.000000e+00 : f32
    %ge3A_44 = vector.broadcast %ge3A : f32 to vector<2000x128xf32>
    %ge3A_45 = arith.cmpf oge, %add3A_43, %ge3A_44 : vector<2000x128xf32>
    %mul3A_46 = arith.constant 0.00999999977 : f32
    %mul3A_47 = vector.broadcast %mul3A_46 : f32 to vector<2000x128xf32>
    %mul3A_48 = arith.mulf %mul3A_47, %add3A_43 : vector<2000x128xf32>
    %select_n3A = arith.select %ge3A_45, %add3A_43, %mul3A_48 : vector<2000x128xi1>, vector<2000x128xf32>
    %get3A_49 = arith.constant 0 : index
    %get3A_50 = arith.constant 0 : index
    %get3A_51 = vector.load %arg10[%get3A_49, %get3A_50] : memref<128x128xf32, #tpu.memory_space<vmem>>, vector<128x128xf32>
    %dot_general3A_52 = arith.constant dense<0.000000e+00> : vector<2000x128xf32>
    %dot_general3A_53 = tpu.matmul %select_n3A, %get3A_51, %dot_general3A_52 {dimension_numbers = #tpu.dot_dimension_numbers<[1], [0], [0], [1], [0, 0, 1, 1], [], []>, transpose_lhs_hint = false} : vector<2000x128xf32>, vector<128x128xf32>, vector<2000x128xf32> -> vector<2000x128xf32>
    %get3A_54 = arith.constant 0 : index
    %get3A_55 = arith.constant 0 : index
    %get3A_56 = vector.load %arg11[%get3A_54, %get3A_55] : memref<1x128xf32, #tpu.memory_space<vmem>>, vector<1x128xf32>
    %add3A_57 = vector.broadcast %get3A_56 : vector<1x128xf32> to vector<2000x128xf32>
    %add3A_58 = arith.addf %dot_general3A_53, %add3A_57 : vector<2000x128xf32>
    %ge3A_59 = arith.constant 0.000000e+00 : f32
    %ge3A_60 = vector.broadcast %ge3A_59 : f32 to vector<2000x128xf32>
    %ge3A_61 = arith.cmpf oge, %add3A_58, %ge3A_60 : vector<2000x128xf32>
    %mul3A_62 = arith.constant 0.00999999977 : f32
    %mul3A_63 = vector.broadcast %mul3A_62 : f32 to vector<2000x128xf32>
    %mul3A_64 = arith.mulf %mul3A_63, %add3A_58 : vector<2000x128xf32>
    %select_n3A_65 = arith.select %ge3A_61, %add3A_58, %mul3A_64 : vector<2000x128xi1>, vector<2000x128xf32>
    %swap3A = arith.constant 0 : index
    %swap3A_66 = arith.constant 0 : index
    %swap3A_67 = vector.load %arg12[%swap3A, %swap3A_66] : memref<2000x128xf32, #tpu.memory_space<vmem>>, vector<2000x128xf32>
    tpu.vector_store %arg12[%swap3A, %swap3A_66], %select_n3A_65 {strides = array<i32>} : memref<2000x128xf32, #tpu.memory_space<vmem>>, vector<2000x128xf32>,
    return
  }
  func.func @transform_0(%arg0: i32) -> (i32, i32) {
    %c0_i32 = arith.constant 0 : i32
    %c0_i32_0 = arith.constant 0 : i32
    return %arg0, %c0_i32 : i32, i32
  }
  func.func @transform_1(%arg0: i32) -> (i32, i32) {
    %c0_i32 = arith.constant 0 : i32
    %c0_i32_0 = arith.constant 0 : i32
    return %arg0, %c0_i32 : i32, i32
  }
  func.func @transform_2(%arg0: i32) -> (i32, i32) {
    %c0_i32 = arith.constant 0 : i32
    %c0_i32_0 = arith.constant 0 : i32
    return %arg0, %c0_i32 : i32, i32
  }
  func.func @transform_3(%arg0: i32) -> (i32, i32) {
    %c0_i32 = arith.constant 0 : i32
    %c0_i32_0 = arith.constant 0 : i32
    return %arg0, %c0_i32 : i32, i32
  }
  func.func @transform_4(%arg0: i32) -> (i32, i32) {
    %c0_i32 = arith.constant 0 : i32
    %c0_i32_0 = arith.constant 0 : i32
    return %arg0, %c0_i32 : i32, i32
  }
  func.func @transform_5(%arg0: i32) -> (i32, i32, i32) {
    %c0_i32 = arith.constant 0 : i32
    %c0_i32_0 = arith.constant 0 : i32
    %c0_i32_1 = arith.constant 0 : i32
    return %c0_i32, %arg0, %c0_i32_0 : i32, i32, i32
  }
  func.func @transform_6(%arg0: i32) -> (i32, i32) {
    %c0_i32 = arith.constant 0 : i32
    %c0_i32_0 = arith.constant 0 : i32
    return %arg0, %c0_i32 : i32, i32
  }
  func.func @transform_7(%arg0: i32) -> (i32, i32) {
    %c0_i32 = arith.constant 0 : i32
    %c0_i32_0 = arith.constant 0 : i32
    %c0_i32_1 = arith.constant 0 : i32
    return %c0_i32, %c0_i32_0 : i32, i32
  }
  func.func @transform_8(%arg0: i32) -> (i32, i32) {
    %c0_i32 = arith.constant 0 : i32
    %c0_i32_0 = arith.constant 0 : i32
    %c0_i32_1 = arith.constant 0 : i32
    return %c0_i32, %c0_i32_0 : i32, i32
  }
  func.func @transform_9(%arg0: i32) -> (i32, i32) {
    %c0_i32 = arith.constant 0 : i32
    %c0_i32_0 = arith.constant 0 : i32
    %c0_i32_1 = arith.constant 0 : i32
    return %c0_i32, %c0_i32_0 : i32, i32
  }
  func.func @transform_10(%arg0: i32) -> (i32, i32) {
    %c0_i32 = arith.constant 0 : i32
    %c0_i32_0 = arith.constant 0 : i32
    %c0_i32_1 = arith.constant 0 : i32
    return %c0_i32, %c0_i32_0 : i32, i32
  }
  func.func @transform_11(%arg0: i32) -> (i32, i32) {
    %c0_i32 = arith.constant 0 : i32
    %c0_i32_0 = arith.constant 0 : i32
    return %arg0, %c0_i32 : i32, i32
  }
}

</mosaic_0001>

<sc_bundles>
// kernel: kernel.10.cloned.1.call-start
scs
__scs_entry_jumppad:
0x0: {  	(pc) =	sbr.rel $0x88, $3  }
0x1: {  	(tag) =	ssettag $0x0;
	lr =	simm.s32 $0x1  }
0x2: {  	[smem:$0x3F99] =	sst lr;
	_ =	strace $0xD0000000  }
0x3: {  	_ = 	snop  }
0x4: {  	_ = 	snop  }
0x5: {  	_ = 	snop  }
0x6: {  	_ = 	snop  }
0x7: {  	_ = 	snop  }
__scs_overlays_trampoline_lowered:
0x8: {  	[smem:$0x3FA8] =	sst s0  }
0x9: {  	[smem:$0x3FA9] =	sst s1  }
0xa: {  	[smem:$0x3FAA] =	sst s2  }
0xb: {  	[smem:$0x3FAB] =	sst s3  }
0xc: {  	[smem:$0x3FAC] =	sst s4  }
0xd: {  	[smem:$0x3FAD] =	sst s5  }
0xe: {  	[smem:$0x3FAE] =	sst s6  }
0xf: {  	[smem:$0x3FAF] =	sst s7  }
0x10: {  	[smem:$0x3FB0] =	sst s8  }
0x11: {  	[smem:$0x3FB1] =	sst s9;
	s0 =	simm.s32 @!p0 $0x0  }
0x12: {  	s1 =	sld [smem:$0x3F97];
	s0 =	simm.s32 @p0 $0x1  }
0x13: {  	[smem:$0x3FB2] =	sst s0;
	s0 =	simm.s32 @!p1 $0x0  }
0x14: {  	s2 =	sld [smem:$0x3F96];
	s0 =	simm.s32 @p1 $0x1  }
0x15: {  	[smem:$0x3FB3] =	sst s0;
	s0 =	simm.s32 @!p2 $0x0  }
0x16: {  	s3 =	sld [smem:$0x3FDB];
	s0 =	simm.s32 @p2 $0x1  }
0x17: {  	s4 =	simm.s32 $0x1BF5;
	[smem:$0x3FB5] =	sst s0  }
0x18: {  	s0 =	sld [smem:$0x3F98];
	_ =	swait.ge [sflag:s4], $0x0  }
0x19: {  	s7 =	sld [smem:$0x3F99]  }
0x1a: {  	s8 =	sadd.s32 $0xFFFFE003, lr  }
0x1b: {  	s9 =	sadd.s32 $0xFFFFFEF7, lr;
	s5 =	simm.s32 $0xFFFFFFFF;
	p2 =	slt.u32 s8, $0xFFFFF086  }
0x1c: {  	p1 =	slt.u32 s9, $0xF7A;
	s5 =	simm.s32 @!p2 $0x0  }
0x1d: {  	s5 =	simm.s32 @p1 $0x1;
	p0 =	seq.s32 s7, s2  }
0x1e: {  	s7 =	smul.u32 @!p0 $0xF7A, s2;
	p2 =	seq.s32 @!p0 s5, $0x0  }
0x1f: {  	s9 =	smul.u32 $0xF7A, s1;
	s8 =	simm.s32 @!p0 $0x1BF5;
	p2 =	por !p2, p0  }
0x20: {  	[sflag:s8] =	ssyncset.s32 @!p0 $0xFFFFF086;
	s6 =	sadd.s32 @!p0 s3, s7;
	s7 =	simm.s32 @!p0 $0x108  }
0x21: {  	s3 =	sadd.s32 s3, s9;
	s6 =	sadd.s32 @!p0 $0x88, s6;
	s7 =	simm.s32 @p2 $0x1082  }
0x22: {  	[simem:s7], [sflag:s8] =	dma.local @!p0 [hbm:s6], $0xF7A  }
0x23: {  	s9 =	sor.u32 $0xD0000000, s2;
	s6 =	simm.s32 $0x108;
	_ =	swait.ge @!p0 [sflag:s8], $0x0  }
0x24: {  	s3 =	sadd.s32 $0x88, s3;
	s6 =	simm.s32 @!p1 $0x1082;
	[sflag:s4] =	ssyncset.s32 $0xFFFFF086  }
0x25: {  	[simem:s6], [sflag:s4] =	dma.local [hbm:s3], $0xF7A  }
0x26: {  	[smem:$0x3F99] =	sst s1;
	(tag) =	ssettag s2;
	_ =	strace s9  }
0x27: {  	s1 =	sld [smem:$0x3FA9]  }
0x28: {  	s2 =	sld [smem:$0x3FAA]  }
0x29: {  	s4 =	sld [smem:$0x3FAC]  }
0x2a: {  	p0 =	seq.s32 s5, $0x0;
	s5 =	sld [smem:$0x3FAD]  }
0x2b: {  	s6 =	sld [smem:$0x3FAE]  }
0x2c: {  	s7 =	sld [smem:$0x3FAF]  }
0x2d: {  	s3 =	simm.s32 $0x108;
	s8 =	sld [smem:$0x3FB0]  }
0x2e: {  	s3 =	simm.s32 @!p0 $0x1082;
	s9 =	sld [smem:$0x3FB1]  }
0x2f: {  	lr =	sadd.s32 s0, s3;
	s0 =	sld [smem:$0x3FA8]  }
0x30: {  	s3 =	sld [smem:$0x3FAB]  }
0x31: {  	[smem:$0x3FB4] =	sst s10  }
0x32: {  	s10 =	sld [smem:$0x3FB2];
	_ =	sdelay $0x3  }
0x33: {  	p0 =	seq.s32 s10, $0x1;
	s10 =	sld [smem:$0x3FB4];
	_ =	sdelay $0x3  }
0x34: {  	[smem:$0x3FB4] =	sst s10  }
0x35: {  	s10 =	sld [smem:$0x3FB3];
	_ =	sdelay $0x3  }
0x36: {  	p1 =	seq.s32 s10, $0x1;
	s10 =	sld [smem:$0x3FB4];
	_ =	sdelay $0x3  }
0x37: {  	[smem:$0x3FB4] =	sst s10  }
0x38: {  	s10 =	sld [smem:$0x3FB5]  }
0x39: {  	_ = 	snop;
	(pc) =	sbr.ind lr, $3  }
0x3a: {  	_ = 	snop  }
0x3b: {  	_ = 	snop  }
0x3c: {  	p2 =	seq.s32 s10, $0x1;
	s10 =	sld [smem:$0x3FB4]  }
0x3d: {  	_ =	shalt  }
0x3e: {  	_ =	shalt  }
0x3f: {  	_ =	shalt  }
0x40: {  	_ =	shalt  }
0x41: {  	_ =	shalt  }
0x42: {  	_ =	shalt  }
0x43: {  	_ =	shalt  }
0x44: {  	_ =	shalt  }
0x45: {  	_ =	shalt  }
0x46: {  	_ =	shalt  }
0x47: {  	_ =	shalt  }
0x48: {  	_ =	shalt  }
0x49: {  	_ =	shalt  }
0x4a: {  	_ =	shalt  }
0x4b: {  	_ =	shalt  }
0x4c: {  	_ =	shalt  }
0x4d: {  	_ =	shalt  }
0x4e: {  	_ =	shalt  }
0x4f: {  	_ =	shalt  }
0x50: {  	_ =	shalt  }
0x51: {  	_ =	shalt  }
0x52: {  	_ =	shalt  }
0x53: {  	_ =	shalt  }
0x54: {  	_ =	shalt  }
0x55: {  	_ =	shalt  }
0x56: {  	_ =	shalt  }
0x57: {  	_ =	shalt  }
0x58: {  	_ =	shalt  }
0x59: {  	_ =	shalt  }
0x5a: {  	_ =	shalt  }
0x5b: {  	_ =	shalt  }
0x5c: {  	_ =	shalt  }
0x5d: {  	_ =	shalt  }
0x5e: {  	_ =	shalt  }
0x5f: {  	_ =	shalt  }
0x60: {  	_ =	shalt  }
0x61: {  	_ =	shalt  }
0x62: {  	_ =	shalt  }
0x63: {  	_ =	shalt  }
0x64: {  	_ =	shalt  }
0x65: {  	_ =	shalt  }
0x66: {  	_ =	shalt  }
0x67: {  	_ =	shalt  }
0x68: {  	_ =	shalt  }
0x69: {  	_ =	shalt  }
0x6a: {  	_ =	shalt  }
0x6b: {  	_ =	shalt  }
0x6c: {  	_ =	shalt  }
0x6d: {  	_ =	shalt  }
0x6e: {  	_ =	shalt  }
0x6f: {  	_ =	shalt  }
0x70: {  	_ =	shalt  }
0x71: {  	_ =	shalt  }
0x72: {  	_ =	shalt  }
0x73: {  	_ =	shalt  }
0x74: {  	_ =	shalt  }
0x75: {  	_ =	shalt  }
0x76: {  	_ =	shalt  }
0x77: {  	_ =	shalt  }
0x78: {  	_ =	shalt  }
0x79: {  	_ =	shalt  }
0x7a: {  	_ =	shalt  }
0x7b: {  	_ =	shalt  }
0x7c: {  	_ =	shalt  }
0x7d: {  	_ =	shalt  }
0x7e: {  	_ =	shalt  }
0x7f: {  	_ =	shalt  }
0x80: {  	_ =	shalt  }
0x81: {  	_ =	shalt  }
0x82: {  	_ =	shalt  }
0x83: {  	_ =	shalt  }
0x84: {  	_ =	shalt  }
0x85: {  	_ =	shalt  }
0x86: {  	_ =	shalt  }
0x87: {  	_ =	shalt  }
.Lfunc_end0:
.L_simem_size_0:
called_computation.1_lowered:
.L_overlay_start_0:
0x88: {  	s2 =	sld [smem:$0x3FD9]  }
0x89: {  	s3 =	sld [smem:$0x3FFE];
	_ =	sdelay $0x1  }
0x8a: {  	s1 =	srdreg.scid  }
0x8b: {  	s0 =	sand.u32 $0x1, s1  }
0x8c: {  	s16 =	sshll.u32 s0, $0xA;
	s2 =	sadd.s32 s3, s2  }
0x8d: {  	s2 =	sadd.s32 s2, s16  }
0x8e: {  	[smem:$0x3FC0] =	sst s2  }
0x8f: {  	_ = 	snop  }
0x90: {  	(tm) =	ssettm $0x1  }
0x91: {  	s17 =	sld [smem:$0x3FFB];
	_ =	sdelay $0x3  }
0x92: {  	_ =	strace s17  }
0x93: {  	s2 =	sld [smem:$0x3FFC];
	_ =	sdelay $0x3  }
0x94: {  	_ =	strace s2  }
0x95: {  	s2 =	sld [smem:$0x3FFD];
	_ =	sdelay $0x3  }
0x96: {  	_ =	strace s2  }
0x97: {  	_ =	strace $0x8FFFFFFF  }
0x98: {  	s18 =	sld [smem:$0x3FDB];
	_ =	sdelay $0x1  }
0x99: {  	s19 =	simm.s32 $_scs_section_size  }
0x9a: {  	s4 =	simm.s32 $_size__tile_overlayer_lowered;
	s5 =	simm.s32 $_tile_overlayer_lowered  }
0x9b: {  	s22 =	simm.s32 $0x1BFF;
	s21 =	sshll.u32 s5, $0x1;
	s2 =	sadd.s32 s19, s18  }
0x9c: {  	s6 =	simm.s32 $0x0;
	s20 =	sshll.u32 s4, $0x1;
	s4 =	sadd.s32 s21, s2  }
0x9d: {  	[timem:s6], [sflag:s22] =	dma.local [hbm:s4], s20  }
0x9e: {  	_ =	swait.ge [sflag:s22], s20  }
0x9f: {  	s3 =	ssub.s32 $0x0, s20;
	[sflag:s22] =	ssyncset.done $0x0  }
0xa0: {  	[sflag:s22] =	ssyncadd.s32 s3;
	_ =	sdelay $0x1  }
0xa1: {  	s23 =	simm.s32 $0x1B8B  }
0xa2: {  	_ =	swait.ge [sflag:s23], $0x1  }
0xa3: {  	[sflag:s23] =	ssyncset.done $0x0  }
0xa4: {  	s25 =	simm.s32 $0x1B8E;
	s24 =	sld [smem:$0x3FFE];
	[sflag:s23] =	ssyncadd.s32 $0xFFFFFFFF  }
0xa5: {  	s26 =	simm.s32 $execute0_lowered;
	[smem:$0x3FD2] =	sst s25  }
0xa6: {  	s4 =	sshll.u32 s26, $0x1;
	_ =	strace $0x80000049;
	[dreg:$0x1] =	wrdreg $0xFFFFFFFF  }
0xa7: {  	s28 =	simm.s32 $_size_execute0_lowered;
	s2 =	sadd.s32 s2, s4;
	[dreg:$0x0] =	wrdreg $0x0  }
0xa8: {  	s4 =	sshll.u32 s28, $0x1;
	[dreg:$0x2] =	wrdreg s2  }
0xa9: {  	[dreg:$0x3] =	wrdreg s4  }
0xaa: {  	[dreg:$0x4] =	wrdreg $0xC0  }
0xab: {  	_ =	task [dreg:s6], $0x5FFFF  }
0xac: {  	[dreg:$0x1] =	wrdreg $0xFFFFFFFF  }
0xad: {  	[dreg:$0x0] =	wrdreg $0x60  }
0xae: {  	[dreg:$0x2] =	wrdreg s24  }
0xaf: {  	[dreg:$0x3] =	wrdreg $0x88000  }
0xb0: {  	[dreg:$0x4] =	wrdreg $0x9  }
0xb1: {  	_ =	task.clear_ibuf [dreg:s6], $0x5FFFF;
	_ =	strace $0x90000049  }
0xb2: {  	s29 =	simm.s32 $0x9;
	_ =	strace $0x8000004B  }
0xb3: {  	_ =	swait.ge [sflag:s29], $0x1  }
0xb4: {  	[sflag:s29] =	ssyncadd.s32 $0xFFFFFFFF  }
0xb5: {  	_ =	strace $0x9000004B  }
0xb6: {  	_ =	sfence  }
0xb7: {  	s30 =	sld [smem:$0x0];
	_ =	sdelay $0x2  }
0xb8: {  	s31 =	sshll.u32 s1, $0xD;
	s1 =	sshrl.u32 s1, $0x2  }
0xb9: {  	s3 =	sand.u32 $0x4000, s31;
	s1 =	sadd.s32 s1, s30  }
0xba: {  	s0 =	sor.u32 s3, s0;
	s1 =	sshll.u32 s1, $0x11  }
0xbb: {  	s0 =	sor.u32 s1, s0  }
0xbc: {  	s0 =	sadd.s32 $0x8F2B, s0  }
0xbd: {  	[sflag:s0] =	ssyncadd.remote.s32 $0x1  }
0xbe: {  	_ =	sfence.sel $0xFFFF  }
0xbf: {  	[dreg:$0x0] =	wrdreg $0xFFFFFFFF;
	(pc) =	sbr.abs _section_cstart, $3  }
0xc0: {  	[dreg:$0x1] =	wrdreg $0xFFFFFFFF  }
0xc1: {  	_ =	task.clear_ibuf [dreg:s6], $0x2FFFF;
	_ =	strace $0x9FFFFFFF  }
0xc2: {  	(tm) =	ssettm $0x7FFFFFFF  }
0xc3: {  	_ =	shalt  }
tec
execute0_lowered:
.L_overlay_start_1:
0x0: {  	(tag) =	ssettag $0x1  }
0x1: {  	s0 =	rddreg [dreg:$0x0]  }
0x2: {  	s1 =	rddreg [dreg:$0x1];
	s2 =	simm.s32 $0x0  }
0x3: {  	s13 =	stileid.u32;
	s9 =	srdreg.scid;
	s19 =	simm.s32 $0x2  }
0x4: {  	s20 =	simm.s32 $0x3;
	s29 =	simm.s32 $0x3800;
	s31 =	simm.s32 $0x4800  }
0x5: {  	s14 =	simm.s32 $0x1;
	s15 =	simm.s32 $0x580;
	s18 =	simm.s32 $0x600  }
0x6: {  	s28 =	simm.s32 $0x700;
	s30 =	simm.s32 $0x780;
	s4 =	sadd.s32 $0x1BCA00, s0  }
0x7: {  	[smem:$0x7FF] =	sst s2;
	s5 =	sadd.s32 $0x53400, s0;
	s6 =	sadd.s32 $0x20CA00, s0  }
0x8: {  	s3 =	sshll.u32 s13, $0x7;
	s8 =	smul.u32 $0x14000, s13;
	s7 =	sadd.s32 $0x1E4A00, s0  }
0x9: {  	s9 =	sand.u32 $0x1, s9;
	s10 =	sadd.s32 $0x234A00, s0;
	s12 =	sadd.s32 $0x25F200, s0  }
0xa: {  	s26 =	sshll.u32 s13, $0x6;
	_ =	strace $0x8000004A;
	[dreg:$0x3] =	wrdreg s10  }
0xb: {  	s3 =	sadd.s32 s3, s0;
	s21 =	ssub.s32 $0x2, s9;
	[dreg:$0x5] =	wrdreg s12  }
0xc: {  	s13 =	sor.u32 $0x1C02, s26;
	p0 =	sne.s32 s9, $0x0;
	s26 =	simm.s32 $0x2800  }
0xd: {  	s12 =	simm.s32 $0x6800;
	s10 =	simm.s32 $0x0;
	s11 =	sshrl.u32 s8, $0x3  }
0xe: {  	s22 =	sshrl.u32 s21, $0x1;
	s8 =	sadd.s32 s8, s1;
	s16 =	sadd.s32 $0x2C200, s3  }
0xf: {  	s17 =	sadd.s32 $0x5000, s3;
	s3 =	simm.s32 $0x5800;
	[dreg:$0xa] =	wrdreg s13  }
0x10: {  	[dreg:$0x4] =	wrdreg s11;
	s11 =	sadd.s32 s11, s0;
	s0 =	sadd.s32 $0x237200, s0  }
0x11: {  	s23 =	ssub.s32 s21, s22;
	s9 =	sshrl.u32 s8, $0x3;
	s21 =	simm.s32 $0x400  }
.Ltmp0:
0x12: {  	s22 =	simm.s32 $0x80;
	[dreg:$0x6] =	wrdreg s0;
	(pc) =	sbr.rel .LBB2_1-.Ltmp0, $4  }
0x13: {  	s8 =	simm.s32 $0x500;
	s24 =	sadd.s32 $0x287200, s11;
	[dreg:$0xb] =	wrdreg s9  }
0x14: {  	s25 =	sadd.s32 $0x2AF200, s11;
	s0 =	smax.u32 s23, $0x1;
	[dreg:$0x7] =	wrdreg s24  }
0x15: {  	s23 =	simm.s32 $0x800;
	s11 =	simm.s32 $0x7800;
	[dreg:$0x8] =	wrdreg s25  }
0x16: {  	[dreg:$0x9] =	wrdreg s0;
	s24 =	simm.s32 $0x1800;
	s25 =	simm.s32 $0x680  }
.LBB2_17:
0x17: {  	s0 =	rddreg [dreg:$0x6]  }
0x18: {  	s10 =	rddreg [dreg:$0xc]  }
.LBB2_18:
0x19: {  	s9 =	rddreg [dreg:$0x4];
	[bflag:$0x0] =	sbarrier.arrive $0xFFFF  }
0x1a: {  	s0 =	sadd.s32 s0, s9;
	s9 =	rddreg [dreg:$0xb]  }
0x1b: {  	[hbm:s0], [sflag:s13] =	dma.local [spmem:s9], $0x2800  }
0x1c: {  	_ =	swait.ge [sflag:s19], $0x2800  }
0x1d: {  	s10 =	sadd.s32 $0x1, s10;
	s0 =	rddreg [dreg:$0x9]  }
0x1e: {  	p1 =	sne.s32 s10, s0  }
.Ltmp1:
0x1f: {  	_ = 	snop;
	(pc) =	sbr.rel @!p1 .LBB2_19-.Ltmp1, $3  }
0x20: {  	_ =	sdelay $0x1  }
0x21: {  	[sflag:s19] =	ssyncset.done $0x0  }
0x22: {  	[sflag:s19] =	ssyncadd.s32 $0xFFFFD800  }
.LBB2_1:
0x23: {  	[dreg:$0xc] =	wrdreg s10  }
0x24: {  	s0 =	rddreg [dreg:$0x3]  }
0x25: {  	[spmem:s9], [sflag:s13] =	dma.local [hbm:s0], $0x2800  }
.Ltmp2:
0x26: {  	_ =	swait.ge [sflag:s19], $0x2800;
	(pc) =	sbr.rel @p0 .LBB2_10-.Ltmp2, $4  }
.Ltmp3:
0x27: {  	[sflag:s19] =	ssyncset.done $0x0;
	(pc) =	sbr.rel @!p0 .LBB2_2-.Ltmp3, $4  }
0x28: {  	[sflag:s19] =	ssyncadd.s32 $0xFFFFD800  }
0x29: {  	s10 =	simm.s32 $0x0;
	[bflag:$0x0] =	sbarrier.arrive $0xFFFF  }
0x2a: {  	s0 =	stileid.u32;
	s13 =	stileid.u32;
	s9 =	simm.s32 $0x0  }
0x2b: {  	_ = 	snop  }
.LBB2_4:
0x2c: {  	s10 =	sadd.s32 $0x800, s10  }
0x2d: {  	p1 =	sne.s32 s10, $0x27800  }
.Ltmp4:
0x2e: {  	_ = 	snop;
	(pc) =	sbr.rel @!p1 .LBB2_5-.Ltmp4, $2  }
0x2f: {  	_ =	sdelay $0x2  }
0x30: {  	s0 =	sadd.s32 $0x10, s0  }
.LBB2_2:
0x31: {  	p1 =	sgt.u32 s0, $0x4E1  }
.Ltmp5:
0x32: {  	_ = 	snop;
	(pc) =	sbr.rel @p1 .LBB2_4-.Ltmp5, $1  }
0x33: {  	_ =	sdelay $0x3  }
0x34: {  	s9 =	sadd.s32 s10, s17  }
0x35: {  	[tilespmem:s2], [sflag:$0x3] =	stream.linear.gather [hbm4b:s9+s2], $0x400, $0x38;
	[tilespmem:$0x1C800] =	vst v63  }
0x36: {  	_ =	swait.ge [sflag:s20], $0x400  }
0x37: {  	[sflag:s20] =	ssyncset.done $0x0  }
0x38: {  	s13 =	sadd.s32 s10, s16;
	[sflag:s20] =	ssyncadd.s32 $0xFFFFFC00  }
0x39: {  	[tilespmem:s21], [sflag:$0x3] =	stream.linear.gather [hbm4b:s13+s2], $0x400, $0x38;
	[tilespmem:$0x1C800] =	vst v63  }
0x3a: {  	_ =	swait.ge [sflag:s20], $0x400  }
0x3b: {  	[sflag:s20] =	ssyncset.done $0x0  }
0x3c: {  	[sflag:s20] =	ssyncadd.s32 $0xFFFFFC00  }
0x3d: {  	[tilespmem:s23], [sflag:$0x1] =	stream.indirect.gather [hbm4b:s4+s22], $0x20, s2, s22, $0xb8;
	[tilespmem:$0x1C800] =	vst v63  }
0x3e: {  	_ = 	snop  }
0x3f: {  	[tilespmem:s24], [sflag:$0x1] =	stream.indirect.gather [hbm4b:s4+s22], $0x20, s22, s22, $0xb8;
	[tilespmem:$0x1C800] =	vst v63  }
0x40: {  	s13 =	simm.s32 $0x100  }
0x41: {  	[tilespmem:s26], [sflag:$0x1] =	stream.indirect.gather [hbm4b:s4+s22], $0x20, s13, s22, $0xb8;
	[tilespmem:$0x1C800] =	vst v63  }
0x42: {  	s13 =	simm.s32 $0x180  }
0x43: {  	[tilespmem:s29], [sflag:$0x1] =	stream.indirect.gather [hbm4b:s4+s22], $0x20, s13, s22, $0xb8;
	[tilespmem:$0x1C800] =	vst v63  }
0x44: {  	s13 =	simm.s32 $0x200  }
0x45: {  	[tilespmem:s31], [sflag:$0x1] =	stream.indirect.gather [hbm4b:s4+s22], $0x20, s13, s22, $0xb8;
	[tilespmem:$0x1C800] =	vst v63  }
0x46: {  	s13 =	simm.s32 $0x280  }
0x47: {  	[tilespmem:s3], [sflag:$0x1] =	stream.indirect.gather [hbm4b:s4+s22], $0x20, s13, s22, $0xb8;
	[tilespmem:$0x1C800] =	vst v63  }
0x48: {  	s13 =	simm.s32 $0x300  }
0x49: {  	[tilespmem:s12], [sflag:$0x1] =	stream.indirect.gather [hbm4b:s4+s22], $0x20, s13, s22, $0xb8;
	[tilespmem:$0x1C800] =	vst v63  }
0x4a: {  	s13 =	simm.s32 $0x380  }
0x4b: {  	[tilespmem:s11], [sflag:$0x1] =	stream.indirect.gather [hbm4b:s4+s22], $0x20, s13, s22, $0xb8;
	[tilespmem:$0x1C800] =	vst v63  }
0x4c: {  	_ =	swait.ge [sflag:s14], $0x1000  }
0x4d: {  	[sflag:s14] =	ssyncset.done $0x0  }
0x4e: {  	[sflag:s14] =	ssyncadd.s32 $0xFFFFF000  }
0x4f: {  	_ =	swait.ge [sflag:s14], $0x1000  }
0x50: {  	[sflag:s14] =	ssyncset.done $0x0  }
0x51: {  	[sflag:s14] =	ssyncadd.s32 $0xFFFFF000  }
0x52: {  	_ =	swait.ge [sflag:s14], $0x1000  }
0x53: {  	[sflag:s14] =	ssyncset.done $0x0  }
0x54: {  	[sflag:s14] =	ssyncadd.s32 $0xFFFFF000  }
0x55: {  	_ =	swait.ge [sflag:s14], $0x1000  }
0x56: {  	[sflag:s14] =	ssyncset.done $0x0  }
0x57: {  	[sflag:s14] =	ssyncadd.s32 $0xFFFFF000  }
0x58: {  	_ =	swait.ge [sflag:s14], $0x1000  }
0x59: {  	[sflag:s14] =	ssyncset.done $0x0  }
0x5a: {  	[sflag:s14] =	ssyncadd.s32 $0xFFFFF000  }
0x5b: {  	_ =	swait.ge [sflag:s14], $0x1000  }
0x5c: {  	[sflag:s14] =	ssyncset.done $0x0  }
0x5d: {  	[sflag:s14] =	ssyncadd.s32 $0xFFFFF000  }
0x5e: {  	_ =	swait.ge [sflag:s14], $0x1000  }
0x5f: {  	[sflag:s14] =	ssyncset.done $0x0  }
0x60: {  	[sflag:s14] =	ssyncadd.s32 $0xFFFFF000  }
0x61: {  	_ =	swait.ge [sflag:s14], $0x1000  }
0x62: {  	[sflag:s14] =	ssyncset.done $0x0  }
0x63: {  	[sflag:s14] =	ssyncadd.s32 $0xFFFFF000  }
0x64: {  	[spmem:s1] =	stream.indirect.scatter.add.f32 [tilespmem:s23], [sflag:$0x3], $0x20, s21, s22, $0xb8;
	[tilespmem:$0x1C800] =	vst v63  }
0x65: {  	_ =	swait.ge [sflag:s20], $0x1000  }
0x66: {  	[sflag:s20] =	ssyncset.done $0x0  }
0x67: {  	s13 =	simm.s32 $0x480;
	[sflag:s20] =	ssyncadd.s32 $0xFFFFF000  }
0x68: {  	[spmem:s1] =	stream.indirect.scatter.add.f32 [tilespmem:s24], [sflag:$0x3], $0x20, s13, s22, $0xb8;
	[tilespmem:$0x1C800] =	vst v63  }
0x69: {  	_ =	swait.ge [sflag:s20], $0x1000  }
0x6a: {  	[sflag:s20] =	ssyncset.done $0x0  }
0x6b: {  	[sflag:s20] =	ssyncadd.s32 $0xFFFFF000  }
0x6c: {  	[spmem:s1] =	stream.indirect.scatter.add.f32 [tilespmem:s26], [sflag:$0x3], $0x20, s8, s22, $0xb8;
	[tilespmem:$0x1C800] =	vst v63  }
0x6d: {  	_ =	swait.ge [sflag:s20], $0x1000  }
0x6e: {  	[sflag:s20] =	ssyncset.done $0x0  }
0x6f: {  	[sflag:s20] =	ssyncadd.s32 $0xFFFFF000  }
0x70: {  	[spmem:s1] =	stream.indirect.scatter.add.f32 [tilespmem:s29], [sflag:$0x3], $0x20, s15, s22, $0xb8;
	[tilespmem:$0x1C800] =	vst v63  }
0x71: {  	_ =	swait.ge [sflag:s20], $0x1000  }
0x72: {  	[sflag:s20] =	ssyncset.done $0x0  }
0x73: {  	[sflag:s20] =	ssyncadd.s32 $0xFFFFF000  }
0x74: {  	[spmem:s1] =	stream.indirect.scatter.add.f32 [tilespmem:s31], [sflag:$0x3], $0x20, s18, s22, $0xb8;
	[tilespmem:$0x1C800] =	vst v63  }
0x75: {  	_ =	swait.ge [sflag:s20], $0x1000  }
0x76: {  	[sflag:s20] =	ssyncset.done $0x0  }
0x77: {  	[sflag:s20] =	ssyncadd.s32 $0xFFFFF000  }
0x78: {  	[spmem:s1] =	stream.indirect.scatter.add.f32 [tilespmem:s3], [sflag:$0x3], $0x20, s25, s22, $0xb8;
	[tilespmem:$0x1C800] =	vst v63  }
0x79: {  	_ =	swait.ge [sflag:s20], $0x1000  }
0x7a: {  	[sflag:s20] =	ssyncset.done $0x0  }
0x7b: {  	[sflag:s20] =	ssyncadd.s32 $0xFFFFF000  }
0x7c: {  	[spmem:s1] =	stream.indirect.scatter.add.f32 [tilespmem:s12], [sflag:$0x3], $0x20, s28, s22, $0xb8;
	[tilespmem:$0x1C800] =	vst v63  }
0x7d: {  	_ =	swait.ge [sflag:s20], $0x1000  }
0x7e: {  	[sflag:s20] =	ssyncset.done $0x0  }
.Ltmp6:
0x7f: {  	[sflag:s20] =	ssyncadd.s32 $0xFFFFF000;
	(pc) =	sbr.rel .LBB2_4-.Ltmp6, $4  }
0x80: {  	[spmem:s1] =	stream.indirect.scatter.add.f32 [tilespmem:s11], [sflag:$0x2], $0x20, s30, s22, $0xb8;
	[tilespmem:$0x1C800] =	vst v63  }
0x81: {  	_ =	swait.ge [sflag:s19], $0x1000  }
0x82: {  	[sflag:s19] =	ssyncset.done $0x0  }
0x83: {  	[sflag:s19] =	ssyncadd.s32 $0xFFFFF000  }
.LBB2_12:
0x84: {  	s9 =	sadd.s32 $0x800, s9  }
0x85: {  	p1 =	seq.s32 s9, $0x27800  }
.Ltmp7:
0x86: {  	_ = 	snop;
	(pc) =	sbr.rel @p1 .LBB2_13-.Ltmp7, $2  }
0x87: {  	_ =	sdelay $0x2  }
0x88: {  	s13 =	sadd.s32 $0x10, s13  }
.LBB2_10:
0x89: {  	p1 =	sgt.u32 s13, $0x4E1  }
.Ltmp8:
0x8a: {  	_ = 	snop;
	(pc) =	sbr.rel @p1 .LBB2_12-.Ltmp8, $1  }
0x8b: {  	_ =	sdelay $0x3  }
0x8c: {  	s0 =	sadd.s32 s9, s17  }
0x8d: {  	[tilespmem:s2], [sflag:$0x3] =	stream.linear.gather [hbm4b:s0+s2], $0x400, $0x38;
	[tilespmem:$0x1C800] =	vst v63  }
0x8e: {  	_ =	swait.ge [sflag:s20], $0x400  }
0x8f: {  	[sflag:s20] =	ssyncset.done $0x0  }
0x90: {  	s10 =	sadd.s32 s9, s16;
	[sflag:s20] =	ssyncadd.s32 $0xFFFFFC00  }
0x91: {  	[tilespmem:s21], [sflag:$0x3] =	stream.linear.gather [hbm4b:s10+s2], $0x400, $0x38;
	[tilespmem:$0x1C800] =	vst v63  }
0x92: {  	_ =	swait.ge [sflag:s20], $0x400  }
0x93: {  	[sflag:s20] =	ssyncset.done $0x0  }
0x94: {  	[sflag:s20] =	ssyncadd.s32 $0xFFFFFC00  }
0x95: {  	[tilespmem:s23], [sflag:$0x1] =	stream.indirect.gather [hbm4b:s5+s22], $0x20, s2, s22, $0xb8;
	[tilespmem:$0x1C800] =	vst v63  }
0x96: {  	_ = 	snop  }
0x97: {  	[tilespmem:s24], [sflag:$0x1] =	stream.indirect.gather [hbm4b:s5+s22], $0x20, s22, s22, $0xb8;
	[tilespmem:$0x1C800] =	vst v63  }
0x98: {  	s10 =	simm.s32 $0x100  }
0x99: {  	[tilespmem:s26], [sflag:$0x1] =	stream.indirect.gather [hbm4b:s5+s22], $0x20, s10, s22, $0xb8;
	[tilespmem:$0x1C800] =	vst v63  }
0x9a: {  	s10 =	simm.s32 $0x180  }
0x9b: {  	[tilespmem:s29], [sflag:$0x1] =	stream.indirect.gather [hbm4b:s5+s22], $0x20, s10, s22, $0xb8;
	[tilespmem:$0x1C800] =	vst v63  }
0x9c: {  	s10 =	simm.s32 $0x200  }
0x9d: {  	[tilespmem:s31], [sflag:$0x1] =	stream.indirect.gather [hbm4b:s5+s22], $0x20, s10, s22, $0xb8;
	[tilespmem:$0x1C800] =	vst v63  }
0x9e: {  	s10 =	simm.s32 $0x280  }
0x9f: {  	[tilespmem:s3], [sflag:$0x1] =	stream.indirect.gather [hbm4b:s5+s22], $0x20, s10, s22, $0xb8;
	[tilespmem:$0x1C800] =	vst v63  }
0xa0: {  	s10 =	simm.s32 $0x300  }
0xa1: {  	[tilespmem:s12], [sflag:$0x1] =	stream.indirect.gather [hbm4b:s5+s22], $0x20, s10, s22, $0xb8;
	[tilespmem:$0x1C800] =	vst v63  }
0xa2: {  	s10 =	simm.s32 $0x380  }
0xa3: {  	[tilespmem:s11], [sflag:$0x1] =	stream.indirect.gather [hbm4b:s5+s22], $0x20, s10, s22, $0xb8;
	[tilespmem:$0x1C800] =	vst v63  }
0xa4: {  	_ =	swait.ge [sflag:s14], $0x1000  }
0xa5: {  	[sflag:s14] =	ssyncset.done $0x0  }
0xa6: {  	[sflag:s14] =	ssyncadd.s32 $0xFFFFF000  }
0xa7: {  	_ =	swait.ge [sflag:s14], $0x1000  }
0xa8: {  	[sflag:s14] =	ssyncset.done $0x0  }
0xa9: {  	[sflag:s14] =	ssyncadd.s32 $0xFFFFF000  }
0xaa: {  	_ =	swait.ge [sflag:s14], $0x1000  }
0xab: {  	[sflag:s14] =	ssyncset.done $0x0  }
0xac: {  	[sflag:s14] =	ssyncadd.s32 $0xFFFFF000  }
0xad: {  	_ =	swait.ge [sflag:s14], $0x1000  }
0xae: {  	[sflag:s14] =	ssyncset.done $0x0  }
0xaf: {  	[sflag:s14] =	ssyncadd.s32 $0xFFFFF000  }
0xb0: {  	_ =	swait.ge [sflag:s14], $0x1000  }
0xb1: {  	[sflag:s14] =	ssyncset.done $0x0  }
0xb2: {  	[sflag:s14] =	ssyncadd.s32 $0xFFFFF000  }
0xb3: {  	_ =	swait.ge [sflag:s14], $0x1000  }
0xb4: {  	[sflag:s14] =	ssyncset.done $0x0  }
0xb5: {  	[sflag:s14] =	ssyncadd.s32 $0xFFFFF000  }
0xb6: {  	_ =	swait.ge [sflag:s14], $0x1000  }
0xb7: {  	[sflag:s14] =	ssyncset.done $0x0  }
0xb8: {  	[sflag:s14] =	ssyncadd.s32 $0xFFFFF000  }
0xb9: {  	_ =	swait.ge [sflag:s14], $0x1000  }
0xba: {  	[sflag:s14] =	ssyncset.done $0x0  }
0xbb: {  	[sflag:s14] =	ssyncadd.s32 $0xFFFFF000  }
0xbc: {  	[spmem:s1] =	stream.indirect.scatter.add.f32 [tilespmem:s23], [sflag:$0x3], $0x20, s21, s22, $0xb8;
	[tilespmem:$0x1C800] =	vst v63  }
0xbd: {  	_ =	swait.ge [sflag:s20], $0x1000  }
0xbe: {  	[sflag:s20] =	ssyncset.done $0x0  }
0xbf: {  	s10 =	simm.s32 $0x480;
	[sflag:s20] =	ssyncadd.s32 $0xFFFFF000  }
0xc0: {  	[spmem:s1] =	stream.indirect.scatter.add.f32 [tilespmem:s24], [sflag:$0x3], $0x20, s10, s22, $0xb8;
	[tilespmem:$0x1C800] =	vst v63  }
0xc1: {  	_ =	swait.ge [sflag:s20], $0x1000  }
0xc2: {  	[sflag:s20] =	ssyncset.done $0x0  }
0xc3: {  	[sflag:s20] =	ssyncadd.s32 $0xFFFFF000  }
0xc4: {  	[spmem:s1] =	stream.indirect.scatter.add.f32 [tilespmem:s26], [sflag:$0x3], $0x20, s8, s22, $0xb8;
	[tilespmem:$0x1C800] =	vst v63  }
0xc5: {  	_ =	swait.ge [sflag:s20], $0x1000  }
0xc6: {  	[sflag:s20] =	ssyncset.done $0x0  }
0xc7: {  	[sflag:s20] =	ssyncadd.s32 $0xFFFFF000  }
0xc8: {  	[spmem:s1] =	stream.indirect.scatter.add.f32 [tilespmem:s29], [sflag:$0x3], $0x20, s15, s22, $0xb8;
	[tilespmem:$0x1C800] =	vst v63  }
0xc9: {  	_ =	swait.ge [sflag:s20], $0x1000  }
0xca: {  	[sflag:s20] =	ssyncset.done $0x0  }
0xcb: {  	[sflag:s20] =	ssyncadd.s32 $0xFFFFF000  }
0xcc: {  	[spmem:s1] =	stream.indirect.scatter.add.f32 [tilespmem:s31], [sflag:$0x3], $0x20, s18, s22, $0xb8;
	[tilespmem:$0x1C800] =	vst v63  }
0xcd: {  	_ =	swait.ge [sflag:s20], $0x1000  }
0xce: {  	[sflag:s20] =	ssyncset.done $0x0  }
0xcf: {  	[sflag:s20] =	ssyncadd.s32 $0xFFFFF000  }
0xd0: {  	[spmem:s1] =	stream.indirect.scatter.add.f32 [tilespmem:s3], [sflag:$0x3], $0x20, s25, s22, $0xb8;
	[tilespmem:$0x1C800] =	vst v63  }
0xd1: {  	_ =	swait.ge [sflag:s20], $0x1000  }
0xd2: {  	[sflag:s20] =	ssyncset.done $0x0  }
0xd3: {  	[sflag:s20] =	ssyncadd.s32 $0xFFFFF000  }
0xd4: {  	[spmem:s1] =	stream.indirect.scatter.add.f32 [tilespmem:s12], [sflag:$0x3], $0x20, s28, s22, $0xb8;
	[tilespmem:$0x1C800] =	vst v63  }
0xd5: {  	_ =	swait.ge [sflag:s20], $0x1000  }
0xd6: {  	[sflag:s20] =	ssyncset.done $0x0  }
.Ltmp9:
0xd7: {  	[sflag:s20] =	ssyncadd.s32 $0xFFFFF000;
	(pc) =	sbr.rel .LBB2_12-.Ltmp9, $4  }
0xd8: {  	[spmem:s1] =	stream.indirect.scatter.add.f32 [tilespmem:s11], [sflag:$0x2], $0x20, s30, s22, $0xb8;
	[tilespmem:$0x1C800] =	vst v63  }
0xd9: {  	_ =	swait.ge [sflag:s19], $0x1000  }
0xda: {  	[sflag:s19] =	ssyncset.done $0x0  }
0xdb: {  	[sflag:s19] =	ssyncadd.s32 $0xFFFFF000  }
.LBB2_5:
0xdc: {  	[bflag:$0x0] =	sbarrier.arrive $0xFFFF  }
0xdd: {  	s0 =	rddreg [dreg:$0x8]  }
0xde: {  	s13 =	rddreg [dreg:$0xa]  }
0xdf: {  	s9 =	rddreg [dreg:$0xb]  }
0xe0: {  	[hbm:s0], [sflag:s13] =	dma.local [spmem:s9], $0x2800  }
0xe1: {  	_ =	swait.ge [sflag:s19], $0x2800  }
0xe2: {  	[sflag:s19] =	ssyncset.done $0x0  }
0xe3: {  	s10 =	rddreg [dreg:$0x3];
	[sflag:s19] =	ssyncadd.s32 $0xFFFFD800  }
0xe4: {  	[spmem:s9], [sflag:s13] =	dma.local [hbm:s10], $0x2800  }
.Ltmp10:
0xe5: {  	_ =	swait.ge [sflag:s19], $0x2800;
	(pc) =	sbr.rel .LBB2_6-.Ltmp10, $4  }
0xe6: {  	[sflag:s19] =	ssyncset.done $0x0  }
0xe7: {  	[sflag:s19] =	ssyncadd.s32 $0xFFFFD800  }
0xe8: {  	[bflag:$0x0] =	sbarrier.arrive $0xFFFF  }
0xe9: {  	s0 =	simm.s32 $0x0;
	s9 =	stileid.u32  }
.LBB2_8:
0xea: {  	s0 =	sadd.s32 $0x800, s0  }
0xeb: {  	p1 =	seq.s32 s0, $0x27800  }
.Ltmp11:
0xec: {  	_ = 	snop;
	(pc) =	sbr.rel @p1 .LBB2_9-.Ltmp11, $2  }
0xed: {  	_ =	sdelay $0x2  }
0xee: {  	s9 =	sadd.s32 $0x10, s9  }
.LBB2_6:
0xef: {  	p1 =	sgt.u32 s9, $0x4E1  }
.Ltmp12:
0xf0: {  	_ = 	snop;
	(pc) =	sbr.rel @p1 .LBB2_8-.Ltmp12, $1  }
0xf1: {  	_ =	sdelay $0x3  }
0xf2: {  	s10 =	sadd.s32 s0, s17  }
0xf3: {  	[tilespmem:s2], [sflag:$0x3] =	stream.linear.gather [hbm4b:s10+s2], $0x400, $0x38;
	[tilespmem:$0x1C800] =	vst v63  }
0xf4: {  	_ =	swait.ge [sflag:s20], $0x400  }
0xf5: {  	[sflag:s20] =	ssyncset.done $0x0  }
0xf6: {  	s10 =	sadd.s32 s0, s16;
	[sflag:s20] =	ssyncadd.s32 $0xFFFFFC00  }
0xf7: {  	[tilespmem:s21], [sflag:$0x3] =	stream.linear.gather [hbm4b:s10+s2], $0x400, $0x38;
	[tilespmem:$0x1C800] =	vst v63  }
0xf8: {  	_ =	swait.ge [sflag:s20], $0x400  }
0xf9: {  	[sflag:s20] =	ssyncset.done $0x0  }
0xfa: {  	[sflag:s20] =	ssyncadd.s32 $0xFFFFFC00  }
0xfb: {  	[tilespmem:s23], [sflag:$0x1] =	stream.indirect.gather [hbm4b:s6+s22], $0x20, s2, s22, $0xb8;
	[tilespmem:$0x1C800] =	vst v63  }
0xfc: {  	_ = 	snop  }
0xfd: {  	[tilespmem:s24], [sflag:$0x1] =	stream.indirect.gather [hbm4b:s6+s22], $0x20, s22, s22, $0xb8;
	[tilespmem:$0x1C800] =	vst v63  }
0xfe: {  	s10 =	simm.s32 $0x100  }
0xff: {  	[tilespmem:s26], [sflag:$0x1] =	stream.indirect.gather [hbm4b:s6+s22], $0x20, s10, s22, $0xb8;
	[tilespmem:$0x1C800] =	vst v63  }
0x100: {  	s10 =	simm.s32 $0x180  }
0x101: {  	[tilespmem:s29], [sflag:$0x1] =	stream.indirect.gather [hbm4b:s6+s22], $0x20, s10, s22, $0xb8;
	[tilespmem:$0x1C800] =	vst v63  }
0x102: {  	s10 =	simm.s32 $0x200  }
0x103: {  	[tilespmem:s31], [sflag:$0x1] =	stream.indirect.gather [hbm4b:s6+s22], $0x20, s10, s22, $0xb8;
	[tilespmem:$0x1C800] =	vst v63  }
0x104: {  	s10 =	simm.s32 $0x280  }
0x105: {  	[tilespmem:s3], [sflag:$0x1] =	stream.indirect.gather [hbm4b:s6+s22], $0x20, s10, s22, $0xb8;
	[tilespmem:$0x1C800] =	vst v63  }
0x106: {  	s10 =	simm.s32 $0x300  }
0x107: {  	[tilespmem:s12], [sflag:$0x1] =	stream.indirect.gather [hbm4b:s6+s22], $0x20, s10, s22, $0xb8;
	[tilespmem:$0x1C800] =	vst v63  }
0x108: {  	s10 =	simm.s32 $0x380  }
0x109: {  	[tilespmem:s11], [sflag:$0x1] =	stream.indirect.gather [hbm4b:s6+s22], $0x20, s10, s22, $0xb8;
	[tilespmem:$0x1C800] =	vst v63  }
0x10a: {  	_ =	swait.ge [sflag:s14], $0x1000  }
0x10b: {  	[sflag:s14] =	ssyncset.done $0x0  }
0x10c: {  	[sflag:s14] =	ssyncadd.s32 $0xFFFFF000  }
0x10d: {  	_ =	swait.ge [sflag:s14], $0x1000  }
0x10e: {  	[sflag:s14] =	ssyncset.done $0x0  }
0x10f: {  	[sflag:s14] =	ssyncadd.s32 $0xFFFFF000  }
0x110: {  	_ =	swait.ge [sflag:s14], $0x1000  }
0x111: {  	[sflag:s14] =	ssyncset.done $0x0  }
0x112: {  	[sflag:s14] =	ssyncadd.s32 $0xFFFFF000  }
0x113: {  	_ =	swait.ge [sflag:s14], $0x1000  }
0x114: {  	[sflag:s14] =	ssyncset.done $0x0  }
0x115: {  	[sflag:s14] =	ssyncadd.s32 $0xFFFFF000  }
0x116: {  	_ =	swait.ge [sflag:s14], $0x1000  }
0x117: {  	[sflag:s14] =	ssyncset.done $0x0  }
0x118: {  	[sflag:s14] =	ssyncadd.s32 $0xFFFFF000  }
0x119: {  	_ =	swait.ge [sflag:s14], $0x1000  }
0x11a: {  	[sflag:s14] =	ssyncset.done $0x0  }
0x11b: {  	[sflag:s14] =	ssyncadd.s32 $0xFFFFF000  }
0x11c: {  	_ =	swait.ge [sflag:s14], $0x1000  }
0x11d: {  	[sflag:s14] =	ssyncset.done $0x0  }
0x11e: {  	[sflag:s14] =	ssyncadd.s32 $0xFFFFF000  }
0x11f: {  	_ =	swait.ge [sflag:s14], $0x1000  }
0x120: {  	[sflag:s14] =	ssyncset.done $0x0  }
0x121: {  	[sflag:s14] =	ssyncadd.s32 $0xFFFFF000  }
0x122: {  	[spmem:s1] =	stream.indirect.scatter.add.f32 [tilespmem:s23], [sflag:$0x3], $0x20, s21, s22, $0xb8;
	[tilespmem:$0x1C800] =	vst v63  }
0x123: {  	_ =	swait.ge [sflag:s20], $0x1000  }
0x124: {  	[sflag:s20] =	ssyncset.done $0x0  }
0x125: {  	s10 =	simm.s32 $0x480;
	[sflag:s20] =	ssyncadd.s32 $0xFFFFF000  }
0x126: {  	[spmem:s1] =	stream.indirect.scatter.add.f32 [tilespmem:s24], [sflag:$0x3], $0x20, s10, s22, $0xb8;
	[tilespmem:$0x1C800] =	vst v63  }
0x127: {  	_ =	swait.ge [sflag:s20], $0x1000  }
0x128: {  	[sflag:s20] =	ssyncset.done $0x0  }
0x129: {  	[sflag:s20] =	ssyncadd.s32 $0xFFFFF000  }
0x12a: {  	[spmem:s1] =	stream.indirect.scatter.add.f32 [tilespmem:s26], [sflag:$0x3], $0x20, s8, s22, $0xb8;
	[tilespmem:$0x1C800] =	vst v63  }
0x12b: {  	_ =	swait.ge [sflag:s20], $0x1000  }
0x12c: {  	[sflag:s20] =	ssyncset.done $0x0  }
0x12d: {  	[sflag:s20] =	ssyncadd.s32 $0xFFFFF000  }
0x12e: {  	[spmem:s1] =	stream.indirect.scatter.add.f32 [tilespmem:s29], [sflag:$0x3], $0x20, s15, s22, $0xb8;
	[tilespmem:$0x1C800] =	vst v63  }
0x12f: {  	_ =	swait.ge [sflag:s20], $0x1000  }
0x130: {  	[sflag:s20] =	ssyncset.done $0x0  }
0x131: {  	[sflag:s20] =	ssyncadd.s32 $0xFFFFF000  }
0x132: {  	[spmem:s1] =	stream.indirect.scatter.add.f32 [tilespmem:s31], [sflag:$0x3], $0x20, s18, s22, $0xb8;
	[tilespmem:$0x1C800] =	vst v63  }
0x133: {  	_ =	swait.ge [sflag:s20], $0x1000  }
0x134: {  	[sflag:s20] =	ssyncset.done $0x0  }
0x135: {  	[sflag:s20] =	ssyncadd.s32 $0xFFFFF000  }
0x136: {  	[spmem:s1] =	stream.indirect.scatter.add.f32 [tilespmem:s3], [sflag:$0x3], $0x20, s25, s22, $0xb8;
	[tilespmem:$0x1C800] =	vst v63  }
0x137: {  	_ =	swait.ge [sflag:s20], $0x1000  }
0x138: {  	[sflag:s20] =	ssyncset.done $0x0  }
0x139: {  	[sflag:s20] =	ssyncadd.s32 $0xFFFFF000  }
0x13a: {  	[spmem:s1] =	stream.indirect.scatter.add.f32 [tilespmem:s12], [sflag:$0x3], $0x20, s28, s22, $0xb8;
	[tilespmem:$0x1C800] =	vst v63  }
0x13b: {  	_ =	swait.ge [sflag:s20], $0x1000  }
0x13c: {  	[sflag:s20] =	ssyncset.done $0x0  }
.Ltmp13:
0x13d: {  	[sflag:s20] =	ssyncadd.s32 $0xFFFFF000;
	(pc) =	sbr.rel .LBB2_8-.Ltmp13, $4  }
0x13e: {  	[spmem:s1] =	stream.indirect.scatter.add.f32 [tilespmem:s11], [sflag:$0x2], $0x20, s30, s22, $0xb8;
	[tilespmem:$0x1C800] =	vst v63  }
0x13f: {  	_ =	swait.ge [sflag:s19], $0x1000  }
0x140: {  	[sflag:s19] =	ssyncset.done $0x0  }
0x141: {  	[sflag:s19] =	ssyncadd.s32 $0xFFFFF000  }
.LBB2_13:
0x142: {  	[bflag:$0x0] =	sbarrier.arrive $0xFFFF  }
0x143: {  	s0 =	rddreg [dreg:$0x7]  }
0x144: {  	s13 =	rddreg [dreg:$0xa]  }
0x145: {  	s9 =	rddreg [dreg:$0xb]  }
0x146: {  	[hbm:s0], [sflag:s13] =	dma.local [spmem:s9], $0x2800  }
0x147: {  	_ =	swait.ge [sflag:s19], $0x2800  }
0x148: {  	[sflag:s19] =	ssyncset.done $0x0  }
0x149: {  	s10 =	rddreg [dreg:$0x3];
	[sflag:s19] =	ssyncadd.s32 $0xFFFFD800  }
0x14a: {  	[spmem:s9], [sflag:s13] =	dma.local [hbm:s10], $0x2800  }
.Ltmp14:
0x14b: {  	_ =	swait.ge [sflag:s19], $0x2800;
	(pc) =	sbr.rel .LBB2_14-.Ltmp14, $4  }
0x14c: {  	[sflag:s19] =	ssyncset.done $0x0  }
0x14d: {  	[sflag:s19] =	ssyncadd.s32 $0xFFFFD800  }
0x14e: {  	[bflag:$0x0] =	sbarrier.arrive $0xFFFF  }
0x14f: {  	s0 =	simm.s32 $0x0;
	s9 =	stileid.u32  }
.LBB2_16:
0x150: {  	s0 =	sadd.s32 $0x800, s0  }
0x151: {  	p1 =	sne.s32 s0, $0x27800  }
.Ltmp15:
0x152: {  	_ = 	snop;
	(pc) =	sbr.rel @!p1 .LBB2_17-.Ltmp15, $2  }
0x153: {  	_ =	sdelay $0x2  }
0x154: {  	s9 =	sadd.s32 $0x10, s9  }
.LBB2_14:
0x155: {  	p1 =	sgt.u32 s9, $0x4E1  }
.Ltmp16:
0x156: {  	_ = 	snop;
	(pc) =	sbr.rel @p1 .LBB2_16-.Ltmp16, $1  }
0x157: {  	_ =	sdelay $0x3  }
0x158: {  	s10 =	sadd.s32 s0, s17  }
0x159: {  	[tilespmem:s2], [sflag:$0x3] =	stream.linear.gather [hbm4b:s10+s2], $0x400, $0x38;
	[tilespmem:$0x1C800] =	vst v63  }
0x15a: {  	_ =	swait.ge [sflag:s20], $0x400  }
0x15b: {  	[sflag:s20] =	ssyncset.done $0x0  }
0x15c: {  	s10 =	sadd.s32 s0, s16;
	[sflag:s20] =	ssyncadd.s32 $0xFFFFFC00  }
0x15d: {  	[tilespmem:s21], [sflag:$0x3] =	stream.linear.gather [hbm4b:s10+s2], $0x400, $0x38;
	[tilespmem:$0x1C800] =	vst v63  }
0x15e: {  	_ =	swait.ge [sflag:s20], $0x400  }
0x15f: {  	[sflag:s20] =	ssyncset.done $0x0  }
0x160: {  	[sflag:s20] =	ssyncadd.s32 $0xFFFFFC00  }
0x161: {  	[tilespmem:s23], [sflag:$0x1] =	stream.indirect.gather [hbm4b:s7+s22], $0x20, s2, s22, $0xb8;
	[tilespmem:$0x1C800] =	vst v63  }
0x162: {  	_ = 	snop  }
0x163: {  	[tilespmem:s24], [sflag:$0x1] =	stream.indirect.gather [hbm4b:s7+s22], $0x20, s22, s22, $0xb8;
	[tilespmem:$0x1C800] =	vst v63  }
0x164: {  	s10 =	simm.s32 $0x100  }
0x165: {  	[tilespmem:s26], [sflag:$0x1] =	stream.indirect.gather [hbm4b:s7+s22], $0x20, s10, s22, $0xb8;
	[tilespmem:$0x1C800] =	vst v63  }
0x166: {  	s10 =	simm.s32 $0x180  }
0x167: {  	[tilespmem:s29], [sflag:$0x1] =	stream.indirect.gather [hbm4b:s7+s22], $0x20, s10, s22, $0xb8;
	[tilespmem:$0x1C800] =	vst v63  }
0x168: {  	s10 =	simm.s32 $0x200  }
0x169: {  	[tilespmem:s31], [sflag:$0x1] =	stream.indirect.gather [hbm4b:s7+s22], $0x20, s10, s22, $0xb8;
	[tilespmem:$0x1C800] =	vst v63  }
0x16a: {  	s10 =	simm.s32 $0x280  }
0x16b: {  	[tilespmem:s3], [sflag:$0x1] =	stream.indirect.gather [hbm4b:s7+s22], $0x20, s10, s22, $0xb8;
	[tilespmem:$0x1C800] =	vst v63  }
0x16c: {  	s10 =	simm.s32 $0x300  }
0x16d: {  	[tilespmem:s12], [sflag:$0x1] =	stream.indirect.gather [hbm4b:s7+s22], $0x20, s10, s22, $0xb8;
	[tilespmem:$0x1C800] =	vst v63  }
0x16e: {  	s10 =	simm.s32 $0x380  }
0x16f: {  	[tilespmem:s11], [sflag:$0x1] =	stream.indirect.gather [hbm4b:s7+s22], $0x20, s10, s22, $0xb8;
	[tilespmem:$0x1C800] =	vst v63  }
0x170: {  	_ =	swait.ge [sflag:s14], $0x1000  }
0x171: {  	[sflag:s14] =	ssyncset.done $0x0  }
0x172: {  	[sflag:s14] =	ssyncadd.s32 $0xFFFFF000  }
0x173: {  	_ =	swait.ge [sflag:s14], $0x1000  }
0x174: {  	[sflag:s14] =	ssyncset.done $0x0  }
0x175: {  	[sflag:s14] =	ssyncadd.s32 $0xFFFFF000  }
0x176: {  	_ =	swait.ge [sflag:s14], $0x1000  }
0x177: {  	[sflag:s14] =	ssyncset.done $0x0  }
0x178: {  	[sflag:s14] =	ssyncadd.s32 $0xFFFFF000  }
0x179: {  	_ =	swait.ge [sflag:s14], $0x1000  }
0x17a: {  	[sflag:s14] =	ssyncset.done $0x0  }
0x17b: {  	[sflag:s14] =	ssyncadd.s32 $0xFFFFF000  }
0x17c: {  	_ =	swait.ge [sflag:s14], $0x1000  }
0x17d: {  	[sflag:s14] =	ssyncset.done $0x0  }
0x17e: {  	[sflag:s14] =	ssyncadd.s32 $0xFFFFF000  }
0x17f: {  	_ =	swait.ge [sflag:s14], $0x1000  }
0x180: {  	[sflag:s14] =	ssyncset.done $0x0  }
0x181: {  	[sflag:s14] =	ssyncadd.s32 $0xFFFFF000  }
0x182: {  	_ =	swait.ge [sflag:s14], $0x1000  }
0x183: {  	[sflag:s14] =	ssyncset.done $0x0  }
0x184: {  	[sflag:s14] =	ssyncadd.s32 $0xFFFFF000  }
0x185: {  	_ =	swait.ge [sflag:s14], $0x1000  }
0x186: {  	[sflag:s14] =	ssyncset.done $0x0  }
0x187: {  	[sflag:s14] =	ssyncadd.s32 $0xFFFFF000  }
0x188: {  	[spmem:s1] =	stream.indirect.scatter.add.f32 [tilespmem:s23], [sflag:$0x3], $0x20, s21, s22, $0xb8;
	[tilespmem:$0x1C800] =	vst v63  }
0x189: {  	_ =	swait.ge [sflag:s20], $0x1000  }
0x18a: {  	[sflag:s20] =	ssyncset.done $0x0  }
0x18b: {  	s10 =	simm.s32 $0x480;
	[sflag:s20] =	ssyncadd.s32 $0xFFFFF000  }
0x18c: {  	[spmem:s1] =	stream.indirect.scatter.add.f32 [tilespmem:s24], [sflag:$0x3], $0x20, s10, s22, $0xb8;
	[tilespmem:$0x1C800] =	vst v63  }
0x18d: {  	_ =	swait.ge [sflag:s20], $0x1000  }
0x18e: {  	[sflag:s20] =	ssyncset.done $0x0  }
0x18f: {  	[sflag:s20] =	ssyncadd.s32 $0xFFFFF000  }
0x190: {  	[spmem:s1] =	stream.indirect.scatter.add.f32 [tilespmem:s26], [sflag:$0x3], $0x20, s8, s22, $0xb8;
	[tilespmem:$0x1C800] =	vst v63  }
0x191: {  	_ =	swait.ge [sflag:s20], $0x1000  }
0x192: {  	[sflag:s20] =	ssyncset.done $0x0  }
0x193: {  	[sflag:s20] =	ssyncadd.s32 $0xFFFFF000  }
0x194: {  	[spmem:s1] =	stream.indirect.scatter.add.f32 [tilespmem:s29], [sflag:$0x3], $0x20, s15, s22, $0xb8;
	[tilespmem:$0x1C800] =	vst v63  }
0x195: {  	_ =	swait.ge [sflag:s20], $0x1000  }
0x196: {  	[sflag:s20] =	ssyncset.done $0x0  }
0x197: {  	[sflag:s20] =	ssyncadd.s32 $0xFFFFF000  }
0x198: {  	[spmem:s1] =	stream.indirect.scatter.add.f32 [tilespmem:s31], [sflag:$0x3], $0x20, s18, s22, $0xb8;
	[tilespmem:$0x1C800] =	vst v63  }
0x199: {  	_ =	swait.ge [sflag:s20], $0x1000  }
0x19a: {  	[sflag:s20] =	ssyncset.done $0x0  }
0x19b: {  	[sflag:s20] =	ssyncadd.s32 $0xFFFFF000  }
0x19c: {  	[spmem:s1] =	stream.indirect.scatter.add.f32 [tilespmem:s3], [sflag:$0x3], $0x20, s25, s22, $0xb8;
	[tilespmem:$0x1C800] =	vst v63  }
0x19d: {  	_ =	swait.ge [sflag:s20], $0x1000  }
0x19e: {  	[sflag:s20] =	ssyncset.done $0x0  }
0x19f: {  	[sflag:s20] =	ssyncadd.s32 $0xFFFFF000  }
0x1a0: {  	[spmem:s1] =	stream.indirect.scatter.add.f32 [tilespmem:s12], [sflag:$0x3], $0x20, s28, s22, $0xb8;
	[tilespmem:$0x1C800] =	vst v63  }
0x1a1: {  	_ =	swait.ge [sflag:s20], $0x1000  }
0x1a2: {  	[sflag:s20] =	ssyncset.done $0x0  }
.Ltmp17:
0x1a3: {  	[sflag:s20] =	ssyncadd.s32 $0xFFFFF000;
	(pc) =	sbr.rel .LBB2_16-.Ltmp17, $4  }
0x1a4: {  	[spmem:s1] =	stream.indirect.scatter.add.f32 [tilespmem:s11], [sflag:$0x2], $0x20, s30, s22, $0xb8;
	[tilespmem:$0x1C800] =	vst v63  }
0x1a5: {  	_ =	swait.ge [sflag:s19], $0x1000  }
0x1a6: {  	[sflag:s19] =	ssyncset.done $0x0  }
0x1a7: {  	[sflag:s19] =	ssyncadd.s32 $0xFFFFF000  }
.LBB2_9:
.Ltmp18:
0x1a8: {  	(pc) =	sbr.rel .LBB2_18-.Ltmp18, $3  }
0x1a9: {  	_ =	sdelay $0x1  }
0x1aa: {  	s0 =	rddreg [dreg:$0x5]  }
0x1ab: {  	s10 =	rddreg [dreg:$0xc]  }
.LBB2_19:
0x1ac: {  	_ =	sfence.sel $0x180000  }
0x1ad: {  	[bflag:$0x0] =	sbarrier.arrive $0xFFFF  }
0x1ae: {  	_ =	strace $0x9000004A  }
0x1af: {  	s0 =	stileid.u32;
	[bflag:$0x2] =	sbarrier.arrive $0xFFFF  }
0x1b0: {  	p0 =	sne.s32 s0, $0x0;
	s0 =	rddreg [dreg:$0x2]  }
0x1b1: {  	s0 =	sadd.s32 @!p0 $0x100000, s0  }
0x1b2: {  	[sflag:s0] =	ssyncadd.tile.s32 @!p0 $0x1;
	_ =	shalt  }
.Lfunc_end2:
_tile_overlayer_lowered:
.L_overlay_start_2:
0x1b3: {  	(tag) =	ssettag $0x2  }
0x1b4: {  	s0 =	rddreg [dreg:$0x0];
	s2 =	stileid.u32  }
0x1b5: {  	s1 =	rddreg [dreg:$0x1];
	p0 =	sne.s32 s2, $0x0  }
0x1b6: {  	s3 =	rddreg [dreg:$0x2];
	[bflag:$0x3] =	sbarrier.arrive $0xFFFF;
	s2 =	simm.s32 @!p0 $0x1C02  }
0x1b7: {  	[timem:s3], [sflag:s2] =	dma.local @!p0 [hbm:s0], s1  }
0x1b8: {  	s0 =	simm.s32 @!p0 $0x2  }
0x1b9: {  	_ =	swait.ge @!p0 [sflag:s0], s1  }
0x1ba: {  	s1 =	ssub.s32 @!p0 $0x0, s1;
	[sflag:s0] =	ssyncset.done @!p0 $0x0  }
0x1bb: {  	[sflag:s0] =	ssyncadd.s32 @!p0 s1  }
0x1bc: {  	[bflag:$0x3] =	sbarrier.arrive $0xFFFF  }
0x1bd: {  	_ =	shalt  }

// kernel: kernel.7.cloned.1.call-start
scs
__scs_entry_jumppad:
0x0: {  	(pc) =	sbr.rel $0x88, $3  }
0x1: {  	(tag) =	ssettag $0x0;
	lr =	simm.s32 $0x1  }
0x2: {  	[smem:$0x3F99] =	sst lr;
	_ =	strace $0xD0000000  }
0x3: {  	_ = 	snop  }
0x4: {  	_ = 	snop  }
0x5: {  	_ = 	snop  }
0x6: {  	_ = 	snop  }
0x7: {  	_ = 	snop  }
__scs_overlays_trampoline_lowered:
0x8: {  	[smem:$0x3FA8] =	sst s0  }
0x9: {  	[smem:$0x3FA9] =	sst s1  }
0xa: {  	[smem:$0x3FAA] =	sst s2  }
0xb: {  	[smem:$0x3FAB] =	sst s3  }
0xc: {  	[smem:$0x3FAC] =	sst s4  }
0xd: {  	[smem:$0x3FAD] =	sst s5  }
0xe: {  	[smem:$0x3FAE] =	sst s6  }
0xf: {  	[smem:$0x3FAF] =	sst s7  }
0x10: {  	[smem:$0x3FB0] =	sst s8  }
0x11: {  	[smem:$0x3FB1] =	sst s9;
	s0 =	simm.s32 @!p0 $0x0  }
0x12: {  	s1 =	sld [smem:$0x3F97];
	s0 =	simm.s32 @p0 $0x1  }
0x13: {  	[smem:$0x3FB2] =	sst s0;
	s0 =	simm.s32 @!p1 $0x0  }
0x14: {  	s2 =	sld [smem:$0x3F96];
	s0 =	simm.s32 @p1 $0x1  }
0x15: {  	[smem:$0x3FB3] =	sst s0;
	s0 =	simm.s32 @!p2 $0x0  }
0x16: {  	s3 =	sld [smem:$0x3FDB];
	s0 =	simm.s32 @p2 $0x1  }
0x17: {  	s4 =	simm.s32 $0x1BF5;
	[smem:$0x3FB5] =	sst s0  }
0x18: {  	s0 =	sld [smem:$0x3F98];
	_ =	swait.ge [sflag:s4], $0x0  }
0x19: {  	s7 =	sld [smem:$0x3F99]  }
0x1a: {  	s8 =	sadd.s32 $0xFFFFE003, lr  }
0x1b: {  	s9 =	sadd.s32 $0xFFFFFEF7, lr;
	s5 =	simm.s32 $0xFFFFFFFF;
	p2 =	slt.u32 s8, $0xFFFFF086  }
0x1c: {  	p1 =	slt.u32 s9, $0xF7A;
	s5 =	simm.s32 @!p2 $0x0  }
0x1d: {  	s5 =	simm.s32 @p1 $0x1;
	p0 =	seq.s32 s7, s2  }
0x1e: {  	s7 =	smul.u32 @!p0 $0xF7A, s2;
	p2 =	seq.s32 @!p0 s5, $0x0  }
0x1f: {  	s9 =	smul.u32 $0xF7A, s1;
	s8 =	simm.s32 @!p0 $0x1BF5;
	p2 =	por !p2, p0  }
0x20: {  	[sflag:s8] =	ssyncset.s32 @!p0 $0xFFFFF086;
	s6 =	sadd.s32 @!p0 s3, s7;
	s7 =	simm.s32 @!p0 $0x108  }
0x21: {  	s3 =	sadd.s32 s3, s9;
	s6 =	sadd.s32 @!p0 $0x88, s6;
	s7 =	simm.s32 @p2 $0x1082  }
0x22: {  	[simem:s7], [sflag:s8] =	dma.local @!p0 [hbm:s6], $0xF7A  }
0x23: {  	s9 =	sor.u32 $0xD0000000, s2;
	s6 =	simm.s32 $0x108;
	_ =	swait.ge @!p0 [sflag:s8], $0x0  }
0x24: {  	s3 =	sadd.s32 $0x88, s3;
	s6 =	simm.s32 @!p1 $0x1082;
	[sflag:s4] =	ssyncset.s32 $0xFFFFF086  }
0x25: {  	[simem:s6], [sflag:s4] =	dma.local [hbm:s3], $0xF7A  }
0x26: {  	[smem:$0x3F99] =	sst s1;
	(tag) =	ssettag s2;
	_ =	strace s9  }
0x27: {  	s1 =	sld [smem:$0x3FA9]  }
0x28: {  	s2 =	sld [smem:$0x3FAA]  }
0x29: {  	s4 =	sld [smem:$0x3FAC]  }
0x2a: {  	p0 =	seq.s32 s5, $0x0;
	s5 =	sld [smem:$0x3FAD]  }
0x2b: {  	s6 =	sld [smem:$0x3FAE]  }
0x2c: {  	s7 =	sld [smem:$0x3FAF]  }
0x2d: {  	s3 =	simm.s32 $0x108;
	s8 =	sld [smem:$0x3FB0]  }
0x2e: {  	s3 =	simm.s32 @!p0 $0x1082;
	s9 =	sld [smem:$0x3FB1]  }
0x2f: {  	lr =	sadd.s32 s0, s3;
	s0 =	sld [smem:$0x3FA8]  }
0x30: {  	s3 =	sld [smem:$0x3FAB]  }
0x31: {  	[smem:$0x3FB4] =	sst s10  }
0x32: {  	s10 =	sld [smem:$0x3FB2];
	_ =	sdelay $0x3  }
0x33: {  	p0 =	seq.s32 s10, $0x1;
	s10 =	sld [smem:$0x3FB4];
	_ =	sdelay $0x3  }
0x34: {  	[smem:$0x3FB4] =	sst s10  }
0x35: {  	s10 =	sld [smem:$0x3FB3];
	_ =	sdelay $0x3  }
0x36: {  	p1 =	seq.s32 s10, $0x1;
	s10 =	sld [smem:$0x3FB4];
	_ =	sdelay $0x3  }
0x37: {  	[smem:$0x3FB4] =	sst s10  }
0x38: {  	s10 =	sld [smem:$0x3FB5]  }
0x39: {  	_ = 	snop;
	(pc) =	sbr.ind lr, $3  }
0x3a: {  	_ = 	snop  }
0x3b: {  	_ = 	snop  }
0x3c: {  	p2 =	seq.s32 s10, $0x1;
	s10 =	sld [smem:$0x3FB4]  }
0x3d: {  	_ =	shalt  }
0x3e: {  	_ =	shalt  }
0x3f: {  	_ =	shalt  }
0x40: {  	_ =	shalt  }
0x41: {  	_ =	shalt  }
0x42: {  	_ =	shalt  }
0x43: {  	_ =	shalt  }
0x44: {  	_ =	shalt  }
0x45: {  	_ =	shalt  }
0x46: {  	_ =	shalt  }
0x47: {  	_ =	shalt  }
0x48: {  	_ =	shalt  }
0x49: {  	_ =	shalt  }
0x4a: {  	_ =	shalt  }
0x4b: {  	_ =	shalt  }
0x4c: {  	_ =	shalt  }
0x4d: {  	_ =	shalt  }
0x4e: {  	_ =	shalt  }
0x4f: {  	_ =	shalt  }
0x50: {  	_ =	shalt  }
0x51: {  	_ =	shalt  }
0x52: {  	_ =	shalt  }
0x53: {  	_ =	shalt  }
0x54: {  	_ =	shalt  }
0x55: {  	_ =	shalt  }
0x56: {  	_ =	shalt  }
0x57: {  	_ =	shalt  }
0x58: {  	_ =	shalt  }
0x59: {  	_ =	shalt  }
0x5a: {  	_ =	shalt  }
0x5b: {  	_ =	shalt  }
0x5c: {  	_ =	shalt  }
0x5d: {  	_ =	shalt  }
0x5e: {  	_ =	shalt  }
0x5f: {  	_ =	shalt  }
0x60: {  	_ =	shalt  }
0x61: {  	_ =	shalt  }
0x62: {  	_ =	shalt  }
0x63: {  	_ =	shalt  }
0x64: {  	_ =	shalt  }
0x65: {  	_ =	shalt  }
0x66: {  	_ =	shalt  }
0x67: {  	_ =	shalt  }
0x68: {  	_ =	shalt  }
0x69: {  	_ =	shalt  }
0x6a: {  	_ =	shalt  }
0x6b: {  	_ =	shalt  }
0x6c: {  	_ =	shalt  }
0x6d: {  	_ =	shalt  }
0x6e: {  	_ =	shalt  }
0x6f: {  	_ =	shalt  }
0x70: {  	_ =	shalt  }
0x71: {  	_ =	shalt  }
0x72: {  	_ =	shalt  }
0x73: {  	_ =	shalt  }
0x74: {  	_ =	shalt  }
0x75: {  	_ =	shalt  }
0x76: {  	_ =	shalt  }
0x77: {  	_ =	shalt  }
0x78: {  	_ =	shalt  }
0x79: {  	_ =	shalt  }
0x7a: {  	_ =	shalt  }
0x7b: {  	_ =	shalt  }
0x7c: {  	_ =	shalt  }
0x7d: {  	_ =	shalt  }
0x7e: {  	_ =	shalt  }
0x7f: {  	_ =	shalt  }
0x80: {  	_ =	shalt  }
0x81: {  	_ =	shalt  }
0x82: {  	_ =	shalt  }
0x83: {  	_ =	shalt  }
0x84: {  	_ =	shalt  }
0x85: {  	_ =	shalt  }
0x86: {  	_ =	shalt  }
0x87: {  	_ =	shalt  }
.Lfunc_end0:
.L_simem_size_0:
called_computation_lowered:
.L_overlay_start_0:
0x88: {  	s2 =	sld [smem:$0x3FD9]  }
0x89: {  	s3 =	sld [smem:$0x3FFE];
	_ =	sdelay $0x1  }
0x8a: {  	s1 =	srdreg.scid  }
0x8b: {  	s0 =	sand.u32 $0x1, s1  }
0x8c: {  	s16 =	sshll.u32 s0, $0xA;
	s2 =	sadd.s32 s3, s2  }
0x8d: {  	s2 =	sadd.s32 s2, s16  }
0x8e: {  	[smem:$0x3FC0] =	sst s2  }
0x8f: {  	_ = 	snop  }
0x90: {  	(tm) =	ssettm $0x1  }
0x91: {  	s17 =	sld [smem:$0x3FFB];
	_ =	sdelay $0x3  }
0x92: {  	_ =	strace s17  }
0x93: {  	s2 =	sld [smem:$0x3FFC];
	_ =	sdelay $0x3  }
0x94: {  	_ =	strace s2  }
0x95: {  	s2 =	sld [smem:$0x3FFD];
	_ =	sdelay $0x3  }
0x96: {  	_ =	strace s2  }
0x97: {  	_ =	strace $0x8FFFFFFF  }
0x98: {  	s18 =	sld [smem:$0x3FDB];
	_ =	sdelay $0x1  }
0x99: {  	s19 =	simm.s32 $_scs_section_size  }
0x9a: {  	s4 =	simm.s32 $_size__tile_overlayer_lowered;
	s5 =	simm.s32 $_tile_overlayer_lowered  }
0x9b: {  	s22 =	simm.s32 $0x1BFF;
	s21 =	sshll.u32 s5, $0x1;
	s2 =	sadd.s32 s19, s18  }
0x9c: {  	s6 =	simm.s32 $0x0;
	s20 =	sshll.u32 s4, $0x1;
	s4 =	sadd.s32 s21, s2  }
0x9d: {  	[timem:s6], [sflag:s22] =	dma.local [hbm:s4], s20  }
0x9e: {  	_ =	swait.ge [sflag:s22], s20  }
0x9f: {  	s3 =	ssub.s32 $0x0, s20;
	[sflag:s22] =	ssyncset.done $0x0  }
0xa0: {  	[sflag:s22] =	ssyncadd.s32 s3;
	_ =	sdelay $0x1  }
0xa1: {  	s23 =	simm.s32 $0x1B8B  }
0xa2: {  	_ =	swait.ge [sflag:s23], $0x1  }
0xa3: {  	[sflag:s23] =	ssyncset.done $0x0  }
0xa4: {  	s25 =	simm.s32 $0x1B8E;
	s24 =	sld [smem:$0x3FFE];
	[sflag:s23] =	ssyncadd.s32 $0xFFFFFFFF  }
0xa5: {  	s26 =	simm.s32 $execute0_lowered;
	[smem:$0x3FD2] =	sst s25  }
0xa6: {  	s4 =	sshll.u32 s26, $0x1;
	_ =	strace $0x80000046;
	[dreg:$0x1] =	wrdreg $0xFFFFFFFF  }
0xa7: {  	s28 =	simm.s32 $_size_execute0_lowered;
	s2 =	sadd.s32 s2, s4;
	[dreg:$0x0] =	wrdreg $0x0  }
0xa8: {  	s4 =	sshll.u32 s28, $0x1;
	[dreg:$0x2] =	wrdreg s2  }
0xa9: {  	[dreg:$0x3] =	wrdreg s4  }
0xaa: {  	[dreg:$0x4] =	wrdreg $0xC0  }
0xab: {  	_ =	task [dreg:s6], $0x5FFFF  }
0xac: {  	[dreg:$0x1] =	wrdreg $0xFFFFFFFF  }
0xad: {  	[dreg:$0x0] =	wrdreg $0x60  }
0xae: {  	[dreg:$0x2] =	wrdreg s24  }
0xaf: {  	[dreg:$0x3] =	wrdreg $0xAC000  }
0xb0: {  	[dreg:$0x4] =	wrdreg $0x9  }
0xb1: {  	_ =	task.clear_ibuf [dreg:s6], $0x5FFFF;
	_ =	strace $0x90000046  }
0xb2: {  	s29 =	simm.s32 $0x9;
	_ =	strace $0x80000048  }
0xb3: {  	_ =	swait.ge [sflag:s29], $0x1  }
0xb4: {  	[sflag:s29] =	ssyncadd.s32 $0xFFFFFFFF  }
0xb5: {  	_ =	strace $0x90000048  }
0xb6: {  	_ =	sfence  }
0xb7: {  	s30 =	sld [smem:$0x0];
	_ =	sdelay $0x2  }
0xb8: {  	s31 =	sshll.u32 s1, $0xD;
	s1 =	sshrl.u32 s1, $0x2  }
0xb9: {  	s3 =	sand.u32 $0x4000, s31;
	s1 =	sadd.s32 s1, s30  }
0xba: {  	s0 =	sor.u32 s3, s0;
	s1 =	sshll.u32 s1, $0x11  }
0xbb: {  	s0 =	sor.u32 s1, s0  }
0xbc: {  	s0 =	sadd.s32 $0x8F2B, s0  }
0xbd: {  	[sflag:s0] =	ssyncadd.remote.s32 $0x1  }
0xbe: {  	_ =	sfence.sel $0xFFFF  }
0xbf: {  	[dreg:$0x0] =	wrdreg $0xFFFFFFFF;
	(pc) =	sbr.abs _section_cstart, $3  }
0xc0: {  	[dreg:$0x1] =	wrdreg $0xFFFFFFFF  }
0xc1: {  	_ =	task.clear_ibuf [dreg:s6], $0x2FFFF;
	_ =	strace $0x9FFFFFFF  }
0xc2: {  	(tm) =	ssettm $0x7FFFFFFF  }
0xc3: {  	_ =	shalt  }
tec
execute0_lowered:
.L_overlay_start_1:
0x0: {  	(tag) =	ssettag $0x1  }
0x1: {  	s6 =	rddreg [dreg:$0x0];
	s0 =	srdreg.scid  }
0x2: {  	s2 =	rddreg [dreg:$0x1];
	s1 =	stileid.u32  }
0x3: {  	s3 =	simm.s32 $0x0;
	s12 =	simm.s32 $0xC00;
	s13 =	simm.s32 $0x0  }
0x4: {  	s5 =	sand.u32 $0x1, s0;
	s0 =	rddreg [dreg:$0x2];
	s7 =	smul.u32 $0xA000, s1  }
0x5: {  	[smem:$0x7FF] =	sst s3;
	s31 =	sshll.u32 s1, $0x7;
	s4 =	smul.u32 $0x13880, s5  }
0x6: {  	s8 =	smul.u32 $0xA0000, s5;
	_ =	strace $0x80000047;
	s10 =	ssub.s32 $0x2, s5  }
0x7: {  	s5 =	sadd.s32 $0x53400, s6;
	s11 =	sshrl.u32 s10, $0x1;
	s9 =	sadd.s32 s4, s6  }
0x8: {  	s4 =	sadd.s32 $0x54800, s6;
	s8 =	sadd.s32 s7, s8;
	s10 =	ssub.s32 s10, s11  }
0x9: {  	s11 =	simm.s32 $0x1;
	s8 =	sshrl.u32 s8, $0x3;
	s9 =	sadd.s32 s31, s9  }
0xa: {  	s8 =	sadd.s32 s8, s6;
	s6 =	sadd.s32 s7, s2;
	s9 =	sadd.s32 $0x2C200, s9  }
0xb: {  	s7 =	sadd.s32 $0x54A00, s8;
	s8 =	smax.u32 s10, $0x1;
	s10 =	simm.s32 $0x400  }
.LBB2_1:
0xc: {  	[tilespmem:s10], [sflag:$0x1] =	stream.linear.gather [hbm4b:s4+s3], $0x800, $0x38;
	[tilespmem:$0x14C00] =	vst v63  }
0xd: {  	_ =	swait.ge [sflag:s11], $0x800  }
0xe: {  	[sflag:s11] =	ssyncset.done $0x0  }
0xf: {  	[sflag:s11] =	ssyncadd.s32 $0xFFFFF800  }
0x10: {  	[tilespmem:s12], [sflag:$0x1] =	stream.linear.gather [hbm4b:s5+s3], $0xA000, $0x38;
	[tilespmem:$0x14C00] =	vst v63  }
0x11: {  	_ =	swait.ge [sflag:s11], $0xA000  }
0x12: {  	[sflag:s11] =	ssyncset.done $0x0  }
0x13: {  	[sflag:s11] =	ssyncadd.s32 $0xFFFF6000  }
0x14: {  	[spmem:s6] =	stream.linear.scatter [tilespmem:s12], [sflag:$0x1], $0xA000, $0x38;
	[tilespmem:$0x14C00] =	vst v63  }
0x15: {  	_ =	swait.ge [sflag:s11], $0xA000  }
0x16: {  	s14 =	sadd.s32 $0x0, s1;
	[sflag:s11] =	ssyncset.done $0x0  }
0x17: {  	p0 =	sgt.u32 s14, $0x270;
	[sflag:s11] =	ssyncadd.s32 $0xFFFF6000  }
0x18: {  	s14 =	simm.s32 @!p0 $0x0;
	s15 =	simm.s32 @!p0 $0x2;
	[bflag:$0x0] =	sbarrier.arrive $0xFFFF  }
0x19: {  	[tilespmem:s14], [sflag:$0x2] =	stream.linear.gather @!p0 [hbm4b:s9+s14], $0x400, $0x38;
	[tilespmem:$0x14C00] =	vst v63  }
0x1a: {  	_ =	swait.ge @!p0 [sflag:s15], $0x400  }
0x1b: {  	[sflag:s15] =	ssyncset.done @!p0 $0x0;
	p0 =	por p0, p0  }
0x1c: {  	[sflag:s15] =	ssyncadd.s32 @!p0 $0xFFFFFC00;
	s16 =	simm.s32 @!p0 $0x80;
	s17 =	simm.s32 @!p0 $0x400  }
0x1d: {  	[spmem:s2] =	stream.indirect.scatter.add.f32 @!p0 [tilespmem:s17], [sflag:$0x2], $0x10, s14, s16, $0xb8;
	[tilespmem:$0x14C00] =	vst v63  }
0x1e: {  	_ =	swait.ge @!p0 [sflag:s15], $0x800  }
0x1f: {  	[sflag:s15] =	ssyncset.done @!p0 $0x0  }
0x20: {  	[sflag:s15] =	ssyncadd.s32 @!p0 $0xFFFFF800  }
0x21: {  	[spmem:s2] =	stream.indirect.scatter.add.f32 @!p0 [tilespmem:s17], [sflag:$0x2], $0x10, s16, s16, $0xb8;
	[tilespmem:$0x14C00] =	vst v63  }
0x22: {  	_ =	swait.ge @!p0 [sflag:s15], $0x800  }
0x23: {  	[sflag:s15] =	ssyncset.done @!p0 $0x0  }
0x24: {  	s14 =	simm.s32 @!p0 $0x100;
	[sflag:s15] =	ssyncadd.s32 @!p0 $0xFFFFF800  }
0x25: {  	[spmem:s2] =	stream.indirect.scatter.add.f32 @!p0 [tilespmem:s17], [sflag:$0x2], $0x10, s14, s16, $0xb8;
	[tilespmem:$0x14C00] =	vst v63  }
0x26: {  	_ =	swait.ge @!p0 [sflag:s15], $0x800  }
0x27: {  	[sflag:s15] =	ssyncset.done @!p0 $0x0  }
0x28: {  	s14 =	simm.s32 @!p0 $0x180;
	[sflag:s15] =	ssyncadd.s32 @!p0 $0xFFFFF800  }
0x29: {  	[spmem:s2] =	stream.indirect.scatter.add.f32 @!p0 [tilespmem:s17], [sflag:$0x2], $0x10, s14, s16, $0xb8;
	[tilespmem:$0x14C00] =	vst v63  }
0x2a: {  	_ =	swait.ge @!p0 [sflag:s15], $0x800  }
0x2b: {  	[sflag:s15] =	ssyncset.done @!p0 $0x0  }
0x2c: {  	s14 =	simm.s32 @!p0 $0x200;
	[sflag:s15] =	ssyncadd.s32 @!p0 $0xFFFFF800  }
0x2d: {  	[spmem:s2] =	stream.indirect.scatter.add.f32 @!p0 [tilespmem:s17], [sflag:$0x2], $0x10, s14, s16, $0xb8;
	[tilespmem:$0x14C00] =	vst v63  }
0x2e: {  	_ =	swait.ge @!p0 [sflag:s15], $0x800  }
0x2f: {  	[sflag:s15] =	ssyncset.done @!p0 $0x0  }
0x30: {  	s14 =	simm.s32 @!p0 $0x280;
	[sflag:s15] =	ssyncadd.s32 @!p0 $0xFFFFF800  }
0x31: {  	[spmem:s2] =	stream.indirect.scatter.add.f32 @!p0 [tilespmem:s17], [sflag:$0x2], $0x10, s14, s16, $0xb8;
	[tilespmem:$0x14C00] =	vst v63  }
0x32: {  	_ =	swait.ge @!p0 [sflag:s15], $0x800  }
0x33: {  	[sflag:s15] =	ssyncset.done @!p0 $0x0  }
0x34: {  	s14 =	simm.s32 @!p0 $0x300;
	[sflag:s15] =	ssyncadd.s32 @!p0 $0xFFFFF800  }
0x35: {  	[spmem:s2] =	stream.indirect.scatter.add.f32 @!p0 [tilespmem:s17], [sflag:$0x2], $0x10, s14, s16, $0xb8;
	[tilespmem:$0x14C00] =	vst v63  }
0x36: {  	_ =	swait.ge @!p0 [sflag:s15], $0x800  }
0x37: {  	s31 =	sadd.s32 $0x10, s1;
	[sflag:s15] =	ssyncset.done @!p0 $0x0  }
0x38: {  	s20 =	simm.s32 @!p0 $0x1;
	s14 =	simm.s32 @!p0 $0x380;
	[sflag:s15] =	ssyncadd.s32 @!p0 $0xFFFFF800  }
0x39: {  	[spmem:s2] =	stream.indirect.scatter.add.f32 @!p0 [tilespmem:s17], [sflag:$0x1], $0x10, s14, s16, $0xb8;
	[tilespmem:$0x14C00] =	vst v63  }
0x3a: {  	p2 =	sgt.u32 s31, $0x270;
	_ =	swait.ge @!p0 [sflag:s20], $0x800  }
0x3b: {  	s15 =	sadd.s32 $0x800, s9;
	s14 =	simm.s32 $0x20;
	[sflag:s20] =	ssyncset.done @!p0 $0x0  }
.LBB2_2:
0x3c: {  	s21 =	simm.s32 @!p2 $0x0;
	s17 =	simm.s32 @!p2 $0x2;
	[sflag:s20] =	ssyncadd.s32 @!p0 $0xFFFFF800  }
0x3d: {  	[tilespmem:s21], [sflag:$0x2] =	stream.linear.gather @!p2 [hbm4b:s15+s21], $0x400, $0x38;
	[tilespmem:$0x14C00] =	vst v63  }
0x3e: {  	s16 =	smov.u32 s14;
	s14 =	sadd.s32 $0x10, s14;
	_ =	swait.ge @!p2 [sflag:s17], $0x400  }
0x3f: {  	p0 =	por p2, p2;
	p1 =	sne.s32 s14, $0x280;
	[sflag:s17] =	ssyncset.done @!p2 $0x0  }
0x40: {  	s18 =	simm.s32 @!p0 $0x80;
	s19 =	simm.s32 @!p0 $0x400;
	[sflag:s17] =	ssyncadd.s32 @!p0 $0xFFFFFC00  }
0x41: {  	[spmem:s2] =	stream.indirect.scatter.add.f32 @!p0 [tilespmem:s19], [sflag:$0x2], $0x10, s21, s18, $0xb8;
	[tilespmem:$0x14C00] =	vst v63  }
0x42: {  	_ =	swait.ge @!p0 [sflag:s17], $0x800  }
0x43: {  	[sflag:s17] =	ssyncset.done @!p0 $0x0  }
0x44: {  	[sflag:s17] =	ssyncadd.s32 @!p0 $0xFFFFF800  }
0x45: {  	[spmem:s2] =	stream.indirect.scatter.add.f32 @!p0 [tilespmem:s19], [sflag:$0x2], $0x10, s18, s18, $0xb8;
	[tilespmem:$0x14C00] =	vst v63  }
0x46: {  	_ =	swait.ge @!p0 [sflag:s17], $0x800  }
0x47: {  	[sflag:s17] =	ssyncset.done @!p0 $0x0  }
0x48: {  	s20 =	simm.s32 @!p0 $0x100;
	[sflag:s17] =	ssyncadd.s32 @!p0 $0xFFFFF800  }
0x49: {  	[spmem:s2] =	stream.indirect.scatter.add.f32 @!p0 [tilespmem:s19], [sflag:$0x2], $0x10, s20, s18, $0xb8;
	[tilespmem:$0x14C00] =	vst v63  }
0x4a: {  	_ =	swait.ge @!p0 [sflag:s17], $0x800  }
0x4b: {  	[sflag:s17] =	ssyncset.done @!p0 $0x0  }
0x4c: {  	s20 =	simm.s32 @!p0 $0x180;
	[sflag:s17] =	ssyncadd.s32 @!p0 $0xFFFFF800  }
0x4d: {  	[spmem:s2] =	stream.indirect.scatter.add.f32 @!p0 [tilespmem:s19], [sflag:$0x2], $0x10, s20, s18, $0xb8;
	[tilespmem:$0x14C00] =	vst v63  }
0x4e: {  	_ =	swait.ge @!p0 [sflag:s17], $0x800  }
0x4f: {  	[sflag:s17] =	ssyncset.done @!p0 $0x0  }
0x50: {  	s20 =	simm.s32 @!p0 $0x200;
	[sflag:s17] =	ssyncadd.s32 @!p0 $0xFFFFF800  }
0x51: {  	[spmem:s2] =	stream.indirect.scatter.add.f32 @!p0 [tilespmem:s19], [sflag:$0x2], $0x10, s20, s18, $0xb8;
	[tilespmem:$0x14C00] =	vst v63  }
0x52: {  	_ =	swait.ge @!p0 [sflag:s17], $0x800  }
0x53: {  	[sflag:s17] =	ssyncset.done @!p0 $0x0  }
0x54: {  	s20 =	simm.s32 @!p0 $0x280;
	[sflag:s17] =	ssyncadd.s32 @!p0 $0xFFFFF800  }
0x55: {  	[spmem:s2] =	stream.indirect.scatter.add.f32 @!p0 [tilespmem:s19], [sflag:$0x2], $0x10, s20, s18, $0xb8;
	[tilespmem:$0x14C00] =	vst v63  }
0x56: {  	_ =	swait.ge @!p0 [sflag:s17], $0x800  }
0x57: {  	[sflag:s17] =	ssyncset.done @!p0 $0x0  }
0x58: {  	s20 =	simm.s32 @!p0 $0x300;
	[sflag:s17] =	ssyncadd.s32 @!p0 $0xFFFFF800  }
0x59: {  	[spmem:s2] =	stream.indirect.scatter.add.f32 @!p0 [tilespmem:s19], [sflag:$0x2], $0x10, s20, s18, $0xb8;
	[tilespmem:$0x14C00] =	vst v63  }
0x5a: {  	_ =	swait.ge @!p0 [sflag:s17], $0x800  }
.Ltmp0:
0x5b: {  	[sflag:s17] =	ssyncset.done @!p0 $0x0;
	(pc) =	sbr.rel @p1 .LBB2_2-.Ltmp0, $4  }
0x5c: {  	s20 =	simm.s32 @!p0 $0x1;
	[sflag:s17] =	ssyncadd.s32 @!p0 $0xFFFFF800;
	s17 =	simm.s32 @!p0 $0x380  }
0x5d: {  	[spmem:s2] =	stream.indirect.scatter.add.f32 @!p0 [tilespmem:s19], [sflag:$0x1], $0x10, s17, s18, $0xb8;
	[tilespmem:$0x14C00] =	vst v63  }
0x5e: {  	s16 =	sadd.s32 s16, s1;
	_ =	swait.ge @!p0 [sflag:s20], $0x800  }
0x5f: {  	s15 =	sadd.s32 $0x800, s15;
	p2 =	sgt.u32 s16, $0x270;
	[sflag:s20] =	ssyncset.done @!p0 $0x0  }
0x60: {  	s14 =	simm.s32 @!p2 $0x0;
	s16 =	simm.s32 @!p2 $0x2;
	[sflag:s20] =	ssyncadd.s32 @!p0 $0xFFFFF800  }
0x61: {  	[tilespmem:s14], [sflag:$0x2] =	stream.linear.gather @!p2 [hbm4b:s15+s14], $0x400, $0x38;
	[tilespmem:$0x14C00] =	vst v63  }
0x62: {  	_ =	swait.ge @!p2 [sflag:s16], $0x400  }
0x63: {  	p0 =	por p2, p2;
	[sflag:s16] =	ssyncset.done @!p2 $0x0  }
0x64: {  	s15 =	simm.s32 @!p0 $0x80;
	s17 =	simm.s32 @!p0 $0x400;
	[sflag:s16] =	ssyncadd.s32 @!p0 $0xFFFFFC00  }
0x65: {  	[spmem:s2] =	stream.indirect.scatter.add.f32 @!p0 [tilespmem:s17], [sflag:$0x2], $0x10, s14, s15, $0xb8;
	[tilespmem:$0x14C00] =	vst v63  }
0x66: {  	_ =	swait.ge @!p0 [sflag:s16], $0x800  }
0x67: {  	[sflag:s16] =	ssyncset.done @!p0 $0x0  }
0x68: {  	[sflag:s16] =	ssyncadd.s32 @!p0 $0xFFFFF800  }
0x69: {  	[spmem:s2] =	stream.indirect.scatter.add.f32 @!p0 [tilespmem:s17], [sflag:$0x2], $0x10, s15, s15, $0xb8;
	[tilespmem:$0x14C00] =	vst v63  }
0x6a: {  	_ =	swait.ge @!p0 [sflag:s16], $0x800  }
0x6b: {  	[sflag:s16] =	ssyncset.done @!p0 $0x0  }
0x6c: {  	s14 =	simm.s32 @!p0 $0x100;
	[sflag:s16] =	ssyncadd.s32 @!p0 $0xFFFFF800  }
0x6d: {  	[spmem:s2] =	stream.indirect.scatter.add.f32 @!p0 [tilespmem:s17], [sflag:$0x2], $0x10, s14, s15, $0xb8;
	[tilespmem:$0x14C00] =	vst v63  }
0x6e: {  	_ =	swait.ge @!p0 [sflag:s16], $0x800  }
0x6f: {  	[sflag:s16] =	ssyncset.done @!p0 $0x0  }
0x70: {  	s14 =	simm.s32 @!p0 $0x180;
	[sflag:s16] =	ssyncadd.s32 @!p0 $0xFFFFF800  }
0x71: {  	[spmem:s2] =	stream.indirect.scatter.add.f32 @!p0 [tilespmem:s17], [sflag:$0x2], $0x10, s14, s15, $0xb8;
	[tilespmem:$0x14C00] =	vst v63  }
0x72: {  	_ =	swait.ge @!p0 [sflag:s16], $0x800  }
0x73: {  	[sflag:s16] =	ssyncset.done @!p0 $0x0  }
0x74: {  	s14 =	simm.s32 @!p0 $0x200;
	[sflag:s16] =	ssyncadd.s32 @!p0 $0xFFFFF800  }
0x75: {  	[spmem:s2] =	stream.indirect.scatter.add.f32 @!p0 [tilespmem:s17], [sflag:$0x2], $0x10, s14, s15, $0xb8;
	[tilespmem:$0x14C00] =	vst v63  }
0x76: {  	_ =	swait.ge @!p0 [sflag:s16], $0x800  }
0x77: {  	[sflag:s16] =	ssyncset.done @!p0 $0x0  }
0x78: {  	s14 =	simm.s32 @!p0 $0x280;
	[sflag:s16] =	ssyncadd.s32 @!p0 $0xFFFFF800  }
0x79: {  	[spmem:s2] =	stream.indirect.scatter.add.f32 @!p0 [tilespmem:s17], [sflag:$0x2], $0x10, s14, s15, $0xb8;
	[tilespmem:$0x14C00] =	vst v63  }
0x7a: {  	_ =	swait.ge @!p0 [sflag:s16], $0x800  }
0x7b: {  	[sflag:s16] =	ssyncset.done @!p0 $0x0  }
0x7c: {  	s14 =	simm.s32 @!p0 $0x300;
	[sflag:s16] =	ssyncadd.s32 @!p0 $0xFFFFF800  }
0x7d: {  	[spmem:s2] =	stream.indirect.scatter.add.f32 @!p0 [tilespmem:s17], [sflag:$0x2], $0x10, s14, s15, $0xb8;
	[tilespmem:$0x14C00] =	vst v63  }
0x7e: {  	_ =	swait.ge @!p0 [sflag:s16], $0x800  }
0x7f: {  	[sflag:s16] =	ssyncset.done @!p0 $0x0  }
0x80: {  	s14 =	simm.s32 @!p0 $0x380;
	[sflag:s16] =	ssyncadd.s32 @!p0 $0xFFFFF800;
	s16 =	simm.s32 @!p0 $0x1  }
0x81: {  	[spmem:s2] =	stream.indirect.scatter.add.f32 @!p0 [tilespmem:s17], [sflag:$0x1], $0x10, s14, s15, $0xb8;
	[tilespmem:$0x14C00] =	vst v63  }
0x82: {  	_ =	swait.ge @!p0 [sflag:s16], $0x800  }
0x83: {  	[sflag:s16] =	ssyncset.done @!p0 $0x0  }
0x84: {  	[sflag:s16] =	ssyncadd.s32 @!p0 $0xFFFFF800  }
0x85: {  	[bflag:$0x0] =	sbarrier.arrive $0xFFFF  }
0x86: {  	[tilespmem:s12], [sflag:$0x1] =	stream.linear.gather [spmem:s6], $0xA000, $0x38;
	[tilespmem:$0x14C00] =	vst v63  }
0x87: {  	s13 =	sadd.s32 $0x1, s13;
	_ =	swait.ge [sflag:s11], $0xA000  }
0x88: {  	p0 =	sne.s32 s13, s8;
	[sflag:s11] =	ssyncset.done $0x0  }
.Ltmp1:
0x89: {  	[sflag:s11] =	ssyncadd.s32 $0xFFFF6000;
	(pc) =	sbr.rel @p0 .LBB2_1-.Ltmp1, $4  }
0x8a: {  	[hbm4b:s7+s3] =	stream.linear.scatter [tilespmem:s12], [sflag:$0x1], $0xA000, $0x38;
	[tilespmem:$0x14C00] =	vst v63  }
0x8b: {  	_ =	swait.ge [sflag:s11], $0xA000  }
0x8c: {  	[sflag:s11] =	ssyncset.done $0x0  }
0x8d: {  	[sflag:s11] =	ssyncadd.s32 $0xFFFF6000  }
0x8e: {  	_ =	sfence.sel $0x180000  }
0x8f: {  	[bflag:$0x0] =	sbarrier.arrive $0xFFFF  }
0x90: {  	p0 =	sne.s32 s1, $0x0;
	_ =	strace $0x90000047  }
0x91: {  	s0 =	sadd.s32 @!p0 $0x100000, s0;
	[bflag:$0x2] =	sbarrier.arrive $0xFFFF  }
0x92: {  	[sflag:s0] =	ssyncadd.tile.s32 @!p0 $0x1;
	_ =	shalt  }
.Lfunc_end2:
_tile_overlayer_lowered:
.L_overlay_start_2:
0x93: {  	(tag) =	ssettag $0x2  }
0x94: {  	s0 =	rddreg [dreg:$0x0];
	s2 =	stileid.u32  }
0x95: {  	s1 =	rddreg [dreg:$0x1];
	p0 =	sne.s32 s2, $0x0  }
0x96: {  	s3 =	rddreg [dreg:$0x2];
	[bflag:$0x3] =	sbarrier.arrive $0xFFFF;
	s2 =	simm.s32 @!p0 $0x1C01  }
0x97: {  	[timem:s3], [sflag:s2] =	dma.local @!p0 [hbm:s0], s1  }
0x98: {  	s0 =	simm.s32 @!p0 $0x1  }
0x99: {  	_ =	swait.ge @!p0 [sflag:s0], s1  }
0x9a: {  	s1 =	ssub.s32 @!p0 $0x0, s1;
	[sflag:s0] =	ssyncset.done @!p0 $0x0  }
0x9b: {  	[sflag:s0] =	ssyncadd.s32 @!p0 s1  }
0x9c: {  	[bflag:$0x3] =	sbarrier.arrive $0xFFFF  }
0x9d: {  	_ =	shalt  }

</sc_bundles>
